<compile_context>
chip_gen: v7x
topology: tpu7x:2x2x1
jax: 0.10.2.dev20260603
libtpu: 0.0.44.dev20260713+nightly
codegen_flags: <defaults>
</compile_context>

<pallas_src>
import functools

import jax
import jax.numpy as jnp
from jax import lax
from jax.experimental import pallas as pl
from jax.experimental.pallas import tpu as pltpu
from jax.experimental.pallas import tpu_sc as plsc

N = 10000
E = 160000
IN_DIM = 4
HIDDEN = 512
OUT_DIM = 2
G = 64

N_PAD = 10240
E_PAD = 163840
CH = 128
ROWS_T = N_PAD // 16
NB = N_PAD // 512

_MESH = plsc.VectorSubcoreMesh(core_axis_name="c", subcore_axis_name="s")



@functools.partial(
    pl.kernel,
    out_type=jax.ShapeDtypeStruct((2 * N_PAD,), jnp.float32),
    mesh=_MESH,
    scratch_types=[
        pltpu.VMEM((CH,), jnp.int32),
        pltpu.VMEM((CH,), jnp.float32),
        pltpu.VMEM_SHARED((N_PAD,), jnp.float32),
    ],
)
def _sc_deg(dst_hbm, z1_hbm, out_hbm, dst_v, ones_v, acc):
    cid = lax.axis_index("c")
    sid = lax.axis_index("s")

    def fill(i, _):
        ones_v[pl.ds(i * 16, 16)] = jnp.full((16,), 1.0, jnp.float32)
        return 0
    lax.fori_loop(0, CH // 16, fill, 0)

    pltpu.sync_copy(z1_hbm.at[pl.ds(sid * ROWS_T, ROWS_T)],
                    acc.at[pl.ds(sid * ROWS_T, ROWS_T)])
    plsc.subcore_barrier()

    per_tile = E_PAD // 32
    base = (cid * 16 + sid) * per_tile

    def step(c, _):
        pltpu.sync_copy(dst_hbm.at[pl.ds(base + c * CH, CH)], dst_v)
        pltpu.sync_copy(ones_v, acc.at[dst_v], add=True)
        return 0
    lax.fori_loop(0, per_tile // CH, step, 0)
    plsc.subcore_barrier()

    pltpu.sync_copy(acc.at[pl.ds(sid * ROWS_T, ROWS_T)],
                    out_hbm.at[pl.ds(cid * N_PAD + sid * ROWS_T, ROWS_T)])



def _make_sc_agg(num_groups):
    out_rows = (2 if num_groups == 1 else 4) * N_PAD
    per_tile = E_PAD // 32 if num_groups == 1 else E_PAD // 16

    NBUF = 8
    CHA = 32
    steps = per_tile // CHA
    iters = steps // NBUF
    src_len = per_tile

    @functools.partial(
        pl.kernel,
        out_type=jax.ShapeDtypeStruct((out_rows, 128), jnp.float32),
        mesh=_MESH,
        scratch_types=(
            [pltpu.VMEM((src_len,), jnp.int32)]
            + [pltpu.VMEM((CHA,), jnp.int32) for _ in range(NBUF)]
            + [pltpu.VMEM((CHA, 128), jnp.float32) for _ in range(NBUF)]
            + [pltpu.SemaphoreType.DMA for _ in range(3 * NBUF)]
            + [pltpu.VMEM_SHARED((N_PAD, 128), jnp.float32)]
        ),
    )
    def agg(src_hbm, dst_hbm, tab_hbm, z128_hbm, out_hbm, *refs):
        src_all = refs[0]
        dstb = refs[1:1 + NBUF]
        rows = refs[1 + NBUF:1 + 2 * NBUF]
        dsem = refs[1 + 2 * NBUF:1 + 3 * NBUF]
        gsem = refs[1 + 3 * NBUF:1 + 4 * NBUF]
        ssem = refs[1 + 4 * NBUF:1 + 5 * NBUF]
        acc = refs[1 + 5 * NBUF]
        cid = lax.axis_index("c")
        sid = lax.axis_index("s")
        groups = 1 if num_groups == 1 else 2

        for j in range(groups):
            pltpu.sync_copy(z128_hbm.at[pl.ds(sid * ROWS_T, ROWS_T)],
                            acc.at[pl.ds(sid * ROWS_T, ROWS_T)])

            if num_groups == 1:
                ebase = (cid * 16 + sid) * per_tile
                goff = 0
                orow = cid * N_PAD
                iters_c = iters
            else:
                g = cid * 2 + j
                ebase = sid * per_tile
                goff = g * E_PAD
                orow = g * N_PAD
                iters_c = iters

            pltpu.sync_copy(src_hbm.at[pl.ds(goff + ebase, src_len)],
                            src_all)
            plsc.subcore_barrier()

            def fire(c, k):
                pltpu.async_copy(dst_hbm.at[pl.ds(ebase + c * CHA, CHA)],
                                 dstb[k], dsem[k])
                pltpu.async_copy(tab_hbm.at[src_all.at[pl.ds(c * CHA, CHA)]],
                                 rows[k], gsem[k])

            def wait_fire(c, k):
                pltpu.make_async_copy(dst_hbm.at[pl.ds(ebase + c * CHA, CHA)],
                                      dstb[k], dsem[k]).wait()
                pltpu.make_async_copy(
                    tab_hbm.at[src_all.at[pl.ds(c * CHA, CHA)]],
                    rows[k], gsem[k]).wait()

            def scatter(k):
                pltpu.async_copy(rows[k], acc.at[dstb[k]], ssem[k],
                                 add=True)

            def wait_scatter(k):
                pltpu.make_async_copy(rows[k], acc.at[dstb[k]],
                                      ssem[k]).wait()

            for k in range(NBUF):
                fire(jnp.int32(k), k)
            for k in range(NBUF):
                wait_fire(jnp.int32(k), k)
                scatter(k)

            def body(c2, _):
                cb = c2 * NBUF
                for k in range(NBUF):
                    wait_scatter(k)
                    fire(cb + k, k)
                for k in range(NBUF):
                    wait_fire(cb + k, k)
                    scatter(k)
                return 0
            lax.fori_loop(1, iters_c, body, 0)
            for k in range(NBUF):
                wait_scatter(k)
            plsc.subcore_barrier()

            pltpu.sync_copy(acc.at[pl.ds(sid * ROWS_T, ROWS_T)],
                            out_hbm.at[pl.ds(orow + sid * ROWS_T, ROWS_T)])

    return agg


_sc_agg_x = _make_sc_agg(1)
_sc_agg_h = _make_sc_agg(4)



def _tc_prep_body(degt_ref, x_ref, src_ref, dinv_ref, x1_ref, srcg_ref):
    deg = degt_ref[:, 0:1] + degt_ref[:, 1:2] + 1.0
    dinv = lax.rsqrt(deg)
    dinv_ref[...] = dinv
    x1_ref[...] = x_ref[...] * dinv
    s = src_ref[...]
    for g in range(4):
        srcg_ref[g] = s + g * N_PAD


def _tc_prep(degt, x128, src2d):
    return pl.pallas_call(
        _tc_prep_body,
        out_shape=(
            jax.ShapeDtypeStruct((N_PAD, 1), jnp.float32),
            jax.ShapeDtypeStruct((N_PAD, 128), jnp.float32),
            jax.ShapeDtypeStruct((4, E_PAD // 128, 128), jnp.int32),
        ),
    )(degt, x128, src2d)



def _tc_h1_body(aggx_ref, x1_ref, dinv_ref, w1_ref, b1_ref, out_ref):
    dinv = dinv_ref[...]
    agg = aggx_ref[0] + aggx_ref[1] + x1_ref[...]
    t = (agg * dinv).astype(jnp.bfloat16)
    h = jnp.dot(t, w1_ref[...].astype(jnp.bfloat16),
                preferred_element_type=jnp.float32)
    h = jnp.maximum(h + b1_ref[...], 0.0) * dinv
    for g in range(4):
        out_ref[g] = h[:, g * 128:(g + 1) * 128]


def _tc_h1(aggx, x1, dinv, w1p, b1):
    return pl.pallas_call(
        _tc_h1_body,
        grid=(NB,),
        in_specs=[
            pl.BlockSpec((2, 512, 128), lambda i: (0, i, 0)),
            pl.BlockSpec((512, 128), lambda i: (i, 0)),
            pl.BlockSpec((512, 1), lambda i: (i, 0)),
            pl.BlockSpec((128, HIDDEN), lambda i: (0, 0)),
            pl.BlockSpec((1, HIDDEN), lambda i: (0, 0)),
        ],
        out_specs=pl.BlockSpec((4, 512, 128), lambda i: (0, i, 0)),
        out_shape=jax.ShapeDtypeStruct((4, N_PAD, 128), jnp.float32),
        compiler_params=pltpu.CompilerParams(
            dimension_semantics=("arbitrary",)),
    )(aggx, x1, dinv, w1p, b1)



def _tc_out_body(agg_ref, h1g_ref, dinv_ref, batch_ref, w2_ref, b2_ref,
                 wl_ref, bl_ref, out_ref, pool_acc, cnt_acc):
    i = pl.program_id(0)

    @pl.when(i == 0)
    def _():
        pool_acc[...] = jnp.zeros_like(pool_acc)
        cnt_acc[...] = jnp.zeros_like(cnt_acc)

    z = jnp.concatenate(
        [agg_ref[g] + h1g_ref[g] for g in range(4)], axis=1)
    z = (z * dinv_ref[...]).astype(jnp.bfloat16)
    h2 = jnp.dot(z, w2_ref[...].astype(jnp.bfloat16),
                 preferred_element_type=jnp.float32)
    h2 = jnp.maximum(h2 + b2_ref[...], 0.0)

    gid = lax.broadcasted_iota(jnp.int32, (512, G), 1)
    p = (batch_ref[...] == gid).astype(jnp.float32)
    pool_acc[...] += lax.dot_general(
        p, h2, (((0,), (0,)), ((), ())),
        preferred_element_type=jnp.float32)
    cnt_acc[...] += lax.dot_general(
        p, jnp.ones((512, 1), jnp.float32), (((0,), (0,)), ((), ())),
        preferred_element_type=jnp.float32)

    @pl.when(i == NB - 1)
    def _():
        pooled = pool_acc[...] / jnp.maximum(cnt_acc[...], 1.0)
        out_ref[...] = (jnp.dot(pooled, wl_ref[...],
                                preferred_element_type=jnp.float32)
                        + bl_ref[...])


def _tc_out(agg, h1g, dinv, batch2d, w2, b2, wl, bl):
    return pl.pallas_call(
        _tc_out_body,
        grid=(NB,),
        in_specs=[
            pl.BlockSpec((4, 512, 128), lambda i: (0, i, 0)),
            pl.BlockSpec((4, 512, 128), lambda i: (0, i, 0)),
            pl.BlockSpec((512, 1), lambda i: (i, 0)),
            pl.BlockSpec((512, 1), lambda i: (i, 0)),
            pl.BlockSpec((HIDDEN, HIDDEN), lambda i: (0, 0)),
            pl.BlockSpec((1, HIDDEN), lambda i: (0, 0)),
            pl.BlockSpec((HIDDEN, OUT_DIM), lambda i: (0, 0)),
            pl.BlockSpec((1, OUT_DIM), lambda i: (0, 0)),
        ],
        out_specs=pl.BlockSpec((G, OUT_DIM), lambda i: (0, 0)),
        out_shape=jax.ShapeDtypeStruct((G, OUT_DIM), jnp.float32),
        scratch_shapes=[
            pltpu.VMEM((G, HIDDEN), jnp.float32),
            pltpu.VMEM((G, 1), jnp.float32),
        ],
        compiler_params=pltpu.CompilerParams(
            dimension_semantics=("arbitrary",)),
    )(agg, h1g, dinv, batch2d, w2, b2, wl, bl)



def kernel(x, edge_index, batch, W1, b1, W2, b2, Wl, bl):
    f32 = jnp.float32
    src = jnp.pad(edge_index[0], (0, E_PAD - E))
    dst = jnp.pad(edge_index[1], (0, E_PAD - E), constant_values=N)
    x128 = jnp.pad(x, ((0, N_PAD - N), (0, 128 - IN_DIM)))
    batch2d = jnp.pad(batch, (0, N_PAD - N), constant_values=G)[:, None]
    w1p = jnp.pad(W1, ((0, 128 - IN_DIM), (0, 0)))
    b1r = b1[None, :]
    b2r = b2[None, :]
    blr = bl[None, :]
    z1 = jnp.zeros((N_PAD,), f32)
    z128 = jnp.zeros((N_PAD, 128), f32)

    degp = _sc_deg(dst, z1)
    degt = jnp.transpose(degp.reshape(2, N_PAD))
    dinv, x1, srcg = _tc_prep(degt, x128, src.reshape(E_PAD // 128, 128))

    aggx = _sc_agg_x(src, dst, x1, z128)
    h1g = _tc_h1(aggx.reshape(2, N_PAD, 128), x1, dinv, w1p, b1r)

    agg1 = _sc_agg_h(srcg.reshape(4 * E_PAD), dst,
                     h1g.reshape(4 * N_PAD, 128), z128)
    return _tc_out(agg1.reshape(4, N_PAD, 128), h1g, dinv, batch2d,
                   W2, b2r, Wl, blr)

# --- scband reference (transcript-rebuilt; emitter-appended) ---
"""Pipeline reference for scband-regressor-82377472737422 (READ-ONLY COPY).

The authoritative reference and input builder live on the scoring server;
editing this copy changes nothing except your own understanding.
"""

import jax, jax.numpy as jnp
import numpy as np

N = 10000
E = 160000
IN_DIM = 4
HIDDEN = 512
OUT_DIM = 2
G = 64  # number of graphs in the batch


def setup_inputs(seed: int = 0) -> dict:
    key = jax.random.key(seed)
    ks = jax.random.split(key, 10)
    x = jax.random.normal(ks[0], (N, IN_DIM), dtype=jnp.float32)
    edge_index = jax.random.randint(ks[1], (2, E), 0, N, dtype=jnp.int32)
    batch = jnp.sort(jax.random.randint(ks[2], (N,), 0, G, dtype=jnp.int32))
    # learned parameters (GCNConv weights stored as [in, out])
    W1 = jax.random.normal(ks[3], (IN_DIM, HIDDEN), dtype=jnp.float32) * (1.0 / np.sqrt(IN_DIM))
    b1 = jnp.zeros((HIDDEN,), dtype=jnp.float32)
    W2 = jax.random.normal(ks[4], (HIDDEN, HIDDEN), dtype=jnp.float32) * (1.0 / np.sqrt(HIDDEN))
    b2 = jnp.zeros((HIDDEN,), dtype=jnp.float32)
    Wl = jax.random.normal(ks[5], (HIDDEN, OUT_DIM), dtype=jnp.float32) * (1.0 / np.sqrt(HIDDEN))
    bl = jnp.zeros((OUT_DIM,), dtype=jnp.float32)
    return {"x": x, "edge_index": edge_index, "batch": batch,
            "W1": W1, "b1": b1, "W2": W2, "b2": b2, "Wl": Wl, "bl": bl}


def _gcn_layer(x, W, b, src, dst, n):
    # symmetric normalization deg^{-1/2} A_hat deg^{-1/2} (self-loops already in src/dst)
    deg = jnp.zeros((n,), x.dtype).at[dst].add(1.0)
    dinv = jnp.where(deg > 0, jax.lax.rsqrt(deg), 0.0)
    norm = dinv[src] * dinv[dst]
    h = x @ W
    msg = h[src] * norm[:, None]
    out = jnp.zeros((n, W.shape[1]), x.dtype).at[dst].add(msg)
    return out + b


def reference(x, edge_index, batch, W1, b1, W2, b2, Wl, bl):
    n = x.shape[0]
    si = jnp.arange(n, dtype=edge_index.dtype)
    src = jnp.concatenate([edge_index[0], si])
    dst = jnp.concatenate([edge_index[1], si])
    h = jax.nn.relu(_gcn_layer(x, W1, b1, src, dst, n))
    h = jax.nn.relu(_gcn_layer(h, W2, b2, src, dst, n))
    # global_mean_pool
    sums = jax.ops.segment_sum(h, batch, num_segments=G)
    counts = jax.ops.segment_sum(jnp.ones((n,), h.dtype), batch, num_segments=G)
    pooled = sums / jnp.clip(counts, 1.0, None)[:, None]
    return pooled @ Wl + bl

if __name__ == "__main__":
    import jax
    _d = setup_inputs()
    print(jax.jit(kernel)(*tuple(_d.values())))

</pallas_src>

<mosaic_0001>
#map = affine_map<(d0, d1) -> (0)>
#map1 = affine_map<(d0, d1) -> (0, 0)>
module attributes {stable_mosaic.version = 14 : i64} {
  func.func @agg(%arg0: i32, %arg1: i32, %arg2: memref<163840xi32, #tpu.memory_space<hbm>>, %arg3: memref<163840xi32, #tpu.memory_space<hbm>>, %arg4: memref<10240x128xf32, #tpu.memory_space<hbm>>, %arg5: memref<10240x128xf32, #tpu.memory_space<hbm>>, %arg6: memref<20480x128xf32, #tpu.memory_space<hbm>>, %arg7: memref<5120xi32, #tpu.memory_space<vmem>>, %arg8: memref<32xi32, #tpu.memory_space<vmem>>, %arg9: memref<32xi32, #tpu.memory_space<vmem>>, %arg10: memref<32xi32, #tpu.memory_space<vmem>>, %arg11: memref<32xi32, #tpu.memory_space<vmem>>, %arg12: memref<32xi32, #tpu.memory_space<vmem>>, %arg13: memref<32xi32, #tpu.memory_space<vmem>>, %arg14: memref<32xi32, #tpu.memory_space<vmem>>, %arg15: memref<32xi32, #tpu.memory_space<vmem>>, %arg16: memref<32x128xf32, #tpu.memory_space<vmem>>, %arg17: memref<32x128xf32, #tpu.memory_space<vmem>>, %arg18: memref<32x128xf32, #tpu.memory_space<vmem>>, %arg19: memref<32x128xf32, #tpu.memory_space<vmem>>, %arg20: memref<32x128xf32, #tpu.memory_space<vmem>>, %arg21: memref<32x128xf32, #tpu.memory_space<vmem>>, %arg22: memref<32x128xf32, #tpu.memory_space<vmem>>, %arg23: memref<32x128xf32, #tpu.memory_space<vmem>>, %arg24: memref<!tpu.dma_semaphore, #tpu.memory_space<semaphore_mem>>, %arg25: memref<!tpu.dma_semaphore, #tpu.memory_space<semaphore_mem>>, %arg26: memref<!tpu.dma_semaphore, #tpu.memory_space<semaphore_mem>>, %arg27: memref<!tpu.dma_semaphore, #tpu.memory_space<semaphore_mem>>, %arg28: memref<!tpu.dma_semaphore, #tpu.memory_space<semaphore_mem>>, %arg29: memref<!tpu.dma_semaphore, #tpu.memory_space<semaphore_mem>>, %arg30: memref<!tpu.dma_semaphore, #tpu.memory_space<semaphore_mem>>, %arg31: memref<!tpu.dma_semaphore, #tpu.memory_space<semaphore_mem>>, %arg32: memref<!tpu.dma_semaphore, #tpu.memory_space<semaphore_mem>>, %arg33: memref<!tpu.dma_semaphore, #tpu.memory_space<semaphore_mem>>, %arg34: memref<!tpu.dma_semaphore, #tpu.memory_space<semaphore_mem>>, %arg35: memref<!tpu.dma_semaphore, #tpu.memory_space<semaphore_mem>>, %arg36: memref<!tpu.dma_semaphore, #tpu.memory_space<semaphore_mem>>, %arg37: memref<!tpu.dma_semaphore, #tpu.memory_space<semaphore_mem>>, %arg38: memref<!tpu.dma_semaphore, #tpu.memory_space<semaphore_mem>>, %arg39: memref<!tpu.dma_semaphore, #tpu.memory_space<semaphore_mem>>, %arg40: memref<!tpu.dma_semaphore, #tpu.memory_space<semaphore_mem>>, %arg41: memref<!tpu.dma_semaphore, #tpu.memory_space<semaphore_mem>>, %arg42: memref<!tpu.dma_semaphore, #tpu.memory_space<semaphore_mem>>, %arg43: memref<!tpu.dma_semaphore, #tpu.memory_space<semaphore_mem>>, %arg44: memref<!tpu.dma_semaphore, #tpu.memory_space<semaphore_mem>>, %arg45: memref<!tpu.dma_semaphore, #tpu.memory_space<semaphore_mem>>, %arg46: memref<!tpu.dma_semaphore, #tpu.memory_space<semaphore_mem>>, %arg47: memref<!tpu.dma_semaphore, #tpu.memory_space<semaphore_mem>>, %arg48: memref<10240x128xf32, #tpu.memory_space<vmem_shared>>) attributes {dimension_semantics = [#tpu.dimension_semantics<core_parallel>, #tpu.dimension_semantics<subcore_parallel>], iteration_bounds = array<i64: 2, 16>, scalar_prefetch = 0 : i64, scratch_operands = 42 : i64, tpu.core_type = #tpu.core_type<sc_vector_subcore>, window_params = [{transform_indices = #map}, {transform_indices = #map}, {transform_indices = #map1}, {transform_indices = #map1}, {transform_indices = #map1}]} {
    %mul3A = arith.constant 640 : i32
    %mul3A_0 = arith.muli %arg1, %mul3A : i32
    %mul3A_1 = arith.constant 640 : i32
    %mul3A_2 = arith.muli %arg1, %mul3A_1 : i32
    "tpu.region"() ({
      %run_scoped3A = tpu.sem_alloc : memref<!tpu.dma_semaphore, #tpu.memory_space<semaphore_mem>>
      %dma_start3A_277 = arith.constant 0 : i32
      %dma_start3A_278 = tpu.memref_slice %arg48[%mul3A_2, %dma_start3A_277] : memref<10240x128xf32, #tpu.memory_space<vmem_shared>> -> memref<640x128xf32, #tpu.memory_space<vmem_shared>>
      %dma_start3A_279 = arith.constant 0 : i32
      %dma_start3A_280 = tpu.memref_slice %arg5[%mul3A_0, %dma_start3A_279] : memref<10240x128xf32, #tpu.memory_space<hbm>> -> memref<640x128xf32, #tpu.memory_space<hbm>>
      tpu.enqueue_dma source(%dma_start3A_280 : memref<640x128xf32, #tpu.memory_space<hbm>>) target(%dma_start3A_278 : memref<640x128xf32, #tpu.memory_space<vmem_shared>>) target_semaphore(%run_scoped3A : memref<!tpu.dma_semaphore, #tpu.memory_space<semaphore_mem>>)
      %dma_wait3A_281 = arith.constant 0 : i32
      %dma_wait3A_282 = tpu.memref_slice %arg48[%mul3A_2, %dma_wait3A_281] : memref<10240x128xf32, #tpu.memory_space<vmem_shared>> -> memref<640x128xf32, #tpu.memory_space<vmem_shared>>
      %dma_wait3A_283 = arith.constant 0 : i32
      %dma_wait3A_284 = tpu.memref_slice %arg5[%mul3A_0, %dma_wait3A_283] : memref<10240x128xf32, #tpu.memory_space<hbm>> -> memref<640x128xf32, #tpu.memory_space<hbm>>
      tpu.wait_dma2 semaphore(%run_scoped3A : memref<!tpu.dma_semaphore, #tpu.memory_space<semaphore_mem>>) src(%dma_wait3A_284 : memref<640x128xf32, #tpu.memory_space<hbm>>) dst(%dma_wait3A_282 : memref<640x128xf32, #tpu.memory_space<vmem_shared>>)
      tpu.yield
    }) : () -> ()
    %mul3A_3 = arith.constant 16 : i32
    %mul3A_4 = arith.muli %arg0, %mul3A_3 : i32
    %add3A = arith.addi %mul3A_4, %arg1 : i32
    %mul3A_5 = arith.constant 5120 : i32
    %mul3A_6 = arith.muli %add3A, %mul3A_5 : i32
    %mul3A_7 = arith.constant 10240 : i32
    %mul3A_8 = arith.muli %arg0, %mul3A_7 : i32
    %add3A_9 = arith.constant 0 : i32
    %add3A_10 = arith.addi %add3A_9, %mul3A_6 : i32
    "tpu.region"() ({
      %run_scoped3A = tpu.sem_alloc : memref<!tpu.dma_semaphore, #tpu.memory_space<semaphore_mem>>
      %dma_start3A_277 = tpu.memref_slice %arg2[%add3A_10] : memref<163840xi32, #tpu.memory_space<hbm>> -> memref<5120xi32, #tpu.memory_space<hbm>>
      %dma_start3A_278 = tpu.memref_slice %arg2[%add3A_10] : memref<163840xi32, #tpu.memory_space<hbm>> -> memref<5120xi32, #tpu.memory_space<hbm>>
      tpu.enqueue_dma source(%dma_start3A_278 : memref<5120xi32, #tpu.memory_space<hbm>>) target(%arg7 : memref<5120xi32, #tpu.memory_space<vmem>>) target_semaphore(%run_scoped3A : memref<!tpu.dma_semaphore, #tpu.memory_space<semaphore_mem>>)
      %dma_wait3A_279 = tpu.memref_slice %arg2[%add3A_10] : memref<163840xi32, #tpu.memory_space<hbm>> -> memref<5120xi32, #tpu.memory_space<hbm>>
      %dma_wait3A_280 = tpu.memref_slice %arg2[%add3A_10] : memref<163840xi32, #tpu.memory_space<hbm>> -> memref<5120xi32, #tpu.memory_space<hbm>>
      tpu.wait_dma2 semaphore(%run_scoped3A : memref<!tpu.dma_semaphore, #tpu.memory_space<semaphore_mem>>) src(%dma_wait3A_280 : memref<5120xi32, #tpu.memory_space<hbm>>) dst(%arg7 : memref<5120xi32, #tpu.memory_space<vmem>>)
      tpu.yield
    }) : () -> ()
    %barrier3A = arith.constant 0 : index
    tpu.barrier barrier_id(%barrier3A)
    %mul3A_11 = arith.constant 0 : i32
    %mul3A_12 = arith.constant 32 : i32
    %mul3A_13 = arith.muli %mul3A_11, %mul3A_12 : i32
    %add3A_14 = arith.addi %mul3A_6, %mul3A_13 : i32
    %dma_start3A = tpu.memref_slice %arg3[%add3A_14] : memref<163840xi32, #tpu.memory_space<hbm>> -> memref<32xi32, #tpu.memory_space<hbm>>
    %dma_start3A_15 = tpu.memref_slice %arg3[%add3A_14] : memref<163840xi32, #tpu.memory_space<hbm>> -> memref<32xi32, #tpu.memory_space<hbm>>
    tpu.enqueue_dma source(%dma_start3A_15 : memref<32xi32, #tpu.memory_space<hbm>>) target(%arg8 : memref<32xi32, #tpu.memory_space<vmem>>) target_semaphore(%arg24 : memref<!tpu.dma_semaphore, #tpu.memory_space<semaphore_mem>>)
    %mul3A_16 = arith.constant 0 : i32
    %mul3A_17 = arith.constant 32 : i32
    %mul3A_18 = arith.muli %mul3A_16, %mul3A_17 : i32
    %dma_start3A_19 = tpu.memref_slice %arg7[%mul3A_18] : memref<5120xi32, #tpu.memory_space<vmem>> -> memref<32xi32, #tpu.memory_space<vmem>>
    %dma_start3A_20 = arith.constant 0 : i32
    %dma_start3A_21 = arith.constant 0 : i32
    %dma_start3A_22 = tpu.memref_slice %arg4[%dma_start3A_20, %dma_start3A_21] : memref<10240x128xf32, #tpu.memory_space<hbm>> -> memref<10240x128xf32, #tpu.memory_space<hbm>>
    tpu.enqueue_indirect_dma source(%dma_start3A_22 : memref<10240x128xf32, #tpu.memory_space<hbm>>) target(%arg16 : memref<32x128xf32, #tpu.memory_space<vmem>>) offsets(%dma_start3A_19 : memref<32xi32, #tpu.memory_space<vmem>>) semaphore(%arg32 : memref<!tpu.dma_semaphore, #tpu.memory_space<semaphore_mem>>)
    %mul3A_23 = arith.constant 1 : i32
    %mul3A_24 = arith.constant 32 : i32
    %mul3A_25 = arith.muli %mul3A_23, %mul3A_24 : i32
    %add3A_26 = arith.addi %mul3A_6, %mul3A_25 : i32
    %dma_start3A_27 = tpu.memref_slice %arg3[%add3A_26] : memref<163840xi32, #tpu.memory_space<hbm>> -> memref<32xi32, #tpu.memory_space<hbm>>
    %dma_start3A_28 = tpu.memref_slice %arg3[%add3A_26] : memref<163840xi32, #tpu.memory_space<hbm>> -> memref<32xi32, #tpu.memory_space<hbm>>
    tpu.enqueue_dma source(%dma_start3A_28 : memref<32xi32, #tpu.memory_space<hbm>>) target(%arg9 : memref<32xi32, #tpu.memory_space<vmem>>) target_semaphore(%arg25 : memref<!tpu.dma_semaphore, #tpu.memory_space<semaphore_mem>>)
    %mul3A_29 = arith.constant 1 : i32
    %mul3A_30 = arith.constant 32 : i32
    %mul3A_31 = arith.muli %mul3A_29, %mul3A_30 : i32
    %dma_start3A_32 = tpu.memref_slice %arg7[%mul3A_31] : memref<5120xi32, #tpu.memory_space<vmem>> -> memref<32xi32, #tpu.memory_space<vmem>>
    %dma_start3A_33 = arith.constant 0 : i32
    %dma_start3A_34 = arith.constant 0 : i32
    %dma_start3A_35 = tpu.memref_slice %arg4[%dma_start3A_33, %dma_start3A_34] : memref<10240x128xf32, #tpu.memory_space<hbm>> -> memref<10240x128xf32, #tpu.memory_space<hbm>>
    tpu.enqueue_indirect_dma source(%dma_start3A_35 : memref<10240x128xf32, #tpu.memory_space<hbm>>) target(%arg17 : memref<32x128xf32, #tpu.memory_space<vmem>>) offsets(%dma_start3A_32 : memref<32xi32, #tpu.memory_space<vmem>>) semaphore(%arg33 : memref<!tpu.dma_semaphore, #tpu.memory_space<semaphore_mem>>)
    %mul3A_36 = arith.constant 2 : i32
    %mul3A_37 = arith.constant 32 : i32
    %mul3A_38 = arith.muli %mul3A_36, %mul3A_37 : i32
    %add3A_39 = arith.addi %mul3A_6, %mul3A_38 : i32
    %dma_start3A_40 = tpu.memref_slice %arg3[%add3A_39] : memref<163840xi32, #tpu.memory_space<hbm>> -> memref<32xi32, #tpu.memory_space<hbm>>
    %dma_start3A_41 = tpu.memref_slice %arg3[%add3A_39] : memref<163840xi32, #tpu.memory_space<hbm>> -> memref<32xi32, #tpu.memory_space<hbm>>
    tpu.enqueue_dma source(%dma_start3A_41 : memref<32xi32, #tpu.memory_space<hbm>>) target(%arg10 : memref<32xi32, #tpu.memory_space<vmem>>) target_semaphore(%arg26 : memref<!tpu.dma_semaphore, #tpu.memory_space<semaphore_mem>>)
    %mul3A_42 = arith.constant 2 : i32
    %mul3A_43 = arith.constant 32 : i32
    %mul3A_44 = arith.muli %mul3A_42, %mul3A_43 : i32
    %dma_start3A_45 = tpu.memref_slice %arg7[%mul3A_44] : memref<5120xi32, #tpu.memory_space<vmem>> -> memref<32xi32, #tpu.memory_space<vmem>>
    %dma_start3A_46 = arith.constant 0 : i32
    %dma_start3A_47 = arith.constant 0 : i32
    %dma_start3A_48 = tpu.memref_slice %arg4[%dma_start3A_46, %dma_start3A_47] : memref<10240x128xf32, #tpu.memory_space<hbm>> -> memref<10240x128xf32, #tpu.memory_space<hbm>>
    tpu.enqueue_indirect_dma source(%dma_start3A_48 : memref<10240x128xf32, #tpu.memory_space<hbm>>) target(%arg18 : memref<32x128xf32, #tpu.memory_space<vmem>>) offsets(%dma_start3A_45 : memref<32xi32, #tpu.memory_space<vmem>>) semaphore(%arg34 : memref<!tpu.dma_semaphore, #tpu.memory_space<semaphore_mem>>)
    %mul3A_49 = arith.constant 3 : i32
    %mul3A_50 = arith.constant 32 : i32
    %mul3A_51 = arith.muli %mul3A_49, %mul3A_50 : i32
    %add3A_52 = arith.addi %mul3A_6, %mul3A_51 : i32
    %dma_start3A_53 = tpu.memref_slice %arg3[%add3A_52] : memref<163840xi32, #tpu.memory_space<hbm>> -> memref<32xi32, #tpu.memory_space<hbm>>
    %dma_start3A_54 = tpu.memref_slice %arg3[%add3A_52] : memref<163840xi32, #tpu.memory_space<hbm>> -> memref<32xi32, #tpu.memory_space<hbm>>
    tpu.enqueue_dma source(%dma_start3A_54 : memref<32xi32, #tpu.memory_space<hbm>>) target(%arg11 : memref<32xi32, #tpu.memory_space<vmem>>) target_semaphore(%arg27 : memref<!tpu.dma_semaphore, #tpu.memory_space<semaphore_mem>>)
    %mul3A_55 = arith.constant 3 : i32
    %mul3A_56 = arith.constant 32 : i32
    %mul3A_57 = arith.muli %mul3A_55, %mul3A_56 : i32
    %dma_start3A_58 = tpu.memref_slice %arg7[%mul3A_57] : memref<5120xi32, #tpu.memory_space<vmem>> -> memref<32xi32, #tpu.memory_space<vmem>>
    %dma_start3A_59 = arith.constant 0 : i32
    %dma_start3A_60 = arith.constant 0 : i32
    %dma_start3A_61 = tpu.memref_slice %arg4[%dma_start3A_59, %dma_start3A_60] : memref<10240x128xf32, #tpu.memory_space<hbm>> -> memref<10240x128xf32, #tpu.memory_space<hbm>>
    tpu.enqueue_indirect_dma source(%dma_start3A_61 : memref<10240x128xf32, #tpu.memory_space<hbm>>) target(%arg19 : memref<32x128xf32, #tpu.memory_space<vmem>>) offsets(%dma_start3A_58 : memref<32xi32, #tpu.memory_space<vmem>>) semaphore(%arg35 : memref<!tpu.dma_semaphore, #tpu.memory_space<semaphore_mem>>)
    %mul3A_62 = arith.constant 4 : i32
    %mul3A_63 = arith.constant 32 : i32
    %mul3A_64 = arith.muli %mul3A_62, %mul3A_63 : i32
    %add3A_65 = arith.addi %mul3A_6, %mul3A_64 : i32
    %dma_start3A_66 = tpu.memref_slice %arg3[%add3A_65] : memref<163840xi32, #tpu.memory_space<hbm>> -> memref<32xi32, #tpu.memory_space<hbm>>
    %dma_start3A_67 = tpu.memref_slice %arg3[%add3A_65] : memref<163840xi32, #tpu.memory_space<hbm>> -> memref<32xi32, #tpu.memory_space<hbm>>
    tpu.enqueue_dma source(%dma_start3A_67 : memref<32xi32, #tpu.memory_space<hbm>>) target(%arg12 : memref<32xi32, #tpu.memory_space<vmem>>) target_semaphore(%arg28 : memref<!tpu.dma_semaphore, #tpu.memory_space<semaphore_mem>>)
    %mul3A_68 = arith.constant 4 : i32
    %mul3A_69 = arith.constant 32 : i32
    %mul3A_70 = arith.muli %mul3A_68, %mul3A_69 : i32
    %dma_start3A_71 = tpu.memref_slice %arg7[%mul3A_70] : memref<5120xi32, #tpu.memory_space<vmem>> -> memref<32xi32, #tpu.memory_space<vmem>>
    %dma_start3A_72 = arith.constant 0 : i32
    %dma_start3A_73 = arith.constant 0 : i32
    %dma_start3A_74 = tpu.memref_slice %arg4[%dma_start3A_72, %dma_start3A_73] : memref<10240x128xf32, #tpu.memory_space<hbm>> -> memref<10240x128xf32, #tpu.memory_space<hbm>>
    tpu.enqueue_indirect_dma source(%dma_start3A_74 : memref<10240x128xf32, #tpu.memory_space<hbm>>) target(%arg20 : memref<32x128xf32, #tpu.memory_space<vmem>>) offsets(%dma_start3A_71 : memref<32xi32, #tpu.memory_space<vmem>>) semaphore(%arg36 : memref<!tpu.dma_semaphore, #tpu.memory_space<semaphore_mem>>)
    %mul3A_75 = arith.constant 5 : i32
    %mul3A_76 = arith.constant 32 : i32
    %mul3A_77 = arith.muli %mul3A_75, %mul3A_76 : i32
    %add3A_78 = arith.addi %mul3A_6, %mul3A_77 : i32
    %dma_start3A_79 = tpu.memref_slice %arg3[%add3A_78] : memref<163840xi32, #tpu.memory_space<hbm>> -> memref<32xi32, #tpu.memory_space<hbm>>
    %dma_start3A_80 = tpu.memref_slice %arg3[%add3A_78] : memref<163840xi32, #tpu.memory_space<hbm>> -> memref<32xi32, #tpu.memory_space<hbm>>
    tpu.enqueue_dma source(%dma_start3A_80 : memref<32xi32, #tpu.memory_space<hbm>>) target(%arg13 : memref<32xi32, #tpu.memory_space<vmem>>) target_semaphore(%arg29 : memref<!tpu.dma_semaphore, #tpu.memory_space<semaphore_mem>>)
    %mul3A_81 = arith.constant 5 : i32
    %mul3A_82 = arith.constant 32 : i32
    %mul3A_83 = arith.muli %mul3A_81, %mul3A_82 : i32
    %dma_start3A_84 = tpu.memref_slice %arg7[%mul3A_83] : memref<5120xi32, #tpu.memory_space<vmem>> -> memref<32xi32, #tpu.memory_space<vmem>>
    %dma_start3A_85 = arith.constant 0 : i32
    %dma_start3A_86 = arith.constant 0 : i32
    %dma_start3A_87 = tpu.memref_slice %arg4[%dma_start3A_85, %dma_start3A_86] : memref<10240x128xf32, #tpu.memory_space<hbm>> -> memref<10240x128xf32, #tpu.memory_space<hbm>>
    tpu.enqueue_indirect_dma source(%dma_start3A_87 : memref<10240x128xf32, #tpu.memory_space<hbm>>) target(%arg21 : memref<32x128xf32, #tpu.memory_space<vmem>>) offsets(%dma_start3A_84 : memref<32xi32, #tpu.memory_space<vmem>>) semaphore(%arg37 : memref<!tpu.dma_semaphore, #tpu.memory_space<semaphore_mem>>)
    %mul3A_88 = arith.constant 6 : i32
    %mul3A_89 = arith.constant 32 : i32
    %mul3A_90 = arith.muli %mul3A_88, %mul3A_89 : i32
    %add3A_91 = arith.addi %mul3A_6, %mul3A_90 : i32
    %dma_start3A_92 = tpu.memref_slice %arg3[%add3A_91] : memref<163840xi32, #tpu.memory_space<hbm>> -> memref<32xi32, #tpu.memory_space<hbm>>
    %dma_start3A_93 = tpu.memref_slice %arg3[%add3A_91] : memref<163840xi32, #tpu.memory_space<hbm>> -> memref<32xi32, #tpu.memory_space<hbm>>
    tpu.enqueue_dma source(%dma_start3A_93 : memref<32xi32, #tpu.memory_space<hbm>>) target(%arg14 : memref<32xi32, #tpu.memory_space<vmem>>) target_semaphore(%arg30 : memref<!tpu.dma_semaphore, #tpu.memory_space<semaphore_mem>>)
    %mul3A_94 = arith.constant 6 : i32
    %mul3A_95 = arith.constant 32 : i32
    %mul3A_96 = arith.muli %mul3A_94, %mul3A_95 : i32
    %dma_start3A_97 = tpu.memref_slice %arg7[%mul3A_96] : memref<5120xi32, #tpu.memory_space<vmem>> -> memref<32xi32, #tpu.memory_space<vmem>>
    %dma_start3A_98 = arith.constant 0 : i32
    %dma_start3A_99 = arith.constant 0 : i32
    %dma_start3A_100 = tpu.memref_slice %arg4[%dma_start3A_98, %dma_start3A_99] : memref<10240x128xf32, #tpu.memory_space<hbm>> -> memref<10240x128xf32, #tpu.memory_space<hbm>>
    tpu.enqueue_indirect_dma source(%dma_start3A_100 : memref<10240x128xf32, #tpu.memory_space<hbm>>) target(%arg22 : memref<32x128xf32, #tpu.memory_space<vmem>>) offsets(%dma_start3A_97 : memref<32xi32, #tpu.memory_space<vmem>>) semaphore(%arg38 : memref<!tpu.dma_semaphore, #tpu.memory_space<semaphore_mem>>)
    %mul3A_101 = arith.constant 7 : i32
    %mul3A_102 = arith.constant 32 : i32
    %mul3A_103 = arith.muli %mul3A_101, %mul3A_102 : i32
    %add3A_104 = arith.addi %mul3A_6, %mul3A_103 : i32
    %dma_start3A_105 = tpu.memref_slice %arg3[%add3A_104] : memref<163840xi32, #tpu.memory_space<hbm>> -> memref<32xi32, #tpu.memory_space<hbm>>
    %dma_start3A_106 = tpu.memref_slice %arg3[%add3A_104] : memref<163840xi32, #tpu.memory_space<hbm>> -> memref<32xi32, #tpu.memory_space<hbm>>
    tpu.enqueue_dma source(%dma_start3A_106 : memref<32xi32, #tpu.memory_space<hbm>>) target(%arg15 : memref<32xi32, #tpu.memory_space<vmem>>) target_semaphore(%arg31 : memref<!tpu.dma_semaphore, #tpu.memory_space<semaphore_mem>>)
    %mul3A_107 = arith.constant 7 : i32
    %mul3A_108 = arith.constant 32 : i32
    %mul3A_109 = arith.muli %mul3A_107, %mul3A_108 : i32
    %dma_start3A_110 = tpu.memref_slice %arg7[%mul3A_109] : memref<5120xi32, #tpu.memory_space<vmem>> -> memref<32xi32, #tpu.memory_space<vmem>>
    %dma_start3A_111 = arith.constant 0 : i32
    %dma_start3A_112 = arith.constant 0 : i32
    %dma_start3A_113 = tpu.memref_slice %arg4[%dma_start3A_111, %dma_start3A_112] : memref<10240x128xf32, #tpu.memory_space<hbm>> -> memref<10240x128xf32, #tpu.memory_space<hbm>>
    tpu.enqueue_indirect_dma source(%dma_start3A_113 : memref<10240x128xf32, #tpu.memory_space<hbm>>) target(%arg23 : memref<32x128xf32, #tpu.memory_space<vmem>>) offsets(%dma_start3A_110 : memref<32xi32, #tpu.memory_space<vmem>>) semaphore(%arg39 : memref<!tpu.dma_semaphore, #tpu.memory_space<semaphore_mem>>)
    %mul3A_114 = arith.constant 0 : i32
    %mul3A_115 = arith.constant 32 : i32
    %mul3A_116 = arith.muli %mul3A_114, %mul3A_115 : i32
    %add3A_117 = arith.addi %mul3A_6, %mul3A_116 : i32
    %dma_wait3A = tpu.memref_slice %arg3[%add3A_117] : memref<163840xi32, #tpu.memory_space<hbm>> -> memref<32xi32, #tpu.memory_space<hbm>>
    %dma_wait3A_118 = tpu.memref_slice %arg3[%add3A_117] : memref<163840xi32, #tpu.memory_space<hbm>> -> memref<32xi32, #tpu.memory_space<hbm>>
    tpu.wait_dma2 semaphore(%arg24 : memref<!tpu.dma_semaphore, #tpu.memory_space<semaphore_mem>>) src(%dma_wait3A_118 : memref<32xi32, #tpu.memory_space<hbm>>) dst(%arg8 : memref<32xi32, #tpu.memory_space<vmem>>)
    %mul3A_119 = arith.constant 0 : i32
    %mul3A_120 = arith.constant 32 : i32
    %mul3A_121 = arith.muli %mul3A_119, %mul3A_120 : i32
    %dma_wait3A_122 = tpu.memref_slice %arg7[%mul3A_121] : memref<5120xi32, #tpu.memory_space<vmem>> -> memref<32xi32, #tpu.memory_space<vmem>>
    %dma_wait3A_123 = arith.constant 0 : i32
    %dma_wait3A_124 = arith.constant 0 : i32
    %dma_wait3A_125 = tpu.memref_slice %arg4[%dma_wait3A_123, %dma_wait3A_124] : memref<10240x128xf32, #tpu.memory_space<hbm>> -> memref<10240x128xf32, #tpu.memory_space<hbm>>
    tpu.wait_indirect_dma semaphore(%arg32 : memref<!tpu.dma_semaphore, #tpu.memory_space<semaphore_mem>>) src(%dma_wait3A_125 : memref<10240x128xf32, #tpu.memory_space<hbm>>) dst(%arg16 : memref<32x128xf32, #tpu.memory_space<vmem>>)
    %dma_start3A_126 = arith.constant 0 : i32
    %dma_start3A_127 = arith.constant 0 : i32
    %dma_start3A_128 = tpu.memref_slice %arg48[%dma_start3A_126, %dma_start3A_127] : memref<10240x128xf32, #tpu.memory_space<vmem_shared>> -> memref<10240x128xf32, #tpu.memory_space<vmem_shared>>
    tpu.enqueue_indirect_dma source(%arg16 : memref<32x128xf32, #tpu.memory_space<vmem>>) target(%dma_start3A_128 : memref<10240x128xf32, #tpu.memory_space<vmem_shared>>) offsets(%arg8 : memref<32xi32, #tpu.memory_space<vmem>>) semaphore(%arg40 : memref<!tpu.dma_semaphore, #tpu.memory_space<semaphore_mem>>) {add = true}
    %mul3A_129 = arith.constant 1 : i32
    %mul3A_130 = arith.constant 32 : i32
    %mul3A_131 = arith.muli %mul3A_129, %mul3A_130 : i32
    %add3A_132 = arith.addi %mul3A_6, %mul3A_131 : i32
    %dma_wait3A_133 = tpu.memref_slice %arg3[%add3A_132] : memref<163840xi32, #tpu.memory_space<hbm>> -> memref<32xi32, #tpu.memory_space<hbm>>
    %dma_wait3A_134 = tpu.memref_slice %arg3[%add3A_132] : memref<163840xi32, #tpu.memory_space<hbm>> -> memref<32xi32, #tpu.memory_space<hbm>>
    tpu.wait_dma2 semaphore(%arg25 : memref<!tpu.dma_semaphore, #tpu.memory_space<semaphore_mem>>) src(%dma_wait3A_134 : memref<32xi32, #tpu.memory_space<hbm>>) dst(%arg9 : memref<32xi32, #tpu.memory_space<vmem>>)
    %mul3A_135 = arith.constant 1 : i32
    %mul3A_136 = arith.constant 32 : i32
    %mul3A_137 = arith.muli %mul3A_135, %mul3A_136 : i32
    %dma_wait3A_138 = tpu.memref_slice %arg7[%mul3A_137] : memref<5120xi32, #tpu.memory_space<vmem>> -> memref<32xi32, #tpu.memory_space<vmem>>
    %dma_wait3A_139 = arith.constant 0 : i32
    %dma_wait3A_140 = arith.constant 0 : i32
    %dma_wait3A_141 = tpu.memref_slice %arg4[%dma_wait3A_139, %dma_wait3A_140] : memref<10240x128xf32, #tpu.memory_space<hbm>> -> memref<10240x128xf32, #tpu.memory_space<hbm>>
    tpu.wait_indirect_dma semaphore(%arg33 : memref<!tpu.dma_semaphore, #tpu.memory_space<semaphore_mem>>) src(%dma_wait3A_141 : memref<10240x128xf32, #tpu.memory_space<hbm>>) dst(%arg17 : memref<32x128xf32, #tpu.memory_space<vmem>>)
    %dma_start3A_142 = arith.constant 0 : i32
    %dma_start3A_143 = arith.constant 0 : i32
    %dma_start3A_144 = tpu.memref_slice %arg48[%dma_start3A_142, %dma_start3A_143] : memref<10240x128xf32, #tpu.memory_space<vmem_shared>> -> memref<10240x128xf32, #tpu.memory_space<vmem_shared>>
    tpu.enqueue_indirect_dma source(%arg17 : memref<32x128xf32, #tpu.memory_space<vmem>>) target(%dma_start3A_144 : memref<10240x128xf32, #tpu.memory_space<vmem_shared>>) offsets(%arg9 : memref<32xi32, #tpu.memory_space<vmem>>) semaphore(%arg41 : memref<!tpu.dma_semaphore, #tpu.memory_space<semaphore_mem>>) {add = true}
    %mul3A_145 = arith.constant 2 : i32
    %mul3A_146 = arith.constant 32 : i32
    %mul3A_147 = arith.muli %mul3A_145, %mul3A_146 : i32
    %add3A_148 = arith.addi %mul3A_6, %mul3A_147 : i32
    %dma_wait3A_149 = tpu.memref_slice %arg3[%add3A_148] : memref<163840xi32, #tpu.memory_space<hbm>> -> memref<32xi32, #tpu.memory_space<hbm>>
    %dma_wait3A_150 = tpu.memref_slice %arg3[%add3A_148] : memref<163840xi32, #tpu.memory_space<hbm>> -> memref<32xi32, #tpu.memory_space<hbm>>
    tpu.wait_dma2 semaphore(%arg26 : memref<!tpu.dma_semaphore, #tpu.memory_space<semaphore_mem>>) src(%dma_wait3A_150 : memref<32xi32, #tpu.memory_space<hbm>>) dst(%arg10 : memref<32xi32, #tpu.memory_space<vmem>>)
    %mul3A_151 = arith.constant 2 : i32
    %mul3A_152 = arith.constant 32 : i32
    %mul3A_153 = arith.muli %mul3A_151, %mul3A_152 : i32
    %dma_wait3A_154 = tpu.memref_slice %arg7[%mul3A_153] : memref<5120xi32, #tpu.memory_space<vmem>> -> memref<32xi32, #tpu.memory_space<vmem>>
    %dma_wait3A_155 = arith.constant 0 : i32
    %dma_wait3A_156 = arith.constant 0 : i32
    %dma_wait3A_157 = tpu.memref_slice %arg4[%dma_wait3A_155, %dma_wait3A_156] : memref<10240x128xf32, #tpu.memory_space<hbm>> -> memref<10240x128xf32, #tpu.memory_space<hbm>>
    tpu.wait_indirect_dma semaphore(%arg34 : memref<!tpu.dma_semaphore, #tpu.memory_space<semaphore_mem>>) src(%dma_wait3A_157 : memref<10240x128xf32, #tpu.memory_space<hbm>>) dst(%arg18 : memref<32x128xf32, #tpu.memory_space<vmem>>)
    %dma_start3A_158 = arith.constant 0 : i32
    %dma_start3A_159 = arith.constant 0 : i32
    %dma_start3A_160 = tpu.memref_slice %arg48[%dma_start3A_158, %dma_start3A_159] : memref<10240x128xf32, #tpu.memory_space<vmem_shared>> -> memref<10240x128xf32, #tpu.memory_space<vmem_shared>>
    tpu.enqueue_indirect_dma source(%arg18 : memref<32x128xf32, #tpu.memory_space<vmem>>) target(%dma_start3A_160 : memref<10240x128xf32, #tpu.memory_space<vmem_shared>>) offsets(%arg10 : memref<32xi32, #tpu.memory_space<vmem>>) semaphore(%arg42 : memref<!tpu.dma_semaphore, #tpu.memory_space<semaphore_mem>>) {add = true}
    %mul3A_161 = arith.constant 3 : i32
    %mul3A_162 = arith.constant 32 : i32
    %mul3A_163 = arith.muli %mul3A_161, %mul3A_162 : i32
    %add3A_164 = arith.addi %mul3A_6, %mul3A_163 : i32
    %dma_wait3A_165 = tpu.memref_slice %arg3[%add3A_164] : memref<163840xi32, #tpu.memory_space<hbm>> -> memref<32xi32, #tpu.memory_space<hbm>>
    %dma_wait3A_166 = tpu.memref_slice %arg3[%add3A_164] : memref<163840xi32, #tpu.memory_space<hbm>> -> memref<32xi32, #tpu.memory_space<hbm>>
    tpu.wait_dma2 semaphore(%arg27 : memref<!tpu.dma_semaphore, #tpu.memory_space<semaphore_mem>>) src(%dma_wait3A_166 : memref<32xi32, #tpu.memory_space<hbm>>) dst(%arg11 : memref<32xi32, #tpu.memory_space<vmem>>)
    %mul3A_167 = arith.constant 3 : i32
    %mul3A_168 = arith.constant 32 : i32
    %mul3A_169 = arith.muli %mul3A_167, %mul3A_168 : i32
    %dma_wait3A_170 = tpu.memref_slice %arg7[%mul3A_169] : memref<5120xi32, #tpu.memory_space<vmem>> -> memref<32xi32, #tpu.memory_space<vmem>>
    %dma_wait3A_171 = arith.constant 0 : i32
    %dma_wait3A_172 = arith.constant 0 : i32
    %dma_wait3A_173 = tpu.memref_slice %arg4[%dma_wait3A_171, %dma_wait3A_172] : memref<10240x128xf32, #tpu.memory_space<hbm>> -> memref<10240x128xf32, #tpu.memory_space<hbm>>
    tpu.wait_indirect_dma semaphore(%arg35 : memref<!tpu.dma_semaphore, #tpu.memory_space<semaphore_mem>>) src(%dma_wait3A_173 : memref<10240x128xf32, #tpu.memory_space<hbm>>) dst(%arg19 : memref<32x128xf32, #tpu.memory_space<vmem>>)
    %dma_start3A_174 = arith.constant 0 : i32
    %dma_start3A_175 = arith.constant 0 : i32
    %dma_start3A_176 = tpu.memref_slice %arg48[%dma_start3A_174, %dma_start3A_175] : memref<10240x128xf32, #tpu.memory_space<vmem_shared>> -> memref<10240x128xf32, #tpu.memory_space<vmem_shared>>
    tpu.enqueue_indirect_dma source(%arg19 : memref<32x128xf32, #tpu.memory_space<vmem>>) target(%dma_start3A_176 : memref<10240x128xf32, #tpu.memory_space<vmem_shared>>) offsets(%arg11 : memref<32xi32, #tpu.memory_space<vmem>>) semaphore(%arg43 : memref<!tpu.dma_semaphore, #tpu.memory_space<semaphore_mem>>) {add = true}
    %mul3A_177 = arith.constant 4 : i32
    %mul3A_178 = arith.constant 32 : i32
    %mul3A_179 = arith.muli %mul3A_177, %mul3A_178 : i32
    %add3A_180 = arith.addi %mul3A_6, %mul3A_179 : i32
    %dma_wait3A_181 = tpu.memref_slice %arg3[%add3A_180] : memref<163840xi32, #tpu.memory_space<hbm>> -> memref<32xi32, #tpu.memory_space<hbm>>
    %dma_wait3A_182 = tpu.memref_slice %arg3[%add3A_180] : memref<163840xi32, #tpu.memory_space<hbm>> -> memref<32xi32, #tpu.memory_space<hbm>>
    tpu.wait_dma2 semaphore(%arg28 : memref<!tpu.dma_semaphore, #tpu.memory_space<semaphore_mem>>) src(%dma_wait3A_182 : memref<32xi32, #tpu.memory_space<hbm>>) dst(%arg12 : memref<32xi32, #tpu.memory_space<vmem>>)
    %mul3A_183 = arith.constant 4 : i32
    %mul3A_184 = arith.constant 32 : i32
    %mul3A_185 = arith.muli %mul3A_183, %mul3A_184 : i32
    %dma_wait3A_186 = tpu.memref_slice %arg7[%mul3A_185] : memref<5120xi32, #tpu.memory_space<vmem>> -> memref<32xi32, #tpu.memory_space<vmem>>
    %dma_wait3A_187 = arith.constant 0 : i32
    %dma_wait3A_188 = arith.constant 0 : i32
    %dma_wait3A_189 = tpu.memref_slice %arg4[%dma_wait3A_187, %dma_wait3A_188] : memref<10240x128xf32, #tpu.memory_space<hbm>> -> memref<10240x128xf32, #tpu.memory_space<hbm>>
    tpu.wait_indirect_dma semaphore(%arg36 : memref<!tpu.dma_semaphore, #tpu.memory_space<semaphore_mem>>) src(%dma_wait3A_189 : memref<10240x128xf32, #tpu.memory_space<hbm>>) dst(%arg20 : memref<32x128xf32, #tpu.memory_space<vmem>>)
    %dma_start3A_190 = arith.constant 0 : i32
    %dma_start3A_191 = arith.constant 0 : i32
    %dma_start3A_192 = tpu.memref_slice %arg48[%dma_start3A_190, %dma_start3A_191] : memref<10240x128xf32, #tpu.memory_space<vmem_shared>> -> memref<10240x128xf32, #tpu.memory_space<vmem_shared>>
    tpu.enqueue_indirect_dma source(%arg20 : memref<32x128xf32, #tpu.memory_space<vmem>>) target(%dma_start3A_192 : memref<10240x128xf32, #tpu.memory_space<vmem_shared>>) offsets(%arg12 : memref<32xi32, #tpu.memory_space<vmem>>) semaphore(%arg44 : memref<!tpu.dma_semaphore, #tpu.memory_space<semaphore_mem>>) {add = true}
    %mul3A_193 = arith.constant 5 : i32
    %mul3A_194 = arith.constant 32 : i32
    %mul3A_195 = arith.muli %mul3A_193, %mul3A_194 : i32
    %add3A_196 = arith.addi %mul3A_6, %mul3A_195 : i32
    %dma_wait3A_197 = tpu.memref_slice %arg3[%add3A_196] : memref<163840xi32, #tpu.memory_space<hbm>> -> memref<32xi32, #tpu.memory_space<hbm>>
    %dma_wait3A_198 = tpu.memref_slice %arg3[%add3A_196] : memref<163840xi32, #tpu.memory_space<hbm>> -> memref<32xi32, #tpu.memory_space<hbm>>
    tpu.wait_dma2 semaphore(%arg29 : memref<!tpu.dma_semaphore, #tpu.memory_space<semaphore_mem>>) src(%dma_wait3A_198 : memref<32xi32, #tpu.memory_space<hbm>>) dst(%arg13 : memref<32xi32, #tpu.memory_space<vmem>>)
    %mul3A_199 = arith.constant 5 : i32
    %mul3A_200 = arith.constant 32 : i32
    %mul3A_201 = arith.muli %mul3A_199, %mul3A_200 : i32
    %dma_wait3A_202 = tpu.memref_slice %arg7[%mul3A_201] : memref<5120xi32, #tpu.memory_space<vmem>> -> memref<32xi32, #tpu.memory_space<vmem>>
    %dma_wait3A_203 = arith.constant 0 : i32
    %dma_wait3A_204 = arith.constant 0 : i32
    %dma_wait3A_205 = tpu.memref_slice %arg4[%dma_wait3A_203, %dma_wait3A_204] : memref<10240x128xf32, #tpu.memory_space<hbm>> -> memref<10240x128xf32, #tpu.memory_space<hbm>>
    tpu.wait_indirect_dma semaphore(%arg37 : memref<!tpu.dma_semaphore, #tpu.memory_space<semaphore_mem>>) src(%dma_wait3A_205 : memref<10240x128xf32, #tpu.memory_space<hbm>>) dst(%arg21 : memref<32x128xf32, #tpu.memory_space<vmem>>)
    %dma_start3A_206 = arith.constant 0 : i32
    %dma_start3A_207 = arith.constant 0 : i32
    %dma_start3A_208 = tpu.memref_slice %arg48[%dma_start3A_206, %dma_start3A_207] : memref<10240x128xf32, #tpu.memory_space<vmem_shared>> -> memref<10240x128xf32, #tpu.memory_space<vmem_shared>>
    tpu.enqueue_indirect_dma source(%arg21 : memref<32x128xf32, #tpu.memory_space<vmem>>) target(%dma_start3A_208 : memref<10240x128xf32, #tpu.memory_space<vmem_shared>>) offsets(%arg13 : memref<32xi32, #tpu.memory_space<vmem>>) semaphore(%arg45 : memref<!tpu.dma_semaphore, #tpu.memory_space<semaphore_mem>>) {add = true}
    %mul3A_209 = arith.constant 6 : i32
    %mul3A_210 = arith.constant 32 : i32
    %mul3A_211 = arith.muli %mul3A_209, %mul3A_210 : i32
    %add3A_212 = arith.addi %mul3A_6, %mul3A_211 : i32
    %dma_wait3A_213 = tpu.memref_slice %arg3[%add3A_212] : memref<163840xi32, #tpu.memory_space<hbm>> -> memref<32xi32, #tpu.memory_space<hbm>>
    %dma_wait3A_214 = tpu.memref_slice %arg3[%add3A_212] : memref<163840xi32, #tpu.memory_space<hbm>> -> memref<32xi32, #tpu.memory_space<hbm>>
    tpu.wait_dma2 semaphore(%arg30 : memref<!tpu.dma_semaphore, #tpu.memory_space<semaphore_mem>>) src(%dma_wait3A_214 : memref<32xi32, #tpu.memory_space<hbm>>) dst(%arg14 : memref<32xi32, #tpu.memory_space<vmem>>)
    %mul3A_215 = arith.constant 6 : i32
    %mul3A_216 = arith.constant 32 : i32
    %mul3A_217 = arith.muli %mul3A_215, %mul3A_216 : i32
    %dma_wait3A_218 = tpu.memref_slice %arg7[%mul3A_217] : memref<5120xi32, #tpu.memory_space<vmem>> -> memref<32xi32, #tpu.memory_space<vmem>>
    %dma_wait3A_219 = arith.constant 0 : i32
    %dma_wait3A_220 = arith.constant 0 : i32
    %dma_wait3A_221 = tpu.memref_slice %arg4[%dma_wait3A_219, %dma_wait3A_220] : memref<10240x128xf32, #tpu.memory_space<hbm>> -> memref<10240x128xf32, #tpu.memory_space<hbm>>
    tpu.wait_indirect_dma semaphore(%arg38 : memref<!tpu.dma_semaphore, #tpu.memory_space<semaphore_mem>>) src(%dma_wait3A_221 : memref<10240x128xf32, #tpu.memory_space<hbm>>) dst(%arg22 : memref<32x128xf32, #tpu.memory_space<vmem>>)
    %dma_start3A_222 = arith.constant 0 : i32
    %dma_start3A_223 = arith.constant 0 : i32
    %dma_start3A_224 = tpu.memref_slice %arg48[%dma_start3A_222, %dma_start3A_223] : memref<10240x128xf32, #tpu.memory_space<vmem_shared>> -> memref<10240x128xf32, #tpu.memory_space<vmem_shared>>
    tpu.enqueue_indirect_dma source(%arg22 : memref<32x128xf32, #tpu.memory_space<vmem>>) target(%dma_start3A_224 : memref<10240x128xf32, #tpu.memory_space<vmem_shared>>) offsets(%arg14 : memref<32xi32, #tpu.memory_space<vmem>>) semaphore(%arg46 : memref<!tpu.dma_semaphore, #tpu.memory_space<semaphore_mem>>) {add = true}
    %mul3A_225 = arith.constant 7 : i32
    %mul3A_226 = arith.constant 32 : i32
    %mul3A_227 = arith.muli %mul3A_225, %mul3A_226 : i32
    %add3A_228 = arith.addi %mul3A_6, %mul3A_227 : i32
    %dma_wait3A_229 = tpu.memref_slice %arg3[%add3A_228] : memref<163840xi32, #tpu.memory_space<hbm>> -> memref<32xi32, #tpu.memory_space<hbm>>
    %dma_wait3A_230 = tpu.memref_slice %arg3[%add3A_228] : memref<163840xi32, #tpu.memory_space<hbm>> -> memref<32xi32, #tpu.memory_space<hbm>>
    tpu.wait_dma2 semaphore(%arg31 : memref<!tpu.dma_semaphore, #tpu.memory_space<semaphore_mem>>) src(%dma_wait3A_230 : memref<32xi32, #tpu.memory_space<hbm>>) dst(%arg15 : memref<32xi32, #tpu.memory_space<vmem>>)
    %mul3A_231 = arith.constant 7 : i32
    %mul3A_232 = arith.constant 32 : i32
    %mul3A_233 = arith.muli %mul3A_231, %mul3A_232 : i32
    %dma_wait3A_234 = tpu.memref_slice %arg7[%mul3A_233] : memref<5120xi32, #tpu.memory_space<vmem>> -> memref<32xi32, #tpu.memory_space<vmem>>
    %dma_wait3A_235 = arith.constant 0 : i32
    %dma_wait3A_236 = arith.constant 0 : i32
    %dma_wait3A_237 = tpu.memref_slice %arg4[%dma_wait3A_235, %dma_wait3A_236] : memref<10240x128xf32, #tpu.memory_space<hbm>> -> memref<10240x128xf32, #tpu.memory_space<hbm>>
    tpu.wait_indirect_dma semaphore(%arg39 : memref<!tpu.dma_semaphore, #tpu.memory_space<semaphore_mem>>) src(%dma_wait3A_237 : memref<10240x128xf32, #tpu.memory_space<hbm>>) dst(%arg23 : memref<32x128xf32, #tpu.memory_space<vmem>>)
    %dma_start3A_238 = arith.constant 0 : i32
    %dma_start3A_239 = arith.constant 0 : i32
    %dma_start3A_240 = tpu.memref_slice %arg48[%dma_start3A_238, %dma_start3A_239] : memref<10240x128xf32, #tpu.memory_space<vmem_shared>> -> memref<10240x128xf32, #tpu.memory_space<vmem_shared>>
    tpu.enqueue_indirect_dma source(%arg23 : memref<32x128xf32, #tpu.memory_space<vmem>>) target(%dma_start3A_240 : memref<10240x128xf32, #tpu.memory_space<vmem_shared>>) offsets(%arg15 : memref<32xi32, #tpu.memory_space<vmem>>) semaphore(%arg47 : memref<!tpu.dma_semaphore, #tpu.memory_space<semaphore_mem>>) {add = true}
    %scan3A = arith.constant 0 : i32
    %scan3A_241 = arith.constant 1 : i32
    %scan3A_242 = arith.constant 19 : i32
    %scan3A_243 = arith.addi %scan3A_241, %scan3A_242 : i32
    %scan3A_244 = arith.constant 1 : i32
    %scan3A_245 = scf.for %scan3A_277 = %scan3A_241 to %scan3A_243 step %scan3A_244 iter_args(%scan3A_278 = %scan3A) -> (i32)  : i32 {
      %mul3A_279 = arith.constant 8 : i32
      %mul3A_280 = arith.muli %scan3A_277, %mul3A_279 : i32
      %dma_wait3A_281 = arith.constant 0 : i32
      %dma_wait3A_282 = arith.constant 0 : i32
      %dma_wait3A_283 = tpu.memref_slice %arg48[%dma_wait3A_281, %dma_wait3A_282] : memref<10240x128xf32, #tpu.memory_space<vmem_shared>> -> memref<10240x128xf32, #tpu.memory_space<vmem_shared>>
      tpu.wait_indirect_dma semaphore(%arg40 : memref<!tpu.dma_semaphore, #tpu.memory_space<semaphore_mem>>) src(%arg16 : memref<32x128xf32, #tpu.memory_space<vmem>>) dst(%dma_wait3A_283 : memref<10240x128xf32, #tpu.memory_space<vmem_shared>>)
      %add3A_284 = arith.constant 0 : i32
      %add3A_285 = arith.addi %mul3A_280, %add3A_284 : i32
      %mul3A_286 = arith.constant 32 : i32
      %mul3A_287 = arith.muli %add3A_285, %mul3A_286 : i32
      %add3A_288 = arith.addi %mul3A_6, %mul3A_287 : i32
      %dma_start3A_289 = tpu.memref_slice %arg3[%add3A_288] : memref<163840xi32, #tpu.memory_space<hbm>> -> memref<32xi32, #tpu.memory_space<hbm>>
      %dma_start3A_290 = tpu.memref_slice %arg3[%add3A_288] : memref<163840xi32, #tpu.memory_space<hbm>> -> memref<32xi32, #tpu.memory_space<hbm>>
      tpu.enqueue_dma source(%dma_start3A_290 : memref<32xi32, #tpu.memory_space<hbm>>) target(%arg8 : memref<32xi32, #tpu.memory_space<vmem>>) target_semaphore(%arg24 : memref<!tpu.dma_semaphore, #tpu.memory_space<semaphore_mem>>)
      %mul3A_291 = arith.constant 32 : i32
      %mul3A_292 = arith.muli %add3A_285, %mul3A_291 : i32
      %dma_start3A_293 = tpu.memref_slice %arg7[%mul3A_292] : memref<5120xi32, #tpu.memory_space<vmem>> -> memref<32xi32, #tpu.memory_space<vmem>>
      %dma_start3A_294 = arith.constant 0 : i32
      %dma_start3A_295 = arith.constant 0 : i32
      %dma_start3A_296 = tpu.memref_slice %arg4[%dma_start3A_294, %dma_start3A_295] : memref<10240x128xf32, #tpu.memory_space<hbm>> -> memref<10240x128xf32, #tpu.memory_space<hbm>>
      tpu.enqueue_indirect_dma source(%dma_start3A_296 : memref<10240x128xf32, #tpu.memory_space<hbm>>) target(%arg16 : memref<32x128xf32, #tpu.memory_space<vmem>>) offsets(%dma_start3A_293 : memref<32xi32, #tpu.memory_space<vmem>>) semaphore(%arg32 : memref<!tpu.dma_semaphore, #tpu.memory_space<semaphore_mem>>)
      %dma_wait3A_297 = arith.constant 0 : i32
      %dma_wait3A_298 = arith.constant 0 : i32
      %dma_wait3A_299 = tpu.memref_slice %arg48[%dma_wait3A_297, %dma_wait3A_298] : memref<10240x128xf32, #tpu.memory_space<vmem_shared>> -> memref<10240x128xf32, #tpu.memory_space<vmem_shared>>
      tpu.wait_indirect_dma semaphore(%arg41 : memref<!tpu.dma_semaphore, #tpu.memory_space<semaphore_mem>>) src(%arg17 : memref<32x128xf32, #tpu.memory_space<vmem>>) dst(%dma_wait3A_299 : memref<10240x128xf32, #tpu.memory_space<vmem_shared>>)
      %add3A_300 = arith.constant 1 : i32
      %add3A_301 = arith.addi %mul3A_280, %add3A_300 : i32
      %mul3A_302 = arith.constant 32 : i32
      %mul3A_303 = arith.muli %add3A_301, %mul3A_302 : i32
      %add3A_304 = arith.addi %mul3A_6, %mul3A_303 : i32
      %dma_start3A_305 = tpu.memref_slice %arg3[%add3A_304] : memref<163840xi32, #tpu.memory_space<hbm>> -> memref<32xi32, #tpu.memory_space<hbm>>
      %dma_start3A_306 = tpu.memref_slice %arg3[%add3A_304] : memref<163840xi32, #tpu.memory_space<hbm>> -> memref<32xi32, #tpu.memory_space<hbm>>
      tpu.enqueue_dma source(%dma_start3A_306 : memref<32xi32, #tpu.memory_space<hbm>>) target(%arg9 : memref<32xi32, #tpu.memory_space<vmem>>) target_semaphore(%arg25 : memref<!tpu.dma_semaphore, #tpu.memory_space<semaphore_mem>>)
      %mul3A_307 = arith.constant 32 : i32
      %mul3A_308 = arith.muli %add3A_301, %mul3A_307 : i32
      %dma_start3A_309 = tpu.memref_slice %arg7[%mul3A_308] : memref<5120xi32, #tpu.memory_space<vmem>> -> memref<32xi32, #tpu.memory_space<vmem>>
      %dma_start3A_310 = arith.constant 0 : i32
      %dma_start3A_311 = arith.constant 0 : i32
      %dma_start3A_312 = tpu.memref_slice %arg4[%dma_start3A_310, %dma_start3A_311] : memref<10240x128xf32, #tpu.memory_space<hbm>> -> memref<10240x128xf32, #tpu.memory_space<hbm>>
      tpu.enqueue_indirect_dma source(%dma_start3A_312 : memref<10240x128xf32, #tpu.memory_space<hbm>>) target(%arg17 : memref<32x128xf32, #tpu.memory_space<vmem>>) offsets(%dma_start3A_309 : memref<32xi32, #tpu.memory_space<vmem>>) semaphore(%arg33 : memref<!tpu.dma_semaphore, #tpu.memory_space<semaphore_mem>>)
      %dma_wait3A_313 = arith.constant 0 : i32
      %dma_wait3A_314 = arith.constant 0 : i32
      %dma_wait3A_315 = tpu.memref_slice %arg48[%dma_wait3A_313, %dma_wait3A_314] : memref<10240x128xf32, #tpu.memory_space<vmem_shared>> -> memref<10240x128xf32, #tpu.memory_space<vmem_shared>>
      tpu.wait_indirect_dma semaphore(%arg42 : memref<!tpu.dma_semaphore, #tpu.memory_space<semaphore_mem>>) src(%arg18 : memref<32x128xf32, #tpu.memory_space<vmem>>) dst(%dma_wait3A_315 : memref<10240x128xf32, #tpu.memory_space<vmem_shared>>)
      %add3A_316 = arith.constant 2 : i32
      %add3A_317 = arith.addi %mul3A_280, %add3A_316 : i32
      %mul3A_318 = arith.constant 32 : i32
      %mul3A_319 = arith.muli %add3A_317, %mul3A_318 : i32
      %add3A_320 = arith.addi %mul3A_6, %mul3A_319 : i32
      %dma_start3A_321 = tpu.memref_slice %arg3[%add3A_320] : memref<163840xi32, #tpu.memory_space<hbm>> -> memref<32xi32, #tpu.memory_space<hbm>>
      %dma_start3A_322 = tpu.memref_slice %arg3[%add3A_320] : memref<163840xi32, #tpu.memory_space<hbm>> -> memref<32xi32, #tpu.memory_space<hbm>>
      tpu.enqueue_dma source(%dma_start3A_322 : memref<32xi32, #tpu.memory_space<hbm>>) target(%arg10 : memref<32xi32, #tpu.memory_space<vmem>>) target_semaphore(%arg26 : memref<!tpu.dma_semaphore, #tpu.memory_space<semaphore_mem>>)
      %mul3A_323 = arith.constant 32 : i32
      %mul3A_324 = arith.muli %add3A_317, %mul3A_323 : i32
      %dma_start3A_325 = tpu.memref_slice %arg7[%mul3A_324] : memref<5120xi32, #tpu.memory_space<vmem>> -> memref<32xi32, #tpu.memory_space<vmem>>
      %dma_start3A_326 = arith.constant 0 : i32
      %dma_start3A_327 = arith.constant 0 : i32
      %dma_start3A_328 = tpu.memref_slice %arg4[%dma_start3A_326, %dma_start3A_327] : memref<10240x128xf32, #tpu.memory_space<hbm>> -> memref<10240x128xf32, #tpu.memory_space<hbm>>
      tpu.enqueue_indirect_dma source(%dma_start3A_328 : memref<10240x128xf32, #tpu.memory_space<hbm>>) target(%arg18 : memref<32x128xf32, #tpu.memory_space<vmem>>) offsets(%dma_start3A_325 : memref<32xi32, #tpu.memory_space<vmem>>) semaphore(%arg34 : memref<!tpu.dma_semaphore, #tpu.memory_space<semaphore_mem>>)
      %dma_wait3A_329 = arith.constant 0 : i32
      %dma_wait3A_330 = arith.constant 0 : i32
      %dma_wait3A_331 = tpu.memref_slice %arg48[%dma_wait3A_329, %dma_wait3A_330] : memref<10240x128xf32, #tpu.memory_space<vmem_shared>> -> memref<10240x128xf32, #tpu.memory_space<vmem_shared>>
      tpu.wait_indirect_dma semaphore(%arg43 : memref<!tpu.dma_semaphore, #tpu.memory_space<semaphore_mem>>) src(%arg19 : memref<32x128xf32, #tpu.memory_space<vmem>>) dst(%dma_wait3A_331 : memref<10240x128xf32, #tpu.memory_space<vmem_shared>>)
      %add3A_332 = arith.constant 3 : i32
      %add3A_333 = arith.addi %mul3A_280, %add3A_332 : i32
      %mul3A_334 = arith.constant 32 : i32
      %mul3A_335 = arith.muli %add3A_333, %mul3A_334 : i32
      %add3A_336 = arith.addi %mul3A_6, %mul3A_335 : i32
      %dma_start3A_337 = tpu.memref_slice %arg3[%add3A_336] : memref<163840xi32, #tpu.memory_space<hbm>> -> memref<32xi32, #tpu.memory_space<hbm>>
      %dma_start3A_338 = tpu.memref_slice %arg3[%add3A_336] : memref<163840xi32, #tpu.memory_space<hbm>> -> memref<32xi32, #tpu.memory_space<hbm>>
      tpu.enqueue_dma source(%dma_start3A_338 : memref<32xi32, #tpu.memory_space<hbm>>) target(%arg11 : memref<32xi32, #tpu.memory_space<vmem>>) target_semaphore(%arg27 : memref<!tpu.dma_semaphore, #tpu.memory_space<semaphore_mem>>)
      %mul3A_339 = arith.constant 32 : i32
      %mul3A_340 = arith.muli %add3A_333, %mul3A_339 : i32
      %dma_start3A_341 = tpu.memref_slice %arg7[%mul3A_340] : memref<5120xi32, #tpu.memory_space<vmem>> -> memref<32xi32, #tpu.memory_space<vmem>>
      %dma_start3A_342 = arith.constant 0 : i32
      %dma_start3A_343 = arith.constant 0 : i32
      %dma_start3A_344 = tpu.memref_slice %arg4[%dma_start3A_342, %dma_start3A_343] : memref<10240x128xf32, #tpu.memory_space<hbm>> -> memref<10240x128xf32, #tpu.memory_space<hbm>>
      tpu.enqueue_indirect_dma source(%dma_start3A_344 : memref<10240x128xf32, #tpu.memory_space<hbm>>) target(%arg19 : memref<32x128xf32, #tpu.memory_space<vmem>>) offsets(%dma_start3A_341 : memref<32xi32, #tpu.memory_space<vmem>>) semaphore(%arg35 : memref<!tpu.dma_semaphore, #tpu.memory_space<semaphore_mem>>)
      %dma_wait3A_345 = arith.constant 0 : i32
      %dma_wait3A_346 = arith.constant 0 : i32
      %dma_wait3A_347 = tpu.memref_slice %arg48[%dma_wait3A_345, %dma_wait3A_346] : memref<10240x128xf32, #tpu.memory_space<vmem_shared>> -> memref<10240x128xf32, #tpu.memory_space<vmem_shared>>
      tpu.wait_indirect_dma semaphore(%arg44 : memref<!tpu.dma_semaphore, #tpu.memory_space<semaphore_mem>>) src(%arg20 : memref<32x128xf32, #tpu.memory_space<vmem>>) dst(%dma_wait3A_347 : memref<10240x128xf32, #tpu.memory_space<vmem_shared>>)
      %add3A_348 = arith.constant 4 : i32
      %add3A_349 = arith.addi %mul3A_280, %add3A_348 : i32
      %mul3A_350 = arith.constant 32 : i32
      %mul3A_351 = arith.muli %add3A_349, %mul3A_350 : i32
      %add3A_352 = arith.addi %mul3A_6, %mul3A_351 : i32
      %dma_start3A_353 = tpu.memref_slice %arg3[%add3A_352] : memref<163840xi32, #tpu.memory_space<hbm>> -> memref<32xi32, #tpu.memory_space<hbm>>
      %dma_start3A_354 = tpu.memref_slice %arg3[%add3A_352] : memref<163840xi32, #tpu.memory_space<hbm>> -> memref<32xi32, #tpu.memory_space<hbm>>
      tpu.enqueue_dma source(%dma_start3A_354 : memref<32xi32, #tpu.memory_space<hbm>>) target(%arg12 : memref<32xi32, #tpu.memory_space<vmem>>) target_semaphore(%arg28 : memref<!tpu.dma_semaphore, #tpu.memory_space<semaphore_mem>>)
      %mul3A_355 = arith.constant 32 : i32
      %mul3A_356 = arith.muli %add3A_349, %mul3A_355 : i32
      %dma_start3A_357 = tpu.memref_slice %arg7[%mul3A_356] : memref<5120xi32, #tpu.memory_space<vmem>> -> memref<32xi32, #tpu.memory_space<vmem>>
      %dma_start3A_358 = arith.constant 0 : i32
      %dma_start3A_359 = arith.constant 0 : i32
      %dma_start3A_360 = tpu.memref_slice %arg4[%dma_start3A_358, %dma_start3A_359] : memref<10240x128xf32, #tpu.memory_space<hbm>> -> memref<10240x128xf32, #tpu.memory_space<hbm>>
      tpu.enqueue_indirect_dma source(%dma_start3A_360 : memref<10240x128xf32, #tpu.memory_space<hbm>>) target(%arg20 : memref<32x128xf32, #tpu.memory_space<vmem>>) offsets(%dma_start3A_357 : memref<32xi32, #tpu.memory_space<vmem>>) semaphore(%arg36 : memref<!tpu.dma_semaphore, #tpu.memory_space<semaphore_mem>>)
      %dma_wait3A_361 = arith.constant 0 : i32
      %dma_wait3A_362 = arith.constant 0 : i32
      %dma_wait3A_363 = tpu.memref_slice %arg48[%dma_wait3A_361, %dma_wait3A_362] : memref<10240x128xf32, #tpu.memory_space<vmem_shared>> -> memref<10240x128xf32, #tpu.memory_space<vmem_shared>>
      tpu.wait_indirect_dma semaphore(%arg45 : memref<!tpu.dma_semaphore, #tpu.memory_space<semaphore_mem>>) src(%arg21 : memref<32x128xf32, #tpu.memory_space<vmem>>) dst(%dma_wait3A_363 : memref<10240x128xf32, #tpu.memory_space<vmem_shared>>)
      %add3A_364 = arith.constant 5 : i32
      %add3A_365 = arith.addi %mul3A_280, %add3A_364 : i32
      %mul3A_366 = arith.constant 32 : i32
      %mul3A_367 = arith.muli %add3A_365, %mul3A_366 : i32
      %add3A_368 = arith.addi %mul3A_6, %mul3A_367 : i32
      %dma_start3A_369 = tpu.memref_slice %arg3[%add3A_368] : memref<163840xi32, #tpu.memory_space<hbm>> -> memref<32xi32, #tpu.memory_space<hbm>>
      %dma_start3A_370 = tpu.memref_slice %arg3[%add3A_368] : memref<163840xi32, #tpu.memory_space<hbm>> -> memref<32xi32, #tpu.memory_space<hbm>>
      tpu.enqueue_dma source(%dma_start3A_370 : memref<32xi32, #tpu.memory_space<hbm>>) target(%arg13 : memref<32xi32, #tpu.memory_space<vmem>>) target_semaphore(%arg29 : memref<!tpu.dma_semaphore, #tpu.memory_space<semaphore_mem>>)
      %mul3A_371 = arith.constant 32 : i32
      %mul3A_372 = arith.muli %add3A_365, %mul3A_371 : i32
      %dma_start3A_373 = tpu.memref_slice %arg7[%mul3A_372] : memref<5120xi32, #tpu.memory_space<vmem>> -> memref<32xi32, #tpu.memory_space<vmem>>
      %dma_start3A_374 = arith.constant 0 : i32
      %dma_start3A_375 = arith.constant 0 : i32
      %dma_start3A_376 = tpu.memref_slice %arg4[%dma_start3A_374, %dma_start3A_375] : memref<10240x128xf32, #tpu.memory_space<hbm>> -> memref<10240x128xf32, #tpu.memory_space<hbm>>
      tpu.enqueue_indirect_dma source(%dma_start3A_376 : memref<10240x128xf32, #tpu.memory_space<hbm>>) target(%arg21 : memref<32x128xf32, #tpu.memory_space<vmem>>) offsets(%dma_start3A_373 : memref<32xi32, #tpu.memory_space<vmem>>) semaphore(%arg37 : memref<!tpu.dma_semaphore, #tpu.memory_space<semaphore_mem>>)
      %dma_wait3A_377 = arith.constant 0 : i32
      %dma_wait3A_378 = arith.constant 0 : i32
      %dma_wait3A_379 = tpu.memref_slice %arg48[%dma_wait3A_377, %dma_wait3A_378] : memref<10240x128xf32, #tpu.memory_space<vmem_shared>> -> memref<10240x128xf32, #tpu.memory_space<vmem_shared>>
      tpu.wait_indirect_dma semaphore(%arg46 : memref<!tpu.dma_semaphore, #tpu.memory_space<semaphore_mem>>) src(%arg22 : memref<32x128xf32, #tpu.memory_space<vmem>>) dst(%dma_wait3A_379 : memref<10240x128xf32, #tpu.memory_space<vmem_shared>>)
      %add3A_380 = arith.constant 6 : i32
      %add3A_381 = arith.addi %mul3A_280, %add3A_380 : i32
      %mul3A_382 = arith.constant 32 : i32
      %mul3A_383 = arith.muli %add3A_381, %mul3A_382 : i32
      %add3A_384 = arith.addi %mul3A_6, %mul3A_383 : i32
      %dma_start3A_385 = tpu.memref_slice %arg3[%add3A_384] : memref<163840xi32, #tpu.memory_space<hbm>> -> memref<32xi32, #tpu.memory_space<hbm>>
      %dma_start3A_386 = tpu.memref_slice %arg3[%add3A_384] : memref<163840xi32, #tpu.memory_space<hbm>> -> memref<32xi32, #tpu.memory_space<hbm>>
      tpu.enqueue_dma source(%dma_start3A_386 : memref<32xi32, #tpu.memory_space<hbm>>) target(%arg14 : memref<32xi32, #tpu.memory_space<vmem>>) target_semaphore(%arg30 : memref<!tpu.dma_semaphore, #tpu.memory_space<semaphore_mem>>)
      %mul3A_387 = arith.constant 32 : i32
      %mul3A_388 = arith.muli %add3A_381, %mul3A_387 : i32
      %dma_start3A_389 = tpu.memref_slice %arg7[%mul3A_388] : memref<5120xi32, #tpu.memory_space<vmem>> -> memref<32xi32, #tpu.memory_space<vmem>>
      %dma_start3A_390 = arith.constant 0 : i32
      %dma_start3A_391 = arith.constant 0 : i32
      %dma_start3A_392 = tpu.memref_slice %arg4[%dma_start3A_390, %dma_start3A_391] : memref<10240x128xf32, #tpu.memory_space<hbm>> -> memref<10240x128xf32, #tpu.memory_space<hbm>>
      tpu.enqueue_indirect_dma source(%dma_start3A_392 : memref<10240x128xf32, #tpu.memory_space<hbm>>) target(%arg22 : memref<32x128xf32, #tpu.memory_space<vmem>>) offsets(%dma_start3A_389 : memref<32xi32, #tpu.memory_space<vmem>>) semaphore(%arg38 : memref<!tpu.dma_semaphore, #tpu.memory_space<semaphore_mem>>)
      %dma_wait3A_393 = arith.constant 0 : i32
      %dma_wait3A_394 = arith.constant 0 : i32
      %dma_wait3A_395 = tpu.memref_slice %arg48[%dma_wait3A_393, %dma_wait3A_394] : memref<10240x128xf32, #tpu.memory_space<vmem_shared>> -> memref<10240x128xf32, #tpu.memory_space<vmem_shared>>
      tpu.wait_indirect_dma semaphore(%arg47 : memref<!tpu.dma_semaphore, #tpu.memory_space<semaphore_mem>>) src(%arg23 : memref<32x128xf32, #tpu.memory_space<vmem>>) dst(%dma_wait3A_395 : memref<10240x128xf32, #tpu.memory_space<vmem_shared>>)
      %add3A_396 = arith.constant 7 : i32
      %add3A_397 = arith.addi %mul3A_280, %add3A_396 : i32
      %mul3A_398 = arith.constant 32 : i32
      %mul3A_399 = arith.muli %add3A_397, %mul3A_398 : i32
      %add3A_400 = arith.addi %mul3A_6, %mul3A_399 : i32
      %dma_start3A_401 = tpu.memref_slice %arg3[%add3A_400] : memref<163840xi32, #tpu.memory_space<hbm>> -> memref<32xi32, #tpu.memory_space<hbm>>
      %dma_start3A_402 = tpu.memref_slice %arg3[%add3A_400] : memref<163840xi32, #tpu.memory_space<hbm>> -> memref<32xi32, #tpu.memory_space<hbm>>
      tpu.enqueue_dma source(%dma_start3A_402 : memref<32xi32, #tpu.memory_space<hbm>>) target(%arg15 : memref<32xi32, #tpu.memory_space<vmem>>) target_semaphore(%arg31 : memref<!tpu.dma_semaphore, #tpu.memory_space<semaphore_mem>>)
      %mul3A_403 = arith.constant 32 : i32
      %mul3A_404 = arith.muli %add3A_397, %mul3A_403 : i32
      %dma_start3A_405 = tpu.memref_slice %arg7[%mul3A_404] : memref<5120xi32, #tpu.memory_space<vmem>> -> memref<32xi32, #tpu.memory_space<vmem>>
      %dma_start3A_406 = arith.constant 0 : i32
      %dma_start3A_407 = arith.constant 0 : i32
      %dma_start3A_408 = tpu.memref_slice %arg4[%dma_start3A_406, %dma_start3A_407] : memref<10240x128xf32, #tpu.memory_space<hbm>> -> memref<10240x128xf32, #tpu.memory_space<hbm>>
      tpu.enqueue_indirect_dma source(%dma_start3A_408 : memref<10240x128xf32, #tpu.memory_space<hbm>>) target(%arg23 : memref<32x128xf32, #tpu.memory_space<vmem>>) offsets(%dma_start3A_405 : memref<32xi32, #tpu.memory_space<vmem>>) semaphore(%arg39 : memref<!tpu.dma_semaphore, #tpu.memory_space<semaphore_mem>>)
      %add3A_409 = arith.constant 0 : i32
      %add3A_410 = arith.addi %mul3A_280, %add3A_409 : i32
      %mul3A_411 = arith.constant 32 : i32
      %mul3A_412 = arith.muli %add3A_410, %mul3A_411 : i32
      %add3A_413 = arith.addi %mul3A_6, %mul3A_412 : i32
      %dma_wait3A_414 = tpu.memref_slice %arg3[%add3A_413] : memref<163840xi32, #tpu.memory_space<hbm>> -> memref<32xi32, #tpu.memory_space<hbm>>
      %dma_wait3A_415 = tpu.memref_slice %arg3[%add3A_413] : memref<163840xi32, #tpu.memory_space<hbm>> -> memref<32xi32, #tpu.memory_space<hbm>>
      tpu.wait_dma2 semaphore(%arg24 : memref<!tpu.dma_semaphore, #tpu.memory_space<semaphore_mem>>) src(%dma_wait3A_415 : memref<32xi32, #tpu.memory_space<hbm>>) dst(%arg8 : memref<32xi32, #tpu.memory_space<vmem>>)
      %mul3A_416 = arith.constant 32 : i32
      %mul3A_417 = arith.muli %add3A_410, %mul3A_416 : i32
      %dma_wait3A_418 = tpu.memref_slice %arg7[%mul3A_417] : memref<5120xi32, #tpu.memory_space<vmem>> -> memref<32xi32, #tpu.memory_space<vmem>>
      %dma_wait3A_419 = arith.constant 0 : i32
      %dma_wait3A_420 = arith.constant 0 : i32
      %dma_wait3A_421 = tpu.memref_slice %arg4[%dma_wait3A_419, %dma_wait3A_420] : memref<10240x128xf32, #tpu.memory_space<hbm>> -> memref<10240x128xf32, #tpu.memory_space<hbm>>
      tpu.wait_indirect_dma semaphore(%arg32 : memref<!tpu.dma_semaphore, #tpu.memory_space<semaphore_mem>>) src(%dma_wait3A_421 : memref<10240x128xf32, #tpu.memory_space<hbm>>) dst(%arg16 : memref<32x128xf32, #tpu.memory_space<vmem>>)
      %dma_start3A_422 = arith.constant 0 : i32
      %dma_start3A_423 = arith.constant 0 : i32
      %dma_start3A_424 = tpu.memref_slice %arg48[%dma_start3A_422, %dma_start3A_423] : memref<10240x128xf32, #tpu.memory_space<vmem_shared>> -> memref<10240x128xf32, #tpu.memory_space<vmem_shared>>
      tpu.enqueue_indirect_dma source(%arg16 : memref<32x128xf32, #tpu.memory_space<vmem>>) target(%dma_start3A_424 : memref<10240x128xf32, #tpu.memory_space<vmem_shared>>) offsets(%arg8 : memref<32xi32, #tpu.memory_space<vmem>>) semaphore(%arg40 : memref<!tpu.dma_semaphore, #tpu.memory_space<semaphore_mem>>) {add = true}
      %add3A_425 = arith.constant 1 : i32
      %add3A_426 = arith.addi %mul3A_280, %add3A_425 : i32
      %mul3A_427 = arith.constant 32 : i32
      %mul3A_428 = arith.muli %add3A_426, %mul3A_427 : i32
      %add3A_429 = arith.addi %mul3A_6, %mul3A_428 : i32
      %dma_wait3A_430 = tpu.memref_slice %arg3[%add3A_429] : memref<163840xi32, #tpu.memory_space<hbm>> -> memref<32xi32, #tpu.memory_space<hbm>>
      %dma_wait3A_431 = tpu.memref_slice %arg3[%add3A_429] : memref<163840xi32, #tpu.memory_space<hbm>> -> memref<32xi32, #tpu.memory_space<hbm>>
      tpu.wait_dma2 semaphore(%arg25 : memref<!tpu.dma_semaphore, #tpu.memory_space<semaphore_mem>>) src(%dma_wait3A_431 : memref<32xi32, #tpu.memory_space<hbm>>) dst(%arg9 : memref<32xi32, #tpu.memory_space<vmem>>)
      %mul3A_432 = arith.constant 32 : i32
      %mul3A_433 = arith.muli %add3A_426, %mul3A_432 : i32
      %dma_wait3A_434 = tpu.memref_slice %arg7[%mul3A_433] : memref<5120xi32, #tpu.memory_space<vmem>> -> memref<32xi32, #tpu.memory_space<vmem>>
      %dma_wait3A_435 = arith.constant 0 : i32
      %dma_wait3A_436 = arith.constant 0 : i32
      %dma_wait3A_437 = tpu.memref_slice %arg4[%dma_wait3A_435, %dma_wait3A_436] : memref<10240x128xf32, #tpu.memory_space<hbm>> -> memref<10240x128xf32, #tpu.memory_space<hbm>>
      tpu.wait_indirect_dma semaphore(%arg33 : memref<!tpu.dma_semaphore, #tpu.memory_space<semaphore_mem>>) src(%dma_wait3A_437 : memref<10240x128xf32, #tpu.memory_space<hbm>>) dst(%arg17 : memref<32x128xf32, #tpu.memory_space<vmem>>)
      %dma_start3A_438 = arith.constant 0 : i32
      %dma_start3A_439 = arith.constant 0 : i32
      %dma_start3A_440 = tpu.memref_slice %arg48[%dma_start3A_438, %dma_start3A_439] : memref<10240x128xf32, #tpu.memory_space<vmem_shared>> -> memref<10240x128xf32, #tpu.memory_space<vmem_shared>>
      tpu.enqueue_indirect_dma source(%arg17 : memref<32x128xf32, #tpu.memory_space<vmem>>) target(%dma_start3A_440 : memref<10240x128xf32, #tpu.memory_space<vmem_shared>>) offsets(%arg9 : memref<32xi32, #tpu.memory_space<vmem>>) semaphore(%arg41 : memref<!tpu.dma_semaphore, #tpu.memory_space<semaphore_mem>>) {add = true}
      %add3A_441 = arith.constant 2 : i32
      %add3A_442 = arith.addi %mul3A_280, %add3A_441 : i32
      %mul3A_443 = arith.constant 32 : i32
      %mul3A_444 = arith.muli %add3A_442, %mul3A_443 : i32
      %add3A_445 = arith.addi %mul3A_6, %mul3A_444 : i32
      %dma_wait3A_446 = tpu.memref_slice %arg3[%add3A_445] : memref<163840xi32, #tpu.memory_space<hbm>> -> memref<32xi32, #tpu.memory_space<hbm>>
      %dma_wait3A_447 = tpu.memref_slice %arg3[%add3A_445] : memref<163840xi32, #tpu.memory_space<hbm>> -> memref<32xi32, #tpu.memory_space<hbm>>
      tpu.wait_dma2 semaphore(%arg26 : memref<!tpu.dma_semaphore, #tpu.memory_space<semaphore_mem>>) src(%dma_wait3A_447 : memref<32xi32, #tpu.memory_space<hbm>>) dst(%arg10 : memref<32xi32, #tpu.memory_space<vmem>>)
      %mul3A_448 = arith.constant 32 : i32
      %mul3A_449 = arith.muli %add3A_442, %mul3A_448 : i32
      %dma_wait3A_450 = tpu.memref_slice %arg7[%mul3A_449] : memref<5120xi32, #tpu.memory_space<vmem>> -> memref<32xi32, #tpu.memory_space<vmem>>
      %dma_wait3A_451 = arith.constant 0 : i32
      %dma_wait3A_452 = arith.constant 0 : i32
      %dma_wait3A_453 = tpu.memref_slice %arg4[%dma_wait3A_451, %dma_wait3A_452] : memref<10240x128xf32, #tpu.memory_space<hbm>> -> memref<10240x128xf32, #tpu.memory_space<hbm>>
      tpu.wait_indirect_dma semaphore(%arg34 : memref<!tpu.dma_semaphore, #tpu.memory_space<semaphore_mem>>) src(%dma_wait3A_453 : memref<10240x128xf32, #tpu.memory_space<hbm>>) dst(%arg18 : memref<32x128xf32, #tpu.memory_space<vmem>>)
      %dma_start3A_454 = arith.constant 0 : i32
      %dma_start3A_455 = arith.constant 0 : i32
      %dma_start3A_456 = tpu.memref_slice %arg48[%dma_start3A_454, %dma_start3A_455] : memref<10240x128xf32, #tpu.memory_space<vmem_shared>> -> memref<10240x128xf32, #tpu.memory_space<vmem_shared>>
      tpu.enqueue_indirect_dma source(%arg18 : memref<32x128xf32, #tpu.memory_space<vmem>>) target(%dma_start3A_456 : memref<10240x128xf32, #tpu.memory_space<vmem_shared>>) offsets(%arg10 : memref<32xi32, #tpu.memory_space<vmem>>) semaphore(%arg42 : memref<!tpu.dma_semaphore, #tpu.memory_space<semaphore_mem>>) {add = true}
      %add3A_457 = arith.constant 3 : i32
      %add3A_458 = arith.addi %mul3A_280, %add3A_457 : i32
      %mul3A_459 = arith.constant 32 : i32
      %mul3A_460 = arith.muli %add3A_458, %mul3A_459 : i32
      %add3A_461 = arith.addi %mul3A_6, %mul3A_460 : i32
      %dma_wait3A_462 = tpu.memref_slice %arg3[%add3A_461] : memref<163840xi32, #tpu.memory_space<hbm>> -> memref<32xi32, #tpu.memory_space<hbm>>
      %dma_wait3A_463 = tpu.memref_slice %arg3[%add3A_461] : memref<163840xi32, #tpu.memory_space<hbm>> -> memref<32xi32, #tpu.memory_space<hbm>>
      tpu.wait_dma2 semaphore(%arg27 : memref<!tpu.dma_semaphore, #tpu.memory_space<semaphore_mem>>) src(%dma_wait3A_463 : memref<32xi32, #tpu.memory_space<hbm>>) dst(%arg11 : memref<32xi32, #tpu.memory_space<vmem>>)
      %mul3A_464 = arith.constant 32 : i32
      %mul3A_465 = arith.muli %add3A_458, %mul3A_464 : i32
      %dma_wait3A_466 = tpu.memref_slice %arg7[%mul3A_465] : memref<5120xi32, #tpu.memory_space<vmem>> -> memref<32xi32, #tpu.memory_space<vmem>>
      %dma_wait3A_467 = arith.constant 0 : i32
      %dma_wait3A_468 = arith.constant 0 : i32
      %dma_wait3A_469 = tpu.memref_slice %arg4[%dma_wait3A_467, %dma_wait3A_468] : memref<10240x128xf32, #tpu.memory_space<hbm>> -> memref<10240x128xf32, #tpu.memory_space<hbm>>
      tpu.wait_indirect_dma semaphore(%arg35 : memref<!tpu.dma_semaphore, #tpu.memory_space<semaphore_mem>>) src(%dma_wait3A_469 : memref<10240x128xf32, #tpu.memory_space<hbm>>) dst(%arg19 : memref<32x128xf32, #tpu.memory_space<vmem>>)
      %dma_start3A_470 = arith.constant 0 : i32
      %dma_start3A_471 = arith.constant 0 : i32
      %dma_start3A_472 = tpu.memref_slice %arg48[%dma_start3A_470, %dma_start3A_471] : memref<10240x128xf32, #tpu.memory_space<vmem_shared>> -> memref<10240x128xf32, #tpu.memory_space<vmem_shared>>
      tpu.enqueue_indirect_dma source(%arg19 : memref<32x128xf32, #tpu.memory_space<vmem>>) target(%dma_start3A_472 : memref<10240x128xf32, #tpu.memory_space<vmem_shared>>) offsets(%arg11 : memref<32xi32, #tpu.memory_space<vmem>>) semaphore(%arg43 : memref<!tpu.dma_semaphore, #tpu.memory_space<semaphore_mem>>) {add = true}
      %add3A_473 = arith.constant 4 : i32
      %add3A_474 = arith.addi %mul3A_280, %add3A_473 : i32
      %mul3A_475 = arith.constant 32 : i32
      %mul3A_476 = arith.muli %add3A_474, %mul3A_475 : i32
      %add3A_477 = arith.addi %mul3A_6, %mul3A_476 : i32
      %dma_wait3A_478 = tpu.memref_slice %arg3[%add3A_477] : memref<163840xi32, #tpu.memory_space<hbm>> -> memref<32xi32, #tpu.memory_space<hbm>>
      %dma_wait3A_479 = tpu.memref_slice %arg3[%add3A_477] : memref<163840xi32, #tpu.memory_space<hbm>> -> memref<32xi32, #tpu.memory_space<hbm>>
      tpu.wait_dma2 semaphore(%arg28 : memref<!tpu.dma_semaphore, #tpu.memory_space<semaphore_mem>>) src(%dma_wait3A_479 : memref<32xi32, #tpu.memory_space<hbm>>) dst(%arg12 : memref<32xi32, #tpu.memory_space<vmem>>)
      %mul3A_480 = arith.constant 32 : i32
      %mul3A_481 = arith.muli %add3A_474, %mul3A_480 : i32
      %dma_wait3A_482 = tpu.memref_slice %arg7[%mul3A_481] : memref<5120xi32, #tpu.memory_space<vmem>> -> memref<32xi32, #tpu.memory_space<vmem>>
      %dma_wait3A_483 = arith.constant 0 : i32
      %dma_wait3A_484 = arith.constant 0 : i32
      %dma_wait3A_485 = tpu.memref_slice %arg4[%dma_wait3A_483, %dma_wait3A_484] : memref<10240x128xf32, #tpu.memory_space<hbm>> -> memref<10240x128xf32, #tpu.memory_space<hbm>>
      tpu.wait_indirect_dma semaphore(%arg36 : memref<!tpu.dma_semaphore, #tpu.memory_space<semaphore_mem>>) src(%dma_wait3A_485 : memref<10240x128xf32, #tpu.memory_space<hbm>>) dst(%arg20 : memref<32x128xf32, #tpu.memory_space<vmem>>)
      %dma_start3A_486 = arith.constant 0 : i32
      %dma_start3A_487 = arith.constant 0 : i32
      %dma_start3A_488 = tpu.memref_slice %arg48[%dma_start3A_486, %dma_start3A_487] : memref<10240x128xf32, #tpu.memory_space<vmem_shared>> -> memref<10240x128xf32, #tpu.memory_space<vmem_shared>>
      tpu.enqueue_indirect_dma source(%arg20 : memref<32x128xf32, #tpu.memory_space<vmem>>) target(%dma_start3A_488 : memref<10240x128xf32, #tpu.memory_space<vmem_shared>>) offsets(%arg12 : memref<32xi32, #tpu.memory_space<vmem>>) semaphore(%arg44 : memref<!tpu.dma_semaphore, #tpu.memory_space<semaphore_mem>>) {add = true}
      %add3A_489 = arith.constant 5 : i32
      %add3A_490 = arith.addi %mul3A_280, %add3A_489 : i32
      %mul3A_491 = arith.constant 32 : i32
      %mul3A_492 = arith.muli %add3A_490, %mul3A_491 : i32
      %add3A_493 = arith.addi %mul3A_6, %mul3A_492 : i32
      %dma_wait3A_494 = tpu.memref_slice %arg3[%add3A_493] : memref<163840xi32, #tpu.memory_space<hbm>> -> memref<32xi32, #tpu.memory_space<hbm>>
      %dma_wait3A_495 = tpu.memref_slice %arg3[%add3A_493] : memref<163840xi32, #tpu.memory_space<hbm>> -> memref<32xi32, #tpu.memory_space<hbm>>
      tpu.wait_dma2 semaphore(%arg29 : memref<!tpu.dma_semaphore, #tpu.memory_space<semaphore_mem>>) src(%dma_wait3A_495 : memref<32xi32, #tpu.memory_space<hbm>>) dst(%arg13 : memref<32xi32, #tpu.memory_space<vmem>>)
      %mul3A_496 = arith.constant 32 : i32
      %mul3A_497 = arith.muli %add3A_490, %mul3A_496 : i32
      %dma_wait3A_498 = tpu.memref_slice %arg7[%mul3A_497] : memref<5120xi32, #tpu.memory_space<vmem>> -> memref<32xi32, #tpu.memory_space<vmem>>
      %dma_wait3A_499 = arith.constant 0 : i32
      %dma_wait3A_500 = arith.constant 0 : i32
      %dma_wait3A_501 = tpu.memref_slice %arg4[%dma_wait3A_499, %dma_wait3A_500] : memref<10240x128xf32, #tpu.memory_space<hbm>> -> memref<10240x128xf32, #tpu.memory_space<hbm>>
      tpu.wait_indirect_dma semaphore(%arg37 : memref<!tpu.dma_semaphore, #tpu.memory_space<semaphore_mem>>) src(%dma_wait3A_501 : memref<10240x128xf32, #tpu.memory_space<hbm>>) dst(%arg21 : memref<32x128xf32, #tpu.memory_space<vmem>>)
      %dma_start3A_502 = arith.constant 0 : i32
      %dma_start3A_503 = arith.constant 0 : i32
      %dma_start3A_504 = tpu.memref_slice %arg48[%dma_start3A_502, %dma_start3A_503] : memref<10240x128xf32, #tpu.memory_space<vmem_shared>> -> memref<10240x128xf32, #tpu.memory_space<vmem_shared>>
      tpu.enqueue_indirect_dma source(%arg21 : memref<32x128xf32, #tpu.memory_space<vmem>>) target(%dma_start3A_504 : memref<10240x128xf32, #tpu.memory_space<vmem_shared>>) offsets(%arg13 : memref<32xi32, #tpu.memory_space<vmem>>) semaphore(%arg45 : memref<!tpu.dma_semaphore, #tpu.memory_space<semaphore_mem>>) {add = true}
      %add3A_505 = arith.constant 6 : i32
      %add3A_506 = arith.addi %mul3A_280, %add3A_505 : i32
      %mul3A_507 = arith.constant 32 : i32
      %mul3A_508 = arith.muli %add3A_506, %mul3A_507 : i32
      %add3A_509 = arith.addi %mul3A_6, %mul3A_508 : i32
      %dma_wait3A_510 = tpu.memref_slice %arg3[%add3A_509] : memref<163840xi32, #tpu.memory_space<hbm>> -> memref<32xi32, #tpu.memory_space<hbm>>
      %dma_wait3A_511 = tpu.memref_slice %arg3[%add3A_509] : memref<163840xi32, #tpu.memory_space<hbm>> -> memref<32xi32, #tpu.memory_space<hbm>>
      tpu.wait_dma2 semaphore(%arg30 : memref<!tpu.dma_semaphore, #tpu.memory_space<semaphore_mem>>) src(%dma_wait3A_511 : memref<32xi32, #tpu.memory_space<hbm>>) dst(%arg14 : memref<32xi32, #tpu.memory_space<vmem>>)
      %mul3A_512 = arith.constant 32 : i32
      %mul3A_513 = arith.muli %add3A_506, %mul3A_512 : i32
      %dma_wait3A_514 = tpu.memref_slice %arg7[%mul3A_513] : memref<5120xi32, #tpu.memory_space<vmem>> -> memref<32xi32, #tpu.memory_space<vmem>>
      %dma_wait3A_515 = arith.constant 0 : i32
      %dma_wait3A_516 = arith.constant 0 : i32
      %dma_wait3A_517 = tpu.memref_slice %arg4[%dma_wait3A_515, %dma_wait3A_516] : memref<10240x128xf32, #tpu.memory_space<hbm>> -> memref<10240x128xf32, #tpu.memory_space<hbm>>
      tpu.wait_indirect_dma semaphore(%arg38 : memref<!tpu.dma_semaphore, #tpu.memory_space<semaphore_mem>>) src(%dma_wait3A_517 : memref<10240x128xf32, #tpu.memory_space<hbm>>) dst(%arg22 : memref<32x128xf32, #tpu.memory_space<vmem>>)
      %dma_start3A_518 = arith.constant 0 : i32
      %dma_start3A_519 = arith.constant 0 : i32
      %dma_start3A_520 = tpu.memref_slice %arg48[%dma_start3A_518, %dma_start3A_519] : memref<10240x128xf32, #tpu.memory_space<vmem_shared>> -> memref<10240x128xf32, #tpu.memory_space<vmem_shared>>
      tpu.enqueue_indirect_dma source(%arg22 : memref<32x128xf32, #tpu.memory_space<vmem>>) target(%dma_start3A_520 : memref<10240x128xf32, #tpu.memory_space<vmem_shared>>) offsets(%arg14 : memref<32xi32, #tpu.memory_space<vmem>>) semaphore(%arg46 : memref<!tpu.dma_semaphore, #tpu.memory_space<semaphore_mem>>) {add = true}
      %add3A_521 = arith.constant 7 : i32
      %add3A_522 = arith.addi %mul3A_280, %add3A_521 : i32
      %mul3A_523 = arith.constant 32 : i32
      %mul3A_524 = arith.muli %add3A_522, %mul3A_523 : i32
      %add3A_525 = arith.addi %mul3A_6, %mul3A_524 : i32
      %dma_wait3A_526 = tpu.memref_slice %arg3[%add3A_525] : memref<163840xi32, #tpu.memory_space<hbm>> -> memref<32xi32, #tpu.memory_space<hbm>>
      %dma_wait3A_527 = tpu.memref_slice %arg3[%add3A_525] : memref<163840xi32, #tpu.memory_space<hbm>> -> memref<32xi32, #tpu.memory_space<hbm>>
      tpu.wait_dma2 semaphore(%arg31 : memref<!tpu.dma_semaphore, #tpu.memory_space<semaphore_mem>>) src(%dma_wait3A_527 : memref<32xi32, #tpu.memory_space<hbm>>) dst(%arg15 : memref<32xi32, #tpu.memory_space<vmem>>)
      %mul3A_528 = arith.constant 32 : i32
      %mul3A_529 = arith.muli %add3A_522, %mul3A_528 : i32
      %dma_wait3A_530 = tpu.memref_slice %arg7[%mul3A_529] : memref<5120xi32, #tpu.memory_space<vmem>> -> memref<32xi32, #tpu.memory_space<vmem>>
      %dma_wait3A_531 = arith.constant 0 : i32
      %dma_wait3A_532 = arith.constant 0 : i32
      %dma_wait3A_533 = tpu.memref_slice %arg4[%dma_wait3A_531, %dma_wait3A_532] : memref<10240x128xf32, #tpu.memory_space<hbm>> -> memref<10240x128xf32, #tpu.memory_space<hbm>>
      tpu.wait_indirect_dma semaphore(%arg39 : memref<!tpu.dma_semaphore, #tpu.memory_space<semaphore_mem>>) src(%dma_wait3A_533 : memref<10240x128xf32, #tpu.memory_space<hbm>>) dst(%arg23 : memref<32x128xf32, #tpu.memory_space<vmem>>)
      %dma_start3A_534 = arith.constant 0 : i32
      %dma_start3A_535 = arith.constant 0 : i32
      %dma_start3A_536 = tpu.memref_slice %arg48[%dma_start3A_534, %dma_start3A_535] : memref<10240x128xf32, #tpu.memory_space<vmem_shared>> -> memref<10240x128xf32, #tpu.memory_space<vmem_shared>>
      tpu.enqueue_indirect_dma source(%arg23 : memref<32x128xf32, #tpu.memory_space<vmem>>) target(%dma_start3A_536 : memref<10240x128xf32, #tpu.memory_space<vmem_shared>>) offsets(%arg15 : memref<32xi32, #tpu.memory_space<vmem>>) semaphore(%arg47 : memref<!tpu.dma_semaphore, #tpu.memory_space<semaphore_mem>>) {add = true}
      %scan3A_537 = arith.constant 0 : i32
      scf.yield %scan3A_537 : i32
    }
    %scan3A_246 = arith.constant 19 : i32
    %dma_wait3A_247 = arith.constant 0 : i32
    %dma_wait3A_248 = arith.constant 0 : i32
    %dma_wait3A_249 = tpu.memref_slice %arg48[%dma_wait3A_247, %dma_wait3A_248] : memref<10240x128xf32, #tpu.memory_space<vmem_shared>> -> memref<10240x128xf32, #tpu.memory_space<vmem_shared>>
    tpu.wait_indirect_dma semaphore(%arg40 : memref<!tpu.dma_semaphore, #tpu.memory_space<semaphore_mem>>) src(%arg16 : memref<32x128xf32, #tpu.memory_space<vmem>>) dst(%dma_wait3A_249 : memref<10240x128xf32, #tpu.memory_space<vmem_shared>>)
    %dma_wait3A_250 = arith.constant 0 : i32
    %dma_wait3A_251 = arith.constant 0 : i32
    %dma_wait3A_252 = tpu.memref_slice %arg48[%dma_wait3A_250, %dma_wait3A_251] : memref<10240x128xf32, #tpu.memory_space<vmem_shared>> -> memref<10240x128xf32, #tpu.memory_space<vmem_shared>>
    tpu.wait_indirect_dma semaphore(%arg41 : memref<!tpu.dma_semaphore, #tpu.memory_space<semaphore_mem>>) src(%arg17 : memref<32x128xf32, #tpu.memory_space<vmem>>) dst(%dma_wait3A_252 : memref<10240x128xf32, #tpu.memory_space<vmem_shared>>)
    %dma_wait3A_253 = arith.constant 0 : i32
    %dma_wait3A_254 = arith.constant 0 : i32
    %dma_wait3A_255 = tpu.memref_slice %arg48[%dma_wait3A_253, %dma_wait3A_254] : memref<10240x128xf32, #tpu.memory_space<vmem_shared>> -> memref<10240x128xf32, #tpu.memory_space<vmem_shared>>
    tpu.wait_indirect_dma semaphore(%arg42 : memref<!tpu.dma_semaphore, #tpu.memory_space<semaphore_mem>>) src(%arg18 : memref<32x128xf32, #tpu.memory_space<vmem>>) dst(%dma_wait3A_255 : memref<10240x128xf32, #tpu.memory_space<vmem_shared>>)
    %dma_wait3A_256 = arith.constant 0 : i32
    %dma_wait3A_257 = arith.constant 0 : i32
    %dma_wait3A_258 = tpu.memref_slice %arg48[%dma_wait3A_256, %dma_wait3A_257] : memref<10240x128xf32, #tpu.memory_space<vmem_shared>> -> memref<10240x128xf32, #tpu.memory_space<vmem_shared>>
    tpu.wait_indirect_dma semaphore(%arg43 : memref<!tpu.dma_semaphore, #tpu.memory_space<semaphore_mem>>) src(%arg19 : memref<32x128xf32, #tpu.memory_space<vmem>>) dst(%dma_wait3A_258 : memref<10240x128xf32, #tpu.memory_space<vmem_shared>>)
    %dma_wait3A_259 = arith.constant 0 : i32
    %dma_wait3A_260 = arith.constant 0 : i32
    %dma_wait3A_261 = tpu.memref_slice %arg48[%dma_wait3A_259, %dma_wait3A_260] : memref<10240x128xf32, #tpu.memory_space<vmem_shared>> -> memref<10240x128xf32, #tpu.memory_space<vmem_shared>>
    tpu.wait_indirect_dma semaphore(%arg44 : memref<!tpu.dma_semaphore, #tpu.memory_space<semaphore_mem>>) src(%arg20 : memref<32x128xf32, #tpu.memory_space<vmem>>) dst(%dma_wait3A_261 : memref<10240x128xf32, #tpu.memory_space<vmem_shared>>)
    %dma_wait3A_262 = arith.constant 0 : i32
    %dma_wait3A_263 = arith.constant 0 : i32
    %dma_wait3A_264 = tpu.memref_slice %arg48[%dma_wait3A_262, %dma_wait3A_263] : memref<10240x128xf32, #tpu.memory_space<vmem_shared>> -> memref<10240x128xf32, #tpu.memory_space<vmem_shared>>
    tpu.wait_indirect_dma semaphore(%arg45 : memref<!tpu.dma_semaphore, #tpu.memory_space<semaphore_mem>>) src(%arg21 : memref<32x128xf32, #tpu.memory_space<vmem>>) dst(%dma_wait3A_264 : memref<10240x128xf32, #tpu.memory_space<vmem_shared>>)
    %dma_wait3A_265 = arith.constant 0 : i32
    %dma_wait3A_266 = arith.constant 0 : i32
    %dma_wait3A_267 = tpu.memref_slice %arg48[%dma_wait3A_265, %dma_wait3A_266] : memref<10240x128xf32, #tpu.memory_space<vmem_shared>> -> memref<10240x128xf32, #tpu.memory_space<vmem_shared>>
    tpu.wait_indirect_dma semaphore(%arg46 : memref<!tpu.dma_semaphore, #tpu.memory_space<semaphore_mem>>) src(%arg22 : memref<32x128xf32, #tpu.memory_space<vmem>>) dst(%dma_wait3A_267 : memref<10240x128xf32, #tpu.memory_space<vmem_shared>>)
    %dma_wait3A_268 = arith.constant 0 : i32
    %dma_wait3A_269 = arith.constant 0 : i32
    %dma_wait3A_270 = tpu.memref_slice %arg48[%dma_wait3A_268, %dma_wait3A_269] : memref<10240x128xf32, #tpu.memory_space<vmem_shared>> -> memref<10240x128xf32, #tpu.memory_space<vmem_shared>>
    tpu.wait_indirect_dma semaphore(%arg47 : memref<!tpu.dma_semaphore, #tpu.memory_space<semaphore_mem>>) src(%arg23 : memref<32x128xf32, #tpu.memory_space<vmem>>) dst(%dma_wait3A_270 : memref<10240x128xf32, #tpu.memory_space<vmem_shared>>)
    %barrier3A_271 = arith.constant 0 : index
    tpu.barrier barrier_id(%barrier3A_271)
    %mul3A_272 = arith.constant 640 : i32
    %mul3A_273 = arith.muli %arg1, %mul3A_272 : i32
    %mul3A_274 = arith.constant 640 : i32
    %mul3A_275 = arith.muli %arg1, %mul3A_274 : i32
    %add3A_276 = arith.addi %mul3A_8, %mul3A_275 : i32
    "tpu.region"() ({
      %run_scoped3A = tpu.sem_alloc : memref<!tpu.dma_semaphore, #tpu.memory_space<semaphore_mem>>
      %dma_start3A_277 = arith.constant 0 : i32
      %dma_start3A_278 = tpu.memref_slice %arg6[%add3A_276, %dma_start3A_277] : memref<20480x128xf32, #tpu.memory_space<hbm>> -> memref<640x128xf32, #tpu.memory_space<hbm>>
      %dma_start3A_279 = arith.constant 0 : i32
      %dma_start3A_280 = tpu.memref_slice %arg48[%mul3A_273, %dma_start3A_279] : memref<10240x128xf32, #tpu.memory_space<vmem_shared>> -> memref<640x128xf32, #tpu.memory_space<vmem_shared>>
      tpu.enqueue_dma source(%dma_start3A_280 : memref<640x128xf32, #tpu.memory_space<vmem_shared>>) target(%dma_start3A_278 : memref<640x128xf32, #tpu.memory_space<hbm>>) target_semaphore(%run_scoped3A : memref<!tpu.dma_semaphore, #tpu.memory_space<semaphore_mem>>)
      %dma_wait3A_281 = arith.constant 0 : i32
      %dma_wait3A_282 = tpu.memref_slice %arg6[%add3A_276, %dma_wait3A_281] : memref<20480x128xf32, #tpu.memory_space<hbm>> -> memref<640x128xf32, #tpu.memory_space<hbm>>
      %dma_wait3A_283 = arith.constant 0 : i32
      %dma_wait3A_284 = tpu.memref_slice %arg48[%mul3A_273, %dma_wait3A_283] : memref<10240x128xf32, #tpu.memory_space<vmem_shared>> -> memref<640x128xf32, #tpu.memory_space<vmem_shared>>
      tpu.wait_dma2 semaphore(%run_scoped3A : memref<!tpu.dma_semaphore, #tpu.memory_space<semaphore_mem>>) src(%dma_wait3A_284 : memref<640x128xf32, #tpu.memory_space<vmem_shared>>) dst(%dma_wait3A_282 : memref<640x128xf32, #tpu.memory_space<hbm>>)
      tpu.yield
    }) : () -> ()
    return
  }
}

#map = affine_map<(d0, d1) -> (0)>
#map1 = affine_map<(d0, d1) -> (0, 0)>
module attributes {stable_mosaic.version = 14 : i64} {
  func.func @agg(%arg0: i32, %arg1: i32, %arg2: memref<655360xi32, #tpu.memory_space<hbm>>, %arg3: memref<163840xi32, #tpu.memory_space<hbm>>, %arg4: memref<40960x128xf32, #tpu.memory_space<hbm>>, %arg5: memref<10240x128xf32, #tpu.memory_space<hbm>>, %arg6: memref<40960x128xf32, #tpu.memory_space<hbm>>, %arg7: memref<10240xi32, #tpu.memory_space<vmem>>, %arg8: memref<32xi32, #tpu.memory_space<vmem>>, %arg9: memref<32xi32, #tpu.memory_space<vmem>>, %arg10: memref<32xi32, #tpu.memory_space<vmem>>, %arg11: memref<32xi32, #tpu.memory_space<vmem>>, %arg12: memref<32xi32, #tpu.memory_space<vmem>>, %arg13: memref<32xi32, #tpu.memory_space<vmem>>, %arg14: memref<32xi32, #tpu.memory_space<vmem>>, %arg15: memref<32xi32, #tpu.memory_space<vmem>>, %arg16: memref<32x128xf32, #tpu.memory_space<vmem>>, %arg17: memref<32x128xf32, #tpu.memory_space<vmem>>, %arg18: memref<32x128xf32, #tpu.memory_space<vmem>>, %arg19: memref<32x128xf32, #tpu.memory_space<vmem>>, %arg20: memref<32x128xf32, #tpu.memory_space<vmem>>, %arg21: memref<32x128xf32, #tpu.memory_space<vmem>>, %arg22: memref<32x128xf32, #tpu.memory_space<vmem>>, %arg23: memref<32x128xf32, #tpu.memory_space<vmem>>, %arg24: memref<!tpu.dma_semaphore, #tpu.memory_space<semaphore_mem>>, %arg25: memref<!tpu.dma_semaphore, #tpu.memory_space<semaphore_mem>>, %arg26: memref<!tpu.dma_semaphore, #tpu.memory_space<semaphore_mem>>, %arg27: memref<!tpu.dma_semaphore, #tpu.memory_space<semaphore_mem>>, %arg28: memref<!tpu.dma_semaphore, #tpu.memory_space<semaphore_mem>>, %arg29: memref<!tpu.dma_semaphore, #tpu.memory_space<semaphore_mem>>, %arg30: memref<!tpu.dma_semaphore, #tpu.memory_space<semaphore_mem>>, %arg31: memref<!tpu.dma_semaphore, #tpu.memory_space<semaphore_mem>>, %arg32: memref<!tpu.dma_semaphore, #tpu.memory_space<semaphore_mem>>, %arg33: memref<!tpu.dma_semaphore, #tpu.memory_space<semaphore_mem>>, %arg34: memref<!tpu.dma_semaphore, #tpu.memory_space<semaphore_mem>>, %arg35: memref<!tpu.dma_semaphore, #tpu.memory_space<semaphore_mem>>, %arg36: memref<!tpu.dma_semaphore, #tpu.memory_space<semaphore_mem>>, %arg37: memref<!tpu.dma_semaphore, #tpu.memory_space<semaphore_mem>>, %arg38: memref<!tpu.dma_semaphore, #tpu.memory_space<semaphore_mem>>, %arg39: memref<!tpu.dma_semaphore, #tpu.memory_space<semaphore_mem>>, %arg40: memref<!tpu.dma_semaphore, #tpu.memory_space<semaphore_mem>>, %arg41: memref<!tpu.dma_semaphore, #tpu.memory_space<semaphore_mem>>, %arg42: memref<!tpu.dma_semaphore, #tpu.memory_space<semaphore_mem>>, %arg43: memref<!tpu.dma_semaphore, #tpu.memory_space<semaphore_mem>>, %arg44: memref<!tpu.dma_semaphore, #tpu.memory_space<semaphore_mem>>, %arg45: memref<!tpu.dma_semaphore, #tpu.memory_space<semaphore_mem>>, %arg46: memref<!tpu.dma_semaphore, #tpu.memory_space<semaphore_mem>>, %arg47: memref<!tpu.dma_semaphore, #tpu.memory_space<semaphore_mem>>, %arg48: memref<10240x128xf32, #tpu.memory_space<vmem_shared>>) attributes {dimension_semantics = [#tpu.dimension_semantics<core_parallel>, #tpu.dimension_semantics<subcore_parallel>], iteration_bounds = array<i64: 2, 16>, scalar_prefetch = 0 : i64, scratch_operands = 42 : i64, tpu.core_type = #tpu.core_type<sc_vector_subcore>, window_params = [{transform_indices = #map}, {transform_indices = #map}, {transform_indices = #map1}, {transform_indices = #map1}, {transform_indices = #map1}]} {
    %mul3A = arith.constant 640 : i32
    %mul3A_0 = arith.muli %arg1, %mul3A : i32
    %mul3A_1 = arith.constant 640 : i32
    %mul3A_2 = arith.muli %arg1, %mul3A_1 : i32
    "tpu.region"() ({
      %run_scoped3A = tpu.sem_alloc : memref<!tpu.dma_semaphore, #tpu.memory_space<semaphore_mem>>
      %dma_start3A_564 = arith.constant 0 : i32
      %dma_start3A_565 = tpu.memref_slice %arg48[%mul3A_2, %dma_start3A_564] : memref<10240x128xf32, #tpu.memory_space<vmem_shared>> -> memref<640x128xf32, #tpu.memory_space<vmem_shared>>
      %dma_start3A_566 = arith.constant 0 : i32
      %dma_start3A_567 = tpu.memref_slice %arg5[%mul3A_0, %dma_start3A_566] : memref<10240x128xf32, #tpu.memory_space<hbm>> -> memref<640x128xf32, #tpu.memory_space<hbm>>
      tpu.enqueue_dma source(%dma_start3A_567 : memref<640x128xf32, #tpu.memory_space<hbm>>) target(%dma_start3A_565 : memref<640x128xf32, #tpu.memory_space<vmem_shared>>) target_semaphore(%run_scoped3A : memref<!tpu.dma_semaphore, #tpu.memory_space<semaphore_mem>>)
      %dma_wait3A_568 = arith.constant 0 : i32
      %dma_wait3A_569 = tpu.memref_slice %arg48[%mul3A_2, %dma_wait3A_568] : memref<10240x128xf32, #tpu.memory_space<vmem_shared>> -> memref<640x128xf32, #tpu.memory_space<vmem_shared>>
      %dma_wait3A_570 = arith.constant 0 : i32
      %dma_wait3A_571 = tpu.memref_slice %arg5[%mul3A_0, %dma_wait3A_570] : memref<10240x128xf32, #tpu.memory_space<hbm>> -> memref<640x128xf32, #tpu.memory_space<hbm>>
      tpu.wait_dma2 semaphore(%run_scoped3A : memref<!tpu.dma_semaphore, #tpu.memory_space<semaphore_mem>>) src(%dma_wait3A_571 : memref<640x128xf32, #tpu.memory_space<hbm>>) dst(%dma_wait3A_569 : memref<640x128xf32, #tpu.memory_space<vmem_shared>>)
      tpu.yield
    }) : () -> ()
    %mul3A_3 = arith.constant 2 : i32
    %mul3A_4 = arith.muli %arg0, %mul3A_3 : i32
    %add3A = arith.constant 0 : i32
    %add3A_5 = arith.addi %mul3A_4, %add3A : i32
    %mul3A_6 = arith.constant 10240 : i32
    %mul3A_7 = arith.muli %arg1, %mul3A_6 : i32
    %mul3A_8 = arith.constant 163840 : i32
    %mul3A_9 = arith.muli %add3A_5, %mul3A_8 : i32
    %mul3A_10 = arith.constant 10240 : i32
    %mul3A_11 = arith.muli %add3A_5, %mul3A_10 : i32
    %add3A_12 = arith.addi %mul3A_9, %mul3A_7 : i32
    "tpu.region"() ({
      %run_scoped3A = tpu.sem_alloc : memref<!tpu.dma_semaphore, #tpu.memory_space<semaphore_mem>>
      %dma_start3A_564 = tpu.memref_slice %arg2[%add3A_12] : memref<655360xi32, #tpu.memory_space<hbm>> -> memref<10240xi32, #tpu.memory_space<hbm>>
      %dma_start3A_565 = tpu.memref_slice %arg2[%add3A_12] : memref<655360xi32, #tpu.memory_space<hbm>> -> memref<10240xi32, #tpu.memory_space<hbm>>
      tpu.enqueue_dma source(%dma_start3A_565 : memref<10240xi32, #tpu.memory_space<hbm>>) target(%arg7 : memref<10240xi32, #tpu.memory_space<vmem>>) target_semaphore(%run_scoped3A : memref<!tpu.dma_semaphore, #tpu.memory_space<semaphore_mem>>)
      %dma_wait3A_566 = tpu.memref_slice %arg2[%add3A_12] : memref<655360xi32, #tpu.memory_space<hbm>> -> memref<10240xi32, #tpu.memory_space<hbm>>
      %dma_wait3A_567 = tpu.memref_slice %arg2[%add3A_12] : memref<655360xi32, #tpu.memory_space<hbm>> -> memref<10240xi32, #tpu.memory_space<hbm>>
      tpu.wait_dma2 semaphore(%run_scoped3A : memref<!tpu.dma_semaphore, #tpu.memory_space<semaphore_mem>>) src(%dma_wait3A_567 : memref<10240xi32, #tpu.memory_space<hbm>>) dst(%arg7 : memref<10240xi32, #tpu.memory_space<vmem>>)
      tpu.yield
    }) : () -> ()
    %barrier3A = arith.constant 0 : index
    tpu.barrier barrier_id(%barrier3A)
    %mul3A_13 = arith.constant 0 : i32
    %mul3A_14 = arith.constant 32 : i32
    %mul3A_15 = arith.muli %mul3A_13, %mul3A_14 : i32
    %add3A_16 = arith.addi %mul3A_7, %mul3A_15 : i32
    %dma_start3A = tpu.memref_slice %arg3[%add3A_16] : memref<163840xi32, #tpu.memory_space<hbm>> -> memref<32xi32, #tpu.memory_space<hbm>>
    %dma_start3A_17 = tpu.memref_slice %arg3[%add3A_16] : memref<163840xi32, #tpu.memory_space<hbm>> -> memref<32xi32, #tpu.memory_space<hbm>>
    tpu.enqueue_dma source(%dma_start3A_17 : memref<32xi32, #tpu.memory_space<hbm>>) target(%arg8 : memref<32xi32, #tpu.memory_space<vmem>>) target_semaphore(%arg24 : memref<!tpu.dma_semaphore, #tpu.memory_space<semaphore_mem>>)
    %mul3A_18 = arith.constant 0 : i32
    %mul3A_19 = arith.constant 32 : i32
    %mul3A_20 = arith.muli %mul3A_18, %mul3A_19 : i32
    %dma_start3A_21 = tpu.memref_slice %arg7[%mul3A_20] : memref<10240xi32, #tpu.memory_space<vmem>> -> memref<32xi32, #tpu.memory_space<vmem>>
    %dma_start3A_22 = arith.constant 0 : i32
    %dma_start3A_23 = arith.constant 0 : i32
    %dma_start3A_24 = tpu.memref_slice %arg4[%dma_start3A_22, %dma_start3A_23] : memref<40960x128xf32, #tpu.memory_space<hbm>> -> memref<40960x128xf32, #tpu.memory_space<hbm>>
    tpu.enqueue_indirect_dma source(%dma_start3A_24 : memref<40960x128xf32, #tpu.memory_space<hbm>>) target(%arg16 : memref<32x128xf32, #tpu.memory_space<vmem>>) offsets(%dma_start3A_21 : memref<32xi32, #tpu.memory_space<vmem>>) semaphore(%arg32 : memref<!tpu.dma_semaphore, #tpu.memory_space<semaphore_mem>>)
    %mul3A_25 = arith.constant 1 : i32
    %mul3A_26 = arith.constant 32 : i32
    %mul3A_27 = arith.muli %mul3A_25, %mul3A_26 : i32
    %add3A_28 = arith.addi %mul3A_7, %mul3A_27 : i32
    %dma_start3A_29 = tpu.memref_slice %arg3[%add3A_28] : memref<163840xi32, #tpu.memory_space<hbm>> -> memref<32xi32, #tpu.memory_space<hbm>>
    %dma_start3A_30 = tpu.memref_slice %arg3[%add3A_28] : memref<163840xi32, #tpu.memory_space<hbm>> -> memref<32xi32, #tpu.memory_space<hbm>>
    tpu.enqueue_dma source(%dma_start3A_30 : memref<32xi32, #tpu.memory_space<hbm>>) target(%arg9 : memref<32xi32, #tpu.memory_space<vmem>>) target_semaphore(%arg25 : memref<!tpu.dma_semaphore, #tpu.memory_space<semaphore_mem>>)
    %mul3A_31 = arith.constant 1 : i32
    %mul3A_32 = arith.constant 32 : i32
    %mul3A_33 = arith.muli %mul3A_31, %mul3A_32 : i32
    %dma_start3A_34 = tpu.memref_slice %arg7[%mul3A_33] : memref<10240xi32, #tpu.memory_space<vmem>> -> memref<32xi32, #tpu.memory_space<vmem>>
    %dma_start3A_35 = arith.constant 0 : i32
    %dma_start3A_36 = arith.constant 0 : i32
    %dma_start3A_37 = tpu.memref_slice %arg4[%dma_start3A_35, %dma_start3A_36] : memref<40960x128xf32, #tpu.memory_space<hbm>> -> memref<40960x128xf32, #tpu.memory_space<hbm>>
    tpu.enqueue_indirect_dma source(%dma_start3A_37 : memref<40960x128xf32, #tpu.memory_space<hbm>>) target(%arg17 : memref<32x128xf32, #tpu.memory_space<vmem>>) offsets(%dma_start3A_34 : memref<32xi32, #tpu.memory_space<vmem>>) semaphore(%arg33 : memref<!tpu.dma_semaphore, #tpu.memory_space<semaphore_mem>>)
    %mul3A_38 = arith.constant 2 : i32
    %mul3A_39 = arith.constant 32 : i32
    %mul3A_40 = arith.muli %mul3A_38, %mul3A_39 : i32
    %add3A_41 = arith.addi %mul3A_7, %mul3A_40 : i32
    %dma_start3A_42 = tpu.memref_slice %arg3[%add3A_41] : memref<163840xi32, #tpu.memory_space<hbm>> -> memref<32xi32, #tpu.memory_space<hbm>>
    %dma_start3A_43 = tpu.memref_slice %arg3[%add3A_41] : memref<163840xi32, #tpu.memory_space<hbm>> -> memref<32xi32, #tpu.memory_space<hbm>>
    tpu.enqueue_dma source(%dma_start3A_43 : memref<32xi32, #tpu.memory_space<hbm>>) target(%arg10 : memref<32xi32, #tpu.memory_space<vmem>>) target_semaphore(%arg26 : memref<!tpu.dma_semaphore, #tpu.memory_space<semaphore_mem>>)
    %mul3A_44 = arith.constant 2 : i32
    %mul3A_45 = arith.constant 32 : i32
    %mul3A_46 = arith.muli %mul3A_44, %mul3A_45 : i32
    %dma_start3A_47 = tpu.memref_slice %arg7[%mul3A_46] : memref<10240xi32, #tpu.memory_space<vmem>> -> memref<32xi32, #tpu.memory_space<vmem>>
    %dma_start3A_48 = arith.constant 0 : i32
    %dma_start3A_49 = arith.constant 0 : i32
    %dma_start3A_50 = tpu.memref_slice %arg4[%dma_start3A_48, %dma_start3A_49] : memref<40960x128xf32, #tpu.memory_space<hbm>> -> memref<40960x128xf32, #tpu.memory_space<hbm>>
    tpu.enqueue_indirect_dma source(%dma_start3A_50 : memref<40960x128xf32, #tpu.memory_space<hbm>>) target(%arg18 : memref<32x128xf32, #tpu.memory_space<vmem>>) offsets(%dma_start3A_47 : memref<32xi32, #tpu.memory_space<vmem>>) semaphore(%arg34 : memref<!tpu.dma_semaphore, #tpu.memory_space<semaphore_mem>>)
    %mul3A_51 = arith.constant 3 : i32
    %mul3A_52 = arith.constant 32 : i32
    %mul3A_53 = arith.muli %mul3A_51, %mul3A_52 : i32
    %add3A_54 = arith.addi %mul3A_7, %mul3A_53 : i32
    %dma_start3A_55 = tpu.memref_slice %arg3[%add3A_54] : memref<163840xi32, #tpu.memory_space<hbm>> -> memref<32xi32, #tpu.memory_space<hbm>>
    %dma_start3A_56 = tpu.memref_slice %arg3[%add3A_54] : memref<163840xi32, #tpu.memory_space<hbm>> -> memref<32xi32, #tpu.memory_space<hbm>>
    tpu.enqueue_dma source(%dma_start3A_56 : memref<32xi32, #tpu.memory_space<hbm>>) target(%arg11 : memref<32xi32, #tpu.memory_space<vmem>>) target_semaphore(%arg27 : memref<!tpu.dma_semaphore, #tpu.memory_space<semaphore_mem>>)
    %mul3A_57 = arith.constant 3 : i32
    %mul3A_58 = arith.constant 32 : i32
    %mul3A_59 = arith.muli %mul3A_57, %mul3A_58 : i32
    %dma_start3A_60 = tpu.memref_slice %arg7[%mul3A_59] : memref<10240xi32, #tpu.memory_space<vmem>> -> memref<32xi32, #tpu.memory_space<vmem>>
    %dma_start3A_61 = arith.constant 0 : i32
    %dma_start3A_62 = arith.constant 0 : i32
    %dma_start3A_63 = tpu.memref_slice %arg4[%dma_start3A_61, %dma_start3A_62] : memref<40960x128xf32, #tpu.memory_space<hbm>> -> memref<40960x128xf32, #tpu.memory_space<hbm>>
    tpu.enqueue_indirect_dma source(%dma_start3A_63 : memref<40960x128xf32, #tpu.memory_space<hbm>>) target(%arg19 : memref<32x128xf32, #tpu.memory_space<vmem>>) offsets(%dma_start3A_60 : memref<32xi32, #tpu.memory_space<vmem>>) semaphore(%arg35 : memref<!tpu.dma_semaphore, #tpu.memory_space<semaphore_mem>>)
    %mul3A_64 = arith.constant 4 : i32
    %mul3A_65 = arith.constant 32 : i32
    %mul3A_66 = arith.muli %mul3A_64, %mul3A_65 : i32
    %add3A_67 = arith.addi %mul3A_7, %mul3A_66 : i32
    %dma_start3A_68 = tpu.memref_slice %arg3[%add3A_67] : memref<163840xi32, #tpu.memory_space<hbm>> -> memref<32xi32, #tpu.memory_space<hbm>>
    %dma_start3A_69 = tpu.memref_slice %arg3[%add3A_67] : memref<163840xi32, #tpu.memory_space<hbm>> -> memref<32xi32, #tpu.memory_space<hbm>>
    tpu.enqueue_dma source(%dma_start3A_69 : memref<32xi32, #tpu.memory_space<hbm>>) target(%arg12 : memref<32xi32, #tpu.memory_space<vmem>>) target_semaphore(%arg28 : memref<!tpu.dma_semaphore, #tpu.memory_space<semaphore_mem>>)
    %mul3A_70 = arith.constant 4 : i32
    %mul3A_71 = arith.constant 32 : i32
    %mul3A_72 = arith.muli %mul3A_70, %mul3A_71 : i32
    %dma_start3A_73 = tpu.memref_slice %arg7[%mul3A_72] : memref<10240xi32, #tpu.memory_space<vmem>> -> memref<32xi32, #tpu.memory_space<vmem>>
    %dma_start3A_74 = arith.constant 0 : i32
    %dma_start3A_75 = arith.constant 0 : i32
    %dma_start3A_76 = tpu.memref_slice %arg4[%dma_start3A_74, %dma_start3A_75] : memref<40960x128xf32, #tpu.memory_space<hbm>> -> memref<40960x128xf32, #tpu.memory_space<hbm>>
    tpu.enqueue_indirect_dma source(%dma_start3A_76 : memref<40960x128xf32, #tpu.memory_space<hbm>>) target(%arg20 : memref<32x128xf32, #tpu.memory_space<vmem>>) offsets(%dma_start3A_73 : memref<32xi32, #tpu.memory_space<vmem>>) semaphore(%arg36 : memref<!tpu.dma_semaphore, #tpu.memory_space<semaphore_mem>>)
    %mul3A_77 = arith.constant 5 : i32
    %mul3A_78 = arith.constant 32 : i32
    %mul3A_79 = arith.muli %mul3A_77, %mul3A_78 : i32
    %add3A_80 = arith.addi %mul3A_7, %mul3A_79 : i32
    %dma_start3A_81 = tpu.memref_slice %arg3[%add3A_80] : memref<163840xi32, #tpu.memory_space<hbm>> -> memref<32xi32, #tpu.memory_space<hbm>>
    %dma_start3A_82 = tpu.memref_slice %arg3[%add3A_80] : memref<163840xi32, #tpu.memory_space<hbm>> -> memref<32xi32, #tpu.memory_space<hbm>>
    tpu.enqueue_dma source(%dma_start3A_82 : memref<32xi32, #tpu.memory_space<hbm>>) target(%arg13 : memref<32xi32, #tpu.memory_space<vmem>>) target_semaphore(%arg29 : memref<!tpu.dma_semaphore, #tpu.memory_space<semaphore_mem>>)
    %mul3A_83 = arith.constant 5 : i32
    %mul3A_84 = arith.constant 32 : i32
    %mul3A_85 = arith.muli %mul3A_83, %mul3A_84 : i32
    %dma_start3A_86 = tpu.memref_slice %arg7[%mul3A_85] : memref<10240xi32, #tpu.memory_space<vmem>> -> memref<32xi32, #tpu.memory_space<vmem>>
    %dma_start3A_87 = arith.constant 0 : i32
    %dma_start3A_88 = arith.constant 0 : i32
    %dma_start3A_89 = tpu.memref_slice %arg4[%dma_start3A_87, %dma_start3A_88] : memref<40960x128xf32, #tpu.memory_space<hbm>> -> memref<40960x128xf32, #tpu.memory_space<hbm>>
    tpu.enqueue_indirect_dma source(%dma_start3A_89 : memref<40960x128xf32, #tpu.memory_space<hbm>>) target(%arg21 : memref<32x128xf32, #tpu.memory_space<vmem>>) offsets(%dma_start3A_86 : memref<32xi32, #tpu.memory_space<vmem>>) semaphore(%arg37 : memref<!tpu.dma_semaphore, #tpu.memory_space<semaphore_mem>>)
    %mul3A_90 = arith.constant 6 : i32
    %mul3A_91 = arith.constant 32 : i32
    %mul3A_92 = arith.muli %mul3A_90, %mul3A_91 : i32
    %add3A_93 = arith.addi %mul3A_7, %mul3A_92 : i32
    %dma_start3A_94 = tpu.memref_slice %arg3[%add3A_93] : memref<163840xi32, #tpu.memory_space<hbm>> -> memref<32xi32, #tpu.memory_space<hbm>>
    %dma_start3A_95 = tpu.memref_slice %arg3[%add3A_93] : memref<163840xi32, #tpu.memory_space<hbm>> -> memref<32xi32, #tpu.memory_space<hbm>>
    tpu.enqueue_dma source(%dma_start3A_95 : memref<32xi32, #tpu.memory_space<hbm>>) target(%arg14 : memref<32xi32, #tpu.memory_space<vmem>>) target_semaphore(%arg30 : memref<!tpu.dma_semaphore, #tpu.memory_space<semaphore_mem>>)
    %mul3A_96 = arith.constant 6 : i32
    %mul3A_97 = arith.constant 32 : i32
    %mul3A_98 = arith.muli %mul3A_96, %mul3A_97 : i32
    %dma_start3A_99 = tpu.memref_slice %arg7[%mul3A_98] : memref<10240xi32, #tpu.memory_space<vmem>> -> memref<32xi32, #tpu.memory_space<vmem>>
    %dma_start3A_100 = arith.constant 0 : i32
    %dma_start3A_101 = arith.constant 0 : i32
    %dma_start3A_102 = tpu.memref_slice %arg4[%dma_start3A_100, %dma_start3A_101] : memref<40960x128xf32, #tpu.memory_space<hbm>> -> memref<40960x128xf32, #tpu.memory_space<hbm>>
    tpu.enqueue_indirect_dma source(%dma_start3A_102 : memref<40960x128xf32, #tpu.memory_space<hbm>>) target(%arg22 : memref<32x128xf32, #tpu.memory_space<vmem>>) offsets(%dma_start3A_99 : memref<32xi32, #tpu.memory_space<vmem>>) semaphore(%arg38 : memref<!tpu.dma_semaphore, #tpu.memory_space<semaphore_mem>>)
    %mul3A_103 = arith.constant 7 : i32
    %mul3A_104 = arith.constant 32 : i32
    %mul3A_105 = arith.muli %mul3A_103, %mul3A_104 : i32
    %add3A_106 = arith.addi %mul3A_7, %mul3A_105 : i32
    %dma_start3A_107 = tpu.memref_slice %arg3[%add3A_106] : memref<163840xi32, #tpu.memory_space<hbm>> -> memref<32xi32, #tpu.memory_space<hbm>>
    %dma_start3A_108 = tpu.memref_slice %arg3[%add3A_106] : memref<163840xi32, #tpu.memory_space<hbm>> -> memref<32xi32, #tpu.memory_space<hbm>>
    tpu.enqueue_dma source(%dma_start3A_108 : memref<32xi32, #tpu.memory_space<hbm>>) target(%arg15 : memref<32xi32, #tpu.memory_space<vmem>>) target_semaphore(%arg31 : memref<!tpu.dma_semaphore, #tpu.memory_space<semaphore_mem>>)
    %mul3A_109 = arith.constant 7 : i32
    %mul3A_110 = arith.constant 32 : i32
    %mul3A_111 = arith.muli %mul3A_109, %mul3A_110 : i32
    %dma_start3A_112 = tpu.memref_slice %arg7[%mul3A_111] : memref<10240xi32, #tpu.memory_space<vmem>> -> memref<32xi32, #tpu.memory_space<vmem>>
    %dma_start3A_113 = arith.constant 0 : i32
    %dma_start3A_114 = arith.constant 0 : i32
    %dma_start3A_115 = tpu.memref_slice %arg4[%dma_start3A_113, %dma_start3A_114] : memref<40960x128xf32, #tpu.memory_space<hbm>> -> memref<40960x128xf32, #tpu.memory_space<hbm>>
    tpu.enqueue_indirect_dma source(%dma_start3A_115 : memref<40960x128xf32, #tpu.memory_space<hbm>>) target(%arg23 : memref<32x128xf32, #tpu.memory_space<vmem>>) offsets(%dma_start3A_112 : memref<32xi32, #tpu.memory_space<vmem>>) semaphore(%arg39 : memref<!tpu.dma_semaphore, #tpu.memory_space<semaphore_mem>>)
    %mul3A_116 = arith.constant 0 : i32
    %mul3A_117 = arith.constant 32 : i32
    %mul3A_118 = arith.muli %mul3A_116, %mul3A_117 : i32
    %add3A_119 = arith.addi %mul3A_7, %mul3A_118 : i32
    %dma_wait3A = tpu.memref_slice %arg3[%add3A_119] : memref<163840xi32, #tpu.memory_space<hbm>> -> memref<32xi32, #tpu.memory_space<hbm>>
    %dma_wait3A_120 = tpu.memref_slice %arg3[%add3A_119] : memref<163840xi32, #tpu.memory_space<hbm>> -> memref<32xi32, #tpu.memory_space<hbm>>
    tpu.wait_dma2 semaphore(%arg24 : memref<!tpu.dma_semaphore, #tpu.memory_space<semaphore_mem>>) src(%dma_wait3A_120 : memref<32xi32, #tpu.memory_space<hbm>>) dst(%arg8 : memref<32xi32, #tpu.memory_space<vmem>>)
    %mul3A_121 = arith.constant 0 : i32
    %mul3A_122 = arith.constant 32 : i32
    %mul3A_123 = arith.muli %mul3A_121, %mul3A_122 : i32
    %dma_wait3A_124 = tpu.memref_slice %arg7[%mul3A_123] : memref<10240xi32, #tpu.memory_space<vmem>> -> memref<32xi32, #tpu.memory_space<vmem>>
    %dma_wait3A_125 = arith.constant 0 : i32
    %dma_wait3A_126 = arith.constant 0 : i32
    %dma_wait3A_127 = tpu.memref_slice %arg4[%dma_wait3A_125, %dma_wait3A_126] : memref<40960x128xf32, #tpu.memory_space<hbm>> -> memref<40960x128xf32, #tpu.memory_space<hbm>>
    tpu.wait_indirect_dma semaphore(%arg32 : memref<!tpu.dma_semaphore, #tpu.memory_space<semaphore_mem>>) src(%dma_wait3A_127 : memref<40960x128xf32, #tpu.memory_space<hbm>>) dst(%arg16 : memref<32x128xf32, #tpu.memory_space<vmem>>)
    %dma_start3A_128 = arith.constant 0 : i32
    %dma_start3A_129 = arith.constant 0 : i32
    %dma_start3A_130 = tpu.memref_slice %arg48[%dma_start3A_128, %dma_start3A_129] : memref<10240x128xf32, #tpu.memory_space<vmem_shared>> -> memref<10240x128xf32, #tpu.memory_space<vmem_shared>>
    tpu.enqueue_indirect_dma source(%arg16 : memref<32x128xf32, #tpu.memory_space<vmem>>) target(%dma_start3A_130 : memref<10240x128xf32, #tpu.memory_space<vmem_shared>>) offsets(%arg8 : memref<32xi32, #tpu.memory_space<vmem>>) semaphore(%arg40 : memref<!tpu.dma_semaphore, #tpu.memory_space<semaphore_mem>>) {add = true}
    %mul3A_131 = arith.constant 1 : i32
    %mul3A_132 = arith.constant 32 : i32
    %mul3A_133 = arith.muli %mul3A_131, %mul3A_132 : i32
    %add3A_134 = arith.addi %mul3A_7, %mul3A_133 : i32
    %dma_wait3A_135 = tpu.memref_slice %arg3[%add3A_134] : memref<163840xi32, #tpu.memory_space<hbm>> -> memref<32xi32, #tpu.memory_space<hbm>>
    %dma_wait3A_136 = tpu.memref_slice %arg3[%add3A_134] : memref<163840xi32, #tpu.memory_space<hbm>> -> memref<32xi32, #tpu.memory_space<hbm>>
    tpu.wait_dma2 semaphore(%arg25 : memref<!tpu.dma_semaphore, #tpu.memory_space<semaphore_mem>>) src(%dma_wait3A_136 : memref<32xi32, #tpu.memory_space<hbm>>) dst(%arg9 : memref<32xi32, #tpu.memory_space<vmem>>)
    %mul3A_137 = arith.constant 1 : i32
    %mul3A_138 = arith.constant 32 : i32
    %mul3A_139 = arith.muli %mul3A_137, %mul3A_138 : i32
    %dma_wait3A_140 = tpu.memref_slice %arg7[%mul3A_139] : memref<10240xi32, #tpu.memory_space<vmem>> -> memref<32xi32, #tpu.memory_space<vmem>>
    %dma_wait3A_141 = arith.constant 0 : i32
    %dma_wait3A_142 = arith.constant 0 : i32
    %dma_wait3A_143 = tpu.memref_slice %arg4[%dma_wait3A_141, %dma_wait3A_142] : memref<40960x128xf32, #tpu.memory_space<hbm>> -> memref<40960x128xf32, #tpu.memory_space<hbm>>
    tpu.wait_indirect_dma semaphore(%arg33 : memref<!tpu.dma_semaphore, #tpu.memory_space<semaphore_mem>>) src(%dma_wait3A_143 : memref<40960x128xf32, #tpu.memory_space<hbm>>) dst(%arg17 : memref<32x128xf32, #tpu.memory_space<vmem>>)
    %dma_start3A_144 = arith.constant 0 : i32
    %dma_start3A_145 = arith.constant 0 : i32
    %dma_start3A_146 = tpu.memref_slice %arg48[%dma_start3A_144, %dma_start3A_145] : memref<10240x128xf32, #tpu.memory_space<vmem_shared>> -> memref<10240x128xf32, #tpu.memory_space<vmem_shared>>
    tpu.enqueue_indirect_dma source(%arg17 : memref<32x128xf32, #tpu.memory_space<vmem>>) target(%dma_start3A_146 : memref<10240x128xf32, #tpu.memory_space<vmem_shared>>) offsets(%arg9 : memref<32xi32, #tpu.memory_space<vmem>>) semaphore(%arg41 : memref<!tpu.dma_semaphore, #tpu.memory_space<semaphore_mem>>) {add = true}
    %mul3A_147 = arith.constant 2 : i32
    %mul3A_148 = arith.constant 32 : i32
    %mul3A_149 = arith.muli %mul3A_147, %mul3A_148 : i32
    %add3A_150 = arith.addi %mul3A_7, %mul3A_149 : i32
    %dma_wait3A_151 = tpu.memref_slice %arg3[%add3A_150] : memref<163840xi32, #tpu.memory_space<hbm>> -> memref<32xi32, #tpu.memory_space<hbm>>
    %dma_wait3A_152 = tpu.memref_slice %arg3[%add3A_150] : memref<163840xi32, #tpu.memory_space<hbm>> -> memref<32xi32, #tpu.memory_space<hbm>>
    tpu.wait_dma2 semaphore(%arg26 : memref<!tpu.dma_semaphore, #tpu.memory_space<semaphore_mem>>) src(%dma_wait3A_152 : memref<32xi32, #tpu.memory_space<hbm>>) dst(%arg10 : memref<32xi32, #tpu.memory_space<vmem>>)
    %mul3A_153 = arith.constant 2 : i32
    %mul3A_154 = arith.constant 32 : i32
    %mul3A_155 = arith.muli %mul3A_153, %mul3A_154 : i32
    %dma_wait3A_156 = tpu.memref_slice %arg7[%mul3A_155] : memref<10240xi32, #tpu.memory_space<vmem>> -> memref<32xi32, #tpu.memory_space<vmem>>
    %dma_wait3A_157 = arith.constant 0 : i32
    %dma_wait3A_158 = arith.constant 0 : i32
    %dma_wait3A_159 = tpu.memref_slice %arg4[%dma_wait3A_157, %dma_wait3A_158] : memref<40960x128xf32, #tpu.memory_space<hbm>> -> memref<40960x128xf32, #tpu.memory_space<hbm>>
    tpu.wait_indirect_dma semaphore(%arg34 : memref<!tpu.dma_semaphore, #tpu.memory_space<semaphore_mem>>) src(%dma_wait3A_159 : memref<40960x128xf32, #tpu.memory_space<hbm>>) dst(%arg18 : memref<32x128xf32, #tpu.memory_space<vmem>>)
    %dma_start3A_160 = arith.constant 0 : i32
    %dma_start3A_161 = arith.constant 0 : i32
    %dma_start3A_162 = tpu.memref_slice %arg48[%dma_start3A_160, %dma_start3A_161] : memref<10240x128xf32, #tpu.memory_space<vmem_shared>> -> memref<10240x128xf32, #tpu.memory_space<vmem_shared>>
    tpu.enqueue_indirect_dma source(%arg18 : memref<32x128xf32, #tpu.memory_space<vmem>>) target(%dma_start3A_162 : memref<10240x128xf32, #tpu.memory_space<vmem_shared>>) offsets(%arg10 : memref<32xi32, #tpu.memory_space<vmem>>) semaphore(%arg42 : memref<!tpu.dma_semaphore, #tpu.memory_space<semaphore_mem>>) {add = true}
    %mul3A_163 = arith.constant 3 : i32
    %mul3A_164 = arith.constant 32 : i32
    %mul3A_165 = arith.muli %mul3A_163, %mul3A_164 : i32
    %add3A_166 = arith.addi %mul3A_7, %mul3A_165 : i32
    %dma_wait3A_167 = tpu.memref_slice %arg3[%add3A_166] : memref<163840xi32, #tpu.memory_space<hbm>> -> memref<32xi32, #tpu.memory_space<hbm>>
    %dma_wait3A_168 = tpu.memref_slice %arg3[%add3A_166] : memref<163840xi32, #tpu.memory_space<hbm>> -> memref<32xi32, #tpu.memory_space<hbm>>
    tpu.wait_dma2 semaphore(%arg27 : memref<!tpu.dma_semaphore, #tpu.memory_space<semaphore_mem>>) src(%dma_wait3A_168 : memref<32xi32, #tpu.memory_space<hbm>>) dst(%arg11 : memref<32xi32, #tpu.memory_space<vmem>>)
    %mul3A_169 = arith.constant 3 : i32
    %mul3A_170 = arith.constant 32 : i32
    %mul3A_171 = arith.muli %mul3A_169, %mul3A_170 : i32
    %dma_wait3A_172 = tpu.memref_slice %arg7[%mul3A_171] : memref<10240xi32, #tpu.memory_space<vmem>> -> memref<32xi32, #tpu.memory_space<vmem>>
    %dma_wait3A_173 = arith.constant 0 : i32
    %dma_wait3A_174 = arith.constant 0 : i32
    %dma_wait3A_175 = tpu.memref_slice %arg4[%dma_wait3A_173, %dma_wait3A_174] : memref<40960x128xf32, #tpu.memory_space<hbm>> -> memref<40960x128xf32, #tpu.memory_space<hbm>>
    tpu.wait_indirect_dma semaphore(%arg35 : memref<!tpu.dma_semaphore, #tpu.memory_space<semaphore_mem>>) src(%dma_wait3A_175 : memref<40960x128xf32, #tpu.memory_space<hbm>>) dst(%arg19 : memref<32x128xf32, #tpu.memory_space<vmem>>)
    %dma_start3A_176 = arith.constant 0 : i32
    %dma_start3A_177 = arith.constant 0 : i32
    %dma_start3A_178 = tpu.memref_slice %arg48[%dma_start3A_176, %dma_start3A_177] : memref<10240x128xf32, #tpu.memory_space<vmem_shared>> -> memref<10240x128xf32, #tpu.memory_space<vmem_shared>>
    tpu.enqueue_indirect_dma source(%arg19 : memref<32x128xf32, #tpu.memory_space<vmem>>) target(%dma_start3A_178 : memref<10240x128xf32, #tpu.memory_space<vmem_shared>>) offsets(%arg11 : memref<32xi32, #tpu.memory_space<vmem>>) semaphore(%arg43 : memref<!tpu.dma_semaphore, #tpu.memory_space<semaphore_mem>>) {add = true}
    %mul3A_179 = arith.constant 4 : i32
    %mul3A_180 = arith.constant 32 : i32
    %mul3A_181 = arith.muli %mul3A_179, %mul3A_180 : i32
    %add3A_182 = arith.addi %mul3A_7, %mul3A_181 : i32
    %dma_wait3A_183 = tpu.memref_slice %arg3[%add3A_182] : memref<163840xi32, #tpu.memory_space<hbm>> -> memref<32xi32, #tpu.memory_space<hbm>>
    %dma_wait3A_184 = tpu.memref_slice %arg3[%add3A_182] : memref<163840xi32, #tpu.memory_space<hbm>> -> memref<32xi32, #tpu.memory_space<hbm>>
    tpu.wait_dma2 semaphore(%arg28 : memref<!tpu.dma_semaphore, #tpu.memory_space<semaphore_mem>>) src(%dma_wait3A_184 : memref<32xi32, #tpu.memory_space<hbm>>) dst(%arg12 : memref<32xi32, #tpu.memory_space<vmem>>)
    %mul3A_185 = arith.constant 4 : i32
    %mul3A_186 = arith.constant 32 : i32
    %mul3A_187 = arith.muli %mul3A_185, %mul3A_186 : i32
    %dma_wait3A_188 = tpu.memref_slice %arg7[%mul3A_187] : memref<10240xi32, #tpu.memory_space<vmem>> -> memref<32xi32, #tpu.memory_space<vmem>>
    %dma_wait3A_189 = arith.constant 0 : i32
    %dma_wait3A_190 = arith.constant 0 : i32
    %dma_wait3A_191 = tpu.memref_slice %arg4[%dma_wait3A_189, %dma_wait3A_190] : memref<40960x128xf32, #tpu.memory_space<hbm>> -> memref<40960x128xf32, #tpu.memory_space<hbm>>
    tpu.wait_indirect_dma semaphore(%arg36 : memref<!tpu.dma_semaphore, #tpu.memory_space<semaphore_mem>>) src(%dma_wait3A_191 : memref<40960x128xf32, #tpu.memory_space<hbm>>) dst(%arg20 : memref<32x128xf32, #tpu.memory_space<vmem>>)
    %dma_start3A_192 = arith.constant 0 : i32
    %dma_start3A_193 = arith.constant 0 : i32
    %dma_start3A_194 = tpu.memref_slice %arg48[%dma_start3A_192, %dma_start3A_193] : memref<10240x128xf32, #tpu.memory_space<vmem_shared>> -> memref<10240x128xf32, #tpu.memory_space<vmem_shared>>
    tpu.enqueue_indirect_dma source(%arg20 : memref<32x128xf32, #tpu.memory_space<vmem>>) target(%dma_start3A_194 : memref<10240x128xf32, #tpu.memory_space<vmem_shared>>) offsets(%arg12 : memref<32xi32, #tpu.memory_space<vmem>>) semaphore(%arg44 : memref<!tpu.dma_semaphore, #tpu.memory_space<semaphore_mem>>) {add = true}
    %mul3A_195 = arith.constant 5 : i32
    %mul3A_196 = arith.constant 32 : i32
    %mul3A_197 = arith.muli %mul3A_195, %mul3A_196 : i32
    %add3A_198 = arith.addi %mul3A_7, %mul3A_197 : i32
    %dma_wait3A_199 = tpu.memref_slice %arg3[%add3A_198] : memref<163840xi32, #tpu.memory_space<hbm>> -> memref<32xi32, #tpu.memory_space<hbm>>
    %dma_wait3A_200 = tpu.memref_slice %arg3[%add3A_198] : memref<163840xi32, #tpu.memory_space<hbm>> -> memref<32xi32, #tpu.memory_space<hbm>>
    tpu.wait_dma2 semaphore(%arg29 : memref<!tpu.dma_semaphore, #tpu.memory_space<semaphore_mem>>) src(%dma_wait3A_200 : memref<32xi32, #tpu.memory_space<hbm>>) dst(%arg13 : memref<32xi32, #tpu.memory_space<vmem>>)
    %mul3A_201 = arith.constant 5 : i32
    %mul3A_202 = arith.constant 32 : i32
    %mul3A_203 = arith.muli %mul3A_201, %mul3A_202 : i32
    %dma_wait3A_204 = tpu.memref_slice %arg7[%mul3A_203] : memref<10240xi32, #tpu.memory_space<vmem>> -> memref<32xi32, #tpu.memory_space<vmem>>
    %dma_wait3A_205 = arith.constant 0 : i32
    %dma_wait3A_206 = arith.constant 0 : i32
    %dma_wait3A_207 = tpu.memref_slice %arg4[%dma_wait3A_205, %dma_wait3A_206] : memref<40960x128xf32, #tpu.memory_space<hbm>> -> memref<40960x128xf32, #tpu.memory_space<hbm>>
    tpu.wait_indirect_dma semaphore(%arg37 : memref<!tpu.dma_semaphore, #tpu.memory_space<semaphore_mem>>) src(%dma_wait3A_207 : memref<40960x128xf32, #tpu.memory_space<hbm>>) dst(%arg21 : memref<32x128xf32, #tpu.memory_space<vmem>>)
    %dma_start3A_208 = arith.constant 0 : i32
    %dma_start3A_209 = arith.constant 0 : i32
    %dma_start3A_210 = tpu.memref_slice %arg48[%dma_start3A_208, %dma_start3A_209] : memref<10240x128xf32, #tpu.memory_space<vmem_shared>> -> memref<10240x128xf32, #tpu.memory_space<vmem_shared>>
    tpu.enqueue_indirect_dma source(%arg21 : memref<32x128xf32, #tpu.memory_space<vmem>>) target(%dma_start3A_210 : memref<10240x128xf32, #tpu.memory_space<vmem_shared>>) offsets(%arg13 : memref<32xi32, #tpu.memory_space<vmem>>) semaphore(%arg45 : memref<!tpu.dma_semaphore, #tpu.memory_space<semaphore_mem>>) {add = true}
    %mul3A_211 = arith.constant 6 : i32
    %mul3A_212 = arith.constant 32 : i32
    %mul3A_213 = arith.muli %mul3A_211, %mul3A_212 : i32
    %add3A_214 = arith.addi %mul3A_7, %mul3A_213 : i32
    %dma_wait3A_215 = tpu.memref_slice %arg3[%add3A_214] : memref<163840xi32, #tpu.memory_space<hbm>> -> memref<32xi32, #tpu.memory_space<hbm>>
    %dma_wait3A_216 = tpu.memref_slice %arg3[%add3A_214] : memref<163840xi32, #tpu.memory_space<hbm>> -> memref<32xi32, #tpu.memory_space<hbm>>
    tpu.wait_dma2 semaphore(%arg30 : memref<!tpu.dma_semaphore, #tpu.memory_space<semaphore_mem>>) src(%dma_wait3A_216 : memref<32xi32, #tpu.memory_space<hbm>>) dst(%arg14 : memref<32xi32, #tpu.memory_space<vmem>>)
    %mul3A_217 = arith.constant 6 : i32
    %mul3A_218 = arith.constant 32 : i32
    %mul3A_219 = arith.muli %mul3A_217, %mul3A_218 : i32
    %dma_wait3A_220 = tpu.memref_slice %arg7[%mul3A_219] : memref<10240xi32, #tpu.memory_space<vmem>> -> memref<32xi32, #tpu.memory_space<vmem>>
    %dma_wait3A_221 = arith.constant 0 : i32
    %dma_wait3A_222 = arith.constant 0 : i32
    %dma_wait3A_223 = tpu.memref_slice %arg4[%dma_wait3A_221, %dma_wait3A_222] : memref<40960x128xf32, #tpu.memory_space<hbm>> -> memref<40960x128xf32, #tpu.memory_space<hbm>>
    tpu.wait_indirect_dma semaphore(%arg38 : memref<!tpu.dma_semaphore, #tpu.memory_space<semaphore_mem>>) src(%dma_wait3A_223 : memref<40960x128xf32, #tpu.memory_space<hbm>>) dst(%arg22 : memref<32x128xf32, #tpu.memory_space<vmem>>)
    %dma_start3A_224 = arith.constant 0 : i32
    %dma_start3A_225 = arith.constant 0 : i32
    %dma_start3A_226 = tpu.memref_slice %arg48[%dma_start3A_224, %dma_start3A_225] : memref<10240x128xf32, #tpu.memory_space<vmem_shared>> -> memref<10240x128xf32, #tpu.memory_space<vmem_shared>>
    tpu.enqueue_indirect_dma source(%arg22 : memref<32x128xf32, #tpu.memory_space<vmem>>) target(%dma_start3A_226 : memref<10240x128xf32, #tpu.memory_space<vmem_shared>>) offsets(%arg14 : memref<32xi32, #tpu.memory_space<vmem>>) semaphore(%arg46 : memref<!tpu.dma_semaphore, #tpu.memory_space<semaphore_mem>>) {add = true}
    %mul3A_227 = arith.constant 7 : i32
    %mul3A_228 = arith.constant 32 : i32
    %mul3A_229 = arith.muli %mul3A_227, %mul3A_228 : i32
    %add3A_230 = arith.addi %mul3A_7, %mul3A_229 : i32
    %dma_wait3A_231 = tpu.memref_slice %arg3[%add3A_230] : memref<163840xi32, #tpu.memory_space<hbm>> -> memref<32xi32, #tpu.memory_space<hbm>>
    %dma_wait3A_232 = tpu.memref_slice %arg3[%add3A_230] : memref<163840xi32, #tpu.memory_space<hbm>> -> memref<32xi32, #tpu.memory_space<hbm>>
    tpu.wait_dma2 semaphore(%arg31 : memref<!tpu.dma_semaphore, #tpu.memory_space<semaphore_mem>>) src(%dma_wait3A_232 : memref<32xi32, #tpu.memory_space<hbm>>) dst(%arg15 : memref<32xi32, #tpu.memory_space<vmem>>)
    %mul3A_233 = arith.constant 7 : i32
    %mul3A_234 = arith.constant 32 : i32
    %mul3A_235 = arith.muli %mul3A_233, %mul3A_234 : i32
    %dma_wait3A_236 = tpu.memref_slice %arg7[%mul3A_235] : memref<10240xi32, #tpu.memory_space<vmem>> -> memref<32xi32, #tpu.memory_space<vmem>>
    %dma_wait3A_237 = arith.constant 0 : i32
    %dma_wait3A_238 = arith.constant 0 : i32
    %dma_wait3A_239 = tpu.memref_slice %arg4[%dma_wait3A_237, %dma_wait3A_238] : memref<40960x128xf32, #tpu.memory_space<hbm>> -> memref<40960x128xf32, #tpu.memory_space<hbm>>
    tpu.wait_indirect_dma semaphore(%arg39 : memref<!tpu.dma_semaphore, #tpu.memory_space<semaphore_mem>>) src(%dma_wait3A_239 : memref<40960x128xf32, #tpu.memory_space<hbm>>) dst(%arg23 : memref<32x128xf32, #tpu.memory_space<vmem>>)
    %dma_start3A_240 = arith.constant 0 : i32
    %dma_start3A_241 = arith.constant 0 : i32
    %dma_start3A_242 = tpu.memref_slice %arg48[%dma_start3A_240, %dma_start3A_241] : memref<10240x128xf32, #tpu.memory_space<vmem_shared>> -> memref<10240x128xf32, #tpu.memory_space<vmem_shared>>
    tpu.enqueue_indirect_dma source(%arg23 : memref<32x128xf32, #tpu.memory_space<vmem>>) target(%dma_start3A_242 : memref<10240x128xf32, #tpu.memory_space<vmem_shared>>) offsets(%arg15 : memref<32xi32, #tpu.memory_space<vmem>>) semaphore(%arg47 : memref<!tpu.dma_semaphore, #tpu.memory_space<semaphore_mem>>) {add = true}
    %scan3A = arith.constant 0 : i32
    %scan3A_243 = arith.constant 1 : i32
    %scan3A_244 = arith.constant 39 : i32
    %scan3A_245 = arith.addi %scan3A_243, %scan3A_244 : i32
    %scan3A_246 = arith.constant 1 : i32
    %scan3A_247 = scf.for %scan3A_564 = %scan3A_243 to %scan3A_245 step %scan3A_246 iter_args(%scan3A_565 = %scan3A) -> (i32)  : i32 {
      %mul3A_566 = arith.constant 8 : i32
      %mul3A_567 = arith.muli %scan3A_564, %mul3A_566 : i32
      %dma_wait3A_568 = arith.constant 0 : i32
      %dma_wait3A_569 = arith.constant 0 : i32
      %dma_wait3A_570 = tpu.memref_slice %arg48[%dma_wait3A_568, %dma_wait3A_569] : memref<10240x128xf32, #tpu.memory_space<vmem_shared>> -> memref<10240x128xf32, #tpu.memory_space<vmem_shared>>
      tpu.wait_indirect_dma semaphore(%arg40 : memref<!tpu.dma_semaphore, #tpu.memory_space<semaphore_mem>>) src(%arg16 : memref<32x128xf32, #tpu.memory_space<vmem>>) dst(%dma_wait3A_570 : memref<10240x128xf32, #tpu.memory_space<vmem_shared>>)
      %add3A_571 = arith.constant 0 : i32
      %add3A_572 = arith.addi %mul3A_567, %add3A_571 : i32
      %mul3A_573 = arith.constant 32 : i32
      %mul3A_574 = arith.muli %add3A_572, %mul3A_573 : i32
      %add3A_575 = arith.addi %mul3A_7, %mul3A_574 : i32
      %dma_start3A_576 = tpu.memref_slice %arg3[%add3A_575] : memref<163840xi32, #tpu.memory_space<hbm>> -> memref<32xi32, #tpu.memory_space<hbm>>
      %dma_start3A_577 = tpu.memref_slice %arg3[%add3A_575] : memref<163840xi32, #tpu.memory_space<hbm>> -> memref<32xi32, #tpu.memory_space<hbm>>
      tpu.enqueue_dma source(%dma_start3A_577 : memref<32xi32, #tpu.memory_space<hbm>>) target(%arg8 : memref<32xi32, #tpu.memory_space<vmem>>) target_semaphore(%arg24 : memref<!tpu.dma_semaphore, #tpu.memory_space<semaphore_mem>>)
      %mul3A_578 = arith.constant 32 : i32
      %mul3A_579 = arith.muli %add3A_572, %mul3A_578 : i32
      %dma_start3A_580 = tpu.memref_slice %arg7[%mul3A_579] : memref<10240xi32, #tpu.memory_space<vmem>> -> memref<32xi32, #tpu.memory_space<vmem>>
      %dma_start3A_581 = arith.constant 0 : i32
      %dma_start3A_582 = arith.constant 0 : i32
      %dma_start3A_583 = tpu.memref_slice %arg4[%dma_start3A_581, %dma_start3A_582] : memref<40960x128xf32, #tpu.memory_space<hbm>> -> memref<40960x128xf32, #tpu.memory_space<hbm>>
      tpu.enqueue_indirect_dma source(%dma_start3A_583 : memref<40960x128xf32, #tpu.memory_space<hbm>>) target(%arg16 : memref<32x128xf32, #tpu.memory_space<vmem>>) offsets(%dma_start3A_580 : memref<32xi32, #tpu.memory_space<vmem>>) semaphore(%arg32 : memref<!tpu.dma_semaphore, #tpu.memory_space<semaphore_mem>>)
      %dma_wait3A_584 = arith.constant 0 : i32
      %dma_wait3A_585 = arith.constant 0 : i32
      %dma_wait3A_586 = tpu.memref_slice %arg48[%dma_wait3A_584, %dma_wait3A_585] : memref<10240x128xf32, #tpu.memory_space<vmem_shared>> -> memref<10240x128xf32, #tpu.memory_space<vmem_shared>>
      tpu.wait_indirect_dma semaphore(%arg41 : memref<!tpu.dma_semaphore, #tpu.memory_space<semaphore_mem>>) src(%arg17 : memref<32x128xf32, #tpu.memory_space<vmem>>) dst(%dma_wait3A_586 : memref<10240x128xf32, #tpu.memory_space<vmem_shared>>)
      %add3A_587 = arith.constant 1 : i32
      %add3A_588 = arith.addi %mul3A_567, %add3A_587 : i32
      %mul3A_589 = arith.constant 32 : i32
      %mul3A_590 = arith.muli %add3A_588, %mul3A_589 : i32
      %add3A_591 = arith.addi %mul3A_7, %mul3A_590 : i32
      %dma_start3A_592 = tpu.memref_slice %arg3[%add3A_591] : memref<163840xi32, #tpu.memory_space<hbm>> -> memref<32xi32, #tpu.memory_space<hbm>>
      %dma_start3A_593 = tpu.memref_slice %arg3[%add3A_591] : memref<163840xi32, #tpu.memory_space<hbm>> -> memref<32xi32, #tpu.memory_space<hbm>>
      tpu.enqueue_dma source(%dma_start3A_593 : memref<32xi32, #tpu.memory_space<hbm>>) target(%arg9 : memref<32xi32, #tpu.memory_space<vmem>>) target_semaphore(%arg25 : memref<!tpu.dma_semaphore, #tpu.memory_space<semaphore_mem>>)
      %mul3A_594 = arith.constant 32 : i32
      %mul3A_595 = arith.muli %add3A_588, %mul3A_594 : i32
      %dma_start3A_596 = tpu.memref_slice %arg7[%mul3A_595] : memref<10240xi32, #tpu.memory_space<vmem>> -> memref<32xi32, #tpu.memory_space<vmem>>
      %dma_start3A_597 = arith.constant 0 : i32
      %dma_start3A_598 = arith.constant 0 : i32
      %dma_start3A_599 = tpu.memref_slice %arg4[%dma_start3A_597, %dma_start3A_598] : memref<40960x128xf32, #tpu.memory_space<hbm>> -> memref<40960x128xf32, #tpu.memory_space<hbm>>
      tpu.enqueue_indirect_dma source(%dma_start3A_599 : memref<40960x128xf32, #tpu.memory_space<hbm>>) target(%arg17 : memref<32x128xf32, #tpu.memory_space<vmem>>) offsets(%dma_start3A_596 : memref<32xi32, #tpu.memory_space<vmem>>) semaphore(%arg33 : memref<!tpu.dma_semaphore, #tpu.memory_space<semaphore_mem>>)
      %dma_wait3A_600 = arith.constant 0 : i32
      %dma_wait3A_601 = arith.constant 0 : i32
      %dma_wait3A_602 = tpu.memref_slice %arg48[%dma_wait3A_600, %dma_wait3A_601] : memref<10240x128xf32, #tpu.memory_space<vmem_shared>> -> memref<10240x128xf32, #tpu.memory_space<vmem_shared>>
      tpu.wait_indirect_dma semaphore(%arg42 : memref<!tpu.dma_semaphore, #tpu.memory_space<semaphore_mem>>) src(%arg18 : memref<32x128xf32, #tpu.memory_space<vmem>>) dst(%dma_wait3A_602 : memref<10240x128xf32, #tpu.memory_space<vmem_shared>>)
      %add3A_603 = arith.constant 2 : i32
      %add3A_604 = arith.addi %mul3A_567, %add3A_603 : i32
      %mul3A_605 = arith.constant 32 : i32
      %mul3A_606 = arith.muli %add3A_604, %mul3A_605 : i32
      %add3A_607 = arith.addi %mul3A_7, %mul3A_606 : i32
      %dma_start3A_608 = tpu.memref_slice %arg3[%add3A_607] : memref<163840xi32, #tpu.memory_space<hbm>> -> memref<32xi32, #tpu.memory_space<hbm>>
      %dma_start3A_609 = tpu.memref_slice %arg3[%add3A_607] : memref<163840xi32, #tpu.memory_space<hbm>> -> memref<32xi32, #tpu.memory_space<hbm>>
      tpu.enqueue_dma source(%dma_start3A_609 : memref<32xi32, #tpu.memory_space<hbm>>) target(%arg10 : memref<32xi32, #tpu.memory_space<vmem>>) target_semaphore(%arg26 : memref<!tpu.dma_semaphore, #tpu.memory_space<semaphore_mem>>)
      %mul3A_610 = arith.constant 32 : i32
      %mul3A_611 = arith.muli %add3A_604, %mul3A_610 : i32
      %dma_start3A_612 = tpu.memref_slice %arg7[%mul3A_611] : memref<10240xi32, #tpu.memory_space<vmem>> -> memref<32xi32, #tpu.memory_space<vmem>>
      %dma_start3A_613 = arith.constant 0 : i32
      %dma_start3A_614 = arith.constant 0 : i32
      %dma_start3A_615 = tpu.memref_slice %arg4[%dma_start3A_613, %dma_start3A_614] : memref<40960x128xf32, #tpu.memory_space<hbm>> -> memref<40960x128xf32, #tpu.memory_space<hbm>>
      tpu.enqueue_indirect_dma source(%dma_start3A_615 : memref<40960x128xf32, #tpu.memory_space<hbm>>) target(%arg18 : memref<32x128xf32, #tpu.memory_space<vmem>>) offsets(%dma_start3A_612 : memref<32xi32, #tpu.memory_space<vmem>>) semaphore(%arg34 : memref<!tpu.dma_semaphore, #tpu.memory_space<semaphore_mem>>)
      %dma_wait3A_616 = arith.constant 0 : i32
      %dma_wait3A_617 = arith.constant 0 : i32
      %dma_wait3A_618 = tpu.memref_slice %arg48[%dma_wait3A_616, %dma_wait3A_617] : memref<10240x128xf32, #tpu.memory_space<vmem_shared>> -> memref<10240x128xf32, #tpu.memory_space<vmem_shared>>
      tpu.wait_indirect_dma semaphore(%arg43 : memref<!tpu.dma_semaphore, #tpu.memory_space<semaphore_mem>>) src(%arg19 : memref<32x128xf32, #tpu.memory_space<vmem>>) dst(%dma_wait3A_618 : memref<10240x128xf32, #tpu.memory_space<vmem_shared>>)
      %add3A_619 = arith.constant 3 : i32
      %add3A_620 = arith.addi %mul3A_567, %add3A_619 : i32
      %mul3A_621 = arith.constant 32 : i32
      %mul3A_622 = arith.muli %add3A_620, %mul3A_621 : i32
      %add3A_623 = arith.addi %mul3A_7, %mul3A_622 : i32
      %dma_start3A_624 = tpu.memref_slice %arg3[%add3A_623] : memref<163840xi32, #tpu.memory_space<hbm>> -> memref<32xi32, #tpu.memory_space<hbm>>
      %dma_start3A_625 = tpu.memref_slice %arg3[%add3A_623] : memref<163840xi32, #tpu.memory_space<hbm>> -> memref<32xi32, #tpu.memory_space<hbm>>
      tpu.enqueue_dma source(%dma_start3A_625 : memref<32xi32, #tpu.memory_space<hbm>>) target(%arg11 : memref<32xi32, #tpu.memory_space<vmem>>) target_semaphore(%arg27 : memref<!tpu.dma_semaphore, #tpu.memory_space<semaphore_mem>>)
      %mul3A_626 = arith.constant 32 : i32
      %mul3A_627 = arith.muli %add3A_620, %mul3A_626 : i32
      %dma_start3A_628 = tpu.memref_slice %arg7[%mul3A_627] : memref<10240xi32, #tpu.memory_space<vmem>> -> memref<32xi32, #tpu.memory_space<vmem>>
      %dma_start3A_629 = arith.constant 0 : i32
      %dma_start3A_630 = arith.constant 0 : i32
      %dma_start3A_631 = tpu.memref_slice %arg4[%dma_start3A_629, %dma_start3A_630] : memref<40960x128xf32, #tpu.memory_space<hbm>> -> memref<40960x128xf32, #tpu.memory_space<hbm>>
      tpu.enqueue_indirect_dma source(%dma_start3A_631 : memref<40960x128xf32, #tpu.memory_space<hbm>>) target(%arg19 : memref<32x128xf32, #tpu.memory_space<vmem>>) offsets(%dma_start3A_628 : memref<32xi32, #tpu.memory_space<vmem>>) semaphore(%arg35 : memref<!tpu.dma_semaphore, #tpu.memory_space<semaphore_mem>>)
      %dma_wait3A_632 = arith.constant 0 : i32
      %dma_wait3A_633 = arith.constant 0 : i32
      %dma_wait3A_634 = tpu.memref_slice %arg48[%dma_wait3A_632, %dma_wait3A_633] : memref<10240x128xf32, #tpu.memory_space<vmem_shared>> -> memref<10240x128xf32, #tpu.memory_space<vmem_shared>>
      tpu.wait_indirect_dma semaphore(%arg44 : memref<!tpu.dma_semaphore, #tpu.memory_space<semaphore_mem>>) src(%arg20 : memref<32x128xf32, #tpu.memory_space<vmem>>) dst(%dma_wait3A_634 : memref<10240x128xf32, #tpu.memory_space<vmem_shared>>)
      %add3A_635 = arith.constant 4 : i32
      %add3A_636 = arith.addi %mul3A_567, %add3A_635 : i32
      %mul3A_637 = arith.constant 32 : i32
      %mul3A_638 = arith.muli %add3A_636, %mul3A_637 : i32
      %add3A_639 = arith.addi %mul3A_7, %mul3A_638 : i32
      %dma_start3A_640 = tpu.memref_slice %arg3[%add3A_639] : memref<163840xi32, #tpu.memory_space<hbm>> -> memref<32xi32, #tpu.memory_space<hbm>>
      %dma_start3A_641 = tpu.memref_slice %arg3[%add3A_639] : memref<163840xi32, #tpu.memory_space<hbm>> -> memref<32xi32, #tpu.memory_space<hbm>>
      tpu.enqueue_dma source(%dma_start3A_641 : memref<32xi32, #tpu.memory_space<hbm>>) target(%arg12 : memref<32xi32, #tpu.memory_space<vmem>>) target_semaphore(%arg28 : memref<!tpu.dma_semaphore, #tpu.memory_space<semaphore_mem>>)
      %mul3A_642 = arith.constant 32 : i32
      %mul3A_643 = arith.muli %add3A_636, %mul3A_642 : i32
      %dma_start3A_644 = tpu.memref_slice %arg7[%mul3A_643] : memref<10240xi32, #tpu.memory_space<vmem>> -> memref<32xi32, #tpu.memory_space<vmem>>
      %dma_start3A_645 = arith.constant 0 : i32
      %dma_start3A_646 = arith.constant 0 : i32
      %dma_start3A_647 = tpu.memref_slice %arg4[%dma_start3A_645, %dma_start3A_646] : memref<40960x128xf32, #tpu.memory_space<hbm>> -> memref<40960x128xf32, #tpu.memory_space<hbm>>
      tpu.enqueue_indirect_dma source(%dma_start3A_647 : memref<40960x128xf32, #tpu.memory_space<hbm>>) target(%arg20 : memref<32x128xf32, #tpu.memory_space<vmem>>) offsets(%dma_start3A_644 : memref<32xi32, #tpu.memory_space<vmem>>) semaphore(%arg36 : memref<!tpu.dma_semaphore, #tpu.memory_space<semaphore_mem>>)
      %dma_wait3A_648 = arith.constant 0 : i32
      %dma_wait3A_649 = arith.constant 0 : i32
      %dma_wait3A_650 = tpu.memref_slice %arg48[%dma_wait3A_648, %dma_wait3A_649] : memref<10240x128xf32, #tpu.memory_space<vmem_shared>> -> memref<10240x128xf32, #tpu.memory_space<vmem_shared>>
      tpu.wait_indirect_dma semaphore(%arg45 : memref<!tpu.dma_semaphore, #tpu.memory_space<semaphore_mem>>) src(%arg21 : memref<32x128xf32, #tpu.memory_space<vmem>>) dst(%dma_wait3A_650 : memref<10240x128xf32, #tpu.memory_space<vmem_shared>>)
      %add3A_651 = arith.constant 5 : i32
      %add3A_652 = arith.addi %mul3A_567, %add3A_651 : i32
      %mul3A_653 = arith.constant 32 : i32
      %mul3A_654 = arith.muli %add3A_652, %mul3A_653 : i32
      %add3A_655 = arith.addi %mul3A_7, %mul3A_654 : i32
      %dma_start3A_656 = tpu.memref_slice %arg3[%add3A_655] : memref<163840xi32, #tpu.memory_space<hbm>> -> memref<32xi32, #tpu.memory_space<hbm>>
      %dma_start3A_657 = tpu.memref_slice %arg3[%add3A_655] : memref<163840xi32, #tpu.memory_space<hbm>> -> memref<32xi32, #tpu.memory_space<hbm>>
      tpu.enqueue_dma source(%dma_start3A_657 : memref<32xi32, #tpu.memory_space<hbm>>) target(%arg13 : memref<32xi32, #tpu.memory_space<vmem>>) target_semaphore(%arg29 : memref<!tpu.dma_semaphore, #tpu.memory_space<semaphore_mem>>)
      %mul3A_658 = arith.constant 32 : i32
      %mul3A_659 = arith.muli %add3A_652, %mul3A_658 : i32
      %dma_start3A_660 = tpu.memref_slice %arg7[%mul3A_659] : memref<10240xi32, #tpu.memory_space<vmem>> -> memref<32xi32, #tpu.memory_space<vmem>>
      %dma_start3A_661 = arith.constant 0 : i32
      %dma_start3A_662 = arith.constant 0 : i32
      %dma_start3A_663 = tpu.memref_slice %arg4[%dma_start3A_661, %dma_start3A_662] : memref<40960x128xf32, #tpu.memory_space<hbm>> -> memref<40960x128xf32, #tpu.memory_space<hbm>>
      tpu.enqueue_indirect_dma source(%dma_start3A_663 : memref<40960x128xf32, #tpu.memory_space<hbm>>) target(%arg21 : memref<32x128xf32, #tpu.memory_space<vmem>>) offsets(%dma_start3A_660 : memref<32xi32, #tpu.memory_space<vmem>>) semaphore(%arg37 : memref<!tpu.dma_semaphore, #tpu.memory_space<semaphore_mem>>)
      %dma_wait3A_664 = arith.constant 0 : i32
      %dma_wait3A_665 = arith.constant 0 : i32
      %dma_wait3A_666 = tpu.memref_slice %arg48[%dma_wait3A_664, %dma_wait3A_665] : memref<10240x128xf32, #tpu.memory_space<vmem_shared>> -> memref<10240x128xf32, #tpu.memory_space<vmem_shared>>
      tpu.wait_indirect_dma semaphore(%arg46 : memref<!tpu.dma_semaphore, #tpu.memory_space<semaphore_mem>>) src(%arg22 : memref<32x128xf32, #tpu.memory_space<vmem>>) dst(%dma_wait3A_666 : memref<10240x128xf32, #tpu.memory_space<vmem_shared>>)
      %add3A_667 = arith.constant 6 : i32
      %add3A_668 = arith.addi %mul3A_567, %add3A_667 : i32
      %mul3A_669 = arith.constant 32 : i32
      %mul3A_670 = arith.muli %add3A_668, %mul3A_669 : i32
      %add3A_671 = arith.addi %mul3A_7, %mul3A_670 : i32
      %dma_start3A_672 = tpu.memref_slice %arg3[%add3A_671] : memref<163840xi32, #tpu.memory_space<hbm>> -> memref<32xi32, #tpu.memory_space<hbm>>
      %dma_start3A_673 = tpu.memref_slice %arg3[%add3A_671] : memref<163840xi32, #tpu.memory_space<hbm>> -> memref<32xi32, #tpu.memory_space<hbm>>
      tpu.enqueue_dma source(%dma_start3A_673 : memref<32xi32, #tpu.memory_space<hbm>>) target(%arg14 : memref<32xi32, #tpu.memory_space<vmem>>) target_semaphore(%arg30 : memref<!tpu.dma_semaphore, #tpu.memory_space<semaphore_mem>>)
      %mul3A_674 = arith.constant 32 : i32
      %mul3A_675 = arith.muli %add3A_668, %mul3A_674 : i32
      %dma_start3A_676 = tpu.memref_slice %arg7[%mul3A_675] : memref<10240xi32, #tpu.memory_space<vmem>> -> memref<32xi32, #tpu.memory_space<vmem>>
      %dma_start3A_677 = arith.constant 0 : i32
      %dma_start3A_678 = arith.constant 0 : i32
      %dma_start3A_679 = tpu.memref_slice %arg4[%dma_start3A_677, %dma_start3A_678] : memref<40960x128xf32, #tpu.memory_space<hbm>> -> memref<40960x128xf32, #tpu.memory_space<hbm>>
      tpu.enqueue_indirect_dma source(%dma_start3A_679 : memref<40960x128xf32, #tpu.memory_space<hbm>>) target(%arg22 : memref<32x128xf32, #tpu.memory_space<vmem>>) offsets(%dma_start3A_676 : memref<32xi32, #tpu.memory_space<vmem>>) semaphore(%arg38 : memref<!tpu.dma_semaphore, #tpu.memory_space<semaphore_mem>>)
      %dma_wait3A_680 = arith.constant 0 : i32
      %dma_wait3A_681 = arith.constant 0 : i32
      %dma_wait3A_682 = tpu.memref_slice %arg48[%dma_wait3A_680, %dma_wait3A_681] : memref<10240x128xf32, #tpu.memory_space<vmem_shared>> -> memref<10240x128xf32, #tpu.memory_space<vmem_shared>>
      tpu.wait_indirect_dma semaphore(%arg47 : memref<!tpu.dma_semaphore, #tpu.memory_space<semaphore_mem>>) src(%arg23 : memref<32x128xf32, #tpu.memory_space<vmem>>) dst(%dma_wait3A_682 : memref<10240x128xf32, #tpu.memory_space<vmem_shared>>)
      %add3A_683 = arith.constant 7 : i32
      %add3A_684 = arith.addi %mul3A_567, %add3A_683 : i32
      %mul3A_685 = arith.constant 32 : i32
      %mul3A_686 = arith.muli %add3A_684, %mul3A_685 : i32
      %add3A_687 = arith.addi %mul3A_7, %mul3A_686 : i32
      %dma_start3A_688 = tpu.memref_slice %arg3[%add3A_687] : memref<163840xi32, #tpu.memory_space<hbm>> -> memref<32xi32, #tpu.memory_space<hbm>>
      %dma_start3A_689 = tpu.memref_slice %arg3[%add3A_687] : memref<163840xi32, #tpu.memory_space<hbm>> -> memref<32xi32, #tpu.memory_space<hbm>>
      tpu.enqueue_dma source(%dma_start3A_689 : memref<32xi32, #tpu.memory_space<hbm>>) target(%arg15 : memref<32xi32, #tpu.memory_space<vmem>>) target_semaphore(%arg31 : memref<!tpu.dma_semaphore, #tpu.memory_space<semaphore_mem>>)
      %mul3A_690 = arith.constant 32 : i32
      %mul3A_691 = arith.muli %add3A_684, %mul3A_690 : i32
      %dma_start3A_692 = tpu.memref_slice %arg7[%mul3A_691] : memref<10240xi32, #tpu.memory_space<vmem>> -> memref<32xi32, #tpu.memory_space<vmem>>
      %dma_start3A_693 = arith.constant 0 : i32
      %dma_start3A_694 = arith.constant 0 : i32
      %dma_start3A_695 = tpu.memref_slice %arg4[%dma_start3A_693, %dma_start3A_694] : memref<40960x128xf32, #tpu.memory_space<hbm>> -> memref<40960x128xf32, #tpu.memory_space<hbm>>
      tpu.enqueue_indirect_dma source(%dma_start3A_695 : memref<40960x128xf32, #tpu.memory_space<hbm>>) target(%arg23 : memref<32x128xf32, #tpu.memory_space<vmem>>) offsets(%dma_start3A_692 : memref<32xi32, #tpu.memory_space<vmem>>) semaphore(%arg39 : memref<!tpu.dma_semaphore, #tpu.memory_space<semaphore_mem>>)
      %add3A_696 = arith.constant 0 : i32
      %add3A_697 = arith.addi %mul3A_567, %add3A_696 : i32
      %mul3A_698 = arith.constant 32 : i32
      %mul3A_699 = arith.muli %add3A_697, %mul3A_698 : i32
      %add3A_700 = arith.addi %mul3A_7, %mul3A_699 : i32
      %dma_wait3A_701 = tpu.memref_slice %arg3[%add3A_700] : memref<163840xi32, #tpu.memory_space<hbm>> -> memref<32xi32, #tpu.memory_space<hbm>>
      %dma_wait3A_702 = tpu.memref_slice %arg3[%add3A_700] : memref<163840xi32, #tpu.memory_space<hbm>> -> memref<32xi32, #tpu.memory_space<hbm>>
      tpu.wait_dma2 semaphore(%arg24 : memref<!tpu.dma_semaphore, #tpu.memory_space<semaphore_mem>>) src(%dma_wait3A_702 : memref<32xi32, #tpu.memory_space<hbm>>) dst(%arg8 : memref<32xi32, #tpu.memory_space<vmem>>)
      %mul3A_703 = arith.constant 32 : i32
      %mul3A_704 = arith.muli %add3A_697, %mul3A_703 : i32
      %dma_wait3A_705 = tpu.memref_slice %arg7[%mul3A_704] : memref<10240xi32, #tpu.memory_space<vmem>> -> memref<32xi32, #tpu.memory_space<vmem>>
      %dma_wait3A_706 = arith.constant 0 : i32
      %dma_wait3A_707 = arith.constant 0 : i32
      %dma_wait3A_708 = tpu.memref_slice %arg4[%dma_wait3A_706, %dma_wait3A_707] : memref<40960x128xf32, #tpu.memory_space<hbm>> -> memref<40960x128xf32, #tpu.memory_space<hbm>>
      tpu.wait_indirect_dma semaphore(%arg32 : memref<!tpu.dma_semaphore, #tpu.memory_space<semaphore_mem>>) src(%dma_wait3A_708 : memref<40960x128xf32, #tpu.memory_space<hbm>>) dst(%arg16 : memref<32x128xf32, #tpu.memory_space<vmem>>)
      %dma_start3A_709 = arith.constant 0 : i32
      %dma_start3A_710 = arith.constant 0 : i32
      %dma_start3A_711 = tpu.memref_slice %arg48[%dma_start3A_709, %dma_start3A_710] : memref<10240x128xf32, #tpu.memory_space<vmem_shared>> -> memref<10240x128xf32, #tpu.memory_space<vmem_shared>>
      tpu.enqueue_indirect_dma source(%arg16 : memref<32x128xf32, #tpu.memory_space<vmem>>) target(%dma_start3A_711 : memref<10240x128xf32, #tpu.memory_space<vmem_shared>>) offsets(%arg8 : memref<32xi32, #tpu.memory_space<vmem>>) semaphore(%arg40 : memref<!tpu.dma_semaphore, #tpu.memory_space<semaphore_mem>>) {add = true}
      %add3A_712 = arith.constant 1 : i32
      %add3A_713 = arith.addi %mul3A_567, %add3A_712 : i32
      %mul3A_714 = arith.constant 32 : i32
      %mul3A_715 = arith.muli %add3A_713, %mul3A_714 : i32
      %add3A_716 = arith.addi %mul3A_7, %mul3A_715 : i32
      %dma_wait3A_717 = tpu.memref_slice %arg3[%add3A_716] : memref<163840xi32, #tpu.memory_space<hbm>> -> memref<32xi32, #tpu.memory_space<hbm>>
      %dma_wait3A_718 = tpu.memref_slice %arg3[%add3A_716] : memref<163840xi32, #tpu.memory_space<hbm>> -> memref<32xi32, #tpu.memory_space<hbm>>
      tpu.wait_dma2 semaphore(%arg25 : memref<!tpu.dma_semaphore, #tpu.memory_space<semaphore_mem>>) src(%dma_wait3A_718 : memref<32xi32, #tpu.memory_space<hbm>>) dst(%arg9 : memref<32xi32, #tpu.memory_space<vmem>>)
      %mul3A_719 = arith.constant 32 : i32
      %mul3A_720 = arith.muli %add3A_713, %mul3A_719 : i32
      %dma_wait3A_721 = tpu.memref_slice %arg7[%mul3A_720] : memref<10240xi32, #tpu.memory_space<vmem>> -> memref<32xi32, #tpu.memory_space<vmem>>
      %dma_wait3A_722 = arith.constant 0 : i32
      %dma_wait3A_723 = arith.constant 0 : i32
      %dma_wait3A_724 = tpu.memref_slice %arg4[%dma_wait3A_722, %dma_wait3A_723] : memref<40960x128xf32, #tpu.memory_space<hbm>> -> memref<40960x128xf32, #tpu.memory_space<hbm>>
      tpu.wait_indirect_dma semaphore(%arg33 : memref<!tpu.dma_semaphore, #tpu.memory_space<semaphore_mem>>) src(%dma_wait3A_724 : memref<40960x128xf32, #tpu.memory_space<hbm>>) dst(%arg17 : memref<32x128xf32, #tpu.memory_space<vmem>>)
      %dma_start3A_725 = arith.constant 0 : i32
      %dma_start3A_726 = arith.constant 0 : i32
      %dma_start3A_727 = tpu.memref_slice %arg48[%dma_start3A_725, %dma_start3A_726] : memref<10240x128xf32, #tpu.memory_space<vmem_shared>> -> memref<10240x128xf32, #tpu.memory_space<vmem_shared>>
      tpu.enqueue_indirect_dma source(%arg17 : memref<32x128xf32, #tpu.memory_space<vmem>>) target(%dma_start3A_727 : memref<10240x128xf32, #tpu.memory_space<vmem_shared>>) offsets(%arg9 : memref<32xi32, #tpu.memory_space<vmem>>) semaphore(%arg41 : memref<!tpu.dma_semaphore, #tpu.memory_space<semaphore_mem>>) {add = true}
      %add3A_728 = arith.constant 2 : i32
      %add3A_729 = arith.addi %mul3A_567, %add3A_728 : i32
      %mul3A_730 = arith.constant 32 : i32
      %mul3A_731 = arith.muli %add3A_729, %mul3A_730 : i32
      %add3A_732 = arith.addi %mul3A_7, %mul3A_731 : i32
      %dma_wait3A_733 = tpu.memref_slice %arg3[%add3A_732] : memref<163840xi32, #tpu.memory_space<hbm>> -> memref<32xi32, #tpu.memory_space<hbm>>
      %dma_wait3A_734 = tpu.memref_slice %arg3[%add3A_732] : memref<163840xi32, #tpu.memory_space<hbm>> -> memref<32xi32, #tpu.memory_space<hbm>>
      tpu.wait_dma2 semaphore(%arg26 : memref<!tpu.dma_semaphore, #tpu.memory_space<semaphore_mem>>) src(%dma_wait3A_734 : memref<32xi32, #tpu.memory_space<hbm>>) dst(%arg10 : memref<32xi32, #tpu.memory_space<vmem>>)
      %mul3A_735 = arith.constant 32 : i32
      %mul3A_736 = arith.muli %add3A_729, %mul3A_735 : i32
      %dma_wait3A_737 = tpu.memref_slice %arg7[%mul3A_736] : memref<10240xi32, #tpu.memory_space<vmem>> -> memref<32xi32, #tpu.memory_space<vmem>>
      %dma_wait3A_738 = arith.constant 0 : i32
      %dma_wait3A_739 = arith.constant 0 : i32
      %dma_wait3A_740 = tpu.memref_slice %arg4[%dma_wait3A_738, %dma_wait3A_739] : memref<40960x128xf32, #tpu.memory_space<hbm>> -> memref<40960x128xf32, #tpu.memory_space<hbm>>
      tpu.wait_indirect_dma semaphore(%arg34 : memref<!tpu.dma_semaphore, #tpu.memory_space<semaphore_mem>>) src(%dma_wait3A_740 : memref<40960x128xf32, #tpu.memory_space<hbm>>) dst(%arg18 : memref<32x128xf32, #tpu.memory_space<vmem>>)
      %dma_start3A_741 = arith.constant 0 : i32
      %dma_start3A_742 = arith.constant 0 : i32
      %dma_start3A_743 = tpu.memref_slice %arg48[%dma_start3A_741, %dma_start3A_742] : memref<10240x128xf32, #tpu.memory_space<vmem_shared>> -> memref<10240x128xf32, #tpu.memory_space<vmem_shared>>
      tpu.enqueue_indirect_dma source(%arg18 : memref<32x128xf32, #tpu.memory_space<vmem>>) target(%dma_start3A_743 : memref<10240x128xf32, #tpu.memory_space<vmem_shared>>) offsets(%arg10 : memref<32xi32, #tpu.memory_space<vmem>>) semaphore(%arg42 : memref<!tpu.dma_semaphore, #tpu.memory_space<semaphore_mem>>) {add = true}
      %add3A_744 = arith.constant 3 : i32
      %add3A_745 = arith.addi %mul3A_567, %add3A_744 : i32
      %mul3A_746 = arith.constant 32 : i32
      %mul3A_747 = arith.muli %add3A_745, %mul3A_746 : i32
      %add3A_748 = arith.addi %mul3A_7, %mul3A_747 : i32
      %dma_wait3A_749 = tpu.memref_slice %arg3[%add3A_748] : memref<163840xi32, #tpu.memory_space<hbm>> -> memref<32xi32, #tpu.memory_space<hbm>>
      %dma_wait3A_750 = tpu.memref_slice %arg3[%add3A_748] : memref<163840xi32, #tpu.memory_space<hbm>> -> memref<32xi32, #tpu.memory_space<hbm>>
      tpu.wait_dma2 semaphore(%arg27 : memref<!tpu.dma_semaphore, #tpu.memory_space<semaphore_mem>>) src(%dma_wait3A_750 : memref<32xi32, #tpu.memory_space<hbm>>) dst(%arg11 : memref<32xi32, #tpu.memory_space<vmem>>)
      %mul3A_751 = arith.constant 32 : i32
      %mul3A_752 = arith.muli %add3A_745, %mul3A_751 : i32
      %dma_wait3A_753 = tpu.memref_slice %arg7[%mul3A_752] : memref<10240xi32, #tpu.memory_space<vmem>> -> memref<32xi32, #tpu.memory_space<vmem>>
      %dma_wait3A_754 = arith.constant 0 : i32
      %dma_wait3A_755 = arith.constant 0 : i32
      %dma_wait3A_756 = tpu.memref_slice %arg4[%dma_wait3A_754, %dma_wait3A_755] : memref<40960x128xf32, #tpu.memory_space<hbm>> -> memref<40960x128xf32, #tpu.memory_space<hbm>>
      tpu.wait_indirect_dma semaphore(%arg35 : memref<!tpu.dma_semaphore, #tpu.memory_space<semaphore_mem>>) src(%dma_wait3A_756 : memref<40960x128xf32, #tpu.memory_space<hbm>>) dst(%arg19 : memref<32x128xf32, #tpu.memory_space<vmem>>)
      %dma_start3A_757 = arith.constant 0 : i32
      %dma_start3A_758 = arith.constant 0 : i32
      %dma_start3A_759 = tpu.memref_slice %arg48[%dma_start3A_757, %dma_start3A_758] : memref<10240x128xf32, #tpu.memory_space<vmem_shared>> -> memref<10240x128xf32, #tpu.memory_space<vmem_shared>>
      tpu.enqueue_indirect_dma source(%arg19 : memref<32x128xf32, #tpu.memory_space<vmem>>) target(%dma_start3A_759 : memref<10240x128xf32, #tpu.memory_space<vmem_shared>>) offsets(%arg11 : memref<32xi32, #tpu.memory_space<vmem>>) semaphore(%arg43 : memref<!tpu.dma_semaphore, #tpu.memory_space<semaphore_mem>>) {add = true}
      %add3A_760 = arith.constant 4 : i32
      %add3A_761 = arith.addi %mul3A_567, %add3A_760 : i32
      %mul3A_762 = arith.constant 32 : i32
      %mul3A_763 = arith.muli %add3A_761, %mul3A_762 : i32
      %add3A_764 = arith.addi %mul3A_7, %mul3A_763 : i32
      %dma_wait3A_765 = tpu.memref_slice %arg3[%add3A_764] : memref<163840xi32, #tpu.memory_space<hbm>> -> memref<32xi32, #tpu.memory_space<hbm>>
      %dma_wait3A_766 = tpu.memref_slice %arg3[%add3A_764] : memref<163840xi32, #tpu.memory_space<hbm>> -> memref<32xi32, #tpu.memory_space<hbm>>
      tpu.wait_dma2 semaphore(%arg28 : memref<!tpu.dma_semaphore, #tpu.memory_space<semaphore_mem>>) src(%dma_wait3A_766 : memref<32xi32, #tpu.memory_space<hbm>>) dst(%arg12 : memref<32xi32, #tpu.memory_space<vmem>>)
      %mul3A_767 = arith.constant 32 : i32
      %mul3A_768 = arith.muli %add3A_761, %mul3A_767 : i32
      %dma_wait3A_769 = tpu.memref_slice %arg7[%mul3A_768] : memref<10240xi32, #tpu.memory_space<vmem>> -> memref<32xi32, #tpu.memory_space<vmem>>
      %dma_wait3A_770 = arith.constant 0 : i32
      %dma_wait3A_771 = arith.constant 0 : i32
      %dma_wait3A_772 = tpu.memref_slice %arg4[%dma_wait3A_770, %dma_wait3A_771] : memref<40960x128xf32, #tpu.memory_space<hbm>> -> memref<40960x128xf32, #tpu.memory_space<hbm>>
      tpu.wait_indirect_dma semaphore(%arg36 : memref<!tpu.dma_semaphore, #tpu.memory_space<semaphore_mem>>) src(%dma_wait3A_772 : memref<40960x128xf32, #tpu.memory_space<hbm>>) dst(%arg20 : memref<32x128xf32, #tpu.memory_space<vmem>>)
      %dma_start3A_773 = arith.constant 0 : i32
      %dma_start3A_774 = arith.constant 0 : i32
      %dma_start3A_775 = tpu.memref_slice %arg48[%dma_start3A_773, %dma_start3A_774] : memref<10240x128xf32, #tpu.memory_space<vmem_shared>> -> memref<10240x128xf32, #tpu.memory_space<vmem_shared>>
      tpu.enqueue_indirect_dma source(%arg20 : memref<32x128xf32, #tpu.memory_space<vmem>>) target(%dma_start3A_775 : memref<10240x128xf32, #tpu.memory_space<vmem_shared>>) offsets(%arg12 : memref<32xi32, #tpu.memory_space<vmem>>) semaphore(%arg44 : memref<!tpu.dma_semaphore, #tpu.memory_space<semaphore_mem>>) {add = true}
      %add3A_776 = arith.constant 5 : i32
      %add3A_777 = arith.addi %mul3A_567, %add3A_776 : i32
      %mul3A_778 = arith.constant 32 : i32
      %mul3A_779 = arith.muli %add3A_777, %mul3A_778 : i32
      %add3A_780 = arith.addi %mul3A_7, %mul3A_779 : i32
      %dma_wait3A_781 = tpu.memref_slice %arg3[%add3A_780] : memref<163840xi32, #tpu.memory_space<hbm>> -> memref<32xi32, #tpu.memory_space<hbm>>
      %dma_wait3A_782 = tpu.memref_slice %arg3[%add3A_780] : memref<163840xi32, #tpu.memory_space<hbm>> -> memref<32xi32, #tpu.memory_space<hbm>>
      tpu.wait_dma2 semaphore(%arg29 : memref<!tpu.dma_semaphore, #tpu.memory_space<semaphore_mem>>) src(%dma_wait3A_782 : memref<32xi32, #tpu.memory_space<hbm>>) dst(%arg13 : memref<32xi32, #tpu.memory_space<vmem>>)
      %mul3A_783 = arith.constant 32 : i32
      %mul3A_784 = arith.muli %add3A_777, %mul3A_783 : i32
      %dma_wait3A_785 = tpu.memref_slice %arg7[%mul3A_784] : memref<10240xi32, #tpu.memory_space<vmem>> -> memref<32xi32, #tpu.memory_space<vmem>>
      %dma_wait3A_786 = arith.constant 0 : i32
      %dma_wait3A_787 = arith.constant 0 : i32
      %dma_wait3A_788 = tpu.memref_slice %arg4[%dma_wait3A_786, %dma_wait3A_787] : memref<40960x128xf32, #tpu.memory_space<hbm>> -> memref<40960x128xf32, #tpu.memory_space<hbm>>
      tpu.wait_indirect_dma semaphore(%arg37 : memref<!tpu.dma_semaphore, #tpu.memory_space<semaphore_mem>>) src(%dma_wait3A_788 : memref<40960x128xf32, #tpu.memory_space<hbm>>) dst(%arg21 : memref<32x128xf32, #tpu.memory_space<vmem>>)
      %dma_start3A_789 = arith.constant 0 : i32
      %dma_start3A_790 = arith.constant 0 : i32
      %dma_start3A_791 = tpu.memref_slice %arg48[%dma_start3A_789, %dma_start3A_790] : memref<10240x128xf32, #tpu.memory_space<vmem_shared>> -> memref<10240x128xf32, #tpu.memory_space<vmem_shared>>
      tpu.enqueue_indirect_dma source(%arg21 : memref<32x128xf32, #tpu.memory_space<vmem>>) target(%dma_start3A_791 : memref<10240x128xf32, #tpu.memory_space<vmem_shared>>) offsets(%arg13 : memref<32xi32, #tpu.memory_space<vmem>>) semaphore(%arg45 : memref<!tpu.dma_semaphore, #tpu.memory_space<semaphore_mem>>) {add = true}
      %add3A_792 = arith.constant 6 : i32
      %add3A_793 = arith.addi %mul3A_567, %add3A_792 : i32
      %mul3A_794 = arith.constant 32 : i32
      %mul3A_795 = arith.muli %add3A_793, %mul3A_794 : i32
      %add3A_796 = arith.addi %mul3A_7, %mul3A_795 : i32
      %dma_wait3A_797 = tpu.memref_slice %arg3[%add3A_796] : memref<163840xi32, #tpu.memory_space<hbm>> -> memref<32xi32, #tpu.memory_space<hbm>>
      %dma_wait3A_798 = tpu.memref_slice %arg3[%add3A_796] : memref<163840xi32, #tpu.memory_space<hbm>> -> memref<32xi32, #tpu.memory_space<hbm>>
      tpu.wait_dma2 semaphore(%arg30 : memref<!tpu.dma_semaphore, #tpu.memory_space<semaphore_mem>>) src(%dma_wait3A_798 : memref<32xi32, #tpu.memory_space<hbm>>) dst(%arg14 : memref<32xi32, #tpu.memory_space<vmem>>)
      %mul3A_799 = arith.constant 32 : i32
      %mul3A_800 = arith.muli %add3A_793, %mul3A_799 : i32
      %dma_wait3A_801 = tpu.memref_slice %arg7[%mul3A_800] : memref<10240xi32, #tpu.memory_space<vmem>> -> memref<32xi32, #tpu.memory_space<vmem>>
      %dma_wait3A_802 = arith.constant 0 : i32
      %dma_wait3A_803 = arith.constant 0 : i32
      %dma_wait3A_804 = tpu.memref_slice %arg4[%dma_wait3A_802, %dma_wait3A_803] : memref<40960x128xf32, #tpu.memory_space<hbm>> -> memref<40960x128xf32, #tpu.memory_space<hbm>>
      tpu.wait_indirect_dma semaphore(%arg38 : memref<!tpu.dma_semaphore, #tpu.memory_space<semaphore_mem>>) src(%dma_wait3A_804 : memref<40960x128xf32, #tpu.memory_space<hbm>>) dst(%arg22 : memref<32x128xf32, #tpu.memory_space<vmem>>)
      %dma_start3A_805 = arith.constant 0 : i32
      %dma_start3A_806 = arith.constant 0 : i32
      %dma_start3A_807 = tpu.memref_slice %arg48[%dma_start3A_805, %dma_start3A_806] : memref<10240x128xf32, #tpu.memory_space<vmem_shared>> -> memref<10240x128xf32, #tpu.memory_space<vmem_shared>>
      tpu.enqueue_indirect_dma source(%arg22 : memref<32x128xf32, #tpu.memory_space<vmem>>) target(%dma_start3A_807 : memref<10240x128xf32, #tpu.memory_space<vmem_shared>>) offsets(%arg14 : memref<32xi32, #tpu.memory_space<vmem>>) semaphore(%arg46 : memref<!tpu.dma_semaphore, #tpu.memory_space<semaphore_mem>>) {add = true}
      %add3A_808 = arith.constant 7 : i32
      %add3A_809 = arith.addi %mul3A_567, %add3A_808 : i32
      %mul3A_810 = arith.constant 32 : i32
      %mul3A_811 = arith.muli %add3A_809, %mul3A_810 : i32
      %add3A_812 = arith.addi %mul3A_7, %mul3A_811 : i32
      %dma_wait3A_813 = tpu.memref_slice %arg3[%add3A_812] : memref<163840xi32, #tpu.memory_space<hbm>> -> memref<32xi32, #tpu.memory_space<hbm>>
      %dma_wait3A_814 = tpu.memref_slice %arg3[%add3A_812] : memref<163840xi32, #tpu.memory_space<hbm>> -> memref<32xi32, #tpu.memory_space<hbm>>
      tpu.wait_dma2 semaphore(%arg31 : memref<!tpu.dma_semaphore, #tpu.memory_space<semaphore_mem>>) src(%dma_wait3A_814 : memref<32xi32, #tpu.memory_space<hbm>>) dst(%arg15 : memref<32xi32, #tpu.memory_space<vmem>>)
      %mul3A_815 = arith.constant 32 : i32
      %mul3A_816 = arith.muli %add3A_809, %mul3A_815 : i32
      %dma_wait3A_817 = tpu.memref_slice %arg7[%mul3A_816] : memref<10240xi32, #tpu.memory_space<vmem>> -> memref<32xi32, #tpu.memory_space<vmem>>
      %dma_wait3A_818 = arith.constant 0 : i32
      %dma_wait3A_819 = arith.constant 0 : i32
      %dma_wait3A_820 = tpu.memref_slice %arg4[%dma_wait3A_818, %dma_wait3A_819] : memref<40960x128xf32, #tpu.memory_space<hbm>> -> memref<40960x128xf32, #tpu.memory_space<hbm>>
      tpu.wait_indirect_dma semaphore(%arg39 : memref<!tpu.dma_semaphore, #tpu.memory_space<semaphore_mem>>) src(%dma_wait3A_820 : memref<40960x128xf32, #tpu.memory_space<hbm>>) dst(%arg23 : memref<32x128xf32, #tpu.memory_space<vmem>>)
      %dma_start3A_821 = arith.constant 0 : i32
      %dma_start3A_822 = arith.constant 0 : i32
      %dma_start3A_823 = tpu.memref_slice %arg48[%dma_start3A_821, %dma_start3A_822] : memref<10240x128xf32, #tpu.memory_space<vmem_shared>> -> memref<10240x128xf32, #tpu.memory_space<vmem_shared>>
      tpu.enqueue_indirect_dma source(%arg23 : memref<32x128xf32, #tpu.memory_space<vmem>>) target(%dma_start3A_823 : memref<10240x128xf32, #tpu.memory_space<vmem_shared>>) offsets(%arg15 : memref<32xi32, #tpu.memory_space<vmem>>) semaphore(%arg47 : memref<!tpu.dma_semaphore, #tpu.memory_space<semaphore_mem>>) {add = true}
      %scan3A_824 = arith.constant 0 : i32
      scf.yield %scan3A_824 : i32
    }
    %scan3A_248 = arith.constant 39 : i32
    %dma_wait3A_249 = arith.constant 0 : i32
    %dma_wait3A_250 = arith.constant 0 : i32
    %dma_wait3A_251 = tpu.memref_slice %arg48[%dma_wait3A_249, %dma_wait3A_250] : memref<10240x128xf32, #tpu.memory_space<vmem_shared>> -> memref<10240x128xf32, #tpu.memory_space<vmem_shared>>
    tpu.wait_indirect_dma semaphore(%arg40 : memref<!tpu.dma_semaphore, #tpu.memory_space<semaphore_mem>>) src(%arg16 : memref<32x128xf32, #tpu.memory_space<vmem>>) dst(%dma_wait3A_251 : memref<10240x128xf32, #tpu.memory_space<vmem_shared>>)
    %dma_wait3A_252 = arith.constant 0 : i32
    %dma_wait3A_253 = arith.constant 0 : i32
    %dma_wait3A_254 = tpu.memref_slice %arg48[%dma_wait3A_252, %dma_wait3A_253] : memref<10240x128xf32, #tpu.memory_space<vmem_shared>> -> memref<10240x128xf32, #tpu.memory_space<vmem_shared>>
    tpu.wait_indirect_dma semaphore(%arg41 : memref<!tpu.dma_semaphore, #tpu.memory_space<semaphore_mem>>) src(%arg17 : memref<32x128xf32, #tpu.memory_space<vmem>>) dst(%dma_wait3A_254 : memref<10240x128xf32, #tpu.memory_space<vmem_shared>>)
    %dma_wait3A_255 = arith.constant 0 : i32
    %dma_wait3A_256 = arith.constant 0 : i32
    %dma_wait3A_257 = tpu.memref_slice %arg48[%dma_wait3A_255, %dma_wait3A_256] : memref<10240x128xf32, #tpu.memory_space<vmem_shared>> -> memref<10240x128xf32, #tpu.memory_space<vmem_shared>>
    tpu.wait_indirect_dma semaphore(%arg42 : memref<!tpu.dma_semaphore, #tpu.memory_space<semaphore_mem>>) src(%arg18 : memref<32x128xf32, #tpu.memory_space<vmem>>) dst(%dma_wait3A_257 : memref<10240x128xf32, #tpu.memory_space<vmem_shared>>)
    %dma_wait3A_258 = arith.constant 0 : i32
    %dma_wait3A_259 = arith.constant 0 : i32
    %dma_wait3A_260 = tpu.memref_slice %arg48[%dma_wait3A_258, %dma_wait3A_259] : memref<10240x128xf32, #tpu.memory_space<vmem_shared>> -> memref<10240x128xf32, #tpu.memory_space<vmem_shared>>
    tpu.wait_indirect_dma semaphore(%arg43 : memref<!tpu.dma_semaphore, #tpu.memory_space<semaphore_mem>>) src(%arg19 : memref<32x128xf32, #tpu.memory_space<vmem>>) dst(%dma_wait3A_260 : memref<10240x128xf32, #tpu.memory_space<vmem_shared>>)
    %dma_wait3A_261 = arith.constant 0 : i32
    %dma_wait3A_262 = arith.constant 0 : i32
    %dma_wait3A_263 = tpu.memref_slice %arg48[%dma_wait3A_261, %dma_wait3A_262] : memref<10240x128xf32, #tpu.memory_space<vmem_shared>> -> memref<10240x128xf32, #tpu.memory_space<vmem_shared>>
    tpu.wait_indirect_dma semaphore(%arg44 : memref<!tpu.dma_semaphore, #tpu.memory_space<semaphore_mem>>) src(%arg20 : memref<32x128xf32, #tpu.memory_space<vmem>>) dst(%dma_wait3A_263 : memref<10240x128xf32, #tpu.memory_space<vmem_shared>>)
    %dma_wait3A_264 = arith.constant 0 : i32
    %dma_wait3A_265 = arith.constant 0 : i32
    %dma_wait3A_266 = tpu.memref_slice %arg48[%dma_wait3A_264, %dma_wait3A_265] : memref<10240x128xf32, #tpu.memory_space<vmem_shared>> -> memref<10240x128xf32, #tpu.memory_space<vmem_shared>>
    tpu.wait_indirect_dma semaphore(%arg45 : memref<!tpu.dma_semaphore, #tpu.memory_space<semaphore_mem>>) src(%arg21 : memref<32x128xf32, #tpu.memory_space<vmem>>) dst(%dma_wait3A_266 : memref<10240x128xf32, #tpu.memory_space<vmem_shared>>)
    %dma_wait3A_267 = arith.constant 0 : i32
    %dma_wait3A_268 = arith.constant 0 : i32
    %dma_wait3A_269 = tpu.memref_slice %arg48[%dma_wait3A_267, %dma_wait3A_268] : memref<10240x128xf32, #tpu.memory_space<vmem_shared>> -> memref<10240x128xf32, #tpu.memory_space<vmem_shared>>
    tpu.wait_indirect_dma semaphore(%arg46 : memref<!tpu.dma_semaphore, #tpu.memory_space<semaphore_mem>>) src(%arg22 : memref<32x128xf32, #tpu.memory_space<vmem>>) dst(%dma_wait3A_269 : memref<10240x128xf32, #tpu.memory_space<vmem_shared>>)
    %dma_wait3A_270 = arith.constant 0 : i32
    %dma_wait3A_271 = arith.constant 0 : i32
    %dma_wait3A_272 = tpu.memref_slice %arg48[%dma_wait3A_270, %dma_wait3A_271] : memref<10240x128xf32, #tpu.memory_space<vmem_shared>> -> memref<10240x128xf32, #tpu.memory_space<vmem_shared>>
    tpu.wait_indirect_dma semaphore(%arg47 : memref<!tpu.dma_semaphore, #tpu.memory_space<semaphore_mem>>) src(%arg23 : memref<32x128xf32, #tpu.memory_space<vmem>>) dst(%dma_wait3A_272 : memref<10240x128xf32, #tpu.memory_space<vmem_shared>>)
    %barrier3A_273 = arith.constant 0 : index
    tpu.barrier barrier_id(%barrier3A_273)
    %mul3A_274 = arith.constant 640 : i32
    %mul3A_275 = arith.muli %arg1, %mul3A_274 : i32
    %mul3A_276 = arith.constant 640 : i32
    %mul3A_277 = arith.muli %arg1, %mul3A_276 : i32
    %add3A_278 = arith.addi %mul3A_11, %mul3A_277 : i32
    "tpu.region"() ({
      %run_scoped3A = tpu.sem_alloc : memref<!tpu.dma_semaphore, #tpu.memory_space<semaphore_mem>>
      %dma_start3A_564 = arith.constant 0 : i32
      %dma_start3A_565 = tpu.memref_slice %arg6[%add3A_278, %dma_start3A_564] : memref<40960x128xf32, #tpu.memory_space<hbm>> -> memref<640x128xf32, #tpu.memory_space<hbm>>
      %dma_start3A_566 = arith.constant 0 : i32
      %dma_start3A_567 = tpu.memref_slice %arg48[%mul3A_275, %dma_start3A_566] : memref<10240x128xf32, #tpu.memory_space<vmem_shared>> -> memref<640x128xf32, #tpu.memory_space<vmem_shared>>
      tpu.enqueue_dma source(%dma_start3A_567 : memref<640x128xf32, #tpu.memory_space<vmem_shared>>) target(%dma_start3A_565 : memref<640x128xf32, #tpu.memory_space<hbm>>) target_semaphore(%run_scoped3A : memref<!tpu.dma_semaphore, #tpu.memory_space<semaphore_mem>>)
      %dma_wait3A_568 = arith.constant 0 : i32
      %dma_wait3A_569 = tpu.memref_slice %arg6[%add3A_278, %dma_wait3A_568] : memref<40960x128xf32, #tpu.memory_space<hbm>> -> memref<640x128xf32, #tpu.memory_space<hbm>>
      %dma_wait3A_570 = arith.constant 0 : i32
      %dma_wait3A_571 = tpu.memref_slice %arg48[%mul3A_275, %dma_wait3A_570] : memref<10240x128xf32, #tpu.memory_space<vmem_shared>> -> memref<640x128xf32, #tpu.memory_space<vmem_shared>>
      tpu.wait_dma2 semaphore(%run_scoped3A : memref<!tpu.dma_semaphore, #tpu.memory_space<semaphore_mem>>) src(%dma_wait3A_571 : memref<640x128xf32, #tpu.memory_space<vmem_shared>>) dst(%dma_wait3A_569 : memref<640x128xf32, #tpu.memory_space<hbm>>)
      tpu.yield
    }) : () -> ()
    %mul3A_279 = arith.constant 640 : i32
    %mul3A_280 = arith.muli %arg1, %mul3A_279 : i32
    %mul3A_281 = arith.constant 640 : i32
    %mul3A_282 = arith.muli %arg1, %mul3A_281 : i32
    "tpu.region"() ({
      %run_scoped3A = tpu.sem_alloc : memref<!tpu.dma_semaphore, #tpu.memory_space<semaphore_mem>>
      %dma_start3A_564 = arith.constant 0 : i32
      %dma_start3A_565 = tpu.memref_slice %arg48[%mul3A_282, %dma_start3A_564] : memref<10240x128xf32, #tpu.memory_space<vmem_shared>> -> memref<640x128xf32, #tpu.memory_space<vmem_shared>>
      %dma_start3A_566 = arith.constant 0 : i32
      %dma_start3A_567 = tpu.memref_slice %arg5[%mul3A_280, %dma_start3A_566] : memref<10240x128xf32, #tpu.memory_space<hbm>> -> memref<640x128xf32, #tpu.memory_space<hbm>>
      tpu.enqueue_dma source(%dma_start3A_567 : memref<640x128xf32, #tpu.memory_space<hbm>>) target(%dma_start3A_565 : memref<640x128xf32, #tpu.memory_space<vmem_shared>>) target_semaphore(%run_scoped3A : memref<!tpu.dma_semaphore, #tpu.memory_space<semaphore_mem>>)
      %dma_wait3A_568 = arith.constant 0 : i32
      %dma_wait3A_569 = tpu.memref_slice %arg48[%mul3A_282, %dma_wait3A_568] : memref<10240x128xf32, #tpu.memory_space<vmem_shared>> -> memref<640x128xf32, #tpu.memory_space<vmem_shared>>
      %dma_wait3A_570 = arith.constant 0 : i32
      %dma_wait3A_571 = tpu.memref_slice %arg5[%mul3A_280, %dma_wait3A_570] : memref<10240x128xf32, #tpu.memory_space<hbm>> -> memref<640x128xf32, #tpu.memory_space<hbm>>
      tpu.wait_dma2 semaphore(%run_scoped3A : memref<!tpu.dma_semaphore, #tpu.memory_space<semaphore_mem>>) src(%dma_wait3A_571 : memref<640x128xf32, #tpu.memory_space<hbm>>) dst(%dma_wait3A_569 : memref<640x128xf32, #tpu.memory_space<vmem_shared>>)
      tpu.yield
    }) : () -> ()
    %mul3A_283 = arith.constant 2 : i32
    %mul3A_284 = arith.muli %arg0, %mul3A_283 : i32
    %add3A_285 = arith.constant 1 : i32
    %add3A_286 = arith.addi %mul3A_284, %add3A_285 : i32
    %mul3A_287 = arith.constant 10240 : i32
    %mul3A_288 = arith.muli %arg1, %mul3A_287 : i32
    %mul3A_289 = arith.constant 163840 : i32
    %mul3A_290 = arith.muli %add3A_286, %mul3A_289 : i32
    %mul3A_291 = arith.constant 10240 : i32
    %mul3A_292 = arith.muli %add3A_286, %mul3A_291 : i32
    %add3A_293 = arith.addi %mul3A_290, %mul3A_288 : i32
    "tpu.region"() ({
      %run_scoped3A = tpu.sem_alloc : memref<!tpu.dma_semaphore, #tpu.memory_space<semaphore_mem>>
      %dma_start3A_564 = tpu.memref_slice %arg2[%add3A_293] : memref<655360xi32, #tpu.memory_space<hbm>> -> memref<10240xi32, #tpu.memory_space<hbm>>
      %dma_start3A_565 = tpu.memref_slice %arg2[%add3A_293] : memref<655360xi32, #tpu.memory_space<hbm>> -> memref<10240xi32, #tpu.memory_space<hbm>>
      tpu.enqueue_dma source(%dma_start3A_565 : memref<10240xi32, #tpu.memory_space<hbm>>) target(%arg7 : memref<10240xi32, #tpu.memory_space<vmem>>) target_semaphore(%run_scoped3A : memref<!tpu.dma_semaphore, #tpu.memory_space<semaphore_mem>>)
      %dma_wait3A_566 = tpu.memref_slice %arg2[%add3A_293] : memref<655360xi32, #tpu.memory_space<hbm>> -> memref<10240xi32, #tpu.memory_space<hbm>>
      %dma_wait3A_567 = tpu.memref_slice %arg2[%add3A_293] : memref<655360xi32, #tpu.memory_space<hbm>> -> memref<10240xi32, #tpu.memory_space<hbm>>
      tpu.wait_dma2 semaphore(%run_scoped3A : memref<!tpu.dma_semaphore, #tpu.memory_space<semaphore_mem>>) src(%dma_wait3A_567 : memref<10240xi32, #tpu.memory_space<hbm>>) dst(%arg7 : memref<10240xi32, #tpu.memory_space<vmem>>)
      tpu.yield
    }) : () -> ()
    %barrier3A_294 = arith.constant 0 : index
    tpu.barrier barrier_id(%barrier3A_294)
    %mul3A_295 = arith.constant 0 : i32
    %mul3A_296 = arith.constant 32 : i32
    %mul3A_297 = arith.muli %mul3A_295, %mul3A_296 : i32
    %add3A_298 = arith.addi %mul3A_288, %mul3A_297 : i32
    %dma_start3A_299 = tpu.memref_slice %arg3[%add3A_298] : memref<163840xi32, #tpu.memory_space<hbm>> -> memref<32xi32, #tpu.memory_space<hbm>>
    %dma_start3A_300 = tpu.memref_slice %arg3[%add3A_298] : memref<163840xi32, #tpu.memory_space<hbm>> -> memref<32xi32, #tpu.memory_space<hbm>>
    tpu.enqueue_dma source(%dma_start3A_300 : memref<32xi32, #tpu.memory_space<hbm>>) target(%arg8 : memref<32xi32, #tpu.memory_space<vmem>>) target_semaphore(%arg24 : memref<!tpu.dma_semaphore, #tpu.memory_space<semaphore_mem>>)
    %mul3A_301 = arith.constant 0 : i32
    %mul3A_302 = arith.constant 32 : i32
    %mul3A_303 = arith.muli %mul3A_301, %mul3A_302 : i32
    %dma_start3A_304 = tpu.memref_slice %arg7[%mul3A_303] : memref<10240xi32, #tpu.memory_space<vmem>> -> memref<32xi32, #tpu.memory_space<vmem>>
    %dma_start3A_305 = arith.constant 0 : i32
    %dma_start3A_306 = arith.constant 0 : i32
    %dma_start3A_307 = tpu.memref_slice %arg4[%dma_start3A_305, %dma_start3A_306] : memref<40960x128xf32, #tpu.memory_space<hbm>> -> memref<40960x128xf32, #tpu.memory_space<hbm>>
    tpu.enqueue_indirect_dma source(%dma_start3A_307 : memref<40960x128xf32, #tpu.memory_space<hbm>>) target(%arg16 : memref<32x128xf32, #tpu.memory_space<vmem>>) offsets(%dma_start3A_304 : memref<32xi32, #tpu.memory_space<vmem>>) semaphore(%arg32 : memref<!tpu.dma_semaphore, #tpu.memory_space<semaphore_mem>>)
    %mul3A_308 = arith.constant 1 : i32
    %mul3A_309 = arith.constant 32 : i32
    %mul3A_310 = arith.muli %mul3A_308, %mul3A_309 : i32
    %add3A_311 = arith.addi %mul3A_288, %mul3A_310 : i32
    %dma_start3A_312 = tpu.memref_slice %arg3[%add3A_311] : memref<163840xi32, #tpu.memory_space<hbm>> -> memref<32xi32, #tpu.memory_space<hbm>>
    %dma_start3A_313 = tpu.memref_slice %arg3[%add3A_311] : memref<163840xi32, #tpu.memory_space<hbm>> -> memref<32xi32, #tpu.memory_space<hbm>>
    tpu.enqueue_dma source(%dma_start3A_313 : memref<32xi32, #tpu.memory_space<hbm>>) target(%arg9 : memref<32xi32, #tpu.memory_space<vmem>>) target_semaphore(%arg25 : memref<!tpu.dma_semaphore, #tpu.memory_space<semaphore_mem>>)
    %mul3A_314 = arith.constant 1 : i32
    %mul3A_315 = arith.constant 32 : i32
    %mul3A_316 = arith.muli %mul3A_314, %mul3A_315 : i32
    %dma_start3A_317 = tpu.memref_slice %arg7[%mul3A_316] : memref<10240xi32, #tpu.memory_space<vmem>> -> memref<32xi32, #tpu.memory_space<vmem>>
    %dma_start3A_318 = arith.constant 0 : i32
    %dma_start3A_319 = arith.constant 0 : i32
    %dma_start3A_320 = tpu.memref_slice %arg4[%dma_start3A_318, %dma_start3A_319] : memref<40960x128xf32, #tpu.memory_space<hbm>> -> memref<40960x128xf32, #tpu.memory_space<hbm>>
    tpu.enqueue_indirect_dma source(%dma_start3A_320 : memref<40960x128xf32, #tpu.memory_space<hbm>>) target(%arg17 : memref<32x128xf32, #tpu.memory_space<vmem>>) offsets(%dma_start3A_317 : memref<32xi32, #tpu.memory_space<vmem>>) semaphore(%arg33 : memref<!tpu.dma_semaphore, #tpu.memory_space<semaphore_mem>>)
    %mul3A_321 = arith.constant 2 : i32
    %mul3A_322 = arith.constant 32 : i32
    %mul3A_323 = arith.muli %mul3A_321, %mul3A_322 : i32
    %add3A_324 = arith.addi %mul3A_288, %mul3A_323 : i32
    %dma_start3A_325 = tpu.memref_slice %arg3[%add3A_324] : memref<163840xi32, #tpu.memory_space<hbm>> -> memref<32xi32, #tpu.memory_space<hbm>>
    %dma_start3A_326 = tpu.memref_slice %arg3[%add3A_324] : memref<163840xi32, #tpu.memory_space<hbm>> -> memref<32xi32, #tpu.memory_space<hbm>>
    tpu.enqueue_dma source(%dma_start3A_326 : memref<32xi32, #tpu.memory_space<hbm>>) target(%arg10 : memref<32xi32, #tpu.memory_space<vmem>>) target_semaphore(%arg26 : memref<!tpu.dma_semaphore, #tpu.memory_space<semaphore_mem>>)
    %mul3A_327 = arith.constant 2 : i32
    %mul3A_328 = arith.constant 32 : i32
    %mul3A_329 = arith.muli %mul3A_327, %mul3A_328 : i32
    %dma_start3A_330 = tpu.memref_slice %arg7[%mul3A_329] : memref<10240xi32, #tpu.memory_space<vmem>> -> memref<32xi32, #tpu.memory_space<vmem>>
    %dma_start3A_331 = arith.constant 0 : i32
    %dma_start3A_332 = arith.constant 0 : i32
    %dma_start3A_333 = tpu.memref_slice %arg4[%dma_start3A_331, %dma_start3A_332] : memref<40960x128xf32, #tpu.memory_space<hbm>> -> memref<40960x128xf32, #tpu.memory_space<hbm>>
    tpu.enqueue_indirect_dma source(%dma_start3A_333 : memref<40960x128xf32, #tpu.memory_space<hbm>>) target(%arg18 : memref<32x128xf32, #tpu.memory_space<vmem>>) offsets(%dma_start3A_330 : memref<32xi32, #tpu.memory_space<vmem>>) semaphore(%arg34 : memref<!tpu.dma_semaphore, #tpu.memory_space<semaphore_mem>>)
    %mul3A_334 = arith.constant 3 : i32
    %mul3A_335 = arith.constant 32 : i32
    %mul3A_336 = arith.muli %mul3A_334, %mul3A_335 : i32
    %add3A_337 = arith.addi %mul3A_288, %mul3A_336 : i32
    %dma_start3A_338 = tpu.memref_slice %arg3[%add3A_337] : memref<163840xi32, #tpu.memory_space<hbm>> -> memref<32xi32, #tpu.memory_space<hbm>>
    %dma_start3A_339 = tpu.memref_slice %arg3[%add3A_337] : memref<163840xi32, #tpu.memory_space<hbm>> -> memref<32xi32, #tpu.memory_space<hbm>>
    tpu.enqueue_dma source(%dma_start3A_339 : memref<32xi32, #tpu.memory_space<hbm>>) target(%arg11 : memref<32xi32, #tpu.memory_space<vmem>>) target_semaphore(%arg27 : memref<!tpu.dma_semaphore, #tpu.memory_space<semaphore_mem>>)
    %mul3A_340 = arith.constant 3 : i32
    %mul3A_341 = arith.constant 32 : i32
    %mul3A_342 = arith.muli %mul3A_340, %mul3A_341 : i32
    %dma_start3A_343 = tpu.memref_slice %arg7[%mul3A_342] : memref<10240xi32, #tpu.memory_space<vmem>> -> memref<32xi32, #tpu.memory_space<vmem>>
    %dma_start3A_344 = arith.constant 0 : i32
    %dma_start3A_345 = arith.constant 0 : i32
    %dma_start3A_346 = tpu.memref_slice %arg4[%dma_start3A_344, %dma_start3A_345] : memref<40960x128xf32, #tpu.memory_space<hbm>> -> memref<40960x128xf32, #tpu.memory_space<hbm>>
    tpu.enqueue_indirect_dma source(%dma_start3A_346 : memref<40960x128xf32, #tpu.memory_space<hbm>>) target(%arg19 : memref<32x128xf32, #tpu.memory_space<vmem>>) offsets(%dma_start3A_343 : memref<32xi32, #tpu.memory_space<vmem>>) semaphore(%arg35 : memref<!tpu.dma_semaphore, #tpu.memory_space<semaphore_mem>>)
    %mul3A_347 = arith.constant 4 : i32
    %mul3A_348 = arith.constant 32 : i32
    %mul3A_349 = arith.muli %mul3A_347, %mul3A_348 : i32
    %add3A_350 = arith.addi %mul3A_288, %mul3A_349 : i32
    %dma_start3A_351 = tpu.memref_slice %arg3[%add3A_350] : memref<163840xi32, #tpu.memory_space<hbm>> -> memref<32xi32, #tpu.memory_space<hbm>>
    %dma_start3A_352 = tpu.memref_slice %arg3[%add3A_350] : memref<163840xi32, #tpu.memory_space<hbm>> -> memref<32xi32, #tpu.memory_space<hbm>>
    tpu.enqueue_dma source(%dma_start3A_352 : memref<32xi32, #tpu.memory_space<hbm>>) target(%arg12 : memref<32xi32, #tpu.memory_space<vmem>>) target_semaphore(%arg28 : memref<!tpu.dma_semaphore, #tpu.memory_space<semaphore_mem>>)
    %mul3A_353 = arith.constant 4 : i32
    %mul3A_354 = arith.constant 32 : i32
    %mul3A_355 = arith.muli %mul3A_353, %mul3A_354 : i32
    %dma_start3A_356 = tpu.memref_slice %arg7[%mul3A_355] : memref<10240xi32, #tpu.memory_space<vmem>> -> memref<32xi32, #tpu.memory_space<vmem>>
    %dma_start3A_357 = arith.constant 0 : i32
    %dma_start3A_358 = arith.constant 0 : i32
    %dma_start3A_359 = tpu.memref_slice %arg4[%dma_start3A_357, %dma_start3A_358] : memref<40960x128xf32, #tpu.memory_space<hbm>> -> memref<40960x128xf32, #tpu.memory_space<hbm>>
    tpu.enqueue_indirect_dma source(%dma_start3A_359 : memref<40960x128xf32, #tpu.memory_space<hbm>>) target(%arg20 : memref<32x128xf32, #tpu.memory_space<vmem>>) offsets(%dma_start3A_356 : memref<32xi32, #tpu.memory_space<vmem>>) semaphore(%arg36 : memref<!tpu.dma_semaphore, #tpu.memory_space<semaphore_mem>>)
    %mul3A_360 = arith.constant 5 : i32
    %mul3A_361 = arith.constant 32 : i32
    %mul3A_362 = arith.muli %mul3A_360, %mul3A_361 : i32
    %add3A_363 = arith.addi %mul3A_288, %mul3A_362 : i32
    %dma_start3A_364 = tpu.memref_slice %arg3[%add3A_363] : memref<163840xi32, #tpu.memory_space<hbm>> -> memref<32xi32, #tpu.memory_space<hbm>>
    %dma_start3A_365 = tpu.memref_slice %arg3[%add3A_363] : memref<163840xi32, #tpu.memory_space<hbm>> -> memref<32xi32, #tpu.memory_space<hbm>>
    tpu.enqueue_dma source(%dma_start3A_365 : memref<32xi32, #tpu.memory_space<hbm>>) target(%arg13 : memref<32xi32, #tpu.memory_space<vmem>>) target_semaphore(%arg29 : memref<!tpu.dma_semaphore, #tpu.memory_space<semaphore_mem>>)
    %mul3A_366 = arith.constant 5 : i32
    %mul3A_367 = arith.constant 32 : i32
    %mul3A_368 = arith.muli %mul3A_366, %mul3A_367 : i32
    %dma_start3A_369 = tpu.memref_slice %arg7[%mul3A_368] : memref<10240xi32, #tpu.memory_space<vmem>> -> memref<32xi32, #tpu.memory_space<vmem>>
    %dma_start3A_370 = arith.constant 0 : i32
    %dma_start3A_371 = arith.constant 0 : i32
    %dma_start3A_372 = tpu.memref_slice %arg4[%dma_start3A_370, %dma_start3A_371] : memref<40960x128xf32, #tpu.memory_space<hbm>> -> memref<40960x128xf32, #tpu.memory_space<hbm>>
    tpu.enqueue_indirect_dma source(%dma_start3A_372 : memref<40960x128xf32, #tpu.memory_space<hbm>>) target(%arg21 : memref<32x128xf32, #tpu.memory_space<vmem>>) offsets(%dma_start3A_369 : memref<32xi32, #tpu.memory_space<vmem>>) semaphore(%arg37 : memref<!tpu.dma_semaphore, #tpu.memory_space<semaphore_mem>>)
    %mul3A_373 = arith.constant 6 : i32
    %mul3A_374 = arith.constant 32 : i32
    %mul3A_375 = arith.muli %mul3A_373, %mul3A_374 : i32
    %add3A_376 = arith.addi %mul3A_288, %mul3A_375 : i32
    %dma_start3A_377 = tpu.memref_slice %arg3[%add3A_376] : memref<163840xi32, #tpu.memory_space<hbm>> -> memref<32xi32, #tpu.memory_space<hbm>>
    %dma_start3A_378 = tpu.memref_slice %arg3[%add3A_376] : memref<163840xi32, #tpu.memory_space<hbm>> -> memref<32xi32, #tpu.memory_space<hbm>>
    tpu.enqueue_dma source(%dma_start3A_378 : memref<32xi32, #tpu.memory_space<hbm>>) target(%arg14 : memref<32xi32, #tpu.memory_space<vmem>>) target_semaphore(%arg30 : memref<!tpu.dma_semaphore, #tpu.memory_space<semaphore_mem>>)
    %mul3A_379 = arith.constant 6 : i32
    %mul3A_380 = arith.constant 32 : i32
    %mul3A_381 = arith.muli %mul3A_379, %mul3A_380 : i32
    %dma_start3A_382 = tpu.memref_slice %arg7[%mul3A_381] : memref<10240xi32, #tpu.memory_space<vmem>> -> memref<32xi32, #tpu.memory_space<vmem>>
    %dma_start3A_383 = arith.constant 0 : i32
    %dma_start3A_384 = arith.constant 0 : i32
    %dma_start3A_385 = tpu.memref_slice %arg4[%dma_start3A_383, %dma_start3A_384] : memref<40960x128xf32, #tpu.memory_space<hbm>> -> memref<40960x128xf32, #tpu.memory_space<hbm>>
    tpu.enqueue_indirect_dma source(%dma_start3A_385 : memref<40960x128xf32, #tpu.memory_space<hbm>>) target(%arg22 : memref<32x128xf32, #tpu.memory_space<vmem>>) offsets(%dma_start3A_382 : memref<32xi32, #tpu.memory_space<vmem>>) semaphore(%arg38 : memref<!tpu.dma_semaphore, #tpu.memory_space<semaphore_mem>>)
    %mul3A_386 = arith.constant 7 : i32
    %mul3A_387 = arith.constant 32 : i32
    %mul3A_388 = arith.muli %mul3A_386, %mul3A_387 : i32
    %add3A_389 = arith.addi %mul3A_288, %mul3A_388 : i32
    %dma_start3A_390 = tpu.memref_slice %arg3[%add3A_389] : memref<163840xi32, #tpu.memory_space<hbm>> -> memref<32xi32, #tpu.memory_space<hbm>>
    %dma_start3A_391 = tpu.memref_slice %arg3[%add3A_389] : memref<163840xi32, #tpu.memory_space<hbm>> -> memref<32xi32, #tpu.memory_space<hbm>>
    tpu.enqueue_dma source(%dma_start3A_391 : memref<32xi32, #tpu.memory_space<hbm>>) target(%arg15 : memref<32xi32, #tpu.memory_space<vmem>>) target_semaphore(%arg31 : memref<!tpu.dma_semaphore, #tpu.memory_space<semaphore_mem>>)
    %mul3A_392 = arith.constant 7 : i32
    %mul3A_393 = arith.constant 32 : i32
    %mul3A_394 = arith.muli %mul3A_392, %mul3A_393 : i32
    %dma_start3A_395 = tpu.memref_slice %arg7[%mul3A_394] : memref<10240xi32, #tpu.memory_space<vmem>> -> memref<32xi32, #tpu.memory_space<vmem>>
    %dma_start3A_396 = arith.constant 0 : i32
    %dma_start3A_397 = arith.constant 0 : i32
    %dma_start3A_398 = tpu.memref_slice %arg4[%dma_start3A_396, %dma_start3A_397] : memref<40960x128xf32, #tpu.memory_space<hbm>> -> memref<40960x128xf32, #tpu.memory_space<hbm>>
    tpu.enqueue_indirect_dma source(%dma_start3A_398 : memref<40960x128xf32, #tpu.memory_space<hbm>>) target(%arg23 : memref<32x128xf32, #tpu.memory_space<vmem>>) offsets(%dma_start3A_395 : memref<32xi32, #tpu.memory_space<vmem>>) semaphore(%arg39 : memref<!tpu.dma_semaphore, #tpu.memory_space<semaphore_mem>>)
    %mul3A_399 = arith.constant 0 : i32
    %mul3A_400 = arith.constant 32 : i32
    %mul3A_401 = arith.muli %mul3A_399, %mul3A_400 : i32
    %add3A_402 = arith.addi %mul3A_288, %mul3A_401 : i32
    %dma_wait3A_403 = tpu.memref_slice %arg3[%add3A_402] : memref<163840xi32, #tpu.memory_space<hbm>> -> memref<32xi32, #tpu.memory_space<hbm>>
    %dma_wait3A_404 = tpu.memref_slice %arg3[%add3A_402] : memref<163840xi32, #tpu.memory_space<hbm>> -> memref<32xi32, #tpu.memory_space<hbm>>
    tpu.wait_dma2 semaphore(%arg24 : memref<!tpu.dma_semaphore, #tpu.memory_space<semaphore_mem>>) src(%dma_wait3A_404 : memref<32xi32, #tpu.memory_space<hbm>>) dst(%arg8 : memref<32xi32, #tpu.memory_space<vmem>>)
    %mul3A_405 = arith.constant 0 : i32
    %mul3A_406 = arith.constant 32 : i32
    %mul3A_407 = arith.muli %mul3A_405, %mul3A_406 : i32
    %dma_wait3A_408 = tpu.memref_slice %arg7[%mul3A_407] : memref<10240xi32, #tpu.memory_space<vmem>> -> memref<32xi32, #tpu.memory_space<vmem>>
    %dma_wait3A_409 = arith.constant 0 : i32
    %dma_wait3A_410 = arith.constant 0 : i32
    %dma_wait3A_411 = tpu.memref_slice %arg4[%dma_wait3A_409, %dma_wait3A_410] : memref<40960x128xf32, #tpu.memory_space<hbm>> -> memref<40960x128xf32, #tpu.memory_space<hbm>>
    tpu.wait_indirect_dma semaphore(%arg32 : memref<!tpu.dma_semaphore, #tpu.memory_space<semaphore_mem>>) src(%dma_wait3A_411 : memref<40960x128xf32, #tpu.memory_space<hbm>>) dst(%arg16 : memref<32x128xf32, #tpu.memory_space<vmem>>)
    %dma_start3A_412 = arith.constant 0 : i32
    %dma_start3A_413 = arith.constant 0 : i32
    %dma_start3A_414 = tpu.memref_slice %arg48[%dma_start3A_412, %dma_start3A_413] : memref<10240x128xf32, #tpu.memory_space<vmem_shared>> -> memref<10240x128xf32, #tpu.memory_space<vmem_shared>>
    tpu.enqueue_indirect_dma source(%arg16 : memref<32x128xf32, #tpu.memory_space<vmem>>) target(%dma_start3A_414 : memref<10240x128xf32, #tpu.memory_space<vmem_shared>>) offsets(%arg8 : memref<32xi32, #tpu.memory_space<vmem>>) semaphore(%arg40 : memref<!tpu.dma_semaphore, #tpu.memory_space<semaphore_mem>>) {add = true}
    %mul3A_415 = arith.constant 1 : i32
    %mul3A_416 = arith.constant 32 : i32
    %mul3A_417 = arith.muli %mul3A_415, %mul3A_416 : i32
    %add3A_418 = arith.addi %mul3A_288, %mul3A_417 : i32
    %dma_wait3A_419 = tpu.memref_slice %arg3[%add3A_418] : memref<163840xi32, #tpu.memory_space<hbm>> -> memref<32xi32, #tpu.memory_space<hbm>>
    %dma_wait3A_420 = tpu.memref_slice %arg3[%add3A_418] : memref<163840xi32, #tpu.memory_space<hbm>> -> memref<32xi32, #tpu.memory_space<hbm>>
    tpu.wait_dma2 semaphore(%arg25 : memref<!tpu.dma_semaphore, #tpu.memory_space<semaphore_mem>>) src(%dma_wait3A_420 : memref<32xi32, #tpu.memory_space<hbm>>) dst(%arg9 : memref<32xi32, #tpu.memory_space<vmem>>)
    %mul3A_421 = arith.constant 1 : i32
    %mul3A_422 = arith.constant 32 : i32
    %mul3A_423 = arith.muli %mul3A_421, %mul3A_422 : i32
    %dma_wait3A_424 = tpu.memref_slice %arg7[%mul3A_423] : memref<10240xi32, #tpu.memory_space<vmem>> -> memref<32xi32, #tpu.memory_space<vmem>>
    %dma_wait3A_425 = arith.constant 0 : i32
    %dma_wait3A_426 = arith.constant 0 : i32
    %dma_wait3A_427 = tpu.memref_slice %arg4[%dma_wait3A_425, %dma_wait3A_426] : memref<40960x128xf32, #tpu.memory_space<hbm>> -> memref<40960x128xf32, #tpu.memory_space<hbm>>
    tpu.wait_indirect_dma semaphore(%arg33 : memref<!tpu.dma_semaphore, #tpu.memory_space<semaphore_mem>>) src(%dma_wait3A_427 : memref<40960x128xf32, #tpu.memory_space<hbm>>) dst(%arg17 : memref<32x128xf32, #tpu.memory_space<vmem>>)
    %dma_start3A_428 = arith.constant 0 : i32
    %dma_start3A_429 = arith.constant 0 : i32
    %dma_start3A_430 = tpu.memref_slice %arg48[%dma_start3A_428, %dma_start3A_429] : memref<10240x128xf32, #tpu.memory_space<vmem_shared>> -> memref<10240x128xf32, #tpu.memory_space<vmem_shared>>
    tpu.enqueue_indirect_dma source(%arg17 : memref<32x128xf32, #tpu.memory_space<vmem>>) target(%dma_start3A_430 : memref<10240x128xf32, #tpu.memory_space<vmem_shared>>) offsets(%arg9 : memref<32xi32, #tpu.memory_space<vmem>>) semaphore(%arg41 : memref<!tpu.dma_semaphore, #tpu.memory_space<semaphore_mem>>) {add = true}
    %mul3A_431 = arith.constant 2 : i32
    %mul3A_432 = arith.constant 32 : i32
    %mul3A_433 = arith.muli %mul3A_431, %mul3A_432 : i32
    %add3A_434 = arith.addi %mul3A_288, %mul3A_433 : i32
    %dma_wait3A_435 = tpu.memref_slice %arg3[%add3A_434] : memref<163840xi32, #tpu.memory_space<hbm>> -> memref<32xi32, #tpu.memory_space<hbm>>
    %dma_wait3A_436 = tpu.memref_slice %arg3[%add3A_434] : memref<163840xi32, #tpu.memory_space<hbm>> -> memref<32xi32, #tpu.memory_space<hbm>>
    tpu.wait_dma2 semaphore(%arg26 : memref<!tpu.dma_semaphore, #tpu.memory_space<semaphore_mem>>) src(%dma_wait3A_436 : memref<32xi32, #tpu.memory_space<hbm>>) dst(%arg10 : memref<32xi32, #tpu.memory_space<vmem>>)
    %mul3A_437 = arith.constant 2 : i32
    %mul3A_438 = arith.constant 32 : i32
    %mul3A_439 = arith.muli %mul3A_437, %mul3A_438 : i32
    %dma_wait3A_440 = tpu.memref_slice %arg7[%mul3A_439] : memref<10240xi32, #tpu.memory_space<vmem>> -> memref<32xi32, #tpu.memory_space<vmem>>
    %dma_wait3A_441 = arith.constant 0 : i32
    %dma_wait3A_442 = arith.constant 0 : i32
    %dma_wait3A_443 = tpu.memref_slice %arg4[%dma_wait3A_441, %dma_wait3A_442] : memref<40960x128xf32, #tpu.memory_space<hbm>> -> memref<40960x128xf32, #tpu.memory_space<hbm>>
    tpu.wait_indirect_dma semaphore(%arg34 : memref<!tpu.dma_semaphore, #tpu.memory_space<semaphore_mem>>) src(%dma_wait3A_443 : memref<40960x128xf32, #tpu.memory_space<hbm>>) dst(%arg18 : memref<32x128xf32, #tpu.memory_space<vmem>>)
    %dma_start3A_444 = arith.constant 0 : i32
    %dma_start3A_445 = arith.constant 0 : i32
    %dma_start3A_446 = tpu.memref_slice %arg48[%dma_start3A_444, %dma_start3A_445] : memref<10240x128xf32, #tpu.memory_space<vmem_shared>> -> memref<10240x128xf32, #tpu.memory_space<vmem_shared>>
    tpu.enqueue_indirect_dma source(%arg18 : memref<32x128xf32, #tpu.memory_space<vmem>>) target(%dma_start3A_446 : memref<10240x128xf32, #tpu.memory_space<vmem_shared>>) offsets(%arg10 : memref<32xi32, #tpu.memory_space<vmem>>) semaphore(%arg42 : memref<!tpu.dma_semaphore, #tpu.memory_space<semaphore_mem>>) {add = true}
    %mul3A_447 = arith.constant 3 : i32
    %mul3A_448 = arith.constant 32 : i32
    %mul3A_449 = arith.muli %mul3A_447, %mul3A_448 : i32
    %add3A_450 = arith.addi %mul3A_288, %mul3A_449 : i32
    %dma_wait3A_451 = tpu.memref_slice %arg3[%add3A_450] : memref<163840xi32, #tpu.memory_space<hbm>> -> memref<32xi32, #tpu.memory_space<hbm>>
    %dma_wait3A_452 = tpu.memref_slice %arg3[%add3A_450] : memref<163840xi32, #tpu.memory_space<hbm>> -> memref<32xi32, #tpu.memory_space<hbm>>
    tpu.wait_dma2 semaphore(%arg27 : memref<!tpu.dma_semaphore, #tpu.memory_space<semaphore_mem>>) src(%dma_wait3A_452 : memref<32xi32, #tpu.memory_space<hbm>>) dst(%arg11 : memref<32xi32, #tpu.memory_space<vmem>>)
    %mul3A_453 = arith.constant 3 : i32
    %mul3A_454 = arith.constant 32 : i32
    %mul3A_455 = arith.muli %mul3A_453, %mul3A_454 : i32
    %dma_wait3A_456 = tpu.memref_slice %arg7[%mul3A_455] : memref<10240xi32, #tpu.memory_space<vmem>> -> memref<32xi32, #tpu.memory_space<vmem>>
    %dma_wait3A_457 = arith.constant 0 : i32
    %dma_wait3A_458 = arith.constant 0 : i32
    %dma_wait3A_459 = tpu.memref_slice %arg4[%dma_wait3A_457, %dma_wait3A_458] : memref<40960x128xf32, #tpu.memory_space<hbm>> -> memref<40960x128xf32, #tpu.memory_space<hbm>>
    tpu.wait_indirect_dma semaphore(%arg35 : memref<!tpu.dma_semaphore, #tpu.memory_space<semaphore_mem>>) src(%dma_wait3A_459 : memref<40960x128xf32, #tpu.memory_space<hbm>>) dst(%arg19 : memref<32x128xf32, #tpu.memory_space<vmem>>)
    %dma_start3A_460 = arith.constant 0 : i32
    %dma_start3A_461 = arith.constant 0 : i32
    %dma_start3A_462 = tpu.memref_slice %arg48[%dma_start3A_460, %dma_start3A_461] : memref<10240x128xf32, #tpu.memory_space<vmem_shared>> -> memref<10240x128xf32, #tpu.memory_space<vmem_shared>>
    tpu.enqueue_indirect_dma source(%arg19 : memref<32x128xf32, #tpu.memory_space<vmem>>) target(%dma_start3A_462 : memref<10240x128xf32, #tpu.memory_space<vmem_shared>>) offsets(%arg11 : memref<32xi32, #tpu.memory_space<vmem>>) semaphore(%arg43 : memref<!tpu.dma_semaphore, #tpu.memory_space<semaphore_mem>>) {add = true}
    %mul3A_463 = arith.constant 4 : i32
    %mul3A_464 = arith.constant 32 : i32
    %mul3A_465 = arith.muli %mul3A_463, %mul3A_464 : i32
    %add3A_466 = arith.addi %mul3A_288, %mul3A_465 : i32
    %dma_wait3A_467 = tpu.memref_slice %arg3[%add3A_466] : memref<163840xi32, #tpu.memory_space<hbm>> -> memref<32xi32, #tpu.memory_space<hbm>>
    %dma_wait3A_468 = tpu.memref_slice %arg3[%add3A_466] : memref<163840xi32, #tpu.memory_space<hbm>> -> memref<32xi32, #tpu.memory_space<hbm>>
    tpu.wait_dma2 semaphore(%arg28 : memref<!tpu.dma_semaphore, #tpu.memory_space<semaphore_mem>>) src(%dma_wait3A_468 : memref<32xi32, #tpu.memory_space<hbm>>) dst(%arg12 : memref<32xi32, #tpu.memory_space<vmem>>)
    %mul3A_469 = arith.constant 4 : i32
    %mul3A_470 = arith.constant 32 : i32
    %mul3A_471 = arith.muli %mul3A_469, %mul3A_470 : i32
    %dma_wait3A_472 = tpu.memref_slice %arg7[%mul3A_471] : memref<10240xi32, #tpu.memory_space<vmem>> -> memref<32xi32, #tpu.memory_space<vmem>>
    %dma_wait3A_473 = arith.constant 0 : i32
    %dma_wait3A_474 = arith.constant 0 : i32
    %dma_wait3A_475 = tpu.memref_slice %arg4[%dma_wait3A_473, %dma_wait3A_474] : memref<40960x128xf32, #tpu.memory_space<hbm>> -> memref<40960x128xf32, #tpu.memory_space<hbm>>
    tpu.wait_indirect_dma semaphore(%arg36 : memref<!tpu.dma_semaphore, #tpu.memory_space<semaphore_mem>>) src(%dma_wait3A_475 : memref<40960x128xf32, #tpu.memory_space<hbm>>) dst(%arg20 : memref<32x128xf32, #tpu.memory_space<vmem>>)
    %dma_start3A_476 = arith.constant 0 : i32
    %dma_start3A_477 = arith.constant 0 : i32
    %dma_start3A_478 = tpu.memref_slice %arg48[%dma_start3A_476, %dma_start3A_477] : memref<10240x128xf32, #tpu.memory_space<vmem_shared>> -> memref<10240x128xf32, #tpu.memory_space<vmem_shared>>
    tpu.enqueue_indirect_dma source(%arg20 : memref<32x128xf32, #tpu.memory_space<vmem>>) target(%dma_start3A_478 : memref<10240x128xf32, #tpu.memory_space<vmem_shared>>) offsets(%arg12 : memref<32xi32, #tpu.memory_space<vmem>>) semaphore(%arg44 : memref<!tpu.dma_semaphore, #tpu.memory_space<semaphore_mem>>) {add = true}
    %mul3A_479 = arith.constant 5 : i32
    %mul3A_480 = arith.constant 32 : i32
    %mul3A_481 = arith.muli %mul3A_479, %mul3A_480 : i32
    %add3A_482 = arith.addi %mul3A_288, %mul3A_481 : i32
    %dma_wait3A_483 = tpu.memref_slice %arg3[%add3A_482] : memref<163840xi32, #tpu.memory_space<hbm>> -> memref<32xi32, #tpu.memory_space<hbm>>
    %dma_wait3A_484 = tpu.memref_slice %arg3[%add3A_482] : memref<163840xi32, #tpu.memory_space<hbm>> -> memref<32xi32, #tpu.memory_space<hbm>>
    tpu.wait_dma2 semaphore(%arg29 : memref<!tpu.dma_semaphore, #tpu.memory_space<semaphore_mem>>) src(%dma_wait3A_484 : memref<32xi32, #tpu.memory_space<hbm>>) dst(%arg13 : memref<32xi32, #tpu.memory_space<vmem>>)
    %mul3A_485 = arith.constant 5 : i32
    %mul3A_486 = arith.constant 32 : i32
    %mul3A_487 = arith.muli %mul3A_485, %mul3A_486 : i32
    %dma_wait3A_488 = tpu.memref_slice %arg7[%mul3A_487] : memref<10240xi32, #tpu.memory_space<vmem>> -> memref<32xi32, #tpu.memory_space<vmem>>
    %dma_wait3A_489 = arith.constant 0 : i32
    %dma_wait3A_490 = arith.constant 0 : i32
    %dma_wait3A_491 = tpu.memref_slice %arg4[%dma_wait3A_489, %dma_wait3A_490] : memref<40960x128xf32, #tpu.memory_space<hbm>> -> memref<40960x128xf32, #tpu.memory_space<hbm>>
    tpu.wait_indirect_dma semaphore(%arg37 : memref<!tpu.dma_semaphore, #tpu.memory_space<semaphore_mem>>) src(%dma_wait3A_491 : memref<40960x128xf32, #tpu.memory_space<hbm>>) dst(%arg21 : memref<32x128xf32, #tpu.memory_space<vmem>>)
    %dma_start3A_492 = arith.constant 0 : i32
    %dma_start3A_493 = arith.constant 0 : i32
    %dma_start3A_494 = tpu.memref_slice %arg48[%dma_start3A_492, %dma_start3A_493] : memref<10240x128xf32, #tpu.memory_space<vmem_shared>> -> memref<10240x128xf32, #tpu.memory_space<vmem_shared>>
    tpu.enqueue_indirect_dma source(%arg21 : memref<32x128xf32, #tpu.memory_space<vmem>>) target(%dma_start3A_494 : memref<10240x128xf32, #tpu.memory_space<vmem_shared>>) offsets(%arg13 : memref<32xi32, #tpu.memory_space<vmem>>) semaphore(%arg45 : memref<!tpu.dma_semaphore, #tpu.memory_space<semaphore_mem>>) {add = true}
    %mul3A_495 = arith.constant 6 : i32
    %mul3A_496 = arith.constant 32 : i32
    %mul3A_497 = arith.muli %mul3A_495, %mul3A_496 : i32
    %add3A_498 = arith.addi %mul3A_288, %mul3A_497 : i32
    %dma_wait3A_499 = tpu.memref_slice %arg3[%add3A_498] : memref<163840xi32, #tpu.memory_space<hbm>> -> memref<32xi32, #tpu.memory_space<hbm>>
    %dma_wait3A_500 = tpu.memref_slice %arg3[%add3A_498] : memref<163840xi32, #tpu.memory_space<hbm>> -> memref<32xi32, #tpu.memory_space<hbm>>
    tpu.wait_dma2 semaphore(%arg30 : memref<!tpu.dma_semaphore, #tpu.memory_space<semaphore_mem>>) src(%dma_wait3A_500 : memref<32xi32, #tpu.memory_space<hbm>>) dst(%arg14 : memref<32xi32, #tpu.memory_space<vmem>>)
    %mul3A_501 = arith.constant 6 : i32
    %mul3A_502 = arith.constant 32 : i32
    %mul3A_503 = arith.muli %mul3A_501, %mul3A_502 : i32
    %dma_wait3A_504 = tpu.memref_slice %arg7[%mul3A_503] : memref<10240xi32, #tpu.memory_space<vmem>> -> memref<32xi32, #tpu.memory_space<vmem>>
    %dma_wait3A_505 = arith.constant 0 : i32
    %dma_wait3A_506 = arith.constant 0 : i32
    %dma_wait3A_507 = tpu.memref_slice %arg4[%dma_wait3A_505, %dma_wait3A_506] : memref<40960x128xf32, #tpu.memory_space<hbm>> -> memref<40960x128xf32, #tpu.memory_space<hbm>>
    tpu.wait_indirect_dma semaphore(%arg38 : memref<!tpu.dma_semaphore, #tpu.memory_space<semaphore_mem>>) src(%dma_wait3A_507 : memref<40960x128xf32, #tpu.memory_space<hbm>>) dst(%arg22 : memref<32x128xf32, #tpu.memory_space<vmem>>)
    %dma_start3A_508 = arith.constant 0 : i32
    %dma_start3A_509 = arith.constant 0 : i32
    %dma_start3A_510 = tpu.memref_slice %arg48[%dma_start3A_508, %dma_start3A_509] : memref<10240x128xf32, #tpu.memory_space<vmem_shared>> -> memref<10240x128xf32, #tpu.memory_space<vmem_shared>>
    tpu.enqueue_indirect_dma source(%arg22 : memref<32x128xf32, #tpu.memory_space<vmem>>) target(%dma_start3A_510 : memref<10240x128xf32, #tpu.memory_space<vmem_shared>>) offsets(%arg14 : memref<32xi32, #tpu.memory_space<vmem>>) semaphore(%arg46 : memref<!tpu.dma_semaphore, #tpu.memory_space<semaphore_mem>>) {add = true}
    %mul3A_511 = arith.constant 7 : i32
    %mul3A_512 = arith.constant 32 : i32
    %mul3A_513 = arith.muli %mul3A_511, %mul3A_512 : i32
    %add3A_514 = arith.addi %mul3A_288, %mul3A_513 : i32
    %dma_wait3A_515 = tpu.memref_slice %arg3[%add3A_514] : memref<163840xi32, #tpu.memory_space<hbm>> -> memref<32xi32, #tpu.memory_space<hbm>>
    %dma_wait3A_516 = tpu.memref_slice %arg3[%add3A_514] : memref<163840xi32, #tpu.memory_space<hbm>> -> memref<32xi32, #tpu.memory_space<hbm>>
    tpu.wait_dma2 semaphore(%arg31 : memref<!tpu.dma_semaphore, #tpu.memory_space<semaphore_mem>>) src(%dma_wait3A_516 : memref<32xi32, #tpu.memory_space<hbm>>) dst(%arg15 : memref<32xi32, #tpu.memory_space<vmem>>)
    %mul3A_517 = arith.constant 7 : i32
    %mul3A_518 = arith.constant 32 : i32
    %mul3A_519 = arith.muli %mul3A_517, %mul3A_518 : i32
    %dma_wait3A_520 = tpu.memref_slice %arg7[%mul3A_519] : memref<10240xi32, #tpu.memory_space<vmem>> -> memref<32xi32, #tpu.memory_space<vmem>>
    %dma_wait3A_521 = arith.constant 0 : i32
    %dma_wait3A_522 = arith.constant 0 : i32
    %dma_wait3A_523 = tpu.memref_slice %arg4[%dma_wait3A_521, %dma_wait3A_522] : memref<40960x128xf32, #tpu.memory_space<hbm>> -> memref<40960x128xf32, #tpu.memory_space<hbm>>
    tpu.wait_indirect_dma semaphore(%arg39 : memref<!tpu.dma_semaphore, #tpu.memory_space<semaphore_mem>>) src(%dma_wait3A_523 : memref<40960x128xf32, #tpu.memory_space<hbm>>) dst(%arg23 : memref<32x128xf32, #tpu.memory_space<vmem>>)
    %dma_start3A_524 = arith.constant 0 : i32
    %dma_start3A_525 = arith.constant 0 : i32
    %dma_start3A_526 = tpu.memref_slice %arg48[%dma_start3A_524, %dma_start3A_525] : memref<10240x128xf32, #tpu.memory_space<vmem_shared>> -> memref<10240x128xf32, #tpu.memory_space<vmem_shared>>
    tpu.enqueue_indirect_dma source(%arg23 : memref<32x128xf32, #tpu.memory_space<vmem>>) target(%dma_start3A_526 : memref<10240x128xf32, #tpu.memory_space<vmem_shared>>) offsets(%arg15 : memref<32xi32, #tpu.memory_space<vmem>>) semaphore(%arg47 : memref<!tpu.dma_semaphore, #tpu.memory_space<semaphore_mem>>) {add = true}
    %scan3A_527 = arith.constant 0 : i32
    %scan3A_528 = arith.constant 1 : i32
    %scan3A_529 = arith.constant 39 : i32
    %scan3A_530 = arith.addi %scan3A_528, %scan3A_529 : i32
    %scan3A_531 = arith.constant 1 : i32
    %scan3A_532 = scf.for %scan3A_564 = %scan3A_528 to %scan3A_530 step %scan3A_531 iter_args(%scan3A_565 = %scan3A_527) -> (i32)  : i32 {
      %mul3A_566 = arith.constant 8 : i32
      %mul3A_567 = arith.muli %scan3A_564, %mul3A_566 : i32
      %dma_wait3A_568 = arith.constant 0 : i32
      %dma_wait3A_569 = arith.constant 0 : i32
      %dma_wait3A_570 = tpu.memref_slice %arg48[%dma_wait3A_568, %dma_wait3A_569] : memref<10240x128xf32, #tpu.memory_space<vmem_shared>> -> memref<10240x128xf32, #tpu.memory_space<vmem_shared>>
      tpu.wait_indirect_dma semaphore(%arg40 : memref<!tpu.dma_semaphore, #tpu.memory_space<semaphore_mem>>) src(%arg16 : memref<32x128xf32, #tpu.memory_space<vmem>>) dst(%dma_wait3A_570 : memref<10240x128xf32, #tpu.memory_space<vmem_shared>>)
      %add3A_571 = arith.constant 0 : i32
      %add3A_572 = arith.addi %mul3A_567, %add3A_571 : i32
      %mul3A_573 = arith.constant 32 : i32
      %mul3A_574 = arith.muli %add3A_572, %mul3A_573 : i32
      %add3A_575 = arith.addi %mul3A_288, %mul3A_574 : i32
      %dma_start3A_576 = tpu.memref_slice %arg3[%add3A_575] : memref<163840xi32, #tpu.memory_space<hbm>> -> memref<32xi32, #tpu.memory_space<hbm>>
      %dma_start3A_577 = tpu.memref_slice %arg3[%add3A_575] : memref<163840xi32, #tpu.memory_space<hbm>> -> memref<32xi32, #tpu.memory_space<hbm>>
      tpu.enqueue_dma source(%dma_start3A_577 : memref<32xi32, #tpu.memory_space<hbm>>) target(%arg8 : memref<32xi32, #tpu.memory_space<vmem>>) target_semaphore(%arg24 : memref<!tpu.dma_semaphore, #tpu.memory_space<semaphore_mem>>)
      %mul3A_578 = arith.constant 32 : i32
      %mul3A_579 = arith.muli %add3A_572, %mul3A_578 : i32
      %dma_start3A_580 = tpu.memref_slice %arg7[%mul3A_579] : memref<10240xi32, #tpu.memory_space<vmem>> -> memref<32xi32, #tpu.memory_space<vmem>>
      %dma_start3A_581 = arith.constant 0 : i32
      %dma_start3A_582 = arith.constant 0 : i32
      %dma_start3A_583 = tpu.memref_slice %arg4[%dma_start3A_581, %dma_start3A_582] : memref<40960x128xf32, #tpu.memory_space<hbm>> -> memref<40960x128xf32, #tpu.memory_space<hbm>>
      tpu.enqueue_indirect_dma source(%dma_start3A_583 : memref<40960x128xf32, #tpu.memory_space<hbm>>) target(%arg16 : memref<32x128xf32, #tpu.memory_space<vmem>>) offsets(%dma_start3A_580 : memref<32xi32, #tpu.memory_space<vmem>>) semaphore(%arg32 : memref<!tpu.dma_semaphore, #tpu.memory_space<semaphore_mem>>)
      %dma_wait3A_584 = arith.constant 0 : i32
      %dma_wait3A_585 = arith.constant 0 : i32
      %dma_wait3A_586 = tpu.memref_slice %arg48[%dma_wait3A_584, %dma_wait3A_585] : memref<10240x128xf32, #tpu.memory_space<vmem_shared>> -> memref<10240x128xf32, #tpu.memory_space<vmem_shared>>
      tpu.wait_indirect_dma semaphore(%arg41 : memref<!tpu.dma_semaphore, #tpu.memory_space<semaphore_mem>>) src(%arg17 : memref<32x128xf32, #tpu.memory_space<vmem>>) dst(%dma_wait3A_586 : memref<10240x128xf32, #tpu.memory_space<vmem_shared>>)
      %add3A_587 = arith.constant 1 : i32
      %add3A_588 = arith.addi %mul3A_567, %add3A_587 : i32
      %mul3A_589 = arith.constant 32 : i32
      %mul3A_590 = arith.muli %add3A_588, %mul3A_589 : i32
      %add3A_591 = arith.addi %mul3A_288, %mul3A_590 : i32
      %dma_start3A_592 = tpu.memref_slice %arg3[%add3A_591] : memref<163840xi32, #tpu.memory_space<hbm>> -> memref<32xi32, #tpu.memory_space<hbm>>
      %dma_start3A_593 = tpu.memref_slice %arg3[%add3A_591] : memref<163840xi32, #tpu.memory_space<hbm>> -> memref<32xi32, #tpu.memory_space<hbm>>
      tpu.enqueue_dma source(%dma_start3A_593 : memref<32xi32, #tpu.memory_space<hbm>>) target(%arg9 : memref<32xi32, #tpu.memory_space<vmem>>) target_semaphore(%arg25 : memref<!tpu.dma_semaphore, #tpu.memory_space<semaphore_mem>>)
      %mul3A_594 = arith.constant 32 : i32
      %mul3A_595 = arith.muli %add3A_588, %mul3A_594 : i32
      %dma_start3A_596 = tpu.memref_slice %arg7[%mul3A_595] : memref<10240xi32, #tpu.memory_space<vmem>> -> memref<32xi32, #tpu.memory_space<vmem>>
      %dma_start3A_597 = arith.constant 0 : i32
      %dma_start3A_598 = arith.constant 0 : i32
      %dma_start3A_599 = tpu.memref_slice %arg4[%dma_start3A_597, %dma_start3A_598] : memref<40960x128xf32, #tpu.memory_space<hbm>> -> memref<40960x128xf32, #tpu.memory_space<hbm>>
      tpu.enqueue_indirect_dma source(%dma_start3A_599 : memref<40960x128xf32, #tpu.memory_space<hbm>>) target(%arg17 : memref<32x128xf32, #tpu.memory_space<vmem>>) offsets(%dma_start3A_596 : memref<32xi32, #tpu.memory_space<vmem>>) semaphore(%arg33 : memref<!tpu.dma_semaphore, #tpu.memory_space<semaphore_mem>>)
      %dma_wait3A_600 = arith.constant 0 : i32
      %dma_wait3A_601 = arith.constant 0 : i32
      %dma_wait3A_602 = tpu.memref_slice %arg48[%dma_wait3A_600, %dma_wait3A_601] : memref<10240x128xf32, #tpu.memory_space<vmem_shared>> -> memref<10240x128xf32, #tpu.memory_space<vmem_shared>>
      tpu.wait_indirect_dma semaphore(%arg42 : memref<!tpu.dma_semaphore, #tpu.memory_space<semaphore_mem>>) src(%arg18 : memref<32x128xf32, #tpu.memory_space<vmem>>) dst(%dma_wait3A_602 : memref<10240x128xf32, #tpu.memory_space<vmem_shared>>)
      %add3A_603 = arith.constant 2 : i32
      %add3A_604 = arith.addi %mul3A_567, %add3A_603 : i32
      %mul3A_605 = arith.constant 32 : i32
      %mul3A_606 = arith.muli %add3A_604, %mul3A_605 : i32
      %add3A_607 = arith.addi %mul3A_288, %mul3A_606 : i32
      %dma_start3A_608 = tpu.memref_slice %arg3[%add3A_607] : memref<163840xi32, #tpu.memory_space<hbm>> -> memref<32xi32, #tpu.memory_space<hbm>>
      %dma_start3A_609 = tpu.memref_slice %arg3[%add3A_607] : memref<163840xi32, #tpu.memory_space<hbm>> -> memref<32xi32, #tpu.memory_space<hbm>>
      tpu.enqueue_dma source(%dma_start3A_609 : memref<32xi32, #tpu.memory_space<hbm>>) target(%arg10 : memref<32xi32, #tpu.memory_space<vmem>>) target_semaphore(%arg26 : memref<!tpu.dma_semaphore, #tpu.memory_space<semaphore_mem>>)
      %mul3A_610 = arith.constant 32 : i32
      %mul3A_611 = arith.muli %add3A_604, %mul3A_610 : i32
      %dma_start3A_612 = tpu.memref_slice %arg7[%mul3A_611] : memref<10240xi32, #tpu.memory_space<vmem>> -> memref<32xi32, #tpu.memory_space<vmem>>
      %dma_start3A_613 = arith.constant 0 : i32
      %dma_start3A_614 = arith.constant 0 : i32
      %dma_start3A_615 = tpu.memref_slice %arg4[%dma_start3A_613, %dma_start3A_614] : memref<40960x128xf32, #tpu.memory_space<hbm>> -> memref<40960x128xf32, #tpu.memory_space<hbm>>
      tpu.enqueue_indirect_dma source(%dma_start3A_615 : memref<40960x128xf32, #tpu.memory_space<hbm>>) target(%arg18 : memref<32x128xf32, #tpu.memory_space<vmem>>) offsets(%dma_start3A_612 : memref<32xi32, #tpu.memory_space<vmem>>) semaphore(%arg34 : memref<!tpu.dma_semaphore, #tpu.memory_space<semaphore_mem>>)
      %dma_wait3A_616 = arith.constant 0 : i32
      %dma_wait3A_617 = arith.constant 0 : i32
      %dma_wait3A_618 = tpu.memref_slice %arg48[%dma_wait3A_616, %dma_wait3A_617] : memref<10240x128xf32, #tpu.memory_space<vmem_shared>> -> memref<10240x128xf32, #tpu.memory_space<vmem_shared>>
      tpu.wait_indirect_dma semaphore(%arg43 : memref<!tpu.dma_semaphore, #tpu.memory_space<semaphore_mem>>) src(%arg19 : memref<32x128xf32, #tpu.memory_space<vmem>>) dst(%dma_wait3A_618 : memref<10240x128xf32, #tpu.memory_space<vmem_shared>>)
      %add3A_619 = arith.constant 3 : i32
      %add3A_620 = arith.addi %mul3A_567, %add3A_619 : i32
      %mul3A_621 = arith.constant 32 : i32
      %mul3A_622 = arith.muli %add3A_620, %mul3A_621 : i32
      %add3A_623 = arith.addi %mul3A_288, %mul3A_622 : i32
      %dma_start3A_624 = tpu.memref_slice %arg3[%add3A_623] : memref<163840xi32, #tpu.memory_space<hbm>> -> memref<32xi32, #tpu.memory_space<hbm>>
      %dma_start3A_625 = tpu.memref_slice %arg3[%add3A_623] : memref<163840xi32, #tpu.memory_space<hbm>> -> memref<32xi32, #tpu.memory_space<hbm>>
      tpu.enqueue_dma source(%dma_start3A_625 : memref<32xi32, #tpu.memory_space<hbm>>) target(%arg11 : memref<32xi32, #tpu.memory_space<vmem>>) target_semaphore(%arg27 : memref<!tpu.dma_semaphore, #tpu.memory_space<semaphore_mem>>)
      %mul3A_626 = arith.constant 32 : i32
      %mul3A_627 = arith.muli %add3A_620, %mul3A_626 : i32
      %dma_start3A_628 = tpu.memref_slice %arg7[%mul3A_627] : memref<10240xi32, #tpu.memory_space<vmem>> -> memref<32xi32, #tpu.memory_space<vmem>>
      %dma_start3A_629 = arith.constant 0 : i32
      %dma_start3A_630 = arith.constant 0 : i32
      %dma_start3A_631 = tpu.memref_slice %arg4[%dma_start3A_629, %dma_start3A_630] : memref<40960x128xf32, #tpu.memory_space<hbm>> -> memref<40960x128xf32, #tpu.memory_space<hbm>>
      tpu.enqueue_indirect_dma source(%dma_start3A_631 : memref<40960x128xf32, #tpu.memory_space<hbm>>) target(%arg19 : memref<32x128xf32, #tpu.memory_space<vmem>>) offsets(%dma_start3A_628 : memref<32xi32, #tpu.memory_space<vmem>>) semaphore(%arg35 : memref<!tpu.dma_semaphore, #tpu.memory_space<semaphore_mem>>)
      %dma_wait3A_632 = arith.constant 0 : i32
      %dma_wait3A_633 = arith.constant 0 : i32
      %dma_wait3A_634 = tpu.memref_slice %arg48[%dma_wait3A_632, %dma_wait3A_633] : memref<10240x128xf32, #tpu.memory_space<vmem_shared>> -> memref<10240x128xf32, #tpu.memory_space<vmem_shared>>
      tpu.wait_indirect_dma semaphore(%arg44 : memref<!tpu.dma_semaphore, #tpu.memory_space<semaphore_mem>>) src(%arg20 : memref<32x128xf32, #tpu.memory_space<vmem>>) dst(%dma_wait3A_634 : memref<10240x128xf32, #tpu.memory_space<vmem_shared>>)
      %add3A_635 = arith.constant 4 : i32
      %add3A_636 = arith.addi %mul3A_567, %add3A_635 : i32
      %mul3A_637 = arith.constant 32 : i32
      %mul3A_638 = arith.muli %add3A_636, %mul3A_637 : i32
      %add3A_639 = arith.addi %mul3A_288, %mul3A_638 : i32
      %dma_start3A_640 = tpu.memref_slice %arg3[%add3A_639] : memref<163840xi32, #tpu.memory_space<hbm>> -> memref<32xi32, #tpu.memory_space<hbm>>
      %dma_start3A_641 = tpu.memref_slice %arg3[%add3A_639] : memref<163840xi32, #tpu.memory_space<hbm>> -> memref<32xi32, #tpu.memory_space<hbm>>
      tpu.enqueue_dma source(%dma_start3A_641 : memref<32xi32, #tpu.memory_space<hbm>>) target(%arg12 : memref<32xi32, #tpu.memory_space<vmem>>) target_semaphore(%arg28 : memref<!tpu.dma_semaphore, #tpu.memory_space<semaphore_mem>>)
      %mul3A_642 = arith.constant 32 : i32
      %mul3A_643 = arith.muli %add3A_636, %mul3A_642 : i32
      %dma_start3A_644 = tpu.memref_slice %arg7[%mul3A_643] : memref<10240xi32, #tpu.memory_space<vmem>> -> memref<32xi32, #tpu.memory_space<vmem>>
      %dma_start3A_645 = arith.constant 0 : i32
      %dma_start3A_646 = arith.constant 0 : i32
      %dma_start3A_647 = tpu.memref_slice %arg4[%dma_start3A_645, %dma_start3A_646] : memref<40960x128xf32, #tpu.memory_space<hbm>> -> memref<40960x128xf32, #tpu.memory_space<hbm>>
      tpu.enqueue_indirect_dma source(%dma_start3A_647 : memref<40960x128xf32, #tpu.memory_space<hbm>>) target(%arg20 : memref<32x128xf32, #tpu.memory_space<vmem>>) offsets(%dma_start3A_644 : memref<32xi32, #tpu.memory_space<vmem>>) semaphore(%arg36 : memref<!tpu.dma_semaphore, #tpu.memory_space<semaphore_mem>>)
      %dma_wait3A_648 = arith.constant 0 : i32
      %dma_wait3A_649 = arith.constant 0 : i32
      %dma_wait3A_650 = tpu.memref_slice %arg48[%dma_wait3A_648, %dma_wait3A_649] : memref<10240x128xf32, #tpu.memory_space<vmem_shared>> -> memref<10240x128xf32, #tpu.memory_space<vmem_shared>>
      tpu.wait_indirect_dma semaphore(%arg45 : memref<!tpu.dma_semaphore, #tpu.memory_space<semaphore_mem>>) src(%arg21 : memref<32x128xf32, #tpu.memory_space<vmem>>) dst(%dma_wait3A_650 : memref<10240x128xf32, #tpu.memory_space<vmem_shared>>)
      %add3A_651 = arith.constant 5 : i32
      %add3A_652 = arith.addi %mul3A_567, %add3A_651 : i32
      %mul3A_653 = arith.constant 32 : i32
      %mul3A_654 = arith.muli %add3A_652, %mul3A_653 : i32
      %add3A_655 = arith.addi %mul3A_288, %mul3A_654 : i32
      %dma_start3A_656 = tpu.memref_slice %arg3[%add3A_655] : memref<163840xi32, #tpu.memory_space<hbm>> -> memref<32xi32, #tpu.memory_space<hbm>>
      %dma_start3A_657 = tpu.memref_slice %arg3[%add3A_655] : memref<163840xi32, #tpu.memory_space<hbm>> -> memref<32xi32, #tpu.memory_space<hbm>>
      tpu.enqueue_dma source(%dma_start3A_657 : memref<32xi32, #tpu.memory_space<hbm>>) target(%arg13 : memref<32xi32, #tpu.memory_space<vmem>>) target_semaphore(%arg29 : memref<!tpu.dma_semaphore, #tpu.memory_space<semaphore_mem>>)
      %mul3A_658 = arith.constant 32 : i32
      %mul3A_659 = arith.muli %add3A_652, %mul3A_658 : i32
      %dma_start3A_660 = tpu.memref_slice %arg7[%mul3A_659] : memref<10240xi32, #tpu.memory_space<vmem>> -> memref<32xi32, #tpu.memory_space<vmem>>
      %dma_start3A_661 = arith.constant 0 : i32
      %dma_start3A_662 = arith.constant 0 : i32
      %dma_start3A_663 = tpu.memref_slice %arg4[%dma_start3A_661, %dma_start3A_662] : memref<40960x128xf32, #tpu.memory_space<hbm>> -> memref<40960x128xf32, #tpu.memory_space<hbm>>
      tpu.enqueue_indirect_dma source(%dma_start3A_663 : memref<40960x128xf32, #tpu.memory_space<hbm>>) target(%arg21 : memref<32x128xf32, #tpu.memory_space<vmem>>) offsets(%dma_start3A_660 : memref<32xi32, #tpu.memory_space<vmem>>) semaphore(%arg37 : memref<!tpu.dma_semaphore, #tpu.memory_space<semaphore_mem>>)
      %dma_wait3A_664 = arith.constant 0 : i32
      %dma_wait3A_665 = arith.constant 0 : i32
      %dma_wait3A_666 = tpu.memref_slice %arg48[%dma_wait3A_664, %dma_wait3A_665] : memref<10240x128xf32, #tpu.memory_space<vmem_shared>> -> memref<10240x128xf32, #tpu.memory_space<vmem_shared>>
      tpu.wait_indirect_dma semaphore(%arg46 : memref<!tpu.dma_semaphore, #tpu.memory_space<semaphore_mem>>) src(%arg22 : memref<32x128xf32, #tpu.memory_space<vmem>>) dst(%dma_wait3A_666 : memref<10240x128xf32, #tpu.memory_space<vmem_shared>>)
      %add3A_667 = arith.constant 6 : i32
      %add3A_668 = arith.addi %mul3A_567, %add3A_667 : i32
      %mul3A_669 = arith.constant 32 : i32
      %mul3A_670 = arith.muli %add3A_668, %mul3A_669 : i32
      %add3A_671 = arith.addi %mul3A_288, %mul3A_670 : i32
      %dma_start3A_672 = tpu.memref_slice %arg3[%add3A_671] : memref<163840xi32, #tpu.memory_space<hbm>> -> memref<32xi32, #tpu.memory_space<hbm>>
      %dma_start3A_673 = tpu.memref_slice %arg3[%add3A_671] : memref<163840xi32, #tpu.memory_space<hbm>> -> memref<32xi32, #tpu.memory_space<hbm>>
      tpu.enqueue_dma source(%dma_start3A_673 : memref<32xi32, #tpu.memory_space<hbm>>) target(%arg14 : memref<32xi32, #tpu.memory_space<vmem>>) target_semaphore(%arg30 : memref<!tpu.dma_semaphore, #tpu.memory_space<semaphore_mem>>)
      %mul3A_674 = arith.constant 32 : i32
      %mul3A_675 = arith.muli %add3A_668, %mul3A_674 : i32
      %dma_start3A_676 = tpu.memref_slice %arg7[%mul3A_675] : memref<10240xi32, #tpu.memory_space<vmem>> -> memref<32xi32, #tpu.memory_space<vmem>>
      %dma_start3A_677 = arith.constant 0 : i32
      %dma_start3A_678 = arith.constant 0 : i32
      %dma_start3A_679 = tpu.memref_slice %arg4[%dma_start3A_677, %dma_start3A_678] : memref<40960x128xf32, #tpu.memory_space<hbm>> -> memref<40960x128xf32, #tpu.memory_space<hbm>>
      tpu.enqueue_indirect_dma source(%dma_start3A_679 : memref<40960x128xf32, #tpu.memory_space<hbm>>) target(%arg22 : memref<32x128xf32, #tpu.memory_space<vmem>>) offsets(%dma_start3A_676 : memref<32xi32, #tpu.memory_space<vmem>>) semaphore(%arg38 : memref<!tpu.dma_semaphore, #tpu.memory_space<semaphore_mem>>)
      %dma_wait3A_680 = arith.constant 0 : i32
      %dma_wait3A_681 = arith.constant 0 : i32
      %dma_wait3A_682 = tpu.memref_slice %arg48[%dma_wait3A_680, %dma_wait3A_681] : memref<10240x128xf32, #tpu.memory_space<vmem_shared>> -> memref<10240x128xf32, #tpu.memory_space<vmem_shared>>
      tpu.wait_indirect_dma semaphore(%arg47 : memref<!tpu.dma_semaphore, #tpu.memory_space<semaphore_mem>>) src(%arg23 : memref<32x128xf32, #tpu.memory_space<vmem>>) dst(%dma_wait3A_682 : memref<10240x128xf32, #tpu.memory_space<vmem_shared>>)
      %add3A_683 = arith.constant 7 : i32
      %add3A_684 = arith.addi %mul3A_567, %add3A_683 : i32
      %mul3A_685 = arith.constant 32 : i32
      %mul3A_686 = arith.muli %add3A_684, %mul3A_685 : i32
      %add3A_687 = arith.addi %mul3A_288, %mul3A_686 : i32
      %dma_start3A_688 = tpu.memref_slice %arg3[%add3A_687] : memref<163840xi32, #tpu.memory_space<hbm>> -> memref<32xi32, #tpu.memory_space<hbm>>
      %dma_start3A_689 = tpu.memref_slice %arg3[%add3A_687] : memref<163840xi32, #tpu.memory_space<hbm>> -> memref<32xi32, #tpu.memory_space<hbm>>
      tpu.enqueue_dma source(%dma_start3A_689 : memref<32xi32, #tpu.memory_space<hbm>>) target(%arg15 : memref<32xi32, #tpu.memory_space<vmem>>) target_semaphore(%arg31 : memref<!tpu.dma_semaphore, #tpu.memory_space<semaphore_mem>>)
      %mul3A_690 = arith.constant 32 : i32
      %mul3A_691 = arith.muli %add3A_684, %mul3A_690 : i32
      %dma_start3A_692 = tpu.memref_slice %arg7[%mul3A_691] : memref<10240xi32, #tpu.memory_space<vmem>> -> memref<32xi32, #tpu.memory_space<vmem>>
      %dma_start3A_693 = arith.constant 0 : i32
      %dma_start3A_694 = arith.constant 0 : i32
      %dma_start3A_695 = tpu.memref_slice %arg4[%dma_start3A_693, %dma_start3A_694] : memref<40960x128xf32, #tpu.memory_space<hbm>> -> memref<40960x128xf32, #tpu.memory_space<hbm>>
      tpu.enqueue_indirect_dma source(%dma_start3A_695 : memref<40960x128xf32, #tpu.memory_space<hbm>>) target(%arg23 : memref<32x128xf32, #tpu.memory_space<vmem>>) offsets(%dma_start3A_692 : memref<32xi32, #tpu.memory_space<vmem>>) semaphore(%arg39 : memref<!tpu.dma_semaphore, #tpu.memory_space<semaphore_mem>>)
      %add3A_696 = arith.constant 0 : i32
      %add3A_697 = arith.addi %mul3A_567, %add3A_696 : i32
      %mul3A_698 = arith.constant 32 : i32
      %mul3A_699 = arith.muli %add3A_697, %mul3A_698 : i32
      %add3A_700 = arith.addi %mul3A_288, %mul3A_699 : i32
      %dma_wait3A_701 = tpu.memref_slice %arg3[%add3A_700] : memref<163840xi32, #tpu.memory_space<hbm>> -> memref<32xi32, #tpu.memory_space<hbm>>
      %dma_wait3A_702 = tpu.memref_slice %arg3[%add3A_700] : memref<163840xi32, #tpu.memory_space<hbm>> -> memref<32xi32, #tpu.memory_space<hbm>>
      tpu.wait_dma2 semaphore(%arg24 : memref<!tpu.dma_semaphore, #tpu.memory_space<semaphore_mem>>) src(%dma_wait3A_702 : memref<32xi32, #tpu.memory_space<hbm>>) dst(%arg8 : memref<32xi32, #tpu.memory_space<vmem>>)
      %mul3A_703 = arith.constant 32 : i32
      %mul3A_704 = arith.muli %add3A_697, %mul3A_703 : i32
      %dma_wait3A_705 = tpu.memref_slice %arg7[%mul3A_704] : memref<10240xi32, #tpu.memory_space<vmem>> -> memref<32xi32, #tpu.memory_space<vmem>>
      %dma_wait3A_706 = arith.constant 0 : i32
      %dma_wait3A_707 = arith.constant 0 : i32
      %dma_wait3A_708 = tpu.memref_slice %arg4[%dma_wait3A_706, %dma_wait3A_707] : memref<40960x128xf32, #tpu.memory_space<hbm>> -> memref<40960x128xf32, #tpu.memory_space<hbm>>
      tpu.wait_indirect_dma semaphore(%arg32 : memref<!tpu.dma_semaphore, #tpu.memory_space<semaphore_mem>>) src(%dma_wait3A_708 : memref<40960x128xf32, #tpu.memory_space<hbm>>) dst(%arg16 : memref<32x128xf32, #tpu.memory_space<vmem>>)
      %dma_start3A_709 = arith.constant 0 : i32
      %dma_start3A_710 = arith.constant 0 : i32
      %dma_start3A_711 = tpu.memref_slice %arg48[%dma_start3A_709, %dma_start3A_710] : memref<10240x128xf32, #tpu.memory_space<vmem_shared>> -> memref<10240x128xf32, #tpu.memory_space<vmem_shared>>
      tpu.enqueue_indirect_dma source(%arg16 : memref<32x128xf32, #tpu.memory_space<vmem>>) target(%dma_start3A_711 : memref<10240x128xf32, #tpu.memory_space<vmem_shared>>) offsets(%arg8 : memref<32xi32, #tpu.memory_space<vmem>>) semaphore(%arg40 : memref<!tpu.dma_semaphore, #tpu.memory_space<semaphore_mem>>) {add = true}
      %add3A_712 = arith.constant 1 : i32
      %add3A_713 = arith.addi %mul3A_567, %add3A_712 : i32
      %mul3A_714 = arith.constant 32 : i32
      %mul3A_715 = arith.muli %add3A_713, %mul3A_714 : i32
      %add3A_716 = arith.addi %mul3A_288, %mul3A_715 : i32
      %dma_wait3A_717 = tpu.memref_slice %arg3[%add3A_716] : memref<163840xi32, #tpu.memory_space<hbm>> -> memref<32xi32, #tpu.memory_space<hbm>>
      %dma_wait3A_718 = tpu.memref_slice %arg3[%add3A_716] : memref<163840xi32, #tpu.memory_space<hbm>> -> memref<32xi32, #tpu.memory_space<hbm>>
      tpu.wait_dma2 semaphore(%arg25 : memref<!tpu.dma_semaphore, #tpu.memory_space<semaphore_mem>>) src(%dma_wait3A_718 : memref<32xi32, #tpu.memory_space<hbm>>) dst(%arg9 : memref<32xi32, #tpu.memory_space<vmem>>)
      %mul3A_719 = arith.constant 32 : i32
      %mul3A_720 = arith.muli %add3A_713, %mul3A_719 : i32
      %dma_wait3A_721 = tpu.memref_slice %arg7[%mul3A_720] : memref<10240xi32, #tpu.memory_space<vmem>> -> memref<32xi32, #tpu.memory_space<vmem>>
      %dma_wait3A_722 = arith.constant 0 : i32
      %dma_wait3A_723 = arith.constant 0 : i32
      %dma_wait3A_724 = tpu.memref_slice %arg4[%dma_wait3A_722, %dma_wait3A_723] : memref<40960x128xf32, #tpu.memory_space<hbm>> -> memref<40960x128xf32, #tpu.memory_space<hbm>>
      tpu.wait_indirect_dma semaphore(%arg33 : memref<!tpu.dma_semaphore, #tpu.memory_space<semaphore_mem>>) src(%dma_wait3A_724 : memref<40960x128xf32, #tpu.memory_space<hbm>>) dst(%arg17 : memref<32x128xf32, #tpu.memory_space<vmem>>)
      %dma_start3A_725 = arith.constant 0 : i32
      %dma_start3A_726 = arith.constant 0 : i32
      %dma_start3A_727 = tpu.memref_slice %arg48[%dma_start3A_725, %dma_start3A_726] : memref<10240x128xf32, #tpu.memory_space<vmem_shared>> -> memref<10240x128xf32, #tpu.memory_space<vmem_shared>>
      tpu.enqueue_indirect_dma source(%arg17 : memref<32x128xf32, #tpu.memory_space<vmem>>) target(%dma_start3A_727 : memref<10240x128xf32, #tpu.memory_space<vmem_shared>>) offsets(%arg9 : memref<32xi32, #tpu.memory_space<vmem>>) semaphore(%arg41 : memref<!tpu.dma_semaphore, #tpu.memory_space<semaphore_mem>>) {add = true}
      %add3A_728 = arith.constant 2 : i32
      %add3A_729 = arith.addi %mul3A_567, %add3A_728 : i32
      %mul3A_730 = arith.constant 32 : i32
      %mul3A_731 = arith.muli %add3A_729, %mul3A_730 : i32
      %add3A_732 = arith.addi %mul3A_288, %mul3A_731 : i32
      %dma_wait3A_733 = tpu.memref_slice %arg3[%add3A_732] : memref<163840xi32, #tpu.memory_space<hbm>> -> memref<32xi32, #tpu.memory_space<hbm>>
      %dma_wait3A_734 = tpu.memref_slice %arg3[%add3A_732] : memref<163840xi32, #tpu.memory_space<hbm>> -> memref<32xi32, #tpu.memory_space<hbm>>
      tpu.wait_dma2 semaphore(%arg26 : memref<!tpu.dma_semaphore, #tpu.memory_space<semaphore_mem>>) src(%dma_wait3A_734 : memref<32xi32, #tpu.memory_space<hbm>>) dst(%arg10 : memref<32xi32, #tpu.memory_space<vmem>>)
      %mul3A_735 = arith.constant 32 : i32
      %mul3A_736 = arith.muli %add3A_729, %mul3A_735 : i32
      %dma_wait3A_737 = tpu.memref_slice %arg7[%mul3A_736] : memref<10240xi32, #tpu.memory_space<vmem>> -> memref<32xi32, #tpu.memory_space<vmem>>
      %dma_wait3A_738 = arith.constant 0 : i32
      %dma_wait3A_739 = arith.constant 0 : i32
      %dma_wait3A_740 = tpu.memref_slice %arg4[%dma_wait3A_738, %dma_wait3A_739] : memref<40960x128xf32, #tpu.memory_space<hbm>> -> memref<40960x128xf32, #tpu.memory_space<hbm>>
      tpu.wait_indirect_dma semaphore(%arg34 : memref<!tpu.dma_semaphore, #tpu.memory_space<semaphore_mem>>) src(%dma_wait3A_740 : memref<40960x128xf32, #tpu.memory_space<hbm>>) dst(%arg18 : memref<32x128xf32, #tpu.memory_space<vmem>>)
      %dma_start3A_741 = arith.constant 0 : i32
      %dma_start3A_742 = arith.constant 0 : i32
      %dma_start3A_743 = tpu.memref_slice %arg48[%dma_start3A_741, %dma_start3A_742] : memref<10240x128xf32, #tpu.memory_space<vmem_shared>> -> memref<10240x128xf32, #tpu.memory_space<vmem_shared>>
      tpu.enqueue_indirect_dma source(%arg18 : memref<32x128xf32, #tpu.memory_space<vmem>>) target(%dma_start3A_743 : memref<10240x128xf32, #tpu.memory_space<vmem_shared>>) offsets(%arg10 : memref<32xi32, #tpu.memory_space<vmem>>) semaphore(%arg42 : memref<!tpu.dma_semaphore, #tpu.memory_space<semaphore_mem>>) {add = true}
      %add3A_744 = arith.constant 3 : i32
      %add3A_745 = arith.addi %mul3A_567, %add3A_744 : i32
      %mul3A_746 = arith.constant 32 : i32
      %mul3A_747 = arith.muli %add3A_745, %mul3A_746 : i32
      %add3A_748 = arith.addi %mul3A_288, %mul3A_747 : i32
      %dma_wait3A_749 = tpu.memref_slice %arg3[%add3A_748] : memref<163840xi32, #tpu.memory_space<hbm>> -> memref<32xi32, #tpu.memory_space<hbm>>
      %dma_wait3A_750 = tpu.memref_slice %arg3[%add3A_748] : memref<163840xi32, #tpu.memory_space<hbm>> -> memref<32xi32, #tpu.memory_space<hbm>>
      tpu.wait_dma2 semaphore(%arg27 : memref<!tpu.dma_semaphore, #tpu.memory_space<semaphore_mem>>) src(%dma_wait3A_750 : memref<32xi32, #tpu.memory_space<hbm>>) dst(%arg11 : memref<32xi32, #tpu.memory_space<vmem>>)
      %mul3A_751 = arith.constant 32 : i32
      %mul3A_752 = arith.muli %add3A_745, %mul3A_751 : i32
      %dma_wait3A_753 = tpu.memref_slice %arg7[%mul3A_752] : memref<10240xi32, #tpu.memory_space<vmem>> -> memref<32xi32, #tpu.memory_space<vmem>>
      %dma_wait3A_754 = arith.constant 0 : i32
      %dma_wait3A_755 = arith.constant 0 : i32
      %dma_wait3A_756 = tpu.memref_slice %arg4[%dma_wait3A_754, %dma_wait3A_755] : memref<40960x128xf32, #tpu.memory_space<hbm>> -> memref<40960x128xf32, #tpu.memory_space<hbm>>
      tpu.wait_indirect_dma semaphore(%arg35 : memref<!tpu.dma_semaphore, #tpu.memory_space<semaphore_mem>>) src(%dma_wait3A_756 : memref<40960x128xf32, #tpu.memory_space<hbm>>) dst(%arg19 : memref<32x128xf32, #tpu.memory_space<vmem>>)
      %dma_start3A_757 = arith.constant 0 : i32
      %dma_start3A_758 = arith.constant 0 : i32
      %dma_start3A_759 = tpu.memref_slice %arg48[%dma_start3A_757, %dma_start3A_758] : memref<10240x128xf32, #tpu.memory_space<vmem_shared>> -> memref<10240x128xf32, #tpu.memory_space<vmem_shared>>
      tpu.enqueue_indirect_dma source(%arg19 : memref<32x128xf32, #tpu.memory_space<vmem>>) target(%dma_start3A_759 : memref<10240x128xf32, #tpu.memory_space<vmem_shared>>) offsets(%arg11 : memref<32xi32, #tpu.memory_space<vmem>>) semaphore(%arg43 : memref<!tpu.dma_semaphore, #tpu.memory_space<semaphore_mem>>) {add = true}
      %add3A_760 = arith.constant 4 : i32
      %add3A_761 = arith.addi %mul3A_567, %add3A_760 : i32
      %mul3A_762 = arith.constant 32 : i32
      %mul3A_763 = arith.muli %add3A_761, %mul3A_762 : i32
      %add3A_764 = arith.addi %mul3A_288, %mul3A_763 : i32
      %dma_wait3A_765 = tpu.memref_slice %arg3[%add3A_764] : memref<163840xi32, #tpu.memory_space<hbm>> -> memref<32xi32, #tpu.memory_space<hbm>>
      %dma_wait3A_766 = tpu.memref_slice %arg3[%add3A_764] : memref<163840xi32, #tpu.memory_space<hbm>> -> memref<32xi32, #tpu.memory_space<hbm>>
      tpu.wait_dma2 semaphore(%arg28 : memref<!tpu.dma_semaphore, #tpu.memory_space<semaphore_mem>>) src(%dma_wait3A_766 : memref<32xi32, #tpu.memory_space<hbm>>) dst(%arg12 : memref<32xi32, #tpu.memory_space<vmem>>)
      %mul3A_767 = arith.constant 32 : i32
      %mul3A_768 = arith.muli %add3A_761, %mul3A_767 : i32
      %dma_wait3A_769 = tpu.memref_slice %arg7[%mul3A_768] : memref<10240xi32, #tpu.memory_space<vmem>> -> memref<32xi32, #tpu.memory_space<vmem>>
      %dma_wait3A_770 = arith.constant 0 : i32
      %dma_wait3A_771 = arith.constant 0 : i32
      %dma_wait3A_772 = tpu.memref_slice %arg4[%dma_wait3A_770, %dma_wait3A_771] : memref<40960x128xf32, #tpu.memory_space<hbm>> -> memref<40960x128xf32, #tpu.memory_space<hbm>>
      tpu.wait_indirect_dma semaphore(%arg36 : memref<!tpu.dma_semaphore, #tpu.memory_space<semaphore_mem>>) src(%dma_wait3A_772 : memref<40960x128xf32, #tpu.memory_space<hbm>>) dst(%arg20 : memref<32x128xf32, #tpu.memory_space<vmem>>)
      %dma_start3A_773 = arith.constant 0 : i32
      %dma_start3A_774 = arith.constant 0 : i32
      %dma_start3A_775 = tpu.memref_slice %arg48[%dma_start3A_773, %dma_start3A_774] : memref<10240x128xf32, #tpu.memory_space<vmem_shared>> -> memref<10240x128xf32, #tpu.memory_space<vmem_shared>>
      tpu.enqueue_indirect_dma source(%arg20 : memref<32x128xf32, #tpu.memory_space<vmem>>) target(%dma_start3A_775 : memref<10240x128xf32, #tpu.memory_space<vmem_shared>>) offsets(%arg12 : memref<32xi32, #tpu.memory_space<vmem>>) semaphore(%arg44 : memref<!tpu.dma_semaphore, #tpu.memory_space<semaphore_mem>>) {add = true}
      %add3A_776 = arith.constant 5 : i32
      %add3A_777 = arith.addi %mul3A_567, %add3A_776 : i32
      %mul3A_778 = arith.constant 32 : i32
      %mul3A_779 = arith.muli %add3A_777, %mul3A_778 : i32
      %add3A_780 = arith.addi %mul3A_288, %mul3A_779 : i32
      %dma_wait3A_781 = tpu.memref_slice %arg3[%add3A_780] : memref<163840xi32, #tpu.memory_space<hbm>> -> memref<32xi32, #tpu.memory_space<hbm>>
      %dma_wait3A_782 = tpu.memref_slice %arg3[%add3A_780] : memref<163840xi32, #tpu.memory_space<hbm>> -> memref<32xi32, #tpu.memory_space<hbm>>
      tpu.wait_dma2 semaphore(%arg29 : memref<!tpu.dma_semaphore, #tpu.memory_space<semaphore_mem>>) src(%dma_wait3A_782 : memref<32xi32, #tpu.memory_space<hbm>>) dst(%arg13 : memref<32xi32, #tpu.memory_space<vmem>>)
      %mul3A_783 = arith.constant 32 : i32
      %mul3A_784 = arith.muli %add3A_777, %mul3A_783 : i32
      %dma_wait3A_785 = tpu.memref_slice %arg7[%mul3A_784] : memref<10240xi32, #tpu.memory_space<vmem>> -> memref<32xi32, #tpu.memory_space<vmem>>
      %dma_wait3A_786 = arith.constant 0 : i32
      %dma_wait3A_787 = arith.constant 0 : i32
      %dma_wait3A_788 = tpu.memref_slice %arg4[%dma_wait3A_786, %dma_wait3A_787] : memref<40960x128xf32, #tpu.memory_space<hbm>> -> memref<40960x128xf32, #tpu.memory_space<hbm>>
      tpu.wait_indirect_dma semaphore(%arg37 : memref<!tpu.dma_semaphore, #tpu.memory_space<semaphore_mem>>) src(%dma_wait3A_788 : memref<40960x128xf32, #tpu.memory_space<hbm>>) dst(%arg21 : memref<32x128xf32, #tpu.memory_space<vmem>>)
      %dma_start3A_789 = arith.constant 0 : i32
      %dma_start3A_790 = arith.constant 0 : i32
      %dma_start3A_791 = tpu.memref_slice %arg48[%dma_start3A_789, %dma_start3A_790] : memref<10240x128xf32, #tpu.memory_space<vmem_shared>> -> memref<10240x128xf32, #tpu.memory_space<vmem_shared>>
      tpu.enqueue_indirect_dma source(%arg21 : memref<32x128xf32, #tpu.memory_space<vmem>>) target(%dma_start3A_791 : memref<10240x128xf32, #tpu.memory_space<vmem_shared>>) offsets(%arg13 : memref<32xi32, #tpu.memory_space<vmem>>) semaphore(%arg45 : memref<!tpu.dma_semaphore, #tpu.memory_space<semaphore_mem>>) {add = true}
      %add3A_792 = arith.constant 6 : i32
      %add3A_793 = arith.addi %mul3A_567, %add3A_792 : i32
      %mul3A_794 = arith.constant 32 : i32
      %mul3A_795 = arith.muli %add3A_793, %mul3A_794 : i32
      %add3A_796 = arith.addi %mul3A_288, %mul3A_795 : i32
      %dma_wait3A_797 = tpu.memref_slice %arg3[%add3A_796] : memref<163840xi32, #tpu.memory_space<hbm>> -> memref<32xi32, #tpu.memory_space<hbm>>
      %dma_wait3A_798 = tpu.memref_slice %arg3[%add3A_796] : memref<163840xi32, #tpu.memory_space<hbm>> -> memref<32xi32, #tpu.memory_space<hbm>>
      tpu.wait_dma2 semaphore(%arg30 : memref<!tpu.dma_semaphore, #tpu.memory_space<semaphore_mem>>) src(%dma_wait3A_798 : memref<32xi32, #tpu.memory_space<hbm>>) dst(%arg14 : memref<32xi32, #tpu.memory_space<vmem>>)
      %mul3A_799 = arith.constant 32 : i32
      %mul3A_800 = arith.muli %add3A_793, %mul3A_799 : i32
      %dma_wait3A_801 = tpu.memref_slice %arg7[%mul3A_800] : memref<10240xi32, #tpu.memory_space<vmem>> -> memref<32xi32, #tpu.memory_space<vmem>>
      %dma_wait3A_802 = arith.constant 0 : i32
      %dma_wait3A_803 = arith.constant 0 : i32
      %dma_wait3A_804 = tpu.memref_slice %arg4[%dma_wait3A_802, %dma_wait3A_803] : memref<40960x128xf32, #tpu.memory_space<hbm>> -> memref<40960x128xf32, #tpu.memory_space<hbm>>
      tpu.wait_indirect_dma semaphore(%arg38 : memref<!tpu.dma_semaphore, #tpu.memory_space<semaphore_mem>>) src(%dma_wait3A_804 : memref<40960x128xf32, #tpu.memory_space<hbm>>) dst(%arg22 : memref<32x128xf32, #tpu.memory_space<vmem>>)
      %dma_start3A_805 = arith.constant 0 : i32
      %dma_start3A_806 = arith.constant 0 : i32
      %dma_start3A_807 = tpu.memref_slice %arg48[%dma_start3A_805, %dma_start3A_806] : memref<10240x128xf32, #tpu.memory_space<vmem_shared>> -> memref<10240x128xf32, #tpu.memory_space<vmem_shared>>
      tpu.enqueue_indirect_dma source(%arg22 : memref<32x128xf32, #tpu.memory_space<vmem>>) target(%dma_start3A_807 : memref<10240x128xf32, #tpu.memory_space<vmem_shared>>) offsets(%arg14 : memref<32xi32, #tpu.memory_space<vmem>>) semaphore(%arg46 : memref<!tpu.dma_semaphore, #tpu.memory_space<semaphore_mem>>) {add = true}
      %add3A_808 = arith.constant 7 : i32
      %add3A_809 = arith.addi %mul3A_567, %add3A_808 : i32
      %mul3A_810 = arith.constant 32 : i32
      %mul3A_811 = arith.muli %add3A_809, %mul3A_810 : i32
      %add3A_812 = arith.addi %mul3A_288, %mul3A_811 : i32
      %dma_wait3A_813 = tpu.memref_slice %arg3[%add3A_812] : memref<163840xi32, #tpu.memory_space<hbm>> -> memref<32xi32, #tpu.memory_space<hbm>>
      %dma_wait3A_814 = tpu.memref_slice %arg3[%add3A_812] : memref<163840xi32, #tpu.memory_space<hbm>> -> memref<32xi32, #tpu.memory_space<hbm>>
      tpu.wait_dma2 semaphore(%arg31 : memref<!tpu.dma_semaphore, #tpu.memory_space<semaphore_mem>>) src(%dma_wait3A_814 : memref<32xi32, #tpu.memory_space<hbm>>) dst(%arg15 : memref<32xi32, #tpu.memory_space<vmem>>)
      %mul3A_815 = arith.constant 32 : i32
      %mul3A_816 = arith.muli %add3A_809, %mul3A_815 : i32
      %dma_wait3A_817 = tpu.memref_slice %arg7[%mul3A_816] : memref<10240xi32, #tpu.memory_space<vmem>> -> memref<32xi32, #tpu.memory_space<vmem>>
      %dma_wait3A_818 = arith.constant 0 : i32
      %dma_wait3A_819 = arith.constant 0 : i32
      %dma_wait3A_820 = tpu.memref_slice %arg4[%dma_wait3A_818, %dma_wait3A_819] : memref<40960x128xf32, #tpu.memory_space<hbm>> -> memref<40960x128xf32, #tpu.memory_space<hbm>>
      tpu.wait_indirect_dma semaphore(%arg39 : memref<!tpu.dma_semaphore, #tpu.memory_space<semaphore_mem>>) src(%dma_wait3A_820 : memref<40960x128xf32, #tpu.memory_space<hbm>>) dst(%arg23 : memref<32x128xf32, #tpu.memory_space<vmem>>)
      %dma_start3A_821 = arith.constant 0 : i32
      %dma_start3A_822 = arith.constant 0 : i32
      %dma_start3A_823 = tpu.memref_slice %arg48[%dma_start3A_821, %dma_start3A_822] : memref<10240x128xf32, #tpu.memory_space<vmem_shared>> -> memref<10240x128xf32, #tpu.memory_space<vmem_shared>>
      tpu.enqueue_indirect_dma source(%arg23 : memref<32x128xf32, #tpu.memory_space<vmem>>) target(%dma_start3A_823 : memref<10240x128xf32, #tpu.memory_space<vmem_shared>>) offsets(%arg15 : memref<32xi32, #tpu.memory_space<vmem>>) semaphore(%arg47 : memref<!tpu.dma_semaphore, #tpu.memory_space<semaphore_mem>>) {add = true}
      %scan3A_824 = arith.constant 0 : i32
      scf.yield %scan3A_824 : i32
    }
    %scan3A_533 = arith.constant 39 : i32
    %dma_wait3A_534 = arith.constant 0 : i32
    %dma_wait3A_535 = arith.constant 0 : i32
    %dma_wait3A_536 = tpu.memref_slice %arg48[%dma_wait3A_534, %dma_wait3A_535] : memref<10240x128xf32, #tpu.memory_space<vmem_shared>> -> memref<10240x128xf32, #tpu.memory_space<vmem_shared>>
    tpu.wait_indirect_dma semaphore(%arg40 : memref<!tpu.dma_semaphore, #tpu.memory_space<semaphore_mem>>) src(%arg16 : memref<32x128xf32, #tpu.memory_space<vmem>>) dst(%dma_wait3A_536 : memref<10240x128xf32, #tpu.memory_space<vmem_shared>>)
    %dma_wait3A_537 = arith.constant 0 : i32
    %dma_wait3A_538 = arith.constant 0 : i32
    %dma_wait3A_539 = tpu.memref_slice %arg48[%dma_wait3A_537, %dma_wait3A_538] : memref<10240x128xf32, #tpu.memory_space<vmem_shared>> -> memref<10240x128xf32, #tpu.memory_space<vmem_shared>>
    tpu.wait_indirect_dma semaphore(%arg41 : memref<!tpu.dma_semaphore, #tpu.memory_space<semaphore_mem>>) src(%arg17 : memref<32x128xf32, #tpu.memory_space<vmem>>) dst(%dma_wait3A_539 : memref<10240x128xf32, #tpu.memory_space<vmem_shared>>)
    %dma_wait3A_540 = arith.constant 0 : i32
    %dma_wait3A_541 = arith.constant 0 : i32
    %dma_wait3A_542 = tpu.memref_slice %arg48[%dma_wait3A_540, %dma_wait3A_541] : memref<10240x128xf32, #tpu.memory_space<vmem_shared>> -> memref<10240x128xf32, #tpu.memory_space<vmem_shared>>
    tpu.wait_indirect_dma semaphore(%arg42 : memref<!tpu.dma_semaphore, #tpu.memory_space<semaphore_mem>>) src(%arg18 : memref<32x128xf32, #tpu.memory_space<vmem>>) dst(%dma_wait3A_542 : memref<10240x128xf32, #tpu.memory_space<vmem_shared>>)
    %dma_wait3A_543 = arith.constant 0 : i32
    %dma_wait3A_544 = arith.constant 0 : i32
    %dma_wait3A_545 = tpu.memref_slice %arg48[%dma_wait3A_543, %dma_wait3A_544] : memref<10240x128xf32, #tpu.memory_space<vmem_shared>> -> memref<10240x128xf32, #tpu.memory_space<vmem_shared>>
    tpu.wait_indirect_dma semaphore(%arg43 : memref<!tpu.dma_semaphore, #tpu.memory_space<semaphore_mem>>) src(%arg19 : memref<32x128xf32, #tpu.memory_space<vmem>>) dst(%dma_wait3A_545 : memref<10240x128xf32, #tpu.memory_space<vmem_shared>>)
    %dma_wait3A_546 = arith.constant 0 : i32
    %dma_wait3A_547 = arith.constant 0 : i32
    %dma_wait3A_548 = tpu.memref_slice %arg48[%dma_wait3A_546, %dma_wait3A_547] : memref<10240x128xf32, #tpu.memory_space<vmem_shared>> -> memref<10240x128xf32, #tpu.memory_space<vmem_shared>>
    tpu.wait_indirect_dma semaphore(%arg44 : memref<!tpu.dma_semaphore, #tpu.memory_space<semaphore_mem>>) src(%arg20 : memref<32x128xf32, #tpu.memory_space<vmem>>) dst(%dma_wait3A_548 : memref<10240x128xf32, #tpu.memory_space<vmem_shared>>)
    %dma_wait3A_549 = arith.constant 0 : i32
    %dma_wait3A_550 = arith.constant 0 : i32
    %dma_wait3A_551 = tpu.memref_slice %arg48[%dma_wait3A_549, %dma_wait3A_550] : memref<10240x128xf32, #tpu.memory_space<vmem_shared>> -> memref<10240x128xf32, #tpu.memory_space<vmem_shared>>
    tpu.wait_indirect_dma semaphore(%arg45 : memref<!tpu.dma_semaphore, #tpu.memory_space<semaphore_mem>>) src(%arg21 : memref<32x128xf32, #tpu.memory_space<vmem>>) dst(%dma_wait3A_551 : memref<10240x128xf32, #tpu.memory_space<vmem_shared>>)
    %dma_wait3A_552 = arith.constant 0 : i32
    %dma_wait3A_553 = arith.constant 0 : i32
    %dma_wait3A_554 = tpu.memref_slice %arg48[%dma_wait3A_552, %dma_wait3A_553] : memref<10240x128xf32, #tpu.memory_space<vmem_shared>> -> memref<10240x128xf32, #tpu.memory_space<vmem_shared>>
    tpu.wait_indirect_dma semaphore(%arg46 : memref<!tpu.dma_semaphore, #tpu.memory_space<semaphore_mem>>) src(%arg22 : memref<32x128xf32, #tpu.memory_space<vmem>>) dst(%dma_wait3A_554 : memref<10240x128xf32, #tpu.memory_space<vmem_shared>>)
    %dma_wait3A_555 = arith.constant 0 : i32
    %dma_wait3A_556 = arith.constant 0 : i32
    %dma_wait3A_557 = tpu.memref_slice %arg48[%dma_wait3A_555, %dma_wait3A_556] : memref<10240x128xf32, #tpu.memory_space<vmem_shared>> -> memref<10240x128xf32, #tpu.memory_space<vmem_shared>>
    tpu.wait_indirect_dma semaphore(%arg47 : memref<!tpu.dma_semaphore, #tpu.memory_space<semaphore_mem>>) src(%arg23 : memref<32x128xf32, #tpu.memory_space<vmem>>) dst(%dma_wait3A_557 : memref<10240x128xf32, #tpu.memory_space<vmem_shared>>)
    %barrier3A_558 = arith.constant 0 : index
    tpu.barrier barrier_id(%barrier3A_558)
    %mul3A_559 = arith.constant 640 : i32
    %mul3A_560 = arith.muli %arg1, %mul3A_559 : i32
    %mul3A_561 = arith.constant 640 : i32
    %mul3A_562 = arith.muli %arg1, %mul3A_561 : i32
    %add3A_563 = arith.addi %mul3A_292, %mul3A_562 : i32
    "tpu.region"() ({
      %run_scoped3A = tpu.sem_alloc : memref<!tpu.dma_semaphore, #tpu.memory_space<semaphore_mem>>
      %dma_start3A_564 = arith.constant 0 : i32
      %dma_start3A_565 = tpu.memref_slice %arg6[%add3A_563, %dma_start3A_564] : memref<40960x128xf32, #tpu.memory_space<hbm>> -> memref<640x128xf32, #tpu.memory_space<hbm>>
      %dma_start3A_566 = arith.constant 0 : i32
      %dma_start3A_567 = tpu.memref_slice %arg48[%mul3A_560, %dma_start3A_566] : memref<10240x128xf32, #tpu.memory_space<vmem_shared>> -> memref<640x128xf32, #tpu.memory_space<vmem_shared>>
      tpu.enqueue_dma source(%dma_start3A_567 : memref<640x128xf32, #tpu.memory_space<vmem_shared>>) target(%dma_start3A_565 : memref<640x128xf32, #tpu.memory_space<hbm>>) target_semaphore(%run_scoped3A : memref<!tpu.dma_semaphore, #tpu.memory_space<semaphore_mem>>)
      %dma_wait3A_568 = arith.constant 0 : i32
      %dma_wait3A_569 = tpu.memref_slice %arg6[%add3A_563, %dma_wait3A_568] : memref<40960x128xf32, #tpu.memory_space<hbm>> -> memref<640x128xf32, #tpu.memory_space<hbm>>
      %dma_wait3A_570 = arith.constant 0 : i32
      %dma_wait3A_571 = tpu.memref_slice %arg48[%mul3A_560, %dma_wait3A_570] : memref<10240x128xf32, #tpu.memory_space<vmem_shared>> -> memref<640x128xf32, #tpu.memory_space<vmem_shared>>
      tpu.wait_dma2 semaphore(%run_scoped3A : memref<!tpu.dma_semaphore, #tpu.memory_space<semaphore_mem>>) src(%dma_wait3A_571 : memref<640x128xf32, #tpu.memory_space<vmem_shared>>) dst(%dma_wait3A_569 : memref<640x128xf32, #tpu.memory_space<hbm>>)
      tpu.yield
    }) : () -> ()
    return
  }
}

#map = affine_map<(d0, d1) -> (0)>
module attributes {stable_mosaic.version = 14 : i64} {
  func.func @_sc_deg(%arg0: i32, %arg1: i32, %arg2: memref<163840xi32, #tpu.memory_space<hbm>>, %arg3: memref<10240xf32, #tpu.memory_space<hbm>>, %arg4: memref<20480xf32, #tpu.memory_space<hbm>>, %arg5: memref<128xi32, #tpu.memory_space<vmem>>, %arg6: memref<128xf32, #tpu.memory_space<vmem>>, %arg7: memref<10240xf32, #tpu.memory_space<vmem_shared>>) attributes {dimension_semantics = [#tpu.dimension_semantics<core_parallel>, #tpu.dimension_semantics<subcore_parallel>], iteration_bounds = array<i64: 2, 16>, scalar_prefetch = 0 : i64, scratch_operands = 3 : i64, tpu.core_type = #tpu.core_type<sc_vector_subcore>, window_params = [{transform_indices = #map}, {transform_indices = #map}, {transform_indices = #map}]} {
    %scan3A = arith.constant 0 : i32
    %scan3A_0 = arith.constant 0 : i32
    %scan3A_1 = arith.constant 8 : i32
    %scan3A_2 = arith.addi %scan3A_0, %scan3A_1 : i32
    %scan3A_3 = arith.constant 1 : i32
    %scan3A_4 = scf.for %scan3A_28 = %scan3A_0 to %scan3A_2 step %scan3A_3 iter_args(%scan3A_29 = %scan3A) -> (i32)  : i32 {
      %broadcast_in_dim3A = arith.constant 1.000000e+00 : f32
      %broadcast_in_dim3A_30 = vector.broadcast %broadcast_in_dim3A : f32 to vector<16xf32>
      %mul3A_31 = arith.constant 16 : i32
      %mul3A_32 = arith.muli %scan3A_28, %mul3A_31 : i32
      %swap3A = arith.index_cast %mul3A_32 : i32 to index
      %swap3A_33 = tpu.vector_load %arg6[%swap3A] {strides = array<i32>} : memref<128xf32, #tpu.memory_space<vmem>>, vector<16xf32>,
      %swap3A_34 = vector.shape_cast %swap3A_33 : vector<16xf32> to vector<16xf32>
      %swap3A_35 = vector.shape_cast %broadcast_in_dim3A_30 : vector<16xf32> to vector<16xf32>
      tpu.vector_store %arg6[%swap3A], %swap3A_35 {strides = array<i32>} : memref<128xf32, #tpu.memory_space<vmem>>, vector<16xf32>,
      %scan3A_36 = arith.constant 0 : i32
      scf.yield %scan3A_36 : i32
    }
    %scan3A_5 = arith.constant 8 : i32
    %mul3A = arith.constant 640 : i32
    %mul3A_6 = arith.muli %arg1, %mul3A : i32
    %mul3A_7 = arith.constant 640 : i32
    %mul3A_8 = arith.muli %arg1, %mul3A_7 : i32
    "tpu.region"() ({
      %run_scoped3A = tpu.sem_alloc : memref<!tpu.dma_semaphore, #tpu.memory_space<semaphore_mem>>
      %dma_start3A = tpu.memref_slice %arg7[%mul3A_8] : memref<10240xf32, #tpu.memory_space<vmem_shared>> -> memref<640xf32, #tpu.memory_space<vmem_shared>>
      %dma_start3A_28 = tpu.memref_slice %arg3[%mul3A_6] : memref<10240xf32, #tpu.memory_space<hbm>> -> memref<640xf32, #tpu.memory_space<hbm>>
      tpu.enqueue_dma source(%dma_start3A_28 : memref<640xf32, #tpu.memory_space<hbm>>) target(%dma_start3A : memref<640xf32, #tpu.memory_space<vmem_shared>>) target_semaphore(%run_scoped3A : memref<!tpu.dma_semaphore, #tpu.memory_space<semaphore_mem>>)
      %dma_wait3A = tpu.memref_slice %arg7[%mul3A_8] : memref<10240xf32, #tpu.memory_space<vmem_shared>> -> memref<640xf32, #tpu.memory_space<vmem_shared>>
      %dma_wait3A_29 = tpu.memref_slice %arg3[%mul3A_6] : memref<10240xf32, #tpu.memory_space<hbm>> -> memref<640xf32, #tpu.memory_space<hbm>>
      tpu.wait_dma2 semaphore(%run_scoped3A : memref<!tpu.dma_semaphore, #tpu.memory_space<semaphore_mem>>) src(%dma_wait3A_29 : memref<640xf32, #tpu.memory_space<hbm>>) dst(%dma_wait3A : memref<640xf32, #tpu.memory_space<vmem_shared>>)
      tpu.yield
    }) : () -> ()
    %barrier3A = arith.constant 0 : index
    tpu.barrier barrier_id(%barrier3A)
    %mul3A_9 = arith.constant 16 : i32
    %mul3A_10 = arith.muli %arg0, %mul3A_9 : i32
    %add3A = arith.addi %mul3A_10, %arg1 : i32
    %mul3A_11 = arith.constant 5120 : i32
    %mul3A_12 = arith.muli %add3A, %mul3A_11 : i32
    %scan3A_13 = arith.constant 0 : i32
    %scan3A_14 = arith.constant 0 : i32
    %scan3A_15 = arith.constant 40 : i32
    %scan3A_16 = arith.addi %scan3A_14, %scan3A_15 : i32
    %scan3A_17 = arith.constant 1 : i32
    %scan3A_18 = scf.for %scan3A_28 = %scan3A_14 to %scan3A_16 step %scan3A_17 iter_args(%scan3A_29 = %scan3A_13) -> (i32)  : i32 {
      %mul3A_30 = arith.constant 128 : i32
      %mul3A_31 = arith.muli %scan3A_28, %mul3A_30 : i32
      %add3A_32 = arith.addi %mul3A_12, %mul3A_31 : i32
      "tpu.region"() ({
        %run_scoped3A = tpu.sem_alloc : memref<!tpu.dma_semaphore, #tpu.memory_space<semaphore_mem>>
        %dma_start3A = tpu.memref_slice %arg2[%add3A_32] : memref<163840xi32, #tpu.memory_space<hbm>> -> memref<128xi32, #tpu.memory_space<hbm>>
        %dma_start3A_34 = tpu.memref_slice %arg2[%add3A_32] : memref<163840xi32, #tpu.memory_space<hbm>> -> memref<128xi32, #tpu.memory_space<hbm>>
        tpu.enqueue_dma source(%dma_start3A_34 : memref<128xi32, #tpu.memory_space<hbm>>) target(%arg5 : memref<128xi32, #tpu.memory_space<vmem>>) target_semaphore(%run_scoped3A : memref<!tpu.dma_semaphore, #tpu.memory_space<semaphore_mem>>)
        %dma_wait3A = tpu.memref_slice %arg2[%add3A_32] : memref<163840xi32, #tpu.memory_space<hbm>> -> memref<128xi32, #tpu.memory_space<hbm>>
        %dma_wait3A_35 = tpu.memref_slice %arg2[%add3A_32] : memref<163840xi32, #tpu.memory_space<hbm>> -> memref<128xi32, #tpu.memory_space<hbm>>
        tpu.wait_dma2 semaphore(%run_scoped3A : memref<!tpu.dma_semaphore, #tpu.memory_space<semaphore_mem>>) src(%dma_wait3A_35 : memref<128xi32, #tpu.memory_space<hbm>>) dst(%arg5 : memref<128xi32, #tpu.memory_space<vmem>>)
        tpu.yield
      }) : () -> ()
      "tpu.region"() ({
        %run_scoped3A = tpu.sem_alloc : memref<!tpu.dma_semaphore, #tpu.memory_space<semaphore_mem>>
        %dma_start3A = arith.constant 0 : i32
        %dma_start3A_34 = tpu.memref_slice %arg7[%dma_start3A] : memref<10240xf32, #tpu.memory_space<vmem_shared>> -> memref<10240xf32, #tpu.memory_space<vmem_shared>>
        tpu.enqueue_indirect_dma source(%arg6 : memref<128xf32, #tpu.memory_space<vmem>>) target(%dma_start3A_34 : memref<10240xf32, #tpu.memory_space<vmem_shared>>) offsets(%arg5 : memref<128xi32, #tpu.memory_space<vmem>>) semaphore(%run_scoped3A : memref<!tpu.dma_semaphore, #tpu.memory_space<semaphore_mem>>) {add = true}
        %dma_wait3A = arith.constant 0 : i32
        %dma_wait3A_35 = tpu.memref_slice %arg7[%dma_wait3A] : memref<10240xf32, #tpu.memory_space<vmem_shared>> -> memref<10240xf32, #tpu.memory_space<vmem_shared>>
        tpu.wait_indirect_dma semaphore(%run_scoped3A : memref<!tpu.dma_semaphore, #tpu.memory_space<semaphore_mem>>) src(%arg6 : memref<128xf32, #tpu.memory_space<vmem>>) dst(%dma_wait3A_35 : memref<10240xf32, #tpu.memory_space<vmem_shared>>)
        tpu.yield
      }) : () -> ()
      %scan3A_33 = arith.constant 0 : i32
      scf.yield %scan3A_33 : i32
    }
    %scan3A_19 = arith.constant 40 : i32
    %barrier3A_20 = arith.constant 0 : index
    tpu.barrier barrier_id(%barrier3A_20)
    %mul3A_21 = arith.constant 640 : i32
    %mul3A_22 = arith.muli %arg1, %mul3A_21 : i32
    %mul3A_23 = arith.constant 10240 : i32
    %mul3A_24 = arith.muli %arg0, %mul3A_23 : i32
    %mul3A_25 = arith.constant 640 : i32
    %mul3A_26 = arith.muli %arg1, %mul3A_25 : i32
    %add3A_27 = arith.addi %mul3A_24, %mul3A_26 : i32
    "tpu.region"() ({
      %run_scoped3A = tpu.sem_alloc : memref<!tpu.dma_semaphore, #tpu.memory_space<semaphore_mem>>
      %dma_start3A = tpu.memref_slice %arg4[%add3A_27] : memref<20480xf32, #tpu.memory_space<hbm>> -> memref<640xf32, #tpu.memory_space<hbm>>
      %dma_start3A_28 = tpu.memref_slice %arg7[%mul3A_22] : memref<10240xf32, #tpu.memory_space<vmem_shared>> -> memref<640xf32, #tpu.memory_space<vmem_shared>>
      tpu.enqueue_dma source(%dma_start3A_28 : memref<640xf32, #tpu.memory_space<vmem_shared>>) target(%dma_start3A : memref<640xf32, #tpu.memory_space<hbm>>) target_semaphore(%run_scoped3A : memref<!tpu.dma_semaphore, #tpu.memory_space<semaphore_mem>>)
      %dma_wait3A = tpu.memref_slice %arg4[%add3A_27] : memref<20480xf32, #tpu.memory_space<hbm>> -> memref<640xf32, #tpu.memory_space<hbm>>
      %dma_wait3A_29 = tpu.memref_slice %arg7[%mul3A_22] : memref<10240xf32, #tpu.memory_space<vmem_shared>> -> memref<640xf32, #tpu.memory_space<vmem_shared>>
      tpu.wait_dma2 semaphore(%run_scoped3A : memref<!tpu.dma_semaphore, #tpu.memory_space<semaphore_mem>>) src(%dma_wait3A_29 : memref<640xf32, #tpu.memory_space<vmem_shared>>) dst(%dma_wait3A : memref<640xf32, #tpu.memory_space<hbm>>)
      tpu.yield
    }) : () -> ()
    return
  }
}

module attributes {stable_mosaic.version = 14 : i64} {
  func.func @_tc_prep_body(%arg0: memref<10240x2xf32, #tpu.memory_space<vmem>>, %arg1: memref<10240x128xf32, #tpu.memory_space<vmem>>, %arg2: memref<1280x128xi32, #tpu.memory_space<vmem>>, %arg3: memref<10240x1xf32, #tpu.memory_space<vmem>>, %arg4: memref<10240x128xf32, #tpu.memory_space<vmem>>, %arg5: memref<4x1280x128xi32, #tpu.memory_space<vmem>>) attributes {dimension_semantics = [], scalar_prefetch = 0 : i64, scratch_operands = 0 : i64, tpu.core_type = #tpu.core_type<tc>} {
    %get3A = arith.constant 0 : index
    %get3A_0 = arith.constant 0 : index
    %get3A_1 = vector.load %arg0[%get3A, %get3A_0] : memref<10240x2xf32, #tpu.memory_space<vmem>>, vector<10240x1xf32>
    %get3A_2 = arith.constant 0 : index
    %get3A_3 = arith.constant 1 : index
    %get3A_4 = vector.load %arg0[%get3A_2, %get3A_3] : memref<10240x2xf32, #tpu.memory_space<vmem>>, vector<10240x1xf32>
    %add3A = arith.addf %get3A_1, %get3A_4 : vector<10240x1xf32>
    %add3A_5 = arith.constant 1.000000e+00 : f32
    %add3A_6 = vector.broadcast %add3A_5 : f32 to vector<10240x1xf32>
    %add3A_7 = arith.addf %add3A, %add3A_6 : vector<10240x1xf32>
    %rsqrt3A = math.rsqrt %add3A_7 : vector<10240x1xf32>
    %swap3A = arith.constant 0 : index
    %swap3A_8 = arith.constant 0 : index
    %swap3A_9 = vector.load %arg3[%swap3A, %swap3A_8] : memref<10240x1xf32, #tpu.memory_space<vmem>>, vector<10240x1xf32>
    tpu.vector_store %arg3[%swap3A, %swap3A_8], %rsqrt3A {strides = array<i32>} : memref<10240x1xf32, #tpu.memory_space<vmem>>, vector<10240x1xf32>,
    %get3A_10 = arith.constant 0 : index
    %get3A_11 = arith.constant 0 : index
    %get3A_12 = vector.load %arg1[%get3A_10, %get3A_11] : memref<10240x128xf32, #tpu.memory_space<vmem>>, vector<10240x128xf32>
    %mul3A = vector.broadcast %rsqrt3A : vector<10240x1xf32> to vector<10240x128xf32>
    %mul3A_13 = arith.mulf %get3A_12, %mul3A : vector<10240x128xf32>
    %swap3A_14 = arith.constant 0 : index
    %swap3A_15 = arith.constant 0 : index
    %swap3A_16 = vector.load %arg4[%swap3A_14, %swap3A_15] : memref<10240x128xf32, #tpu.memory_space<vmem>>, vector<10240x128xf32>
    tpu.vector_store %arg4[%swap3A_14, %swap3A_15], %mul3A_13 {strides = array<i32>} : memref<10240x128xf32, #tpu.memory_space<vmem>>, vector<10240x128xf32>,
    %get3A_17 = arith.constant 0 : index
    %get3A_18 = arith.constant 0 : index
    %get3A_19 = vector.load %arg2[%get3A_17, %get3A_18] : memref<1280x128xi32, #tpu.memory_space<vmem>>, vector<1280x128xi32>
    %add3A_20 = arith.constant 0 : i32
    %add3A_21 = vector.broadcast %add3A_20 : i32 to vector<1280x128xi32>
    %add3A_22 = arith.addi %get3A_19, %add3A_21 : vector<1280x128xi32>
    %swap3A_23 = arith.constant 0 : index
    %swap3A_24 = arith.constant 0 : index
    %swap3A_25 = arith.constant 0 : index
    %swap3A_26 = vector.load %arg5[%swap3A_23, %swap3A_24, %swap3A_25] : memref<4x1280x128xi32, #tpu.memory_space<vmem>>, vector<1x1280x128xi32>
    %swap3A_27 = vector.shape_cast %swap3A_26 : vector<1x1280x128xi32> to vector<1280x128xi32>
    %swap3A_28 = vector.shape_cast %add3A_22 : vector<1280x128xi32> to vector<1x1280x128xi32>
    tpu.vector_store %arg5[%swap3A_23, %swap3A_24, %swap3A_25], %swap3A_28 {strides = array<i32>} : memref<4x1280x128xi32, #tpu.memory_space<vmem>>, vector<1x1280x128xi32>,
    %add3A_29 = arith.constant 10240 : i32
    %add3A_30 = vector.broadcast %add3A_29 : i32 to vector<1280x128xi32>
    %add3A_31 = arith.addi %get3A_19, %add3A_30 : vector<1280x128xi32>
    %swap3A_32 = arith.constant 1 : index
    %swap3A_33 = arith.constant 0 : index
    %swap3A_34 = arith.constant 0 : index
    %swap3A_35 = vector.load %arg5[%swap3A_32, %swap3A_33, %swap3A_34] : memref<4x1280x128xi32, #tpu.memory_space<vmem>>, vector<1x1280x128xi32>
    %swap3A_36 = vector.shape_cast %swap3A_35 : vector<1x1280x128xi32> to vector<1280x128xi32>
    %swap3A_37 = vector.shape_cast %add3A_31 : vector<1280x128xi32> to vector<1x1280x128xi32>
    tpu.vector_store %arg5[%swap3A_32, %swap3A_33, %swap3A_34], %swap3A_37 {strides = array<i32>} : memref<4x1280x128xi32, #tpu.memory_space<vmem>>, vector<1x1280x128xi32>,
    %add3A_38 = arith.constant 20480 : i32
    %add3A_39 = vector.broadcast %add3A_38 : i32 to vector<1280x128xi32>
    %add3A_40 = arith.addi %get3A_19, %add3A_39 : vector<1280x128xi32>
    %swap3A_41 = arith.constant 2 : index
    %swap3A_42 = arith.constant 0 : index
    %swap3A_43 = arith.constant 0 : index
    %swap3A_44 = vector.load %arg5[%swap3A_41, %swap3A_42, %swap3A_43] : memref<4x1280x128xi32, #tpu.memory_space<vmem>>, vector<1x1280x128xi32>
    %swap3A_45 = vector.shape_cast %swap3A_44 : vector<1x1280x128xi32> to vector<1280x128xi32>
    %swap3A_46 = vector.shape_cast %add3A_40 : vector<1280x128xi32> to vector<1x1280x128xi32>
    tpu.vector_store %arg5[%swap3A_41, %swap3A_42, %swap3A_43], %swap3A_46 {strides = array<i32>} : memref<4x1280x128xi32, #tpu.memory_space<vmem>>, vector<1x1280x128xi32>,
    %add3A_47 = arith.constant 30720 : i32
    %add3A_48 = vector.broadcast %add3A_47 : i32 to vector<1280x128xi32>
    %add3A_49 = arith.addi %get3A_19, %add3A_48 : vector<1280x128xi32>
    %swap3A_50 = arith.constant 3 : index
    %swap3A_51 = arith.constant 0 : index
    %swap3A_52 = arith.constant 0 : index
    %swap3A_53 = vector.load %arg5[%swap3A_50, %swap3A_51, %swap3A_52] : memref<4x1280x128xi32, #tpu.memory_space<vmem>>, vector<1x1280x128xi32>
    %swap3A_54 = vector.shape_cast %swap3A_53 : vector<1x1280x128xi32> to vector<1280x128xi32>
    %swap3A_55 = vector.shape_cast %add3A_49 : vector<1280x128xi32> to vector<1x1280x128xi32>
    tpu.vector_store %arg5[%swap3A_50, %swap3A_51, %swap3A_52], %swap3A_55 {strides = array<i32>} : memref<4x1280x128xi32, #tpu.memory_space<vmem>>, vector<1x1280x128xi32>,
    return
  }
}

module attributes {stable_mosaic.version = 14 : i64} {
  func.func @_tc_h1_body(%arg0: i32, %arg1: memref<2x512x128xf32, #tpu.memory_space<vmem>>, %arg2: memref<512x128xf32, #tpu.memory_space<vmem>>, %arg3: memref<512x1xf32, #tpu.memory_space<vmem>>, %arg4: memref<128x512xf32, #tpu.memory_space<vmem>>, %arg5: memref<1x512xf32, #tpu.memory_space<vmem>>, %arg6: memref<4x512x128xf32, #tpu.memory_space<vmem>>) attributes {dimension_semantics = [#tpu.dimension_semantics<arbitrary>], iteration_bounds = array<i64: 20>, scalar_prefetch = 0 : i64, scratch_operands = 0 : i64, tpu.core_type = #tpu.core_type<tc>, window_params = [{transform_indices = @transform_0, window_bounds = array<i64: 2, 512, 128>}, {transform_indices = @transform_1, window_bounds = array<i64: 512, 128>}, {transform_indices = @transform_2, window_bounds = array<i64: 512, 1>}, {pipeline_mode = #tpu.pipeline_mode<synchronous>, transform_indices = @transform_3, window_bounds = array<i64: 128, 512>}, {pipeline_mode = #tpu.pipeline_mode<synchronous>, transform_indices = @transform_4, window_bounds = array<i64: 1, 512>}, {transform_indices = @transform_5, window_bounds = array<i64: 4, 512, 128>}]} {
    %get3A = arith.constant 0 : index
    %get3A_0 = arith.constant 0 : index
    %get3A_1 = vector.load %arg3[%get3A, %get3A_0] : memref<512x1xf32, #tpu.memory_space<vmem>>, vector<512x1xf32>
    %get3A_2 = arith.constant 0 : index
    %get3A_3 = arith.constant 0 : index
    %get3A_4 = arith.constant 0 : index
    %get3A_5 = vector.load %arg1[%get3A_2, %get3A_3, %get3A_4] : memref<2x512x128xf32, #tpu.memory_space<vmem>>, vector<1x512x128xf32>
    %get3A_6 = vector.shape_cast %get3A_5 : vector<1x512x128xf32> to vector<512x128xf32>
    %get3A_7 = arith.constant 1 : index
    %get3A_8 = arith.constant 0 : index
    %get3A_9 = arith.constant 0 : index
    %get3A_10 = vector.load %arg1[%get3A_7, %get3A_8, %get3A_9] : memref<2x512x128xf32, #tpu.memory_space<vmem>>, vector<1x512x128xf32>
    %get3A_11 = vector.shape_cast %get3A_10 : vector<1x512x128xf32> to vector<512x128xf32>
    %add3A = arith.addf %get3A_6, %get3A_11 : vector<512x128xf32>
    %get3A_12 = arith.constant 0 : index
    %get3A_13 = arith.constant 0 : index
    %get3A_14 = vector.load %arg2[%get3A_12, %get3A_13] : memref<512x128xf32, #tpu.memory_space<vmem>>, vector<512x128xf32>
    %add3A_15 = arith.addf %add3A, %get3A_14 : vector<512x128xf32>
    %mul3A = vector.broadcast %get3A_1 : vector<512x1xf32> to vector<512x128xf32>
    %mul3A_16 = arith.mulf %add3A_15, %mul3A : vector<512x128xf32>
    %convert_element_type3A = arith.truncf %mul3A_16 : vector<512x128xf32> to vector<512x128xbf16>
    %get3A_17 = arith.constant 0 : index
    %get3A_18 = arith.constant 0 : index
    %get3A_19 = vector.load %arg4[%get3A_17, %get3A_18] : memref<128x512xf32, #tpu.memory_space<vmem>>, vector<128x512xf32>
    %convert_element_type3A_20 = arith.truncf %get3A_19 : vector<128x512xf32> to vector<128x512xbf16>
    %dot_general3A = arith.constant dense<0.000000e+00> : vector<512x512xf32>
    %dot_general3A_21 = tpu.matmul %convert_element_type3A, %convert_element_type3A_20, %dot_general3A {dimension_numbers = #tpu.dot_dimension_numbers<[1], [0], [0], [1], [0, 0, 1, 1], [], []>, transpose_lhs_hint = false} : vector<512x128xbf16>, vector<128x512xbf16>, vector<512x512xf32> -> vector<512x512xf32>
    %get3A_22 = arith.constant 0 : index
    %get3A_23 = arith.constant 0 : index
    %get3A_24 = vector.load %arg5[%get3A_22, %get3A_23] : memref<1x512xf32, #tpu.memory_space<vmem>>, vector<1x512xf32>
    %add3A_25 = vector.broadcast %get3A_24 : vector<1x512xf32> to vector<512x512xf32>
    %add3A_26 = arith.addf %dot_general3A_21, %add3A_25 : vector<512x512xf32>
    %max3A = arith.constant 0.000000e+00 : f32
    %max3A_27 = vector.broadcast %max3A : f32 to vector<512x512xf32>
    %max3A_28 = arith.maximumf %add3A_26, %max3A_27 : vector<512x512xf32>
    %mul3A_29 = vector.broadcast %get3A_1 : vector<512x1xf32> to vector<512x512xf32>
    %mul3A_30 = arith.mulf %max3A_28, %mul3A_29 : vector<512x512xf32>
    %slice3A = vector.extract_strided_slice %mul3A_30 {offsets = [0, 0], sizes = [512, 128], strides = [1, 1]} : vector<512x512xf32> to vector<512x128xf32>
    %swap3A = arith.constant 0 : index
    %swap3A_31 = arith.constant 0 : index
    %swap3A_32 = arith.constant 0 : index
    %swap3A_33 = vector.load %arg6[%swap3A, %swap3A_31, %swap3A_32] : memref<4x512x128xf32, #tpu.memory_space<vmem>>, vector<1x512x128xf32>
    %swap3A_34 = vector.shape_cast %swap3A_33 : vector<1x512x128xf32> to vector<512x128xf32>
    %swap3A_35 = vector.shape_cast %slice3A : vector<512x128xf32> to vector<1x512x128xf32>
    tpu.vector_store %arg6[%swap3A, %swap3A_31, %swap3A_32], %swap3A_35 {strides = array<i32>} : memref<4x512x128xf32, #tpu.memory_space<vmem>>, vector<1x512x128xf32>,
    %slice3A_36 = vector.extract_strided_slice %mul3A_30 {offsets = [0, 128], sizes = [512, 128], strides = [1, 1]} : vector<512x512xf32> to vector<512x128xf32>
    %swap3A_37 = arith.constant 1 : index
    %swap3A_38 = arith.constant 0 : index
    %swap3A_39 = arith.constant 0 : index
    %swap3A_40 = vector.load %arg6[%swap3A_37, %swap3A_38, %swap3A_39] : memref<4x512x128xf32, #tpu.memory_space<vmem>>, vector<1x512x128xf32>
    %swap3A_41 = vector.shape_cast %swap3A_40 : vector<1x512x128xf32> to vector<512x128xf32>
    %swap3A_42 = vector.shape_cast %slice3A_36 : vector<512x128xf32> to vector<1x512x128xf32>
    tpu.vector_store %arg6[%swap3A_37, %swap3A_38, %swap3A_39], %swap3A_42 {strides = array<i32>} : memref<4x512x128xf32, #tpu.memory_space<vmem>>, vector<1x512x128xf32>,
    %slice3A_43 = vector.extract_strided_slice %mul3A_30 {offsets = [0, 256], sizes = [512, 128], strides = [1, 1]} : vector<512x512xf32> to vector<512x128xf32>
    %swap3A_44 = arith.constant 2 : index
    %swap3A_45 = arith.constant 0 : index
    %swap3A_46 = arith.constant 0 : index
    %swap3A_47 = vector.load %arg6[%swap3A_44, %swap3A_45, %swap3A_46] : memref<4x512x128xf32, #tpu.memory_space<vmem>>, vector<1x512x128xf32>
    %swap3A_48 = vector.shape_cast %swap3A_47 : vector<1x512x128xf32> to vector<512x128xf32>
    %swap3A_49 = vector.shape_cast %slice3A_43 : vector<512x128xf32> to vector<1x512x128xf32>
    tpu.vector_store %arg6[%swap3A_44, %swap3A_45, %swap3A_46], %swap3A_49 {strides = array<i32>} : memref<4x512x128xf32, #tpu.memory_space<vmem>>, vector<1x512x128xf32>,
    %slice3A_50 = vector.extract_strided_slice %mul3A_30 {offsets = [0, 384], sizes = [512, 128], strides = [1, 1]} : vector<512x512xf32> to vector<512x128xf32>
    %swap3A_51 = arith.constant 3 : index
    %swap3A_52 = arith.constant 0 : index
    %swap3A_53 = arith.constant 0 : index
    %swap3A_54 = vector.load %arg6[%swap3A_51, %swap3A_52, %swap3A_53] : memref<4x512x128xf32, #tpu.memory_space<vmem>>, vector<1x512x128xf32>
    %swap3A_55 = vector.shape_cast %swap3A_54 : vector<1x512x128xf32> to vector<512x128xf32>
    %swap3A_56 = vector.shape_cast %slice3A_50 : vector<512x128xf32> to vector<1x512x128xf32>
    tpu.vector_store %arg6[%swap3A_51, %swap3A_52, %swap3A_53], %swap3A_56 {strides = array<i32>} : memref<4x512x128xf32, #tpu.memory_space<vmem>>, vector<1x512x128xf32>,
    return
  }
  func.func @transform_0(%arg0: i32) -> (i32, i32, i32) {
    %c0_i32 = arith.constant 0 : i32
    %c0_i32_0 = arith.constant 0 : i32
    %c0_i32_1 = arith.constant 0 : i32
    return %c0_i32, %arg0, %c0_i32_0 : i32, i32, i32
  }
  func.func @transform_1(%arg0: i32) -> (i32, i32) {
    %c0_i32 = arith.constant 0 : i32
    %c0_i32_0 = arith.constant 0 : i32
    return %arg0, %c0_i32 : i32, i32
  }
  func.func @transform_2(%arg0: i32) -> (i32, i32) {
    %c0_i32 = arith.constant 0 : i32
    %c0_i32_0 = arith.constant 0 : i32
    return %arg0, %c0_i32 : i32, i32
  }
  func.func @transform_3(%arg0: i32) -> (i32, i32) {
    %c0_i32 = arith.constant 0 : i32
    %c0_i32_0 = arith.constant 0 : i32
    %c0_i32_1 = arith.constant 0 : i32
    return %c0_i32, %c0_i32_0 : i32, i32
  }
  func.func @transform_4(%arg0: i32) -> (i32, i32) {
    %c0_i32 = arith.constant 0 : i32
    %c0_i32_0 = arith.constant 0 : i32
    %c0_i32_1 = arith.constant 0 : i32
    return %c0_i32, %c0_i32_0 : i32, i32
  }
  func.func @transform_5(%arg0: i32) -> (i32, i32, i32) {
    %c0_i32 = arith.constant 0 : i32
    %c0_i32_0 = arith.constant 0 : i32
    %c0_i32_1 = arith.constant 0 : i32
    return %c0_i32, %arg0, %c0_i32_0 : i32, i32, i32
  }
}

module attributes {stable_mosaic.version = 14 : i64} {
  func.func @_tc_out_body(%arg0: i32, %arg1: memref<4x512x128xf32, #tpu.memory_space<vmem>>, %arg2: memref<4x512x128xf32, #tpu.memory_space<vmem>>, %arg3: memref<512x1xf32, #tpu.memory_space<vmem>>, %arg4: memref<512x1xi32, #tpu.memory_space<vmem>>, %arg5: memref<512x512xf32, #tpu.memory_space<vmem>>, %arg6: memref<1x512xf32, #tpu.memory_space<vmem>>, %arg7: memref<512x2xf32, #tpu.memory_space<vmem>>, %arg8: memref<1x2xf32, #tpu.memory_space<vmem>>, %arg9: memref<64x2xf32, #tpu.memory_space<vmem>>, %arg10: memref<64x512xf32, #tpu.memory_space<vmem>>, %arg11: memref<64x1xf32, #tpu.memory_space<vmem>>) attributes {dimension_semantics = [#tpu.dimension_semantics<arbitrary>], iteration_bounds = array<i64: 20>, scalar_prefetch = 0 : i64, scratch_operands = 2 : i64, tpu.core_type = #tpu.core_type<tc>, window_params = [{transform_indices = @transform_0, window_bounds = array<i64: 4, 512, 128>}, {transform_indices = @transform_1, window_bounds = array<i64: 4, 512, 128>}, {transform_indices = @transform_2, window_bounds = array<i64: 512, 1>}, {transform_indices = @transform_3, window_bounds = array<i64: 512, 1>}, {pipeline_mode = #tpu.pipeline_mode<synchronous>, transform_indices = @transform_4, window_bounds = array<i64: 512, 512>}, {pipeline_mode = #tpu.pipeline_mode<synchronous>, transform_indices = @transform_5, window_bounds = array<i64: 1, 512>}, {pipeline_mode = #tpu.pipeline_mode<synchronous>, transform_indices = @transform_6, window_bounds = array<i64: 512, 2>}, {pipeline_mode = #tpu.pipeline_mode<synchronous>, transform_indices = @transform_7, window_bounds = array<i64: 1, 2>}, {pipeline_mode = #tpu.pipeline_mode<synchronous>, transform_indices = @transform_8, window_bounds = array<i64: 64, 2>}]} {
    %eq3A = arith.constant 0 : i32
    %eq3A_0 = arith.cmpi eq, %arg0, %eq3A : i32
    %convert_element_type3A = arith.extui %eq3A_0 : i1 to i32
    %cond3A = arith.constant 0 : i32
    %cond3A_1 = arith.cmpi ne, %convert_element_type3A, %cond3A : i32
    scf.if %cond3A_1 {
      %broadcast_in_dim3A_91 = arith.constant 0.000000e+00 : f32
      %broadcast_in_dim3A_92 = vector.broadcast %broadcast_in_dim3A_91 : f32 to vector<64x512xf32>
      %swap3A_93 = arith.constant 0 : index
      %swap3A_94 = arith.constant 0 : index
      %swap3A_95 = vector.load %arg10[%swap3A_93, %swap3A_94] : memref<64x512xf32, #tpu.memory_space<vmem>>, vector<64x512xf32>
      tpu.vector_store %arg10[%swap3A_93, %swap3A_94], %broadcast_in_dim3A_92 {strides = array<i32>} : memref<64x512xf32, #tpu.memory_space<vmem>>, vector<64x512xf32>,
      %broadcast_in_dim3A_96 = arith.constant 0.000000e+00 : f32
      %broadcast_in_dim3A_97 = vector.broadcast %broadcast_in_dim3A_96 : f32 to vector<64x1xf32>
      %swap3A_98 = arith.constant 0 : index
      %swap3A_99 = arith.constant 0 : index
      %swap3A_100 = vector.load %arg11[%swap3A_98, %swap3A_99] : memref<64x1xf32, #tpu.memory_space<vmem>>, vector<64x1xf32>
      tpu.vector_store %arg11[%swap3A_98, %swap3A_99], %broadcast_in_dim3A_97 {strides = array<i32>} : memref<64x1xf32, #tpu.memory_space<vmem>>, vector<64x1xf32>,
    } else {
    }
    %get3A = arith.constant 0 : index
    %get3A_2 = arith.constant 0 : index
    %get3A_3 = arith.constant 0 : index
    %get3A_4 = vector.load %arg1[%get3A, %get3A_2, %get3A_3] : memref<4x512x128xf32, #tpu.memory_space<vmem>>, vector<1x512x128xf32>
    %get3A_5 = vector.shape_cast %get3A_4 : vector<1x512x128xf32> to vector<512x128xf32>
    %get3A_6 = arith.constant 0 : index
    %get3A_7 = arith.constant 0 : index
    %get3A_8 = arith.constant 0 : index
    %get3A_9 = vector.load %arg2[%get3A_6, %get3A_7, %get3A_8] : memref<4x512x128xf32, #tpu.memory_space<vmem>>, vector<1x512x128xf32>
    %get3A_10 = vector.shape_cast %get3A_9 : vector<1x512x128xf32> to vector<512x128xf32>
    %add3A = arith.addf %get3A_5, %get3A_10 : vector<512x128xf32>
    %get3A_11 = arith.constant 1 : index
    %get3A_12 = arith.constant 0 : index
    %get3A_13 = arith.constant 0 : index
    %get3A_14 = vector.load %arg1[%get3A_11, %get3A_12, %get3A_13] : memref<4x512x128xf32, #tpu.memory_space<vmem>>, vector<1x512x128xf32>
    %get3A_15 = vector.shape_cast %get3A_14 : vector<1x512x128xf32> to vector<512x128xf32>
    %get3A_16 = arith.constant 1 : index
    %get3A_17 = arith.constant 0 : index
    %get3A_18 = arith.constant 0 : index
    %get3A_19 = vector.load %arg2[%get3A_16, %get3A_17, %get3A_18] : memref<4x512x128xf32, #tpu.memory_space<vmem>>, vector<1x512x128xf32>
    %get3A_20 = vector.shape_cast %get3A_19 : vector<1x512x128xf32> to vector<512x128xf32>
    %add3A_21 = arith.addf %get3A_15, %get3A_20 : vector<512x128xf32>
    %get3A_22 = arith.constant 2 : index
    %get3A_23 = arith.constant 0 : index
    %get3A_24 = arith.constant 0 : index
    %get3A_25 = vector.load %arg1[%get3A_22, %get3A_23, %get3A_24] : memref<4x512x128xf32, #tpu.memory_space<vmem>>, vector<1x512x128xf32>
    %get3A_26 = vector.shape_cast %get3A_25 : vector<1x512x128xf32> to vector<512x128xf32>
    %get3A_27 = arith.constant 2 : index
    %get3A_28 = arith.constant 0 : index
    %get3A_29 = arith.constant 0 : index
    %get3A_30 = vector.load %arg2[%get3A_27, %get3A_28, %get3A_29] : memref<4x512x128xf32, #tpu.memory_space<vmem>>, vector<1x512x128xf32>
    %get3A_31 = vector.shape_cast %get3A_30 : vector<1x512x128xf32> to vector<512x128xf32>
    %add3A_32 = arith.addf %get3A_26, %get3A_31 : vector<512x128xf32>
    %get3A_33 = arith.constant 3 : index
    %get3A_34 = arith.constant 0 : index
    %get3A_35 = arith.constant 0 : index
    %get3A_36 = vector.load %arg1[%get3A_33, %get3A_34, %get3A_35] : memref<4x512x128xf32, #tpu.memory_space<vmem>>, vector<1x512x128xf32>
    %get3A_37 = vector.shape_cast %get3A_36 : vector<1x512x128xf32> to vector<512x128xf32>
    %get3A_38 = arith.constant 3 : index
    %get3A_39 = arith.constant 0 : index
    %get3A_40 = arith.constant 0 : index
    %get3A_41 = vector.load %arg2[%get3A_38, %get3A_39, %get3A_40] : memref<4x512x128xf32, #tpu.memory_space<vmem>>, vector<1x512x128xf32>
    %get3A_42 = vector.shape_cast %get3A_41 : vector<1x512x128xf32> to vector<512x128xf32>
    %add3A_43 = arith.addf %get3A_37, %get3A_42 : vector<512x128xf32>
    %concatenate3A = tpu.concatenate %add3A, %add3A_21, %add3A_32, %add3A_43 in 1 : vector<512x128xf32>, vector<512x128xf32>, vector<512x128xf32>, vector<512x128xf32> -> vector<512x512xf32>
    %get3A_44 = arith.constant 0 : index
    %get3A_45 = arith.constant 0 : index
    %get3A_46 = vector.load %arg3[%get3A_44, %get3A_45] : memref<512x1xf32, #tpu.memory_space<vmem>>, vector<512x1xf32>
    %mul3A = vector.broadcast %get3A_46 : vector<512x1xf32> to vector<512x512xf32>
    %mul3A_47 = arith.mulf %concatenate3A, %mul3A : vector<512x512xf32>
    %convert_element_type3A_48 = arith.truncf %mul3A_47 : vector<512x512xf32> to vector<512x512xbf16>
    %get3A_49 = arith.constant 0 : index
    %get3A_50 = arith.constant 0 : index
    %get3A_51 = vector.load %arg5[%get3A_49, %get3A_50] : memref<512x512xf32, #tpu.memory_space<vmem>>, vector<512x512xf32>
    %convert_element_type3A_52 = arith.truncf %get3A_51 : vector<512x512xf32> to vector<512x512xbf16>
    %dot_general3A = arith.constant dense<0.000000e+00> : vector<512x512xf32>
    %dot_general3A_53 = tpu.matmul %convert_element_type3A_48, %convert_element_type3A_52, %dot_general3A {dimension_numbers = #tpu.dot_dimension_numbers<[1], [0], [0], [1], [0, 0, 1, 1], [], []>, transpose_lhs_hint = false} : vector<512x512xbf16>, vector<512x512xbf16>, vector<512x512xf32> -> vector<512x512xf32>
    %get3A_54 = arith.constant 0 : index
    %get3A_55 = arith.constant 0 : index
    %get3A_56 = vector.load %arg6[%get3A_54, %get3A_55] : memref<1x512xf32, #tpu.memory_space<vmem>>, vector<1x512xf32>
    %add3A_57 = vector.broadcast %get3A_56 : vector<1x512xf32> to vector<512x512xf32>
    %add3A_58 = arith.addf %dot_general3A_53, %add3A_57 : vector<512x512xf32>
    %max3A = arith.constant 0.000000e+00 : f32
    %max3A_59 = vector.broadcast %max3A : f32 to vector<512x512xf32>
    %max3A_60 = arith.maximumf %add3A_58, %max3A_59 : vector<512x512xf32>
    %iota3A = tpu.iota {dimensions = array<i32: 1>} : vector<512x64xi32>
    %get3A_61 = arith.constant 0 : index
    %get3A_62 = arith.constant 0 : index
    %get3A_63 = vector.load %arg4[%get3A_61, %get3A_62] : memref<512x1xi32, #tpu.memory_space<vmem>>, vector<512x1xi32>
    %eq3A_64 = vector.broadcast %get3A_63 : vector<512x1xi32> to vector<512x64xi32>
    %eq3A_65 = arith.cmpi eq, %eq3A_64, %iota3A : vector<512x64xi32>
    %convert_element_type3A_66 = arith.extui %eq3A_65 : vector<512x64xi1> to vector<512x64xi32>
    %convert_element_type3A_67 = arith.sitofp %convert_element_type3A_66 : vector<512x64xi32> to vector<512x64xf32>
    %get3A_68 = arith.constant 0 : index
    %get3A_69 = arith.constant 0 : index
    %get3A_70 = vector.load %arg10[%get3A_68, %get3A_69] : memref<64x512xf32, #tpu.memory_space<vmem>>, vector<64x512xf32>
    %dot_general3A_71 = arith.constant dense<0.000000e+00> : vector<64x512xf32>
    %dot_general3A_72 = tpu.matmul %convert_element_type3A_67, %max3A_60, %dot_general3A_71 {dimension_numbers = #tpu.dot_dimension_numbers<[0], [0], [1], [1], [0, 1, 1, 1], [], []>, transpose_lhs_hint = false} : vector<512x64xf32>, vector<512x512xf32>, vector<64x512xf32> -> vector<64x512xf32>
    %add3A_73 = arith.addf %get3A_70, %dot_general3A_72 : vector<64x512xf32>
    %swap3A = arith.constant 0 : index
    %swap3A_74 = arith.constant 0 : index
    %swap3A_75 = vector.load %arg10[%swap3A, %swap3A_74] : memref<64x512xf32, #tpu.memory_space<vmem>>, vector<64x512xf32>
    tpu.vector_store %arg10[%swap3A, %swap3A_74], %add3A_73 {strides = array<i32>} : memref<64x512xf32, #tpu.memory_space<vmem>>, vector<64x512xf32>,
    %get3A_76 = arith.constant 0 : index
    %get3A_77 = arith.constant 0 : index
    %get3A_78 = vector.load %arg11[%get3A_76, %get3A_77] : memref<64x1xf32, #tpu.memory_space<vmem>>, vector<64x1xf32>
    %broadcast_in_dim3A = arith.constant 1.000000e+00 : f32
    %broadcast_in_dim3A_79 = vector.broadcast %broadcast_in_dim3A : f32 to vector<512x1xf32>
    %dot_general3A_80 = arith.constant dense<0.000000e+00> : vector<64x1xf32>
    %dot_general3A_81 = tpu.matmul %convert_element_type3A_67, %broadcast_in_dim3A_79, %dot_general3A_80 {dimension_numbers = #tpu.dot_dimension_numbers<[0], [0], [1], [1], [0, 1, 1, 1], [], []>, transpose_lhs_hint = false} : vector<512x64xf32>, vector<512x1xf32>, vector<64x1xf32> -> vector<64x1xf32>
    %add3A_82 = arith.addf %get3A_78, %dot_general3A_81 : vector<64x1xf32>
    %swap3A_83 = arith.constant 0 : index
    %swap3A_84 = arith.constant 0 : index
    %swap3A_85 = vector.load %arg11[%swap3A_83, %swap3A_84] : memref<64x1xf32, #tpu.memory_space<vmem>>, vector<64x1xf32>
    tpu.vector_store %arg11[%swap3A_83, %swap3A_84], %add3A_82 {strides = array<i32>} : memref<64x1xf32, #tpu.memory_space<vmem>>, vector<64x1xf32>,
    %eq3A_86 = arith.constant 19 : i32
    %eq3A_87 = arith.cmpi eq, %arg0, %eq3A_86 : i32
    %convert_element_type3A_88 = arith.extui %eq3A_87 : i1 to i32
    %cond3A_89 = arith.constant 0 : i32
    %cond3A_90 = arith.cmpi ne, %convert_element_type3A_88, %cond3A_89 : i32
    scf.if %cond3A_90 {
      %get3A_91 = arith.constant 0 : index
      %get3A_92 = arith.constant 0 : index
      %get3A_93 = vector.load %arg10[%get3A_91, %get3A_92] : memref<64x512xf32, #tpu.memory_space<vmem>>, vector<64x512xf32>
      %get3A_94 = arith.constant 0 : index
      %get3A_95 = arith.constant 0 : index
      %get3A_96 = vector.load %arg11[%get3A_94, %get3A_95] : memref<64x1xf32, #tpu.memory_space<vmem>>, vector<64x1xf32>
      %max3A_97 = arith.constant 1.000000e+00 : f32
      %max3A_98 = vector.broadcast %max3A_97 : f32 to vector<64x1xf32>
      %max3A_99 = arith.maximumf %get3A_96, %max3A_98 : vector<64x1xf32>
      %div3A = vector.broadcast %max3A_99 : vector<64x1xf32> to vector<64x512xf32>
      %div3A_100 = arith.divf %get3A_93, %div3A : vector<64x512xf32>
      %get3A_101 = arith.constant 0 : index
      %get3A_102 = arith.constant 0 : index
      %get3A_103 = vector.load %arg7[%get3A_101, %get3A_102] : memref<512x2xf32, #tpu.memory_space<vmem>>, vector<512x2xf32>
      %dot_general3A_104 = arith.constant dense<0.000000e+00> : vector<64x2xf32>
      %dot_general3A_105 = tpu.matmul %div3A_100, %get3A_103, %dot_general3A_104 {dimension_numbers = #tpu.dot_dimension_numbers<[1], [0], [0], [1], [0, 0, 1, 1], [], []>, transpose_lhs_hint = false} : vector<64x512xf32>, vector<512x2xf32>, vector<64x2xf32> -> vector<64x2xf32>
      %get3A_106 = arith.constant 0 : index
      %get3A_107 = arith.constant 0 : index
      %get3A_108 = vector.load %arg8[%get3A_106, %get3A_107] : memref<1x2xf32, #tpu.memory_space<vmem>>, vector<1x2xf32>
      %add3A_109 = vector.broadcast %get3A_108 : vector<1x2xf32> to vector<64x2xf32>
      %add3A_110 = arith.addf %dot_general3A_105, %add3A_109 : vector<64x2xf32>
      %swap3A_111 = arith.constant 0 : index
      %swap3A_112 = arith.constant 0 : index
      %swap3A_113 = vector.load %arg9[%swap3A_111, %swap3A_112] : memref<64x2xf32, #tpu.memory_space<vmem>>, vector<64x2xf32>
      tpu.vector_store %arg9[%swap3A_111, %swap3A_112], %add3A_110 {strides = array<i32>} : memref<64x2xf32, #tpu.memory_space<vmem>>, vector<64x2xf32>,
    } else {
    }
    return
  }
  func.func @transform_0(%arg0: i32) -> (i32, i32, i32) {
    %c0_i32 = arith.constant 0 : i32
    %c0_i32_0 = arith.constant 0 : i32
    %c0_i32_1 = arith.constant 0 : i32
    return %c0_i32, %arg0, %c0_i32_0 : i32, i32, i32
  }
  func.func @transform_1(%arg0: i32) -> (i32, i32, i32) {
    %c0_i32 = arith.constant 0 : i32
    %c0_i32_0 = arith.constant 0 : i32
    %c0_i32_1 = arith.constant 0 : i32
    return %c0_i32, %arg0, %c0_i32_0 : i32, i32, i32
  }
  func.func @transform_2(%arg0: i32) -> (i32, i32) {
    %c0_i32 = arith.constant 0 : i32
    %c0_i32_0 = arith.constant 0 : i32
    return %arg0, %c0_i32 : i32, i32
  }
  func.func @transform_3(%arg0: i32) -> (i32, i32) {
    %c0_i32 = arith.constant 0 : i32
    %c0_i32_0 = arith.constant 0 : i32
    return %arg0, %c0_i32 : i32, i32
  }
  func.func @transform_4(%arg0: i32) -> (i32, i32) {
    %c0_i32 = arith.constant 0 : i32
    %c0_i32_0 = arith.constant 0 : i32
    %c0_i32_1 = arith.constant 0 : i32
    return %c0_i32, %c0_i32_0 : i32, i32
  }
  func.func @transform_5(%arg0: i32) -> (i32, i32) {
    %c0_i32 = arith.constant 0 : i32
    %c0_i32_0 = arith.constant 0 : i32
    %c0_i32_1 = arith.constant 0 : i32
    return %c0_i32, %c0_i32_0 : i32, i32
  }
  func.func @transform_6(%arg0: i32) -> (i32, i32) {
    %c0_i32 = arith.constant 0 : i32
    %c0_i32_0 = arith.constant 0 : i32
    %c0_i32_1 = arith.constant 0 : i32
    return %c0_i32, %c0_i32_0 : i32, i32
  }
  func.func @transform_7(%arg0: i32) -> (i32, i32) {
    %c0_i32 = arith.constant 0 : i32
    %c0_i32_0 = arith.constant 0 : i32
    %c0_i32_1 = arith.constant 0 : i32
    return %c0_i32, %c0_i32_0 : i32, i32
  }
  func.func @transform_8(%arg0: i32) -> (i32, i32) {
    %c0_i32 = arith.constant 0 : i32
    %c0_i32_0 = arith.constant 0 : i32
    %c0_i32_1 = arith.constant 0 : i32
    return %c0_i32, %c0_i32_0 : i32, i32
  }
}

</mosaic_0001>

<sc_bundles>
// kernel: kernel.11.cloned.1.call-start
scs
__scs_entry_jumppad:
0x0: {  	(pc) =	sbr.rel $0x88, $3  }
0x1: {  	(tag) =	ssettag $0x0;
	lr =	simm.s32 $0x1  }
0x2: {  	[smem:$0x3F98] =	sst lr;
	_ =	strace $0xD0000000  }
0x3: {  	_ = 	snop  }
0x4: {  	_ = 	snop  }
0x5: {  	_ = 	snop  }
0x6: {  	_ = 	snop  }
0x7: {  	_ = 	snop  }
__scs_overlays_trampoline_lowered:
0x8: {  	[smem:$0x3FA7] =	sst s0  }
0x9: {  	[smem:$0x3FA8] =	sst s1  }
0xa: {  	[smem:$0x3FA9] =	sst s2  }
0xb: {  	[smem:$0x3FAA] =	sst s3  }
0xc: {  	[smem:$0x3FAB] =	sst s4  }
0xd: {  	[smem:$0x3FAC] =	sst s5  }
0xe: {  	[smem:$0x3FAD] =	sst s6  }
0xf: {  	[smem:$0x3FAE] =	sst s7  }
0x10: {  	[smem:$0x3FAF] =	sst s8  }
0x11: {  	[smem:$0x3FB0] =	sst s9;
	s0 =	simm.s32 @!p0 $0x0  }
0x12: {  	s1 =	sld [smem:$0x3F96];
	s0 =	simm.s32 @p0 $0x1  }
0x13: {  	[smem:$0x3FB1] =	sst s0;
	s0 =	simm.s32 @!p1 $0x0  }
0x14: {  	s2 =	sld [smem:$0x3F95];
	s0 =	simm.s32 @p1 $0x1  }
0x15: {  	[smem:$0x3FB2] =	sst s0;
	s0 =	simm.s32 @!p2 $0x0  }
0x16: {  	s3 =	sld [smem:$0x3FDB];
	s0 =	simm.s32 @p2 $0x1  }
0x17: {  	s4 =	simm.s32 $0x1BF5;
	[smem:$0x3FB4] =	sst s0  }
0x18: {  	s0 =	sld [smem:$0x3F97];
	_ =	swait.ge [sflag:s4], $0x0  }
0x19: {  	s7 =	sld [smem:$0x3F98]  }
0x1a: {  	s8 =	sadd.s32 $0xFFFFE003, lr  }
0x1b: {  	s9 =	sadd.s32 $0xFFFFFEF7, lr;
	s5 =	simm.s32 $0xFFFFFFFF;
	p2 =	slt.u32 s8, $0xFFFFF086  }
0x1c: {  	p1 =	slt.u32 s9, $0xF7A;
	s5 =	simm.s32 @!p2 $0x0  }
0x1d: {  	s5 =	simm.s32 @p1 $0x1;
	p0 =	seq.s32 s7, s2  }
0x1e: {  	s7 =	smul.u32 @!p0 $0xF7A, s2;
	p2 =	seq.s32 @!p0 s5, $0x0  }
0x1f: {  	s9 =	smul.u32 $0xF7A, s1;
	s8 =	simm.s32 @!p0 $0x1BF5;
	p2 =	por !p2, p0  }
0x20: {  	[sflag:s8] =	ssyncset.s32 @!p0 $0xFFFFF086;
	s6 =	sadd.s32 @!p0 s3, s7;
	s7 =	simm.s32 @!p0 $0x108  }
0x21: {  	s3 =	sadd.s32 s3, s9;
	s6 =	sadd.s32 @!p0 $0x88, s6;
	s7 =	simm.s32 @p2 $0x1082  }
0x22: {  	[simem:s7], [sflag:s8] =	dma.local @!p0 [hbm:s6], $0xF7A  }
0x23: {  	s9 =	sor.u32 $0xD0000000, s2;
	s6 =	simm.s32 $0x108;
	_ =	swait.ge @!p0 [sflag:s8], $0x0  }
0x24: {  	s3 =	sadd.s32 $0x88, s3;
	s6 =	simm.s32 @!p1 $0x1082;
	[sflag:s4] =	ssyncset.s32 $0xFFFFF086  }
0x25: {  	[simem:s6], [sflag:s4] =	dma.local [hbm:s3], $0xF7A  }
0x26: {  	[smem:$0x3F98] =	sst s1;
	(tag) =	ssettag s2;
	_ =	strace s9  }
0x27: {  	s1 =	sld [smem:$0x3FA8]  }
0x28: {  	s2 =	sld [smem:$0x3FA9]  }
0x29: {  	s4 =	sld [smem:$0x3FAB]  }
0x2a: {  	p0 =	seq.s32 s5, $0x0;
	s5 =	sld [smem:$0x3FAC]  }
0x2b: {  	s6 =	sld [smem:$0x3FAD]  }
0x2c: {  	s7 =	sld [smem:$0x3FAE]  }
0x2d: {  	s3 =	simm.s32 $0x108;
	s8 =	sld [smem:$0x3FAF]  }
0x2e: {  	s3 =	simm.s32 @!p0 $0x1082;
	s9 =	sld [smem:$0x3FB0]  }
0x2f: {  	lr =	sadd.s32 s0, s3;
	s0 =	sld [smem:$0x3FA7]  }
0x30: {  	s3 =	sld [smem:$0x3FAA]  }
0x31: {  	[smem:$0x3FB3] =	sst s10  }
0x32: {  	s10 =	sld [smem:$0x3FB1];
	_ =	sdelay $0x3  }
0x33: {  	p0 =	seq.s32 s10, $0x1;
	s10 =	sld [smem:$0x3FB3];
	_ =	sdelay $0x3  }
0x34: {  	[smem:$0x3FB3] =	sst s10  }
0x35: {  	s10 =	sld [smem:$0x3FB2];
	_ =	sdelay $0x3  }
0x36: {  	p1 =	seq.s32 s10, $0x1;
	s10 =	sld [smem:$0x3FB3];
	_ =	sdelay $0x3  }
0x37: {  	[smem:$0x3FB3] =	sst s10  }
0x38: {  	s10 =	sld [smem:$0x3FB4]  }
0x39: {  	_ = 	snop;
	(pc) =	sbr.ind lr, $3  }
0x3a: {  	_ = 	snop  }
0x3b: {  	_ = 	snop  }
0x3c: {  	p2 =	seq.s32 s10, $0x1;
	s10 =	sld [smem:$0x3FB3]  }
0x3d: {  	_ =	shalt  }
0x3e: {  	_ =	shalt  }
0x3f: {  	_ =	shalt  }
0x40: {  	_ =	shalt  }
0x41: {  	_ =	shalt  }
0x42: {  	_ =	shalt  }
0x43: {  	_ =	shalt  }
0x44: {  	_ =	shalt  }
0x45: {  	_ =	shalt  }
0x46: {  	_ =	shalt  }
0x47: {  	_ =	shalt  }
0x48: {  	_ =	shalt  }
0x49: {  	_ =	shalt  }
0x4a: {  	_ =	shalt  }
0x4b: {  	_ =	shalt  }
0x4c: {  	_ =	shalt  }
0x4d: {  	_ =	shalt  }
0x4e: {  	_ =	shalt  }
0x4f: {  	_ =	shalt  }
0x50: {  	_ =	shalt  }
0x51: {  	_ =	shalt  }
0x52: {  	_ =	shalt  }
0x53: {  	_ =	shalt  }
0x54: {  	_ =	shalt  }
0x55: {  	_ =	shalt  }
0x56: {  	_ =	shalt  }
0x57: {  	_ =	shalt  }
0x58: {  	_ =	shalt  }
0x59: {  	_ =	shalt  }
0x5a: {  	_ =	shalt  }
0x5b: {  	_ =	shalt  }
0x5c: {  	_ =	shalt  }
0x5d: {  	_ =	shalt  }
0x5e: {  	_ =	shalt  }
0x5f: {  	_ =	shalt  }
0x60: {  	_ =	shalt  }
0x61: {  	_ =	shalt  }
0x62: {  	_ =	shalt  }
0x63: {  	_ =	shalt  }
0x64: {  	_ =	shalt  }
0x65: {  	_ =	shalt  }
0x66: {  	_ =	shalt  }
0x67: {  	_ =	shalt  }
0x68: {  	_ =	shalt  }
0x69: {  	_ =	shalt  }
0x6a: {  	_ =	shalt  }
0x6b: {  	_ =	shalt  }
0x6c: {  	_ =	shalt  }
0x6d: {  	_ =	shalt  }
0x6e: {  	_ =	shalt  }
0x6f: {  	_ =	shalt  }
0x70: {  	_ =	shalt  }
0x71: {  	_ =	shalt  }
0x72: {  	_ =	shalt  }
0x73: {  	_ =	shalt  }
0x74: {  	_ =	shalt  }
0x75: {  	_ =	shalt  }
0x76: {  	_ =	shalt  }
0x77: {  	_ =	shalt  }
0x78: {  	_ =	shalt  }
0x79: {  	_ =	shalt  }
0x7a: {  	_ =	shalt  }
0x7b: {  	_ =	shalt  }
0x7c: {  	_ =	shalt  }
0x7d: {  	_ =	shalt  }
0x7e: {  	_ =	shalt  }
0x7f: {  	_ =	shalt  }
0x80: {  	_ =	shalt  }
0x81: {  	_ =	shalt  }
0x82: {  	_ =	shalt  }
0x83: {  	_ =	shalt  }
0x84: {  	_ =	shalt  }
0x85: {  	_ =	shalt  }
0x86: {  	_ =	shalt  }
0x87: {  	_ =	shalt  }
.Lfunc_end0:
.L_simem_size_0:
called_computation.1_lowered:
.L_overlay_start_0:
0x88: {  	s2 =	sld [smem:$0x3FD9]  }
0x89: {  	s3 =	sld [smem:$0x3FFE];
	_ =	sdelay $0x1  }
0x8a: {  	s1 =	srdreg.scid  }
0x8b: {  	s0 =	sand.u32 $0x1, s1  }
0x8c: {  	s16 =	sshll.u32 s0, $0xA;
	s2 =	sadd.s32 s3, s2  }
0x8d: {  	s2 =	sadd.s32 s2, s16  }
0x8e: {  	[smem:$0x3FBF] =	sst s2  }
0x8f: {  	_ = 	snop  }
0x90: {  	(tm) =	ssettm $0x1  }
0x91: {  	s17 =	sld [smem:$0x3FFB];
	_ =	sdelay $0x3  }
0x92: {  	_ =	strace s17  }
0x93: {  	s2 =	sld [smem:$0x3FFC];
	_ =	sdelay $0x3  }
0x94: {  	_ =	strace s2  }
0x95: {  	s2 =	sld [smem:$0x3FFD];
	_ =	sdelay $0x3  }
0x96: {  	_ =	strace s2  }
0x97: {  	_ =	strace $0x8FFFFFFF  }
0x98: {  	s18 =	sld [smem:$0x3FDB];
	_ =	sdelay $0x1  }
0x99: {  	s19 =	simm.s32 $_scs_section_size  }
0x9a: {  	s4 =	simm.s32 $_size__tile_overlayer_lowered;
	s5 =	simm.s32 $_tile_overlayer_lowered  }
0x9b: {  	s22 =	simm.s32 $0x1BFF;
	s21 =	sshll.u32 s5, $0x1;
	s2 =	sadd.s32 s19, s18  }
0x9c: {  	s6 =	simm.s32 $0x0;
	s20 =	sshll.u32 s4, $0x1;
	s4 =	sadd.s32 s21, s2  }
0x9d: {  	[timem:s6], [sflag:s22] =	dma.local [hbm:s4], s20  }
0x9e: {  	_ =	swait.ge [sflag:s22], s20  }
0x9f: {  	s3 =	ssub.s32 $0x0, s20;
	[sflag:s22] =	ssyncset.done $0x0  }
0xa0: {  	[sflag:s22] =	ssyncadd.s32 s3;
	_ =	sdelay $0x1  }
0xa1: {  	s23 =	simm.s32 $0x1B8B  }
0xa2: {  	_ =	swait.ge [sflag:s23], $0x1  }
0xa3: {  	[sflag:s23] =	ssyncset.done $0x0  }
0xa4: {  	s25 =	simm.s32 $0x1B8E;
	s24 =	sld [smem:$0x3FFE];
	[sflag:s23] =	ssyncadd.s32 $0xFFFFFFFF  }
0xa5: {  	s26 =	simm.s32 $execute0_lowered;
	[smem:$0x3FD2] =	sst s25  }
0xa6: {  	s4 =	sshll.u32 s26, $0x1;
	_ =	strace $0x80000049;
	[dreg:$0x1] =	wrdreg $0xFFFFFFFF  }
0xa7: {  	s28 =	simm.s32 $_size_execute0_lowered;
	s2 =	sadd.s32 s2, s4;
	[dreg:$0x0] =	wrdreg $0x0  }
0xa8: {  	s4 =	sshll.u32 s28, $0x1;
	[dreg:$0x2] =	wrdreg s2  }
0xa9: {  	[dreg:$0x3] =	wrdreg s4  }
0xaa: {  	[dreg:$0x4] =	wrdreg $0xC0  }
0xab: {  	_ =	task [dreg:s6], $0x5FFFF  }
0xac: {  	[dreg:$0x1] =	wrdreg $0xFFFFFFFF  }
0xad: {  	[dreg:$0x0] =	wrdreg $0x60  }
0xae: {  	[dreg:$0x2] =	wrdreg s24  }
0xaf: {  	[dreg:$0x3] =	wrdreg $0x98000  }
0xb0: {  	[dreg:$0x4] =	wrdreg $0x9  }
0xb1: {  	_ =	task.clear_ibuf [dreg:s6], $0x5FFFF;
	_ =	strace $0x90000049  }
0xb2: {  	s29 =	simm.s32 $0x9;
	_ =	strace $0x8000004B  }
0xb3: {  	_ =	swait.ge [sflag:s29], $0x1  }
0xb4: {  	[sflag:s29] =	ssyncadd.s32 $0xFFFFFFFF  }
0xb5: {  	_ =	strace $0x9000004B  }
0xb6: {  	_ =	sfence  }
0xb7: {  	s30 =	sld [smem:$0x0];
	_ =	sdelay $0x2  }
0xb8: {  	s31 =	sshll.u32 s1, $0xD;
	s1 =	sshrl.u32 s1, $0x2  }
0xb9: {  	s3 =	sand.u32 $0x4000, s31;
	s1 =	sadd.s32 s1, s30  }
0xba: {  	s0 =	sor.u32 s3, s0;
	s1 =	sshll.u32 s1, $0x11  }
0xbb: {  	s0 =	sor.u32 s1, s0  }
0xbc: {  	s0 =	sadd.s32 $0x8F2B, s0  }
0xbd: {  	[sflag:s0] =	ssyncadd.remote.s32 $0x1  }
0xbe: {  	_ =	sfence.sel $0xFFFF  }
0xbf: {  	[dreg:$0x0] =	wrdreg $0xFFFFFFFF;
	(pc) =	sbr.abs _section_cstart, $3  }
0xc0: {  	[dreg:$0x1] =	wrdreg $0xFFFFFFFF  }
0xc1: {  	_ =	task.clear_ibuf [dreg:s6], $0x2FFFF;
	_ =	strace $0x9FFFFFFF  }
0xc2: {  	(tm) =	ssettm $0x7FFFFFFF  }
0xc3: {  	_ =	shalt  }
tec
execute0_lowered:
.L_overlay_start_1:
0x0: {  	(tag) =	ssettag $0x1  }
0x1: {  	s0 =	srdreg.scid;
	s12 =	stileid.u32  }
0x2: {  	s1 =	rddreg [dreg:$0x0];
	s6 =	smul.u32 $0x2800, s12  }
0x3: {  	s2 =	rddreg [dreg:$0x1];
	s29 =	simm.s32 $0xF;
	s9 =	smul.u32 $0x50000, s12  }
0x4: {  	s0 =	sand.u32 $0x1, s0;
	s13 =	sadd.s32 $0x2000, s1;
	s31 =	smul.u32 $0x1400, s12  }
0x5: {  	s5 =	sadd.s32 $0x7000, s1;
	s28 =	sshll.u32 s12, $0x6;
	s7 =	smul.u32 $0x28000, s0  }
0x6: {  	s3 =	sshll.u32 s0, $0x4;
	s11 =	ssub.s32 $0x2, s0;
	s0 =	smul.u32 $0x14000, s0  }
0x7: {  	s4 =	sor.u32 s12, s3;
	s3 =	simm.s32 $0x0;
	s9 =	sshrl.u32 s9, $0x2  }
0x8: {  	s10 =	sadd.s32 s6, s1;
	[smem:$0x7FF] =	sst s3;
	s25 =	sadd.s32 s9, s2  }
0x9: {  	s26 =	sadd.s32 $0x49000, s10;
	_ =	strace $0x8000004A;
	[dreg:$0xc] =	wrdreg s25  }
0xa: {  	s24 =	sshrl.u32 s11, $0x1;
	s4 =	smul.u32 $0x1400, s4;
	[dreg:$0xd] =	wrdreg s26  }
0xb: {  	s6 =	sadd.s32 s6, s7;
	s0 =	sadd.s32 s31, s0;
	[dreg:$0xb] =	wrdreg s13  }
0xc: {  	s16 =	sor.u32 $0x1C0, s0;
	s17 =	sor.u32 $0x1A0, s0;
	s19 =	sor.u32 $0x180, s0  }
0xd: {  	s21 =	sor.u32 $0x160, s0;
	s23 =	sor.u32 $0x140, s0;
	s18 =	sshrl.u32 s17, $0x3  }
0xe: {  	s25 =	sor.u32 $0x120, s0;
	s20 =	sshrl.u32 s19, $0x3;
	[dreg:$0x4] =	wrdreg s18  }
0xf: {  	s4 =	sshrl.u32 s4, $0x3;
	s22 =	sshrl.u32 s21, $0x3;
	[dreg:$0x5] =	wrdreg s20  }
0x10: {  	s26 =	sshrl.u32 s25, $0x3;
	s17 =	simm.s32 $0x1;
	[dreg:$0x6] =	wrdreg s22  }
0x11: {  	s8 =	sadd.s32 s4, s1;
	s30 =	sadd.s32 s13, s4;
	[dreg:$0x8] =	wrdreg s26  }
0x12: {  	s1 =	sadd.s32 s6, s1;
	s4 =	sshrl.u32 s16, $0x3;
	[dreg:$0xf] =	wrdreg s30  }
0x13: {  	s6 =	ssub.s32 s11, s24;
	s24 =	sshrl.u32 s23, $0x3;
	[dreg:$0x3] =	wrdreg s4  }
0x14: {  	s19 =	simm.s32 $0xB;
	s11 =	sor.u32 $0x1C19, s28;
	[dreg:$0x7] =	wrdreg s24  }
0x15: {  	s21 =	simm.s32 $0x5;
	s8 =	sadd.s32 $0x30000, s8;
	[dreg:$0xe] =	wrdreg s11  }
0x16: {  	s25 =	simm.s32 $0xE;
	s9 =	sadd.s32 $0x4, s30;
	[dreg:$0x10] =	wrdreg s8  }
0x17: {  	s28 =	sor.u32 $0x100, s0;
	s10 =	sadd.s32 $0x8, s30;
	[dreg:$0x11] =	wrdreg s9  }
0x18: {  	s0 =	sor.u32 $0x1E0, s0;
	s12 =	sadd.s32 $0xC, s30;
	[dreg:$0x12] =	wrdreg s10  }
0x19: {  	s22 =	simm.s32 $0x20;
	s13 =	sadd.s32 $0x10, s30;
	[dreg:$0x13] =	wrdreg s12  }
0x1a: {  	s16 =	simm.s32 $0x9;
	s14 =	sadd.s32 $0x14, s30;
	[dreg:$0x14] =	wrdreg s13  }
0x1b: {  	s18 =	simm.s32 $0x2;
	s15 =	sadd.s32 $0x18, s30;
	[dreg:$0x15] =	wrdreg s14  }
0x1c: {  	s20 =	simm.s32 $0xC;
	s7 =	sadd.s32 $0x1C, s30;
	[dreg:$0x16] =	wrdreg s15  }
0x1d: {  	s23 =	simm.s32 $0xD;
	s1 =	sadd.s32 $0x71000, s1;
	[dreg:$0x17] =	wrdreg s7  }
0x1e: {  	s26 =	simm.s32 $0x7;
	s30 =	sshrl.u32 s28, $0x3;
	[dreg:$0x18] =	wrdreg s1  }
0x1f: {  	s0 =	sshrl.u32 s0, $0x3;
	s31 =	smax.u32 s6, $0x1;
	[dreg:$0x9] =	wrdreg s30  }
0x20: {  	s4 =	simm.s32 $0x4;
	s24 =	simm.s32 $0x6;
	[dreg:$0x19] =	wrdreg s31  }
0x21: {  	[dreg:$0xa] =	wrdreg s0;
	s12 =	simm.s32 $0x19;
	s13 =	simm.s32 $0x1400  }
0x22: {  	s14 =	simm.s32 $0x1800;
	s9 =	simm.s32 $0xA;
	s8 =	simm.s32 $0x3  }
0x23: {  	s1 =	simm.s32 $0x8;
	s0 =	simm.s32 $0x10;
	s15 =	simm.s32 $0x0  }
.LBB2_1:
0x24: {  	[dreg:$0x1a] =	wrdreg s15  }
0x25: {  	s10 =	rddreg [dreg:$0xc]  }
0x26: {  	s7 =	rddreg [dreg:$0xd];
	s6 =	sshrl.u32 s10, $0x3  }
0x27: {  	[dreg:$0x1b] =	wrdreg s6  }
0x28: {  	[spmem:s6], [sflag:s11] =	dma.local [hbm:s7], $0x2800  }
0x29: {  	_ =	swait.ge [sflag:s12], $0x2800  }
0x2a: {  	[sflag:s12] =	ssyncset.done $0x0  }
0x2b: {  	s11 =	rddreg [dreg:$0x10];
	[sflag:s12] =	ssyncadd.s32 $0xFFFFD800  }
0x2c: {  	[tilespmem:s3], [sflag:$0x19] =	stream.linear.gather [hbm4b:s11+s3], $0x1400, $0x38;
	[tilespmem:$0x1D800] =	vst v63  }
0x2d: {  	_ =	swait.ge [sflag:s12], $0x1400  }
0x2e: {  	[sflag:s12] =	ssyncset.done $0x0  }
0x2f: {  	[sflag:s12] =	ssyncadd.s32 $0xFFFFEC00  }
0x30: {  	[bflag:$0x0] =	sbarrier.arrive $0xFFFF  }
0x31: {  	s15 =	rddreg [dreg:$0xf]  }
0x32: {  	[tilespmem:s13], [sflag:$0x1] =	stream.linear.gather [hbm4b:s15+s3], $0x20, $0x38;
	[tilespmem:$0x1D800] =	vst v63  }
0x33: {  	_ = 	snop  }
0x34: {  	[tilespmem:s14], [sflag:$0x9] =	stream.indirect.gather [hbm4b:s5+s22], $0x80, s3, s22, $0xb8;
	[tilespmem:$0x1D800] =	vst v63  }
0x35: {  	s6 =	simm.s32 $0x1480;
	s28 =	rddreg [dreg:$0x11]  }
0x36: {  	[tilespmem:s6], [sflag:$0x2] =	stream.linear.gather [hbm4b:s28+s3], $0x20, $0x38;
	[tilespmem:$0x1D800] =	vst v63  }
0x37: {  	s31 =	simm.s32 $0x2800  }
0x38: {  	[tilespmem:s31], [sflag:$0xA] =	stream.indirect.gather [hbm4b:s5+s22], $0x80, s22, s22, $0xb8;
	[tilespmem:$0x1D800] =	vst v63  }
0x39: {  	s7 =	simm.s32 $0x1500;
	s6 =	rddreg [dreg:$0x12]  }
0x3a: {  	[tilespmem:s7], [sflag:$0x3] =	stream.linear.gather [hbm4b:s6+s3], $0x20, $0x38;
	[tilespmem:$0x1D800] =	vst v63  }
0x3b: {  	s11 =	simm.s32 $0x40;
	s28 =	simm.s32 $0x3800  }
0x3c: {  	[tilespmem:s28], [sflag:$0xB] =	stream.indirect.gather [hbm4b:s5+s22], $0x80, s11, s22, $0xb8;
	[tilespmem:$0x1D800] =	vst v63  }
0x3d: {  	s7 =	rddreg [dreg:$0x13];
	s11 =	simm.s32 $0x1580  }
0x3e: {  	[tilespmem:s11], [sflag:$0x4] =	stream.linear.gather [hbm4b:s7+s3], $0x20, $0x38;
	[tilespmem:$0x1D800] =	vst v63  }
0x3f: {  	s6 =	simm.s32 $0x60;
	s7 =	simm.s32 $0x4800  }
0x40: {  	[tilespmem:s7], [sflag:$0xC] =	stream.indirect.gather [hbm4b:s5+s22], $0x80, s6, s22, $0xb8;
	[tilespmem:$0x1D800] =	vst v63  }
0x41: {  	s11 =	simm.s32 $0x1600;
	s7 =	rddreg [dreg:$0x14]  }
0x42: {  	[tilespmem:s11], [sflag:$0x5] =	stream.linear.gather [hbm4b:s7+s3], $0x20, $0x38;
	[tilespmem:$0x1D800] =	vst v63  }
0x43: {  	s7 =	simm.s32 $0x80;
	s11 =	simm.s32 $0x5800  }
0x44: {  	[tilespmem:s11], [sflag:$0xD] =	stream.indirect.gather [hbm4b:s5+s22], $0x80, s7, s22, $0xb8;
	[tilespmem:$0x1D800] =	vst v63  }
0x45: {  	s10 =	rddreg [dreg:$0x15];
	s11 =	simm.s32 $0x1680  }
0x46: {  	[tilespmem:s11], [sflag:$0x6] =	stream.linear.gather [hbm4b:s10+s3], $0x20, $0x38;
	[tilespmem:$0x1D800] =	vst v63  }
0x47: {  	s10 =	simm.s32 $0xA0;
	s11 =	simm.s32 $0x6800  }
0x48: {  	[tilespmem:s11], [sflag:$0xE] =	stream.indirect.gather [hbm4b:s5+s22], $0x80, s10, s22, $0xb8;
	[tilespmem:$0x1D800] =	vst v63  }
0x49: {  	s10 =	rddreg [dreg:$0x16];
	s11 =	simm.s32 $0x1700  }
0x4a: {  	[tilespmem:s11], [sflag:$0x7] =	stream.linear.gather [hbm4b:s10+s3], $0x20, $0x38;
	[tilespmem:$0x1D800] =	vst v63  }
0x4b: {  	s30 =	simm.s32 $0x7800;
	s11 =	simm.s32 $0xC0  }
0x4c: {  	[tilespmem:s30], [sflag:$0xF] =	stream.indirect.gather [hbm4b:s5+s22], $0x80, s11, s22, $0xb8;
	[tilespmem:$0x1D800] =	vst v63  }
0x4d: {  	s10 =	rddreg [dreg:$0x17];
	s11 =	simm.s32 $0x1780  }
0x4e: {  	[tilespmem:s11], [sflag:$0x8] =	stream.linear.gather [hbm4b:s10+s3], $0x20, $0x38;
	[tilespmem:$0x1D800] =	vst v63  }
0x4f: {  	s10 =	simm.s32 $0xE0;
	s11 =	simm.s32 $0x8800  }
0x50: {  	[tilespmem:s11], [sflag:$0x10] =	stream.indirect.gather [hbm4b:s5+s22], $0x80, s10, s22, $0xb8;
	[tilespmem:$0x1D800] =	vst v63  }
0x51: {  	_ =	swait.ge [sflag:s17], $0x20  }
0x52: {  	[sflag:s17] =	ssyncset.done $0x0  }
0x53: {  	[sflag:s17] =	ssyncadd.s32 $0xFFFFFFE0  }
0x54: {  	_ =	swait.ge [sflag:s16], $0x1000  }
0x55: {  	[sflag:s16] =	ssyncset.done $0x0  }
0x56: {  	[sflag:s16] =	ssyncadd.s32 $0xFFFFF000  }
0x57: {  	[spmem:s2] =	stream.indirect.scatter.add.f32 [tilespmem:s14], [sflag:$0x11], $0x80, s13, s22, $0xb8;
	[tilespmem:$0x1D800] =	vst v63  }
0x58: {  	_ =	swait.ge [sflag:s18], $0x20  }
0x59: {  	[sflag:s18] =	ssyncset.done $0x0  }
0x5a: {  	[sflag:s18] =	ssyncadd.s32 $0xFFFFFFE0  }
0x5b: {  	_ =	swait.ge [sflag:s9], $0x1000  }
0x5c: {  	[sflag:s9] =	ssyncset.done $0x0  }
0x5d: {  	s12 =	simm.s32 $0x2800;
	s15 =	simm.s32 $0x1480;
	[sflag:s9] =	ssyncadd.s32 $0xFFFFF000  }
0x5e: {  	[spmem:s2] =	stream.indirect.scatter.add.f32 [tilespmem:s12], [sflag:$0x12], $0x80, s15, s22, $0xb8;
	[tilespmem:$0x1D800] =	vst v63  }
0x5f: {  	_ =	swait.ge [sflag:s8], $0x20  }
0x60: {  	[sflag:s8] =	ssyncset.done $0x0  }
0x61: {  	[sflag:s8] =	ssyncadd.s32 $0xFFFFFFE0  }
0x62: {  	_ =	swait.ge [sflag:s19], $0x1000  }
0x63: {  	[sflag:s19] =	ssyncset.done $0x0  }
0x64: {  	s31 =	simm.s32 $0x1500;
	s28 =	simm.s32 $0x3800;
	[sflag:s19] =	ssyncadd.s32 $0xFFFFF000  }
0x65: {  	[spmem:s2] =	stream.indirect.scatter.add.f32 [tilespmem:s28], [sflag:$0x13], $0x80, s31, s22, $0xb8;
	[tilespmem:$0x1D800] =	vst v63  }
0x66: {  	_ =	swait.ge [sflag:s4], $0x20  }
0x67: {  	[sflag:s4] =	ssyncset.done $0x0  }
0x68: {  	[sflag:s4] =	ssyncadd.s32 $0xFFFFFFE0  }
0x69: {  	_ =	swait.ge [sflag:s20], $0x1000  }
0x6a: {  	[sflag:s20] =	ssyncset.done $0x0  }
0x6b: {  	s6 =	simm.s32 $0x4800;
	s28 =	simm.s32 $0x1580;
	[sflag:s20] =	ssyncadd.s32 $0xFFFFF000  }
0x6c: {  	[spmem:s2] =	stream.indirect.scatter.add.f32 [tilespmem:s6], [sflag:$0x14], $0x80, s28, s22, $0xb8;
	[tilespmem:$0x1D800] =	vst v63  }
0x6d: {  	_ =	swait.ge [sflag:s21], $0x20  }
0x6e: {  	[sflag:s21] =	ssyncset.done $0x0  }
0x6f: {  	[sflag:s21] =	ssyncadd.s32 $0xFFFFFFE0  }
0x70: {  	_ =	swait.ge [sflag:s23], $0x1000  }
0x71: {  	[sflag:s23] =	ssyncset.done $0x0  }
0x72: {  	s7 =	simm.s32 $0x5800;
	s28 =	simm.s32 $0x1600;
	[sflag:s23] =	ssyncadd.s32 $0xFFFFF000  }
0x73: {  	[spmem:s2] =	stream.indirect.scatter.add.f32 [tilespmem:s7], [sflag:$0x15], $0x80, s28, s22, $0xb8;
	[tilespmem:$0x1D800] =	vst v63  }
0x74: {  	_ =	swait.ge [sflag:s24], $0x20  }
0x75: {  	[sflag:s24] =	ssyncset.done $0x0  }
0x76: {  	[sflag:s24] =	ssyncadd.s32 $0xFFFFFFE0  }
0x77: {  	_ =	swait.ge [sflag:s25], $0x1000  }
0x78: {  	[sflag:s25] =	ssyncset.done $0x0  }
0x79: {  	s11 =	simm.s32 $0x1680;
	s7 =	simm.s32 $0x6800;
	[sflag:s25] =	ssyncadd.s32 $0xFFFFF000  }
0x7a: {  	[spmem:s2] =	stream.indirect.scatter.add.f32 [tilespmem:s7], [sflag:$0x16], $0x80, s11, s22, $0xb8;
	[tilespmem:$0x1D800] =	vst v63  }
0x7b: {  	_ =	swait.ge [sflag:s26], $0x20  }
0x7c: {  	[sflag:s26] =	ssyncset.done $0x0  }
0x7d: {  	[sflag:s26] =	ssyncadd.s32 $0xFFFFFFE0  }
0x7e: {  	_ =	swait.ge [sflag:s29], $0x1000  }
0x7f: {  	[sflag:s29] =	ssyncset.done $0x0  }
0x80: {  	s30 =	simm.s32 $0x7800;
	s7 =	simm.s32 $0x1700;
	[sflag:s29] =	ssyncadd.s32 $0xFFFFF000  }
0x81: {  	[spmem:s2] =	stream.indirect.scatter.add.f32 [tilespmem:s30], [sflag:$0x17], $0x80, s7, s22, $0xb8;
	[tilespmem:$0x1D800] =	vst v63  }
0x82: {  	_ =	swait.ge [sflag:s1], $0x20  }
0x83: {  	[sflag:s1] =	ssyncset.done $0x0  }
0x84: {  	[sflag:s1] =	ssyncadd.s32 $0xFFFFFFE0  }
0x85: {  	_ =	swait.ge [sflag:s0], $0x1000  }
0x86: {  	[sflag:s0] =	ssyncset.done $0x0  }
0x87: {  	s10 =	simm.s32 $0x8800;
	s7 =	simm.s32 $0x1780;
	[sflag:s0] =	ssyncadd.s32 $0xFFFFF000  }
0x88: {  	[spmem:s2] =	stream.indirect.scatter.add.f32 [tilespmem:s10], [sflag:$0x18], $0x80, s7, s22, $0xb8;
	[tilespmem:$0x1D800] =	vst v63  }
0x89: {  	s10 =	simm.s32 $0x11  }
0x8a: {  	_ =	swait.ge [sflag:s10], $0x1000  }
0x8b: {  	s7 =	rddreg [dreg:$0x9]  }
0x8c: {  	[sflag:s10] =	ssyncset.done $0x0;
	s11 =	rddreg [dreg:$0xb]  }
0x8d: {  	[sflag:s10] =	ssyncadd.s32 $0xFFFFF000;
	s10 =	sadd.s32 s11, s7  }
0x8e: {  	[tilespmem:s13], [sflag:$0x1] =	stream.linear.gather [hbm4b:s10+s3], $0x20, $0x38;
	[tilespmem:$0x1D800] =	vst v63  }
0x8f: {  	s30 =	simm.s32 $0x12;
	s7 =	simm.s32 $0x100  }
0x90: {  	[tilespmem:s14], [sflag:$0x9] =	stream.indirect.gather [hbm4b:s5+s22], $0x80, s7, s22, $0xb8;
	[tilespmem:$0x1D800] =	vst v63  }
0x91: {  	_ =	swait.ge [sflag:s30], $0x1000  }
0x92: {  	s7 =	rddreg [dreg:$0x8];
	[sflag:s30] =	ssyncset.done $0x0  }
0x93: {  	s12 =	simm.s32 $0x1480;
	[sflag:s30] =	ssyncadd.s32 $0xFFFFF000;
	s10 =	sadd.s32 s11, s7  }
0x94: {  	[tilespmem:s12], [sflag:$0x2] =	stream.linear.gather [hbm4b:s10+s3], $0x20, $0x38;
	[tilespmem:$0x1D800] =	vst v63  }
0x95: {  	s7 =	simm.s32 $0x2800;
	s30 =	simm.s32 $0x13;
	s12 =	simm.s32 $0x120  }
0x96: {  	[tilespmem:s7], [sflag:$0xA] =	stream.indirect.gather [hbm4b:s5+s22], $0x80, s12, s22, $0xb8;
	[tilespmem:$0x1D800] =	vst v63  }
0x97: {  	_ =	swait.ge [sflag:s30], $0x1000  }
0x98: {  	s12 =	rddreg [dreg:$0x7];
	[sflag:s30] =	ssyncset.done $0x0  }
0x99: {  	s15 =	simm.s32 $0x1500;
	[sflag:s30] =	ssyncadd.s32 $0xFFFFF000;
	s10 =	sadd.s32 s11, s12  }
0x9a: {  	[tilespmem:s15], [sflag:$0x3] =	stream.linear.gather [hbm4b:s10+s3], $0x20, $0x38;
	[tilespmem:$0x1D800] =	vst v63  }
0x9b: {  	s31 =	simm.s32 $0x3800;
	s30 =	simm.s32 $0x14;
	s15 =	simm.s32 $0x140  }
0x9c: {  	[tilespmem:s31], [sflag:$0xB] =	stream.indirect.gather [hbm4b:s5+s22], $0x80, s15, s22, $0xb8;
	[tilespmem:$0x1D800] =	vst v63  }
0x9d: {  	_ =	swait.ge [sflag:s30], $0x1000  }
0x9e: {  	s31 =	rddreg [dreg:$0x6];
	[sflag:s30] =	ssyncset.done $0x0  }
0x9f: {  	s6 =	simm.s32 $0x1580;
	[sflag:s30] =	ssyncadd.s32 $0xFFFFF000;
	s10 =	sadd.s32 s11, s31  }
0xa0: {  	[tilespmem:s6], [sflag:$0x4] =	stream.linear.gather [hbm4b:s10+s3], $0x20, $0x38;
	[tilespmem:$0x1D800] =	vst v63  }
0xa1: {  	s7 =	simm.s32 $0x4800;
	s30 =	simm.s32 $0x15;
	s6 =	simm.s32 $0x160  }
0xa2: {  	[tilespmem:s7], [sflag:$0xC] =	stream.indirect.gather [hbm4b:s5+s22], $0x80, s6, s22, $0xb8;
	[tilespmem:$0x1D800] =	vst v63  }
0xa3: {  	_ =	swait.ge [sflag:s30], $0x1000  }
0xa4: {  	s12 =	rddreg [dreg:$0x5];
	[sflag:s30] =	ssyncset.done $0x0  }
0xa5: {  	s28 =	simm.s32 $0x1600;
	[sflag:s30] =	ssyncadd.s32 $0xFFFFF000;
	s10 =	sadd.s32 s11, s12  }
0xa6: {  	[tilespmem:s28], [sflag:$0x5] =	stream.linear.gather [hbm4b:s10+s3], $0x20, $0x38;
	[tilespmem:$0x1D800] =	vst v63  }
0xa7: {  	s15 =	simm.s32 $0x180;
	s30 =	simm.s32 $0x16;
	s28 =	simm.s32 $0x5800  }
0xa8: {  	[tilespmem:s28], [sflag:$0xD] =	stream.indirect.gather [hbm4b:s5+s22], $0x80, s15, s22, $0xb8;
	[tilespmem:$0x1D800] =	vst v63  }
0xa9: {  	_ =	swait.ge [sflag:s30], $0x1000  }
0xaa: {  	s6 =	rddreg [dreg:$0x4];
	[sflag:s30] =	ssyncset.done $0x0  }
0xab: {  	s12 =	simm.s32 $0x1680;
	[sflag:s30] =	ssyncadd.s32 $0xFFFFF000;
	s10 =	sadd.s32 s11, s6  }
0xac: {  	[tilespmem:s12], [sflag:$0x6] =	stream.linear.gather [hbm4b:s10+s3], $0x20, $0x38;
	[tilespmem:$0x1D800] =	vst v63  }
0xad: {  	s15 =	simm.s32 $0x1A0;
	s28 =	simm.s32 $0x6800;
	s30 =	simm.s32 $0x17  }
0xae: {  	[tilespmem:s28], [sflag:$0xE] =	stream.indirect.gather [hbm4b:s5+s22], $0x80, s15, s22, $0xb8;
	[tilespmem:$0x1D800] =	vst v63  }
0xaf: {  	_ =	swait.ge [sflag:s30], $0x1000  }
0xb0: {  	s6 =	rddreg [dreg:$0x3];
	[sflag:s30] =	ssyncset.done $0x0  }
0xb1: {  	s28 =	simm.s32 $0x1700;
	[sflag:s30] =	ssyncadd.s32 $0xFFFFF000;
	s10 =	sadd.s32 s11, s6  }
0xb2: {  	[tilespmem:s28], [sflag:$0x7] =	stream.linear.gather [hbm4b:s10+s3], $0x20, $0x38;
	[tilespmem:$0x1D800] =	vst v63  }
0xb3: {  	s30 =	simm.s32 $0x18;
	s10 =	simm.s32 $0x1C0;
	s28 =	simm.s32 $0x7800  }
0xb4: {  	[tilespmem:s28], [sflag:$0xF] =	stream.indirect.gather [hbm4b:s5+s22], $0x80, s10, s22, $0xb8;
	[tilespmem:$0x1D800] =	vst v63  }
0xb5: {  	_ =	swait.ge [sflag:s30], $0x1000  }
0xb6: {  	s10 =	rddreg [dreg:$0xa];
	[sflag:s30] =	ssyncset.done $0x0  }
0xb7: {  	[sflag:s30] =	ssyncadd.s32 $0xFFFFF000;
	s10 =	sadd.s32 s11, s10;
	s30 =	simm.s32 $0x1780  }
0xb8: {  	[tilespmem:s30], [sflag:$0x8] =	stream.linear.gather [hbm4b:s10+s3], $0x20, $0x38;
	[tilespmem:$0x1D800] =	vst v63  }
0xb9: {  	s10 =	simm.s32 $0x1E0;
	s30 =	simm.s32 $0x8800  }
0xba: {  	[tilespmem:s30], [sflag:$0x10] =	stream.indirect.gather [hbm4b:s5+s22], $0x80, s10, s22, $0xb8;
	[tilespmem:$0x1D800] =	vst v63  }
0xbb: {  	_ =	swait.ge [sflag:s17], $0x20  }
0xbc: {  	[sflag:s17] =	ssyncset.done $0x0  }
0xbd: {  	[sflag:s17] =	ssyncadd.s32 $0xFFFFFFE0  }
0xbe: {  	_ =	swait.ge [sflag:s16], $0x1000  }
0xbf: {  	[sflag:s16] =	ssyncset.done $0x0  }
0xc0: {  	[sflag:s16] =	ssyncadd.s32 $0xFFFFF000  }
0xc1: {  	[spmem:s2] =	stream.indirect.scatter.add.f32 [tilespmem:s14], [sflag:$0x11], $0x80, s13, s22, $0xb8;
	[tilespmem:$0x1D800] =	vst v63  }
0xc2: {  	_ =	swait.ge [sflag:s18], $0x20  }
0xc3: {  	[sflag:s18] =	ssyncset.done $0x0  }
0xc4: {  	[sflag:s18] =	ssyncadd.s32 $0xFFFFFFE0  }
0xc5: {  	_ =	swait.ge [sflag:s9], $0x1000  }
0xc6: {  	[sflag:s9] =	ssyncset.done $0x0  }
0xc7: {  	s17 =	simm.s32 $0x2800;
	s16 =	simm.s32 $0x1480;
	[sflag:s9] =	ssyncadd.s32 $0xFFFFF000  }
0xc8: {  	[spmem:s2] =	stream.indirect.scatter.add.f32 [tilespmem:s17], [sflag:$0x12], $0x80, s16, s22, $0xb8;
	[tilespmem:$0x1D800] =	vst v63  }
0xc9: {  	_ =	swait.ge [sflag:s8], $0x20  }
0xca: {  	[sflag:s8] =	ssyncset.done $0x0  }
0xcb: {  	[sflag:s8] =	ssyncadd.s32 $0xFFFFFFE0  }
0xcc: {  	_ =	swait.ge [sflag:s19], $0x1000  }
0xcd: {  	[sflag:s19] =	ssyncset.done $0x0  }
0xce: {  	s18 =	simm.s32 $0x1500;
	[sflag:s19] =	ssyncadd.s32 $0xFFFFF000;
	s19 =	simm.s32 $0x3800  }
0xcf: {  	[spmem:s2] =	stream.indirect.scatter.add.f32 [tilespmem:s19], [sflag:$0x13], $0x80, s18, s22, $0xb8;
	[tilespmem:$0x1D800] =	vst v63  }
0xd0: {  	_ =	swait.ge [sflag:s4], $0x20  }
0xd1: {  	[sflag:s4] =	ssyncset.done $0x0  }
0xd2: {  	[sflag:s4] =	ssyncadd.s32 $0xFFFFFFE0  }
0xd3: {  	_ =	swait.ge [sflag:s20], $0x1000  }
0xd4: {  	[sflag:s20] =	ssyncset.done $0x0  }
0xd5: {  	s31 =	simm.s32 $0x1580;
	[sflag:s20] =	ssyncadd.s32 $0xFFFFF000;
	s20 =	simm.s32 $0x4800  }
0xd6: {  	[spmem:s2] =	stream.indirect.scatter.add.f32 [tilespmem:s20], [sflag:$0x14], $0x80, s31, s22, $0xb8;
	[tilespmem:$0x1D800] =	vst v63  }
0xd7: {  	_ =	swait.ge [sflag:s21], $0x20  }
0xd8: {  	[sflag:s21] =	ssyncset.done $0x0  }
0xd9: {  	[sflag:s21] =	ssyncadd.s32 $0xFFFFFFE0  }
0xda: {  	_ =	swait.ge [sflag:s23], $0x1000  }
0xdb: {  	[sflag:s23] =	ssyncset.done $0x0  }
0xdc: {  	s7 =	simm.s32 $0x5800;
	s31 =	simm.s32 $0x1600;
	[sflag:s23] =	ssyncadd.s32 $0xFFFFF000  }
0xdd: {  	[spmem:s2] =	stream.indirect.scatter.add.f32 [tilespmem:s7], [sflag:$0x15], $0x80, s31, s22, $0xb8;
	[tilespmem:$0x1D800] =	vst v63  }
0xde: {  	_ =	swait.ge [sflag:s24], $0x20  }
0xdf: {  	[sflag:s24] =	ssyncset.done $0x0  }
0xe0: {  	[sflag:s24] =	ssyncadd.s32 $0xFFFFFFE0  }
0xe1: {  	_ =	swait.ge [sflag:s25], $0x1000  }
0xe2: {  	[sflag:s25] =	ssyncset.done $0x0  }
0xe3: {  	s12 =	simm.s32 $0x1680;
	s15 =	simm.s32 $0x6800;
	[sflag:s25] =	ssyncadd.s32 $0xFFFFF000  }
0xe4: {  	[spmem:s2] =	stream.indirect.scatter.add.f32 [tilespmem:s15], [sflag:$0x16], $0x80, s12, s22, $0xb8;
	[tilespmem:$0x1D800] =	vst v63  }
0xe5: {  	_ =	swait.ge [sflag:s26], $0x20  }
0xe6: {  	[sflag:s26] =	ssyncset.done $0x0  }
0xe7: {  	[sflag:s26] =	ssyncadd.s32 $0xFFFFFFE0  }
0xe8: {  	_ =	swait.ge [sflag:s29], $0x1000  }
0xe9: {  	[sflag:s29] =	ssyncset.done $0x0  }
0xea: {  	s6 =	simm.s32 $0x1700;
	s28 =	simm.s32 $0x7800;
	[sflag:s29] =	ssyncadd.s32 $0xFFFFF000  }
0xeb: {  	[spmem:s2] =	stream.indirect.scatter.add.f32 [tilespmem:s28], [sflag:$0x17], $0x80, s6, s22, $0xb8;
	[tilespmem:$0x1D800] =	vst v63  }
0xec: {  	_ =	swait.ge [sflag:s1], $0x20  }
0xed: {  	s11 =	sadd.s32 $0x20, s11;
	[sflag:s1] =	ssyncset.done $0x0  }
0xee: {  	s10 =	simm.s32 $0x400;
	s30 =	simm.s32 $0xF;
	[sflag:s1] =	ssyncadd.s32 $0xFFFFFFE0  }
0xef: {  	s21 =	simm.s32 $0xC;
	s24 =	simm.s32 $0xD;
	_ =	swait.ge [sflag:s0], $0x1000  }
0xf0: {  	s25 =	simm.s32 $0x6;
	s26 =	simm.s32 $0xE;
	[sflag:s0] =	ssyncset.done $0x0  }
0xf1: {  	s29 =	simm.s32 $0x7;
	[sflag:s0] =	ssyncadd.s32 $0xFFFFF000;
	s0 =	simm.s32 $0x10  }
.LBB2_2:
0xf2: {  	s15 =	simm.s32 $0x1780;
	s17 =	simm.s32 $0x8800;
	s16 =	simm.s32 $0x11  }
0xf3: {  	[spmem:s2] =	stream.indirect.scatter.add.f32 [tilespmem:s17], [sflag:$0x18], $0x80, s15, s22, $0xb8;
	[tilespmem:$0x1D800] =	vst v63  }
0xf4: {  	s12 =	smov.u32 s10;
	_ =	swait.ge [sflag:s16], $0x1000  }
0xf5: {  	s14 =	simm.s32 $0x1400;
	s13 =	rddreg [dreg:$0x9];
	[sflag:s16] =	ssyncset.done $0x0  }
0xf6: {  	s12 =	sshra.s32 s12, $0x2;
	[sflag:s16] =	ssyncadd.s32 $0xFFFFF000;
	s13 =	sadd.s32 s11, s13  }
0xf7: {  	[tilespmem:s14], [sflag:$0x1] =	stream.linear.gather [hbm4b:s13+s3], $0x20, $0x38;
	[tilespmem:$0x1D800] =	vst v63  }
0xf8: {  	s18 =	simm.s32 $0x12;
	s16 =	sadd.s32 $0x100, s12;
	s14 =	simm.s32 $0x1800  }
0xf9: {  	[tilespmem:s14], [sflag:$0x9] =	stream.indirect.gather [hbm4b:s5+s22], $0x80, s16, s22, $0xb8;
	[tilespmem:$0x1D800] =	vst v63  }
0xfa: {  	_ =	swait.ge [sflag:s18], $0x1000  }
0xfb: {  	s19 =	rddreg [dreg:$0x8];
	[sflag:s18] =	ssyncset.done $0x0  }
0xfc: {  	s31 =	simm.s32 $0x1480;
	[sflag:s18] =	ssyncadd.s32 $0xFFFFF000;
	s13 =	sadd.s32 s11, s19  }
0xfd: {  	[tilespmem:s31], [sflag:$0x2] =	stream.linear.gather [hbm4b:s13+s3], $0x20, $0x38;
	[tilespmem:$0x1D800] =	vst v63  }
0xfe: {  	s28 =	simm.s32 $0x2800;
	s23 =	simm.s32 $0x13;
	s20 =	sadd.s32 $0x120, s12  }
0xff: {  	[tilespmem:s28], [sflag:$0xA] =	stream.indirect.gather [hbm4b:s5+s22], $0x80, s20, s22, $0xb8;
	[tilespmem:$0x1D800] =	vst v63  }
0x100: {  	_ =	swait.ge [sflag:s23], $0x1000  }
0x101: {  	s1 =	rddreg [dreg:$0x7];
	[sflag:s23] =	ssyncset.done $0x0  }
0x102: {  	s6 =	simm.s32 $0x1500;
	[sflag:s23] =	ssyncadd.s32 $0xFFFFF000;
	s13 =	sadd.s32 s11, s1  }
0x103: {  	[tilespmem:s6], [sflag:$0x3] =	stream.linear.gather [hbm4b:s13+s3], $0x20, $0x38;
	[tilespmem:$0x1D800] =	vst v63  }
0x104: {  	s7 =	simm.s32 $0x3800;
	s8 =	simm.s32 $0x14;
	s4 =	sadd.s32 $0x140, s12  }
0x105: {  	[tilespmem:s7], [sflag:$0xB] =	stream.indirect.gather [hbm4b:s5+s22], $0x80, s4, s22, $0xb8;
	[tilespmem:$0x1D800] =	vst v63  }
0x106: {  	_ =	swait.ge [sflag:s8], $0x1000  }
0x107: {  	s9 =	rddreg [dreg:$0x6];
	[sflag:s8] =	ssyncset.done $0x0  }
0x108: {  	s19 =	simm.s32 $0x1580;
	[sflag:s8] =	ssyncadd.s32 $0xFFFFF000;
	s13 =	sadd.s32 s11, s9  }
0x109: {  	[tilespmem:s19], [sflag:$0x4] =	stream.linear.gather [hbm4b:s13+s3], $0x20, $0x38;
	[tilespmem:$0x1D800] =	vst v63  }
0x10a: {  	s16 =	sadd.s32 $0x160, s12;
	s18 =	simm.s32 $0x15;
	s9 =	simm.s32 $0x4800  }
0x10b: {  	[tilespmem:s9], [sflag:$0xC] =	stream.indirect.gather [hbm4b:s5+s22], $0x80, s16, s22, $0xb8;
	[tilespmem:$0x1D800] =	vst v63  }
0x10c: {  	_ =	swait.ge [sflag:s18], $0x1000  }
0x10d: {  	s20 =	rddreg [dreg:$0x5];
	[sflag:s18] =	ssyncset.done $0x0  }
0x10e: {  	[sflag:s18] =	ssyncadd.s32 $0xFFFFF000;
	s13 =	sadd.s32 s11, s20;
	s18 =	simm.s32 $0x1600  }
0x10f: {  	[tilespmem:s18], [sflag:$0x5] =	stream.linear.gather [hbm4b:s13+s3], $0x20, $0x38;
	[tilespmem:$0x1D800] =	vst v63  }
0x110: {  	s23 =	sadd.s32 $0x180, s12;
	s1 =	simm.s32 $0x16;
	s8 =	simm.s32 $0x5800  }
0x111: {  	[tilespmem:s8], [sflag:$0xD] =	stream.indirect.gather [hbm4b:s5+s22], $0x80, s23, s22, $0xb8;
	[tilespmem:$0x1D800] =	vst v63  }
0x112: {  	_ =	swait.ge [sflag:s1], $0x1000  }
0x113: {  	s4 =	rddreg [dreg:$0x4];
	[sflag:s1] =	ssyncset.done $0x0  }
0x114: {  	[sflag:s1] =	ssyncadd.s32 $0xFFFFF000;
	s13 =	sadd.s32 s11, s4;
	s4 =	simm.s32 $0x1680  }
0x115: {  	[tilespmem:s4], [sflag:$0x6] =	stream.linear.gather [hbm4b:s13+s3], $0x20, $0x38;
	[tilespmem:$0x1D800] =	vst v63  }
0x116: {  	s16 =	sadd.s32 $0x1A0, s12;
	s20 =	simm.s32 $0x17;
	s1 =	simm.s32 $0x6800  }
0x117: {  	[tilespmem:s1], [sflag:$0xE] =	stream.indirect.gather [hbm4b:s5+s22], $0x80, s16, s22, $0xb8;
	[tilespmem:$0x1D800] =	vst v63  }
0x118: {  	_ =	swait.ge [sflag:s20], $0x1000  }
0x119: {  	s23 =	rddreg [dreg:$0x3];
	[sflag:s20] =	ssyncset.done $0x0  }
0x11a: {  	[sflag:s20] =	ssyncadd.s32 $0xFFFFF000;
	s13 =	sadd.s32 s11, s23;
	s20 =	simm.s32 $0x1700  }
0x11b: {  	[tilespmem:s20], [sflag:$0x7] =	stream.linear.gather [hbm4b:s13+s3], $0x20, $0x38;
	[tilespmem:$0x1D800] =	vst v63  }
0x11c: {  	s16 =	sadd.s32 $0x1C0, s12;
	s23 =	simm.s32 $0x7800  }
0x11d: {  	[tilespmem:s23], [sflag:$0xF] =	stream.indirect.gather [hbm4b:s5+s22], $0x80, s16, s22, $0xb8;
	[tilespmem:$0x1D800] =	vst v63  }
0x11e: {  	s16 =	simm.s32 $0x18  }
0x11f: {  	_ =	swait.ge [sflag:s16], $0x1000  }
0x120: {  	s13 =	rddreg [dreg:$0xa];
	[sflag:s16] =	ssyncset.done $0x0  }
0x121: {  	[sflag:s16] =	ssyncadd.s32 $0xFFFFF000;
	s13 =	sadd.s32 s11, s13  }
0x122: {  	[tilespmem:s15], [sflag:$0x8] =	stream.linear.gather [hbm4b:s13+s3], $0x20, $0x38;
	[tilespmem:$0x1D800] =	vst v63  }
0x123: {  	s12 =	sadd.s32 $0x1E0, s12  }
0x124: {  	[tilespmem:s17], [sflag:$0x10] =	stream.indirect.gather [hbm4b:s5+s22], $0x80, s12, s22, $0xb8;
	[tilespmem:$0x1D800] =	vst v63  }
0x125: {  	s17 =	simm.s32 $0x1  }
0x126: {  	_ =	swait.ge [sflag:s17], $0x20  }
0x127: {  	[sflag:s17] =	ssyncset.done $0x0  }
0x128: {  	s12 =	simm.s32 $0x9;
	[sflag:s17] =	ssyncadd.s32 $0xFFFFFFE0  }
0x129: {  	_ =	swait.ge [sflag:s12], $0x1000  }
0x12a: {  	[sflag:s12] =	ssyncset.done $0x0  }
0x12b: {  	s13 =	simm.s32 $0x1400;
	[sflag:s12] =	ssyncadd.s32 $0xFFFFF000;
	s12 =	simm.s32 $0x2  }
0x12c: {  	[spmem:s2] =	stream.indirect.scatter.add.f32 [tilespmem:s14], [sflag:$0x11], $0x80, s13, s22, $0xb8;
	[tilespmem:$0x1D800] =	vst v63  }
0x12d: {  	_ =	swait.ge [sflag:s12], $0x20  }
0x12e: {  	[sflag:s12] =	ssyncset.done $0x0  }
0x12f: {  	[sflag:s12] =	ssyncadd.s32 $0xFFFFFFE0;
	s12 =	simm.s32 $0xA  }
0x130: {  	_ =	swait.ge [sflag:s12], $0x1000  }
0x131: {  	[sflag:s12] =	ssyncset.done $0x0  }
0x132: {  	[sflag:s12] =	ssyncadd.s32 $0xFFFFF000  }
0x133: {  	[spmem:s2] =	stream.indirect.scatter.add.f32 [tilespmem:s28], [sflag:$0x12], $0x80, s31, s22, $0xb8;
	[tilespmem:$0x1D800] =	vst v63  }
0x134: {  	s28 =	simm.s32 $0x3  }
0x135: {  	_ =	swait.ge [sflag:s28], $0x20  }
0x136: {  	[sflag:s28] =	ssyncset.done $0x0  }
0x137: {  	s31 =	simm.s32 $0xB;
	[sflag:s28] =	ssyncadd.s32 $0xFFFFFFE0  }
0x138: {  	_ =	swait.ge [sflag:s31], $0x1000  }
0x139: {  	[sflag:s31] =	ssyncset.done $0x0  }
0x13a: {  	s12 =	simm.s32 $0x4;
	[sflag:s31] =	ssyncadd.s32 $0xFFFFF000  }
0x13b: {  	[spmem:s2] =	stream.indirect.scatter.add.f32 [tilespmem:s7], [sflag:$0x13], $0x80, s6, s22, $0xb8;
	[tilespmem:$0x1D800] =	vst v63  }
0x13c: {  	_ =	swait.ge [sflag:s12], $0x20  }
0x13d: {  	[sflag:s12] =	ssyncset.done $0x0  }
0x13e: {  	[sflag:s12] =	ssyncadd.s32 $0xFFFFFFE0  }
0x13f: {  	_ =	swait.ge [sflag:s21], $0x1000  }
0x140: {  	[sflag:s21] =	ssyncset.done $0x0  }
0x141: {  	s28 =	simm.s32 $0x5;
	[sflag:s21] =	ssyncadd.s32 $0xFFFFF000  }
0x142: {  	[spmem:s2] =	stream.indirect.scatter.add.f32 [tilespmem:s9], [sflag:$0x14], $0x80, s19, s22, $0xb8;
	[tilespmem:$0x1D800] =	vst v63  }
0x143: {  	_ =	swait.ge [sflag:s28], $0x20  }
0x144: {  	[sflag:s28] =	ssyncset.done $0x0  }
0x145: {  	[sflag:s28] =	ssyncadd.s32 $0xFFFFFFE0  }
0x146: {  	_ =	swait.ge [sflag:s24], $0x1000  }
0x147: {  	[sflag:s24] =	ssyncset.done $0x0  }
0x148: {  	[sflag:s24] =	ssyncadd.s32 $0xFFFFF000  }
0x149: {  	[spmem:s2] =	stream.indirect.scatter.add.f32 [tilespmem:s8], [sflag:$0x15], $0x80, s18, s22, $0xb8;
	[tilespmem:$0x1D800] =	vst v63  }
0x14a: {  	_ =	swait.ge [sflag:s25], $0x20  }
0x14b: {  	[sflag:s25] =	ssyncset.done $0x0  }
0x14c: {  	[sflag:s25] =	ssyncadd.s32 $0xFFFFFFE0  }
0x14d: {  	_ =	swait.ge [sflag:s26], $0x1000  }
0x14e: {  	[sflag:s26] =	ssyncset.done $0x0  }
0x14f: {  	[sflag:s26] =	ssyncadd.s32 $0xFFFFF000  }
0x150: {  	[spmem:s2] =	stream.indirect.scatter.add.f32 [tilespmem:s1], [sflag:$0x16], $0x80, s4, s22, $0xb8;
	[tilespmem:$0x1D800] =	vst v63  }
0x151: {  	_ =	swait.ge [sflag:s29], $0x20  }
0x152: {  	[sflag:s29] =	ssyncset.done $0x0  }
0x153: {  	[sflag:s29] =	ssyncadd.s32 $0xFFFFFFE0  }
0x154: {  	_ =	swait.ge [sflag:s30], $0x1000  }
0x155: {  	[sflag:s30] =	ssyncset.done $0x0  }
0x156: {  	s31 =	simm.s32 $0x8;
	[sflag:s30] =	ssyncadd.s32 $0xFFFFF000  }
0x157: {  	[spmem:s2] =	stream.indirect.scatter.add.f32 [tilespmem:s23], [sflag:$0x17], $0x80, s20, s22, $0xb8;
	[tilespmem:$0x1D800] =	vst v63  }
0x158: {  	p0 =	sne.s32 s10, $0x4800;
	_ =	swait.ge [sflag:s31], $0x20  }
.Ltmp0:
0x159: {  	[sflag:s31] =	ssyncset.done $0x0;
	(pc) =	sbr.rel @p0 .LBB2_2-.Ltmp0, $4  }
0x15a: {  	[sflag:s31] =	ssyncadd.s32 $0xFFFFFFE0  }
0x15b: {  	_ =	swait.ge [sflag:s0], $0x1000  }
0x15c: {  	s10 =	sadd.s32 $0x400, s10;
	s16 =	simm.s32 $0x1780;
	[sflag:s0] =	ssyncset.done $0x0  }
0x15d: {  	s11 =	sadd.s32 $0x20, s11;
	s15 =	simm.s32 $0x8800;
	[sflag:s0] =	ssyncadd.s32 $0xFFFFF000  }
0x15e: {  	[spmem:s2] =	stream.indirect.scatter.add.f32 [tilespmem:s15], [sflag:$0x18], $0x80, s16, s22, $0xb8;
	[tilespmem:$0x1D800] =	vst v63  }
0x15f: {  	s0 =	simm.s32 $0x11  }
0x160: {  	_ =	swait.ge [sflag:s0], $0x1000  }
0x161: {  	[sflag:s0] =	ssyncset.done $0x0  }
0x162: {  	s19 =	simm.s32 $0x12;
	[sflag:s0] =	ssyncadd.s32 $0xFFFFF000  }
0x163: {  	_ =	swait.ge [sflag:s19], $0x1000  }
0x164: {  	[sflag:s19] =	ssyncset.done $0x0  }
0x165: {  	s20 =	simm.s32 $0x13;
	[sflag:s19] =	ssyncadd.s32 $0xFFFFF000  }
0x166: {  	_ =	swait.ge [sflag:s20], $0x1000  }
0x167: {  	[sflag:s20] =	ssyncset.done $0x0  }
0x168: {  	s21 =	simm.s32 $0x14;
	[sflag:s20] =	ssyncadd.s32 $0xFFFFF000  }
0x169: {  	_ =	swait.ge [sflag:s21], $0x1000  }
0x16a: {  	[sflag:s21] =	ssyncset.done $0x0  }
0x16b: {  	s23 =	simm.s32 $0x15;
	[sflag:s21] =	ssyncadd.s32 $0xFFFFF000  }
0x16c: {  	_ =	swait.ge [sflag:s23], $0x1000  }
0x16d: {  	[sflag:s23] =	ssyncset.done $0x0  }
0x16e: {  	s24 =	simm.s32 $0x16;
	[sflag:s23] =	ssyncadd.s32 $0xFFFFF000  }
0x16f: {  	_ =	swait.ge [sflag:s24], $0x1000  }
0x170: {  	[sflag:s24] =	ssyncset.done $0x0  }
0x171: {  	s25 =	simm.s32 $0x17;
	[sflag:s24] =	ssyncadd.s32 $0xFFFFF000  }
0x172: {  	_ =	swait.ge [sflag:s25], $0x1000  }
0x173: {  	[sflag:s25] =	ssyncset.done $0x0  }
0x174: {  	s26 =	simm.s32 $0x18;
	[sflag:s25] =	ssyncadd.s32 $0xFFFFF000  }
0x175: {  	_ =	swait.ge [sflag:s26], $0x1000  }
0x176: {  	[sflag:s26] =	ssyncset.done $0x0  }
0x177: {  	[sflag:s26] =	ssyncadd.s32 $0xFFFFF000  }
0x178: {  	[bflag:$0x0] =	sbarrier.arrive $0xFFFF  }
0x179: {  	s11 =	rddreg [dreg:$0xe]  }
0x17a: {  	s10 =	rddreg [dreg:$0x18]  }
0x17b: {  	s12 =	simm.s32 $0x19;
	s28 =	rddreg [dreg:$0x1b]  }
0x17c: {  	[hbm:s10], [sflag:s11] =	dma.local [spmem:s28], $0x2800  }
0x17d: {  	_ =	swait.ge [sflag:s12], $0x2800  }
0x17e: {  	s30 =	rddreg [dreg:$0x1a]  }
0x17f: {  	s16 =	simm.s32 $0x9;
	s31 =	rddreg [dreg:$0x19];
	s15 =	sadd.s32 $0x1, s30  }
0x180: {  	s18 =	simm.s32 $0x2;
	s9 =	simm.s32 $0xA;
	p0 =	sne.s32 s15, s31  }
.Ltmp1:
0x181: {  	s8 =	simm.s32 $0x3;
	s4 =	simm.s32 $0x4;
	(pc) =	sbr.rel @p0 .LBB2_1-.Ltmp1, $4  }
0x182: {  	s29 =	simm.s32 $0xF;
	s1 =	simm.s32 $0x8;
	s0 =	simm.s32 $0x10  }
0x183: {  	s19 =	simm.s32 $0xB;
	s20 =	simm.s32 $0xC;
	s21 =	simm.s32 $0x5  }
0x184: {  	s23 =	simm.s32 $0xD;
	s24 =	simm.s32 $0x6;
	[sflag:s12] =	ssyncset.done $0x0  }
0x185: {  	s25 =	simm.s32 $0xE;
	s26 =	simm.s32 $0x7;
	[sflag:s12] =	ssyncadd.s32 $0xFFFFD800  }
0x186: {  	_ =	sfence.sel $0x180000  }
0x187: {  	[bflag:$0x0] =	sbarrier.arrive $0xFFFF  }
0x188: {  	_ =	strace $0x9000004A  }
0x189: {  	s0 =	stileid.u32;
	[bflag:$0x2] =	sbarrier.arrive $0xFFFF  }
0x18a: {  	p0 =	sne.s32 s0, $0x0;
	s0 =	rddreg [dreg:$0x2]  }
0x18b: {  	s0 =	sadd.s32 @!p0 $0x100000, s0  }
0x18c: {  	[sflag:s0] =	ssyncadd.tile.s32 @!p0 $0x1;
	_ =	shalt  }
.Lfunc_end2:
_tile_overlayer_lowered:
.L_overlay_start_2:
0x18d: {  	(tag) =	ssettag $0x2  }
0x18e: {  	s0 =	rddreg [dreg:$0x0];
	s2 =	stileid.u32  }
0x18f: {  	s1 =	rddreg [dreg:$0x1];
	p0 =	sne.s32 s2, $0x0  }
0x190: {  	s3 =	rddreg [dreg:$0x2];
	[bflag:$0x3] =	sbarrier.arrive $0xFFFF;
	s2 =	simm.s32 @!p0 $0x1C19  }
0x191: {  	[timem:s3], [sflag:s2] =	dma.local @!p0 [hbm:s0], s1  }
0x192: {  	s0 =	simm.s32 @!p0 $0x19  }
0x193: {  	_ =	swait.ge @!p0 [sflag:s0], s1  }
0x194: {  	s1 =	ssub.s32 @!p0 $0x0, s1;
	[sflag:s0] =	ssyncset.done @!p0 $0x0  }
0x195: {  	[sflag:s0] =	ssyncadd.s32 @!p0 s1  }
0x196: {  	[bflag:$0x3] =	sbarrier.arrive $0xFFFF  }
0x197: {  	_ =	shalt  }

// kernel: kernel.14.cloned.1.call-start
scs
__scs_entry_jumppad:
0x0: {  	(pc) =	sbr.rel $0x88, $3  }
0x1: {  	(tag) =	ssettag $0x0;
	lr =	simm.s32 $0x1  }
0x2: {  	[smem:$0x3F98] =	sst lr;
	_ =	strace $0xD0000000  }
0x3: {  	_ = 	snop  }
0x4: {  	_ = 	snop  }
0x5: {  	_ = 	snop  }
0x6: {  	_ = 	snop  }
0x7: {  	_ = 	snop  }
__scs_overlays_trampoline_lowered:
0x8: {  	[smem:$0x3FA7] =	sst s0  }
0x9: {  	[smem:$0x3FA8] =	sst s1  }
0xa: {  	[smem:$0x3FA9] =	sst s2  }
0xb: {  	[smem:$0x3FAA] =	sst s3  }
0xc: {  	[smem:$0x3FAB] =	sst s4  }
0xd: {  	[smem:$0x3FAC] =	sst s5  }
0xe: {  	[smem:$0x3FAD] =	sst s6  }
0xf: {  	[smem:$0x3FAE] =	sst s7  }
0x10: {  	[smem:$0x3FAF] =	sst s8  }
0x11: {  	[smem:$0x3FB0] =	sst s9;
	s0 =	simm.s32 @!p0 $0x0  }
0x12: {  	s1 =	sld [smem:$0x3F96];
	s0 =	simm.s32 @p0 $0x1  }
0x13: {  	[smem:$0x3FB1] =	sst s0;
	s0 =	simm.s32 @!p1 $0x0  }
0x14: {  	s2 =	sld [smem:$0x3F95];
	s0 =	simm.s32 @p1 $0x1  }
0x15: {  	[smem:$0x3FB2] =	sst s0;
	s0 =	simm.s32 @!p2 $0x0  }
0x16: {  	s3 =	sld [smem:$0x3FDB];
	s0 =	simm.s32 @p2 $0x1  }
0x17: {  	s4 =	simm.s32 $0x1BF5;
	[smem:$0x3FB4] =	sst s0  }
0x18: {  	s0 =	sld [smem:$0x3F97];
	_ =	swait.ge [sflag:s4], $0x0  }
0x19: {  	s7 =	sld [smem:$0x3F98]  }
0x1a: {  	s8 =	sadd.s32 $0xFFFFE003, lr  }
0x1b: {  	s9 =	sadd.s32 $0xFFFFFEF7, lr;
	s5 =	simm.s32 $0xFFFFFFFF;
	p2 =	slt.u32 s8, $0xFFFFF086  }
0x1c: {  	p1 =	slt.u32 s9, $0xF7A;
	s5 =	simm.s32 @!p2 $0x0  }
0x1d: {  	s5 =	simm.s32 @p1 $0x1;
	p0 =	seq.s32 s7, s2  }
0x1e: {  	s7 =	smul.u32 @!p0 $0xF7A, s2;
	p2 =	seq.s32 @!p0 s5, $0x0  }
0x1f: {  	s9 =	smul.u32 $0xF7A, s1;
	s8 =	simm.s32 @!p0 $0x1BF5;
	p2 =	por !p2, p0  }
0x20: {  	[sflag:s8] =	ssyncset.s32 @!p0 $0xFFFFF086;
	s6 =	sadd.s32 @!p0 s3, s7;
	s7 =	simm.s32 @!p0 $0x108  }
0x21: {  	s3 =	sadd.s32 s3, s9;
	s6 =	sadd.s32 @!p0 $0x88, s6;
	s7 =	simm.s32 @p2 $0x1082  }
0x22: {  	[simem:s7], [sflag:s8] =	dma.local @!p0 [hbm:s6], $0xF7A  }
0x23: {  	s9 =	sor.u32 $0xD0000000, s2;
	s6 =	simm.s32 $0x108;
	_ =	swait.ge @!p0 [sflag:s8], $0x0  }
0x24: {  	s3 =	sadd.s32 $0x88, s3;
	s6 =	simm.s32 @!p1 $0x1082;
	[sflag:s4] =	ssyncset.s32 $0xFFFFF086  }
0x25: {  	[simem:s6], [sflag:s4] =	dma.local [hbm:s3], $0xF7A  }
0x26: {  	[smem:$0x3F98] =	sst s1;
	(tag) =	ssettag s2;
	_ =	strace s9  }
0x27: {  	s1 =	sld [smem:$0x3FA8]  }
0x28: {  	s2 =	sld [smem:$0x3FA9]  }
0x29: {  	s4 =	sld [smem:$0x3FAB]  }
0x2a: {  	p0 =	seq.s32 s5, $0x0;
	s5 =	sld [smem:$0x3FAC]  }
0x2b: {  	s6 =	sld [smem:$0x3FAD]  }
0x2c: {  	s7 =	sld [smem:$0x3FAE]  }
0x2d: {  	s3 =	simm.s32 $0x108;
	s8 =	sld [smem:$0x3FAF]  }
0x2e: {  	s3 =	simm.s32 @!p0 $0x1082;
	s9 =	sld [smem:$0x3FB0]  }
0x2f: {  	lr =	sadd.s32 s0, s3;
	s0 =	sld [smem:$0x3FA7]  }
0x30: {  	s3 =	sld [smem:$0x3FAA]  }
0x31: {  	[smem:$0x3FB3] =	sst s10  }
0x32: {  	s10 =	sld [smem:$0x3FB1];
	_ =	sdelay $0x3  }
0x33: {  	p0 =	seq.s32 s10, $0x1;
	s10 =	sld [smem:$0x3FB3];
	_ =	sdelay $0x3  }
0x34: {  	[smem:$0x3FB3] =	sst s10  }
0x35: {  	s10 =	sld [smem:$0x3FB2];
	_ =	sdelay $0x3  }
0x36: {  	p1 =	seq.s32 s10, $0x1;
	s10 =	sld [smem:$0x3FB3];
	_ =	sdelay $0x3  }
0x37: {  	[smem:$0x3FB3] =	sst s10  }
0x38: {  	s10 =	sld [smem:$0x3FB4]  }
0x39: {  	_ = 	snop;
	(pc) =	sbr.ind lr, $3  }
0x3a: {  	_ = 	snop  }
0x3b: {  	_ = 	snop  }
0x3c: {  	p2 =	seq.s32 s10, $0x1;
	s10 =	sld [smem:$0x3FB3]  }
0x3d: {  	_ =	shalt  }
0x3e: {  	_ =	shalt  }
0x3f: {  	_ =	shalt  }
0x40: {  	_ =	shalt  }
0x41: {  	_ =	shalt  }
0x42: {  	_ =	shalt  }
0x43: {  	_ =	shalt  }
0x44: {  	_ =	shalt  }
0x45: {  	_ =	shalt  }
0x46: {  	_ =	shalt  }
0x47: {  	_ =	shalt  }
0x48: {  	_ =	shalt  }
0x49: {  	_ =	shalt  }
0x4a: {  	_ =	shalt  }
0x4b: {  	_ =	shalt  }
0x4c: {  	_ =	shalt  }
0x4d: {  	_ =	shalt  }
0x4e: {  	_ =	shalt  }
0x4f: {  	_ =	shalt  }
0x50: {  	_ =	shalt  }
0x51: {  	_ =	shalt  }
0x52: {  	_ =	shalt  }
0x53: {  	_ =	shalt  }
0x54: {  	_ =	shalt  }
0x55: {  	_ =	shalt  }
0x56: {  	_ =	shalt  }
0x57: {  	_ =	shalt  }
0x58: {  	_ =	shalt  }
0x59: {  	_ =	shalt  }
0x5a: {  	_ =	shalt  }
0x5b: {  	_ =	shalt  }
0x5c: {  	_ =	shalt  }
0x5d: {  	_ =	shalt  }
0x5e: {  	_ =	shalt  }
0x5f: {  	_ =	shalt  }
0x60: {  	_ =	shalt  }
0x61: {  	_ =	shalt  }
0x62: {  	_ =	shalt  }
0x63: {  	_ =	shalt  }
0x64: {  	_ =	shalt  }
0x65: {  	_ =	shalt  }
0x66: {  	_ =	shalt  }
0x67: {  	_ =	shalt  }
0x68: {  	_ =	shalt  }
0x69: {  	_ =	shalt  }
0x6a: {  	_ =	shalt  }
0x6b: {  	_ =	shalt  }
0x6c: {  	_ =	shalt  }
0x6d: {  	_ =	shalt  }
0x6e: {  	_ =	shalt  }
0x6f: {  	_ =	shalt  }
0x70: {  	_ =	shalt  }
0x71: {  	_ =	shalt  }
0x72: {  	_ =	shalt  }
0x73: {  	_ =	shalt  }
0x74: {  	_ =	shalt  }
0x75: {  	_ =	shalt  }
0x76: {  	_ =	shalt  }
0x77: {  	_ =	shalt  }
0x78: {  	_ =	shalt  }
0x79: {  	_ =	shalt  }
0x7a: {  	_ =	shalt  }
0x7b: {  	_ =	shalt  }
0x7c: {  	_ =	shalt  }
0x7d: {  	_ =	shalt  }
0x7e: {  	_ =	shalt  }
0x7f: {  	_ =	shalt  }
0x80: {  	_ =	shalt  }
0x81: {  	_ =	shalt  }
0x82: {  	_ =	shalt  }
0x83: {  	_ =	shalt  }
0x84: {  	_ =	shalt  }
0x85: {  	_ =	shalt  }
0x86: {  	_ =	shalt  }
0x87: {  	_ =	shalt  }
.Lfunc_end0:
.L_simem_size_0:
called_computation.2_lowered:
.L_overlay_start_0:
0x88: {  	s2 =	sld [smem:$0x3FD9]  }
0x89: {  	s3 =	sld [smem:$0x3FFE];
	_ =	sdelay $0x1  }
0x8a: {  	s1 =	srdreg.scid  }
0x8b: {  	s0 =	sand.u32 $0x1, s1  }
0x8c: {  	s16 =	sshll.u32 s0, $0xA;
	s2 =	sadd.s32 s3, s2  }
0x8d: {  	s2 =	sadd.s32 s2, s16  }
0x8e: {  	[smem:$0x3FBF] =	sst s2  }
0x8f: {  	_ = 	snop  }
0x90: {  	(tm) =	ssettm $0x1  }
0x91: {  	s17 =	sld [smem:$0x3FFB];
	_ =	sdelay $0x3  }
0x92: {  	_ =	strace s17  }
0x93: {  	s2 =	sld [smem:$0x3FFC];
	_ =	sdelay $0x3  }
0x94: {  	_ =	strace s2  }
0x95: {  	s2 =	sld [smem:$0x3FFD];
	_ =	sdelay $0x3  }
0x96: {  	_ =	strace s2  }
0x97: {  	_ =	strace $0x8FFFFFFF  }
0x98: {  	s18 =	sld [smem:$0x3FDB];
	_ =	sdelay $0x1  }
0x99: {  	s19 =	simm.s32 $_scs_section_size  }
0x9a: {  	s4 =	simm.s32 $_size__tile_overlayer_lowered;
	s5 =	simm.s32 $_tile_overlayer_lowered  }
0x9b: {  	s22 =	simm.s32 $0x1BFF;
	s21 =	sshll.u32 s5, $0x1;
	s2 =	sadd.s32 s19, s18  }
0x9c: {  	s6 =	simm.s32 $0x0;
	s20 =	sshll.u32 s4, $0x1;
	s4 =	sadd.s32 s21, s2  }
0x9d: {  	[timem:s6], [sflag:s22] =	dma.local [hbm:s4], s20  }
0x9e: {  	_ =	swait.ge [sflag:s22], s20  }
0x9f: {  	s3 =	ssub.s32 $0x0, s20;
	[sflag:s22] =	ssyncset.done $0x0  }
0xa0: {  	[sflag:s22] =	ssyncadd.s32 s3;
	_ =	sdelay $0x1  }
0xa1: {  	s23 =	simm.s32 $0x1B8B  }
0xa2: {  	_ =	swait.ge [sflag:s23], $0x1  }
0xa3: {  	[sflag:s23] =	ssyncset.done $0x0  }
0xa4: {  	s25 =	simm.s32 $0x1B8E;
	s24 =	sld [smem:$0x3FFE];
	[sflag:s23] =	ssyncadd.s32 $0xFFFFFFFF  }
0xa5: {  	s26 =	simm.s32 $execute0_lowered;
	[smem:$0x3FD2] =	sst s25  }
0xa6: {  	s4 =	sshll.u32 s26, $0x1;
	_ =	strace $0x8000004C;
	[dreg:$0x1] =	wrdreg $0xFFFFFFFF  }
0xa7: {  	s28 =	simm.s32 $_size_execute0_lowered;
	s2 =	sadd.s32 s2, s4;
	[dreg:$0x0] =	wrdreg $0x0  }
0xa8: {  	s4 =	sshll.u32 s28, $0x1;
	[dreg:$0x2] =	wrdreg s2  }
0xa9: {  	[dreg:$0x3] =	wrdreg s4  }
0xaa: {  	[dreg:$0x4] =	wrdreg $0xC0  }
0xab: {  	_ =	task [dreg:s6], $0x5FFFF  }
0xac: {  	[dreg:$0x1] =	wrdreg $0xFFFFFFFF  }
0xad: {  	[dreg:$0x0] =	wrdreg $0x60  }
0xae: {  	[dreg:$0x2] =	wrdreg s24  }
0xaf: {  	[dreg:$0x3] =	wrdreg $0xAC000  }
0xb0: {  	[dreg:$0x4] =	wrdreg $0x9  }
0xb1: {  	_ =	task.clear_ibuf [dreg:s6], $0x5FFFF;
	_ =	strace $0x9000004C  }
0xb2: {  	s29 =	simm.s32 $0x9;
	_ =	strace $0x8000004E  }
0xb3: {  	_ =	swait.ge [sflag:s29], $0x1  }
0xb4: {  	[sflag:s29] =	ssyncadd.s32 $0xFFFFFFFF  }
0xb5: {  	_ =	strace $0x9000004E  }
0xb6: {  	_ =	sfence  }
0xb7: {  	s30 =	sld [smem:$0x0];
	_ =	sdelay $0x2  }
0xb8: {  	s31 =	sshll.u32 s1, $0xD;
	s1 =	sshrl.u32 s1, $0x2  }
0xb9: {  	s3 =	sand.u32 $0x4000, s31;
	s1 =	sadd.s32 s1, s30  }
0xba: {  	s0 =	sor.u32 s3, s0;
	s1 =	sshll.u32 s1, $0x11  }
0xbb: {  	s0 =	sor.u32 s1, s0  }
0xbc: {  	s0 =	sadd.s32 $0x8F2B, s0  }
0xbd: {  	[sflag:s0] =	ssyncadd.remote.s32 $0x1  }
0xbe: {  	_ =	sfence.sel $0xFFFF  }
0xbf: {  	[dreg:$0x0] =	wrdreg $0xFFFFFFFF;
	(pc) =	sbr.abs _section_cstart, $3  }
0xc0: {  	[dreg:$0x1] =	wrdreg $0xFFFFFFFF  }
0xc1: {  	_ =	task.clear_ibuf [dreg:s6], $0x2FFFF;
	_ =	strace $0x9FFFFFFF  }
0xc2: {  	(tm) =	ssettm $0x7FFFFFFF  }
0xc3: {  	_ =	shalt  }
tec
execute0_lowered:
.L_overlay_start_1:
0x0: {  	(tag) =	ssettag $0x1  }
0x1: {  	s0 =	rddreg [dreg:$0x0];
	s13 =	stileid.u32  }
0x2: {  	s1 =	rddreg [dreg:$0x1];
	s6 =	smul.u32 $0x2800, s13  }
0x3: {  	s3 =	simm.s32 $0x0;
	s7 =	srdreg.scid;
	s8 =	smul.u32 $0x50000, s13  }
0x4: {  	[smem:$0x7FF] =	sst s3;
	s2 =	sadd.s32 $0x35000, s0;
	s30 =	smul.u32 $0x280, s13  }
0x5: {  	s5 =	sadd.s32 $0x2000, s0;
	s7 =	sand.u32 $0x1, s7;
	s29 =	smul.u32 $0x500, s13  }
0x6: {  	s4 =	sadd.s32 $0x71000, s0;
	_ =	strace $0x8000004D;
	s12 =	smul.u32 $0x50000, s7  }
0x7: {  	s10 =	ssub.s32 $0x2, s7;
	s18 =	smul.u32 $0x5000, s7;
	s7 =	sshllo.u32 s7, $0x1  }
0x8: {  	s9 =	sadd.s32 s6, s0;
	s0 =	sadd.s32 $0x111000, s0;
	s11 =	sshrl.u32 s10, $0x1  }
0x9: {  	s8 =	sshrl.u32 s8, $0x2;
	s16 =	sshrl.u32 s6, $0x3;
	s23 =	smul.u32 $0x2800, s7  }
0xa: {  	s7 =	smul.u32 $0x28000, s7;
	s10 =	ssub.s32 s10, s11;
	s8 =	sadd.s32 s8, s1  }
0xb: {  	s31 =	sadd.s32 $0x49000, s9;
	s9 =	sshll.u32 s13, $0x6;
	s14 =	sadd.s32 s6, s12  }
0xc: {  	s24 =	sadd.s32 s30, s18;
	s13 =	simm.s32 $0x1;
	[dreg:$0x3] =	wrdreg s8  }
0xd: {  	[dreg:$0x4] =	wrdreg s31;
	s15 =	sshrl.u32 s14, $0x3;
	s14 =	sadd.s32 s5, s16  }
0xe: {  	s12 =	simm.s32 $0x9;
	s31 =	smax.u32 s10, $0x1;
	[dreg:$0x7] =	wrdreg s14  }
0xf: {  	s11 =	simm.s32 $0x0;
	s17 =	sor.u32 $0x1C19, s9;
	[dreg:$0x12] =	wrdreg s31  }
0x10: {  	s6 =	sadd.s32 s6, s7;
	s8 =	sadd.s32 s2, s15;
	[dreg:$0x5] =	wrdreg s17  }
0x11: {  	s28 =	sadd.s32 s30, s23;
	s19 =	sadd.s32 $0x4, s14;
	[dreg:$0x6] =	wrdreg s8  }
0x12: {  	s30 =	sadd.s32 s29, s5;
	s20 =	sadd.s32 $0x8, s14;
	[dreg:$0x8] =	wrdreg s19  }
0x13: {  	s10 =	simm.s32 $0x2800;
	s21 =	sadd.s32 $0xC, s14;
	[dreg:$0x9] =	wrdreg s20  }
0x14: {  	s16 =	simm.s32 $0x3;
	s22 =	sadd.s32 $0x10, s14;
	[dreg:$0xa] =	wrdreg s21  }
0x15: {  	s5 =	simm.s32 $0x11;
	s9 =	sadd.s32 $0x14, s14;
	[dreg:$0xb] =	wrdreg s22  }
0x16: {  	s25 =	sadd.s32 $0x18, s14;
	s26 =	sadd.s32 $0x1C, s14;
	[dreg:$0xc] =	wrdreg s9  }
0x17: {  	s6 =	sshrl.u32 s6, $0x3;
	s7 =	sshll.u32 s28, $0x4;
	[dreg:$0xd] =	wrdreg s25  }
0x18: {  	s14 =	simm.s32 $0x2;
	s15 =	simm.s32 $0xA;
	[dreg:$0xe] =	wrdreg s26  }
0x19: {  	s9 =	sshll.u32 s24, $0x4;
	s2 =	sadd.s32 s2, s6;
	s6 =	simm.s32 $0x19  }
0x1a: {  	s24 =	simm.s32 $0x20;
	s9 =	sadd.s32 s0, s9;
	[dreg:$0x10] =	wrdreg s2  }
0x1b: {  	s22 =	simm.s32 $0xC;
	s0 =	sadd.s32 s0, s7;
	[dreg:$0xf] =	wrdreg s9  }
0x1c: {  	s7 =	simm.s32 $0x4;
	[dreg:$0x11] =	wrdreg s0;
	s0 =	sadd.s32 $0x20, s30  }
0x1d: {  	s9 =	simm.s32 $0xB;
	[dreg:$0x13] =	wrdreg s0;
	s0 =	simm.s32 $0xE0  }
.LBB2_1:
0x1e: {  	[dreg:$0x14] =	wrdreg s11  }
0x1f: {  	s2 =	rddreg [dreg:$0x3]  }
0x20: {  	s8 =	rddreg [dreg:$0x4];
	s2 =	sshrl.u32 s2, $0x3  }
0x21: {  	[dreg:$0x15] =	wrdreg s2  }
0x22: {  	[spmem:s2], [sflag:s17] =	dma.local [hbm:s8], $0x2800  }
0x23: {  	_ =	swait.ge [sflag:s6], $0x2800  }
0x24: {  	[sflag:s6] =	ssyncset.done $0x0  }
0x25: {  	s17 =	rddreg [dreg:$0x6];
	[sflag:s6] =	ssyncadd.s32 $0xFFFFD800  }
0x26: {  	[tilespmem:s3], [sflag:$0x19] =	stream.linear.gather [hbm4b:s17+s3], $0x2800, $0x38;
	[tilespmem:$0x1EC00] =	vst v63  }
0x27: {  	_ =	swait.ge [sflag:s6], $0x2800  }
0x28: {  	[sflag:s6] =	ssyncset.done $0x0  }
0x29: {  	[sflag:s6] =	ssyncadd.s32 $0xFFFFD800  }
0x2a: {  	[bflag:$0x0] =	sbarrier.arrive $0xFFFF  }
0x2b: {  	s18 =	rddreg [dreg:$0x7]  }
0x2c: {  	[tilespmem:s10], [sflag:$0x1] =	stream.linear.gather [hbm4b:s18+s3], $0x20, $0x38;
	[tilespmem:$0x1EC00] =	vst v63  }
0x2d: {  	s25 =	simm.s32 $0x2C00  }
0x2e: {  	[tilespmem:s25], [sflag:$0x9] =	stream.indirect.gather [hbm4b:s4+s24], $0x80, s3, s24, $0xb8;
	[tilespmem:$0x1EC00] =	vst v63  }
0x2f: {  	s26 =	simm.s32 $0x2880;
	s19 =	rddreg [dreg:$0x8]  }
0x30: {  	[tilespmem:s26], [sflag:$0x2] =	stream.linear.gather [hbm4b:s19+s3], $0x20, $0x38;
	[tilespmem:$0x1EC00] =	vst v63  }
0x31: {  	s30 =	simm.s32 $0x3C00  }
0x32: {  	[tilespmem:s30], [sflag:$0xA] =	stream.indirect.gather [hbm4b:s4+s24], $0x80, s24, s24, $0xb8;
	[tilespmem:$0x1EC00] =	vst v63  }
0x33: {  	s29 =	simm.s32 $0x2900;
	s20 =	rddreg [dreg:$0x9]  }
0x34: {  	[tilespmem:s29], [sflag:$0x3] =	stream.linear.gather [hbm4b:s20+s3], $0x20, $0x38;
	[tilespmem:$0x1EC00] =	vst v63  }
0x35: {  	s21 =	simm.s32 $0x40;
	s28 =	simm.s32 $0x4C00  }
0x36: {  	[tilespmem:s28], [sflag:$0xB] =	stream.indirect.gather [hbm4b:s4+s24], $0x80, s21, s24, $0xb8;
	[tilespmem:$0x1EC00] =	vst v63  }
0x37: {  	s31 =	simm.s32 $0x2980;
	s23 =	rddreg [dreg:$0xa]  }
0x38: {  	[tilespmem:s31], [sflag:$0x4] =	stream.linear.gather [hbm4b:s23+s3], $0x20, $0x38;
	[tilespmem:$0x1EC00] =	vst v63  }
0x39: {  	s8 =	simm.s32 $0x5C00;
	s6 =	simm.s32 $0x60  }
0x3a: {  	[tilespmem:s8], [sflag:$0xC] =	stream.indirect.gather [hbm4b:s4+s24], $0x80, s6, s24, $0xb8;
	[tilespmem:$0x1EC00] =	vst v63  }
0x3b: {  	s17 =	simm.s32 $0x2A00;
	s11 =	rddreg [dreg:$0xb]  }
0x3c: {  	[tilespmem:s17], [sflag:$0x5] =	stream.linear.gather [hbm4b:s11+s3], $0x20, $0x38;
	[tilespmem:$0x1EC00] =	vst v63  }
0x3d: {  	s18 =	simm.s32 $0x80;
	s21 =	simm.s32 $0x6C00  }
0x3e: {  	[tilespmem:s21], [sflag:$0xD] =	stream.indirect.gather [hbm4b:s4+s24], $0x80, s18, s24, $0xb8;
	[tilespmem:$0x1EC00] =	vst v63  }
0x3f: {  	s23 =	rddreg [dreg:$0xc];
	s31 =	simm.s32 $0x2A80  }
0x40: {  	[tilespmem:s31], [sflag:$0x6] =	stream.linear.gather [hbm4b:s23+s3], $0x20, $0x38;
	[tilespmem:$0x1EC00] =	vst v63  }
0x41: {  	s8 =	simm.s32 $0xA0;
	s11 =	simm.s32 $0x7C00  }
0x42: {  	[tilespmem:s11], [sflag:$0xE] =	stream.indirect.gather [hbm4b:s4+s24], $0x80, s8, s24, $0xb8;
	[tilespmem:$0x1EC00] =	vst v63  }
0x43: {  	s23 =	rddreg [dreg:$0xd];
	s31 =	simm.s32 $0x2B00  }
0x44: {  	[tilespmem:s31], [sflag:$0x7] =	stream.linear.gather [hbm4b:s23+s3], $0x20, $0x38;
	[tilespmem:$0x1EC00] =	vst v63  }
0x45: {  	s6 =	simm.s32 $0xC0;
	s8 =	simm.s32 $0x8C00  }
0x46: {  	[tilespmem:s8], [sflag:$0xF] =	stream.indirect.gather [hbm4b:s4+s24], $0x80, s6, s24, $0xb8;
	[tilespmem:$0x1EC00] =	vst v63  }
0x47: {  	s23 =	rddreg [dreg:$0xe];
	s31 =	simm.s32 $0x2B80  }
0x48: {  	[tilespmem:s31], [sflag:$0x8] =	stream.linear.gather [hbm4b:s23+s3], $0x20, $0x38;
	[tilespmem:$0x1EC00] =	vst v63  }
0x49: {  	s8 =	simm.s32 $0x9C00  }
0x4a: {  	[tilespmem:s8], [sflag:$0x10] =	stream.indirect.gather [hbm4b:s4+s24], $0x80, s0, s24, $0xb8;
	[tilespmem:$0x1EC00] =	vst v63  }
0x4b: {  	_ =	swait.ge [sflag:s13], $0x20  }
0x4c: {  	[sflag:s13] =	ssyncset.done $0x0  }
0x4d: {  	[sflag:s13] =	ssyncadd.s32 $0xFFFFFFE0  }
0x4e: {  	_ =	swait.ge [sflag:s12], $0x1000  }
0x4f: {  	[sflag:s12] =	ssyncset.done $0x0  }
0x50: {  	[sflag:s12] =	ssyncadd.s32 $0xFFFFF000  }
0x51: {  	[spmem:s1] =	stream.indirect.scatter.add.f32 [tilespmem:s25], [sflag:$0x11], $0x80, s10, s24, $0xb8;
	[tilespmem:$0x1EC00] =	vst v63  }
0x52: {  	_ =	swait.ge [sflag:s14], $0x20  }
0x53: {  	[sflag:s14] =	ssyncset.done $0x0  }
0x54: {  	[sflag:s14] =	ssyncadd.s32 $0xFFFFFFE0  }
0x55: {  	_ =	swait.ge [sflag:s15], $0x1000  }
0x56: {  	[sflag:s15] =	ssyncset.done $0x0  }
0x57: {  	[sflag:s15] =	ssyncadd.s32 $0xFFFFF000  }
0x58: {  	[spmem:s1] =	stream.indirect.scatter.add.f32 [tilespmem:s30], [sflag:$0x12], $0x80, s26, s24, $0xb8;
	[tilespmem:$0x1EC00] =	vst v63  }
0x59: {  	_ =	swait.ge [sflag:s16], $0x20  }
0x5a: {  	[sflag:s16] =	ssyncset.done $0x0  }
0x5b: {  	[sflag:s16] =	ssyncadd.s32 $0xFFFFFFE0  }
0x5c: {  	_ =	swait.ge [sflag:s9], $0x1000  }
0x5d: {  	[sflag:s9] =	ssyncset.done $0x0  }
0x5e: {  	[sflag:s9] =	ssyncadd.s32 $0xFFFFF000  }
0x5f: {  	[spmem:s1] =	stream.indirect.scatter.add.f32 [tilespmem:s28], [sflag:$0x13], $0x80, s29, s24, $0xb8;
	[tilespmem:$0x1EC00] =	vst v63  }
0x60: {  	_ =	swait.ge [sflag:s7], $0x20  }
0x61: {  	[sflag:s7] =	ssyncset.done $0x0  }
0x62: {  	[sflag:s7] =	ssyncadd.s32 $0xFFFFFFE0  }
0x63: {  	_ =	swait.ge [sflag:s22], $0x1000  }
0x64: {  	[sflag:s22] =	ssyncset.done $0x0  }
0x65: {  	s19 =	simm.s32 $0x2980;
	s20 =	simm.s32 $0x5C00;
	[sflag:s22] =	ssyncadd.s32 $0xFFFFF000  }
0x66: {  	[spmem:s1] =	stream.indirect.scatter.add.f32 [tilespmem:s20], [sflag:$0x14], $0x80, s19, s24, $0xb8;
	[tilespmem:$0x1EC00] =	vst v63  }
0x67: {  	s20 =	simm.s32 $0x5  }
0x68: {  	_ =	swait.ge [sflag:s20], $0x20  }
0x69: {  	[sflag:s20] =	ssyncset.done $0x0  }
0x6a: {  	s19 =	simm.s32 $0xD;
	[sflag:s20] =	ssyncadd.s32 $0xFFFFFFE0  }
0x6b: {  	_ =	swait.ge [sflag:s19], $0x1000  }
0x6c: {  	[sflag:s19] =	ssyncset.done $0x0  }
0x6d: {  	s17 =	simm.s32 $0x2A00;
	s18 =	simm.s32 $0x6C00;
	[sflag:s19] =	ssyncadd.s32 $0xFFFFF000  }
0x6e: {  	[spmem:s1] =	stream.indirect.scatter.add.f32 [tilespmem:s18], [sflag:$0x15], $0x80, s17, s24, $0xb8;
	[tilespmem:$0x1EC00] =	vst v63  }
0x6f: {  	s18 =	simm.s32 $0x6  }
0x70: {  	_ =	swait.ge [sflag:s18], $0x20  }
0x71: {  	[sflag:s18] =	ssyncset.done $0x0  }
0x72: {  	s17 =	simm.s32 $0xE;
	[sflag:s18] =	ssyncadd.s32 $0xFFFFFFE0  }
0x73: {  	_ =	swait.ge [sflag:s17], $0x1000  }
0x74: {  	[sflag:s17] =	ssyncset.done $0x0  }
0x75: {  	s21 =	simm.s32 $0x2A80;
	s11 =	simm.s32 $0x7C00;
	[sflag:s17] =	ssyncadd.s32 $0xFFFFF000  }
0x76: {  	[spmem:s1] =	stream.indirect.scatter.add.f32 [tilespmem:s11], [sflag:$0x16], $0x80, s21, s24, $0xb8;
	[tilespmem:$0x1EC00] =	vst v63  }
0x77: {  	s11 =	simm.s32 $0x7  }
0x78: {  	_ =	swait.ge [sflag:s11], $0x20  }
0x79: {  	[sflag:s11] =	ssyncset.done $0x0  }
0x7a: {  	s8 =	simm.s32 $0xF;
	[sflag:s11] =	ssyncadd.s32 $0xFFFFFFE0  }
0x7b: {  	_ =	swait.ge [sflag:s8], $0x1000  }
0x7c: {  	s6 =	simm.s32 $0x8C00;
	[sflag:s8] =	ssyncset.done $0x0  }
0x7d: {  	s0 =	simm.s32 $0x8;
	s21 =	simm.s32 $0x2B00;
	[sflag:s8] =	ssyncadd.s32 $0xFFFFF000  }
0x7e: {  	[spmem:s1] =	stream.indirect.scatter.add.f32 [tilespmem:s6], [sflag:$0x17], $0x80, s21, s24, $0xb8;
	[tilespmem:$0x1EC00] =	vst v63  }
0x7f: {  	_ =	swait.ge [sflag:s0], $0x20  }
0x80: {  	[sflag:s0] =	ssyncset.done $0x0  }
0x81: {  	s21 =	simm.s32 $0x10;
	[sflag:s0] =	ssyncadd.s32 $0xFFFFFFE0  }
0x82: {  	_ =	swait.ge [sflag:s21], $0x1000  }
0x83: {  	[sflag:s21] =	ssyncset.done $0x0  }
0x84: {  	s2 =	simm.s32 $0x9C00;
	s6 =	simm.s32 $0x2B80;
	[sflag:s21] =	ssyncadd.s32 $0xFFFFF000  }
0x85: {  	[spmem:s1] =	stream.indirect.scatter.add.f32 [tilespmem:s2], [sflag:$0x18], $0x80, s6, s24, $0xb8;
	[tilespmem:$0x1EC00] =	vst v63  }
0x86: {  	_ =	swait.ge [sflag:s5], $0x1000  }
0x87: {  	[sflag:s5] =	ssyncset.done $0x0  }
0x88: {  	s6 =	rddreg [dreg:$0x13];
	[sflag:s5] =	ssyncadd.s32 $0xFFFFF000  }
0x89: {  	[tilespmem:s10], [sflag:$0x1] =	stream.linear.gather [hbm4b:s6+s3], $0x20, $0x38;
	[tilespmem:$0x1EC00] =	vst v63  }
0x8a: {  	s2 =	simm.s32 $0x100  }
0x8b: {  	[tilespmem:s25], [sflag:$0x9] =	stream.indirect.gather [hbm4b:s4+s24], $0x80, s2, s24, $0xb8;
	[tilespmem:$0x1EC00] =	vst v63  }
0x8c: {  	s2 =	simm.s32 $0x12  }
0x8d: {  	_ =	swait.ge [sflag:s2], $0x1000  }
0x8e: {  	[sflag:s2] =	ssyncset.done $0x0  }
0x8f: {  	[sflag:s2] =	ssyncadd.s32 $0xFFFFF000;
	s2 =	sadd.s32 $0x4, s6  }
0x90: {  	[tilespmem:s26], [sflag:$0x2] =	stream.linear.gather [hbm4b:s2+s3], $0x20, $0x38;
	[tilespmem:$0x1EC00] =	vst v63  }
0x91: {  	[dreg:$0x16] =	wrdreg s2;
	s2 =	simm.s32 $0x120  }
0x92: {  	[tilespmem:s30], [sflag:$0xA] =	stream.indirect.gather [hbm4b:s4+s24], $0x80, s2, s24, $0xb8;
	[tilespmem:$0x1EC00] =	vst v63  }
0x93: {  	s2 =	simm.s32 $0x13  }
0x94: {  	_ =	swait.ge [sflag:s2], $0x1000  }
0x95: {  	[sflag:s2] =	ssyncset.done $0x0  }
0x96: {  	[sflag:s2] =	ssyncadd.s32 $0xFFFFF000;
	s2 =	sadd.s32 $0x8, s6  }
0x97: {  	[tilespmem:s29], [sflag:$0x3] =	stream.linear.gather [hbm4b:s2+s3], $0x20, $0x38;
	[tilespmem:$0x1EC00] =	vst v63  }
0x98: {  	[dreg:$0x17] =	wrdreg s2;
	s2 =	simm.s32 $0x140  }
0x99: {  	[tilespmem:s28], [sflag:$0xB] =	stream.indirect.gather [hbm4b:s4+s24], $0x80, s2, s24, $0xb8;
	[tilespmem:$0x1EC00] =	vst v63  }
0x9a: {  	s2 =	simm.s32 $0x14  }
0x9b: {  	_ =	swait.ge [sflag:s2], $0x1000  }
0x9c: {  	[sflag:s2] =	ssyncset.done $0x0  }
0x9d: {  	s31 =	simm.s32 $0x2980;
	[sflag:s2] =	ssyncadd.s32 $0xFFFFF000;
	s2 =	sadd.s32 $0xC, s6  }
0x9e: {  	[tilespmem:s31], [sflag:$0x4] =	stream.linear.gather [hbm4b:s2+s3], $0x20, $0x38;
	[tilespmem:$0x1EC00] =	vst v63  }
0x9f: {  	[dreg:$0x18] =	wrdreg s2;
	s2 =	simm.s32 $0x160;
	s31 =	simm.s32 $0x5C00  }
0xa0: {  	[tilespmem:s31], [sflag:$0xC] =	stream.indirect.gather [hbm4b:s4+s24], $0x80, s2, s24, $0xb8;
	[tilespmem:$0x1EC00] =	vst v63  }
0xa1: {  	s31 =	simm.s32 $0x15  }
0xa2: {  	_ =	swait.ge [sflag:s31], $0x1000  }
0xa3: {  	[sflag:s31] =	ssyncset.done $0x0  }
0xa4: {  	s2 =	sadd.s32 $0x10, s6;
	[sflag:s31] =	ssyncadd.s32 $0xFFFFF000;
	s31 =	simm.s32 $0x2A00  }
0xa5: {  	[tilespmem:s31], [sflag:$0x5] =	stream.linear.gather [hbm4b:s2+s3], $0x20, $0x38;
	[tilespmem:$0x1EC00] =	vst v63  }
0xa6: {  	[dreg:$0x19] =	wrdreg s2;
	s2 =	simm.s32 $0x180;
	s31 =	simm.s32 $0x6C00  }
0xa7: {  	[tilespmem:s31], [sflag:$0xD] =	stream.indirect.gather [hbm4b:s4+s24], $0x80, s2, s24, $0xb8;
	[tilespmem:$0x1EC00] =	vst v63  }
0xa8: {  	s31 =	simm.s32 $0x16  }
0xa9: {  	_ =	swait.ge [sflag:s31], $0x1000  }
0xaa: {  	[sflag:s31] =	ssyncset.done $0x0  }
0xab: {  	s2 =	sadd.s32 $0x14, s6;
	[sflag:s31] =	ssyncadd.s32 $0xFFFFF000;
	s31 =	simm.s32 $0x2A80  }
0xac: {  	[tilespmem:s31], [sflag:$0x6] =	stream.linear.gather [hbm4b:s2+s3], $0x20, $0x38;
	[tilespmem:$0x1EC00] =	vst v63  }
0xad: {  	s23 =	simm.s32 $0x7C00;
	s31 =	simm.s32 $0x1A0  }
0xae: {  	[tilespmem:s23], [sflag:$0xE] =	stream.indirect.gather [hbm4b:s4+s24], $0x80, s31, s24, $0xb8;
	[tilespmem:$0x1EC00] =	vst v63  }
0xaf: {  	[dreg:$0x1a] =	wrdreg s2;
	s31 =	simm.s32 $0x17  }
0xb0: {  	_ =	swait.ge [sflag:s31], $0x1000  }
0xb1: {  	[sflag:s31] =	ssyncset.done $0x0  }
0xb2: {  	s2 =	sadd.s32 $0x18, s6;
	s23 =	simm.s32 $0x2B00;
	[sflag:s31] =	ssyncadd.s32 $0xFFFFF000  }
0xb3: {  	[tilespmem:s23], [sflag:$0x7] =	stream.linear.gather [hbm4b:s2+s3], $0x20, $0x38;
	[tilespmem:$0x1EC00] =	vst v63  }
0xb4: {  	s31 =	simm.s32 $0x1C0;
	s23 =	simm.s32 $0x8C00  }
0xb5: {  	[tilespmem:s23], [sflag:$0xF] =	stream.indirect.gather [hbm4b:s4+s24], $0x80, s31, s24, $0xb8;
	[tilespmem:$0x1EC00] =	vst v63  }
0xb6: {  	[dreg:$0x1b] =	wrdreg s2;
	s31 =	simm.s32 $0x18  }
0xb7: {  	_ =	swait.ge [sflag:s31], $0x1000  }
0xb8: {  	[sflag:s31] =	ssyncset.done $0x0  }
0xb9: {  	s2 =	sadd.s32 $0x1C, s6;
	[sflag:s31] =	ssyncadd.s32 $0xFFFFF000;
	s31 =	simm.s32 $0x2B80  }
0xba: {  	[tilespmem:s31], [sflag:$0x8] =	stream.linear.gather [hbm4b:s2+s3], $0x20, $0x38;
	[tilespmem:$0x1EC00] =	vst v63  }
0xbb: {  	[dreg:$0x1c] =	wrdreg s2;
	s2 =	simm.s32 $0x1E0;
	s31 =	simm.s32 $0x9C00  }
0xbc: {  	[tilespmem:s31], [sflag:$0x10] =	stream.indirect.gather [hbm4b:s4+s24], $0x80, s2, s24, $0xb8;
	[tilespmem:$0x1EC00] =	vst v63  }
0xbd: {  	_ =	swait.ge [sflag:s13], $0x20  }
0xbe: {  	[sflag:s13] =	ssyncset.done $0x0  }
0xbf: {  	[sflag:s13] =	ssyncadd.s32 $0xFFFFFFE0  }
0xc0: {  	_ =	swait.ge [sflag:s12], $0x1000  }
0xc1: {  	[sflag:s12] =	ssyncset.done $0x0  }
0xc2: {  	[sflag:s12] =	ssyncadd.s32 $0xFFFFF000  }
0xc3: {  	[spmem:s1] =	stream.indirect.scatter.add.f32 [tilespmem:s25], [sflag:$0x11], $0x80, s10, s24, $0xb8;
	[tilespmem:$0x1EC00] =	vst v63  }
0xc4: {  	_ =	swait.ge [sflag:s14], $0x20  }
0xc5: {  	[sflag:s14] =	ssyncset.done $0x0  }
0xc6: {  	[sflag:s14] =	ssyncadd.s32 $0xFFFFFFE0  }
0xc7: {  	_ =	swait.ge [sflag:s15], $0x1000  }
0xc8: {  	[sflag:s15] =	ssyncset.done $0x0  }
0xc9: {  	[sflag:s15] =	ssyncadd.s32 $0xFFFFF000  }
0xca: {  	[spmem:s1] =	stream.indirect.scatter.add.f32 [tilespmem:s30], [sflag:$0x12], $0x80, s26, s24, $0xb8;
	[tilespmem:$0x1EC00] =	vst v63  }
0xcb: {  	_ =	swait.ge [sflag:s16], $0x20  }
0xcc: {  	[sflag:s16] =	ssyncset.done $0x0  }
0xcd: {  	[sflag:s16] =	ssyncadd.s32 $0xFFFFFFE0  }
0xce: {  	_ =	swait.ge [sflag:s9], $0x1000  }
0xcf: {  	[sflag:s9] =	ssyncset.done $0x0  }
0xd0: {  	[sflag:s9] =	ssyncadd.s32 $0xFFFFF000  }
0xd1: {  	[spmem:s1] =	stream.indirect.scatter.add.f32 [tilespmem:s28], [sflag:$0x13], $0x80, s29, s24, $0xb8;
	[tilespmem:$0x1EC00] =	vst v63  }
0xd2: {  	_ =	swait.ge [sflag:s7], $0x20  }
0xd3: {  	[sflag:s7] =	ssyncset.done $0x0  }
0xd4: {  	[sflag:s7] =	ssyncadd.s32 $0xFFFFFFE0  }
0xd5: {  	_ =	swait.ge [sflag:s22], $0x1000  }
0xd6: {  	[sflag:s22] =	ssyncset.done $0x0  }
0xd7: {  	s12 =	simm.s32 $0x2980;
	s25 =	simm.s32 $0x5C00;
	[sflag:s22] =	ssyncadd.s32 $0xFFFFF000  }
0xd8: {  	[spmem:s1] =	stream.indirect.scatter.add.f32 [tilespmem:s25], [sflag:$0x14], $0x80, s12, s24, $0xb8;
	[tilespmem:$0x1EC00] =	vst v63  }
0xd9: {  	_ =	swait.ge [sflag:s20], $0x20  }
0xda: {  	[sflag:s20] =	ssyncset.done $0x0  }
0xdb: {  	[sflag:s20] =	ssyncadd.s32 $0xFFFFFFE0  }
0xdc: {  	_ =	swait.ge [sflag:s19], $0x1000  }
0xdd: {  	[sflag:s19] =	ssyncset.done $0x0  }
0xde: {  	s26 =	simm.s32 $0x2A00;
	s28 =	simm.s32 $0x6C00;
	[sflag:s19] =	ssyncadd.s32 $0xFFFFF000  }
0xdf: {  	[spmem:s1] =	stream.indirect.scatter.add.f32 [tilespmem:s28], [sflag:$0x15], $0x80, s26, s24, $0xb8;
	[tilespmem:$0x1EC00] =	vst v63  }
0xe0: {  	_ =	swait.ge [sflag:s18], $0x20  }
0xe1: {  	[sflag:s18] =	ssyncset.done $0x0  }
0xe2: {  	[sflag:s18] =	ssyncadd.s32 $0xFFFFFFE0  }
0xe3: {  	_ =	swait.ge [sflag:s17], $0x1000  }
0xe4: {  	[sflag:s17] =	ssyncset.done $0x0  }
0xe5: {  	s30 =	simm.s32 $0x7C00;
	s29 =	simm.s32 $0x2A80;
	[sflag:s17] =	ssyncadd.s32 $0xFFFFF000  }
0xe6: {  	[spmem:s1] =	stream.indirect.scatter.add.f32 [tilespmem:s30], [sflag:$0x16], $0x80, s29, s24, $0xb8;
	[tilespmem:$0x1EC00] =	vst v63  }
0xe7: {  	_ =	swait.ge [sflag:s11], $0x20  }
0xe8: {  	[sflag:s11] =	ssyncset.done $0x0  }
0xe9: {  	[sflag:s11] =	ssyncadd.s32 $0xFFFFFFE0  }
0xea: {  	_ =	swait.ge [sflag:s8], $0x1000  }
0xeb: {  	[sflag:s8] =	ssyncset.done $0x0  }
0xec: {  	s31 =	simm.s32 $0x2B00;
	[sflag:s8] =	ssyncadd.s32 $0xFFFFF000  }
0xed: {  	[spmem:s1] =	stream.indirect.scatter.add.f32 [tilespmem:s23], [sflag:$0x17], $0x80, s31, s24, $0xb8;
	[tilespmem:$0x1EC00] =	vst v63  }
0xee: {  	_ =	swait.ge [sflag:s0], $0x20  }
0xef: {  	[sflag:s0] =	ssyncset.done $0x0  }
0xf0: {  	[sflag:s0] =	ssyncadd.s32 $0xFFFFFFE0  }
0xf1: {  	_ =	swait.ge [sflag:s21], $0x1000  }
0xf2: {  	[sflag:s21] =	ssyncset.done $0x0  }
0xf3: {  	s2 =	simm.s32 $0x400;
	s17 =	sadd.s32 $0x20, s6;
	[sflag:s21] =	ssyncadd.s32 $0xFFFFF000  }
.LBB2_2:
0xf4: {  	s11 =	simm.s32 $0x2B80;
	s12 =	simm.s32 $0x9C00;
	s6 =	smov.u32 s2  }
0xf5: {  	[spmem:s1] =	stream.indirect.scatter.add.f32 [tilespmem:s12], [sflag:$0x18], $0x80, s11, s24, $0xb8;
	[tilespmem:$0x1EC00] =	vst v63  }
0xf6: {  	p0 =	sne.s32 s2, $0x9800;
	s2 =	sadd.s32 $0x400, s2;
	_ =	swait.ge [sflag:s5], $0x1000  }
0xf7: {  	[sflag:s5] =	ssyncset.done $0x0  }
0xf8: {  	s6 =	sshra.s32 s6, $0x2;
	[sflag:s5] =	ssyncadd.s32 $0xFFFFF000  }
0xf9: {  	[tilespmem:s10], [sflag:$0x1] =	stream.linear.gather [hbm4b:s17+s3], $0x20, $0x38;
	[tilespmem:$0x1EC00] =	vst v63  }
0xfa: {  	s8 =	simm.s32 $0x2C00;
	s10 =	sadd.s32 $0x100, s6  }
0xfb: {  	[tilespmem:s8], [sflag:$0x9] =	stream.indirect.gather [hbm4b:s4+s24], $0x80, s10, s24, $0xb8;
	[tilespmem:$0x1EC00] =	vst v63  }
0xfc: {  	s10 =	simm.s32 $0x12  }
0xfd: {  	_ =	swait.ge [sflag:s10], $0x1000  }
0xfe: {  	[sflag:s10] =	ssyncset.done $0x0  }
0xff: {  	s30 =	simm.s32 $0x2880;
	[sflag:s10] =	ssyncadd.s32 $0xFFFFF000;
	s10 =	sadd.s32 $0x4, s17  }
0x100: {  	[tilespmem:s30], [sflag:$0x2] =	stream.linear.gather [hbm4b:s10+s3], $0x20, $0x38;
	[tilespmem:$0x1EC00] =	vst v63  }
0x101: {  	s18 =	simm.s32 $0x3C00;
	s10 =	sadd.s32 $0x120, s6  }
0x102: {  	[tilespmem:s18], [sflag:$0xA] =	stream.indirect.gather [hbm4b:s4+s24], $0x80, s10, s24, $0xb8;
	[tilespmem:$0x1EC00] =	vst v63  }
0x103: {  	s10 =	simm.s32 $0x13  }
0x104: {  	_ =	swait.ge [sflag:s10], $0x1000  }
0x105: {  	[sflag:s10] =	ssyncset.done $0x0  }
0x106: {  	s19 =	simm.s32 $0x2900;
	[sflag:s10] =	ssyncadd.s32 $0xFFFFF000;
	s10 =	sadd.s32 $0x8, s17  }
0x107: {  	[tilespmem:s19], [sflag:$0x3] =	stream.linear.gather [hbm4b:s10+s3], $0x20, $0x38;
	[tilespmem:$0x1EC00] =	vst v63  }
0x108: {  	s20 =	simm.s32 $0x4C00;
	s10 =	sadd.s32 $0x140, s6  }
0x109: {  	[tilespmem:s20], [sflag:$0xB] =	stream.indirect.gather [hbm4b:s4+s24], $0x80, s10, s24, $0xb8;
	[tilespmem:$0x1EC00] =	vst v63  }
0x10a: {  	s10 =	simm.s32 $0x14  }
0x10b: {  	_ =	swait.ge [sflag:s10], $0x1000  }
0x10c: {  	[sflag:s10] =	ssyncset.done $0x0  }
0x10d: {  	s0 =	simm.s32 $0x2980;
	[sflag:s10] =	ssyncadd.s32 $0xFFFFF000;
	s10 =	sadd.s32 $0xC, s17  }
0x10e: {  	[tilespmem:s0], [sflag:$0x4] =	stream.linear.gather [hbm4b:s10+s3], $0x20, $0x38;
	[tilespmem:$0x1EC00] =	vst v63  }
0x10f: {  	s31 =	simm.s32 $0x5C00;
	s10 =	sadd.s32 $0x160, s6  }
0x110: {  	[tilespmem:s31], [sflag:$0xC] =	stream.indirect.gather [hbm4b:s4+s24], $0x80, s10, s24, $0xb8;
	[tilespmem:$0x1EC00] =	vst v63  }
0x111: {  	s10 =	simm.s32 $0x15  }
0x112: {  	_ =	swait.ge [sflag:s10], $0x1000  }
0x113: {  	[sflag:s10] =	ssyncset.done $0x0  }
0x114: {  	s29 =	simm.s32 $0x2A00;
	[sflag:s10] =	ssyncadd.s32 $0xFFFFF000;
	s10 =	sadd.s32 $0x10, s17  }
0x115: {  	[tilespmem:s29], [sflag:$0x5] =	stream.linear.gather [hbm4b:s10+s3], $0x20, $0x38;
	[tilespmem:$0x1EC00] =	vst v63  }
0x116: {  	s28 =	simm.s32 $0x6C00;
	s10 =	sadd.s32 $0x180, s6  }
0x117: {  	[tilespmem:s28], [sflag:$0xD] =	stream.indirect.gather [hbm4b:s4+s24], $0x80, s10, s24, $0xb8;
	[tilespmem:$0x1EC00] =	vst v63  }
0x118: {  	s10 =	simm.s32 $0x16  }
0x119: {  	_ =	swait.ge [sflag:s10], $0x1000  }
0x11a: {  	[sflag:s10] =	ssyncset.done $0x0  }
0x11b: {  	s26 =	simm.s32 $0x2A80;
	[sflag:s10] =	ssyncadd.s32 $0xFFFFF000;
	s10 =	sadd.s32 $0x14, s17  }
0x11c: {  	[tilespmem:s26], [sflag:$0x6] =	stream.linear.gather [hbm4b:s10+s3], $0x20, $0x38;
	[tilespmem:$0x1EC00] =	vst v63  }
0x11d: {  	s25 =	simm.s32 $0x7C00;
	s10 =	sadd.s32 $0x1A0, s6  }
0x11e: {  	[tilespmem:s25], [sflag:$0xE] =	stream.indirect.gather [hbm4b:s4+s24], $0x80, s10, s24, $0xb8;
	[tilespmem:$0x1EC00] =	vst v63  }
0x11f: {  	s10 =	simm.s32 $0x17  }
0x120: {  	_ =	swait.ge [sflag:s10], $0x1000  }
0x121: {  	[sflag:s10] =	ssyncset.done $0x0  }
0x122: {  	s23 =	simm.s32 $0x2B00;
	[sflag:s10] =	ssyncadd.s32 $0xFFFFF000;
	s10 =	sadd.s32 $0x18, s17  }
0x123: {  	[tilespmem:s23], [sflag:$0x7] =	stream.linear.gather [hbm4b:s10+s3], $0x20, $0x38;
	[tilespmem:$0x1EC00] =	vst v63  }
0x124: {  	s21 =	simm.s32 $0x8C00;
	s10 =	sadd.s32 $0x1C0, s6  }
0x125: {  	[tilespmem:s21], [sflag:$0xF] =	stream.indirect.gather [hbm4b:s4+s24], $0x80, s10, s24, $0xb8;
	[tilespmem:$0x1EC00] =	vst v63  }
0x126: {  	s10 =	simm.s32 $0x18  }
0x127: {  	_ =	swait.ge [sflag:s10], $0x1000  }
0x128: {  	[sflag:s10] =	ssyncset.done $0x0  }
0x129: {  	[sflag:s10] =	ssyncadd.s32 $0xFFFFF000;
	s10 =	sadd.s32 $0x1C, s17  }
0x12a: {  	[tilespmem:s11], [sflag:$0x8] =	stream.linear.gather [hbm4b:s10+s3], $0x20, $0x38;
	[tilespmem:$0x1EC00] =	vst v63  }
0x12b: {  	s10 =	simm.s32 $0x2800  }
0x12c: {  	s6 =	sadd.s32 $0x1E0, s6  }
0x12d: {  	[tilespmem:s12], [sflag:$0x10] =	stream.indirect.gather [hbm4b:s4+s24], $0x80, s6, s24, $0xb8;
	[tilespmem:$0x1EC00] =	vst v63  }
0x12e: {  	s12 =	simm.s32 $0x9  }
0x12f: {  	_ =	swait.ge [sflag:s13], $0x20  }
0x130: {  	[sflag:s13] =	ssyncset.done $0x0  }
0x131: {  	[sflag:s13] =	ssyncadd.s32 $0xFFFFFFE0  }
0x132: {  	_ =	swait.ge [sflag:s12], $0x1000  }
0x133: {  	[sflag:s12] =	ssyncset.done $0x0  }
0x134: {  	[sflag:s12] =	ssyncadd.s32 $0xFFFFF000  }
0x135: {  	[spmem:s1] =	stream.indirect.scatter.add.f32 [tilespmem:s8], [sflag:$0x11], $0x80, s10, s24, $0xb8;
	[tilespmem:$0x1EC00] =	vst v63  }
0x136: {  	_ =	swait.ge [sflag:s14], $0x20  }
0x137: {  	[sflag:s14] =	ssyncset.done $0x0  }
0x138: {  	[sflag:s14] =	ssyncadd.s32 $0xFFFFFFE0  }
0x139: {  	_ =	swait.ge [sflag:s15], $0x1000  }
0x13a: {  	[sflag:s15] =	ssyncset.done $0x0  }
0x13b: {  	[sflag:s15] =	ssyncadd.s32 $0xFFFFF000  }
0x13c: {  	[spmem:s1] =	stream.indirect.scatter.add.f32 [tilespmem:s18], [sflag:$0x12], $0x80, s30, s24, $0xb8;
	[tilespmem:$0x1EC00] =	vst v63  }
0x13d: {  	_ =	swait.ge [sflag:s16], $0x20  }
0x13e: {  	[sflag:s16] =	ssyncset.done $0x0  }
0x13f: {  	[sflag:s16] =	ssyncadd.s32 $0xFFFFFFE0  }
0x140: {  	_ =	swait.ge [sflag:s9], $0x1000  }
0x141: {  	[sflag:s9] =	ssyncset.done $0x0  }
0x142: {  	[sflag:s9] =	ssyncadd.s32 $0xFFFFF000  }
0x143: {  	[spmem:s1] =	stream.indirect.scatter.add.f32 [tilespmem:s20], [sflag:$0x13], $0x80, s19, s24, $0xb8;
	[tilespmem:$0x1EC00] =	vst v63  }
0x144: {  	_ =	swait.ge [sflag:s7], $0x20  }
0x145: {  	[sflag:s7] =	ssyncset.done $0x0  }
0x146: {  	[sflag:s7] =	ssyncadd.s32 $0xFFFFFFE0  }
0x147: {  	_ =	swait.ge [sflag:s22], $0x1000  }
0x148: {  	[sflag:s22] =	ssyncset.done $0x0  }
0x149: {  	[sflag:s22] =	ssyncadd.s32 $0xFFFFF000  }
0x14a: {  	[spmem:s1] =	stream.indirect.scatter.add.f32 [tilespmem:s31], [sflag:$0x14], $0x80, s0, s24, $0xb8;
	[tilespmem:$0x1EC00] =	vst v63  }
0x14b: {  	s0 =	simm.s32 $0x5  }
0x14c: {  	_ =	swait.ge [sflag:s0], $0x20  }
0x14d: {  	[sflag:s0] =	ssyncset.done $0x0  }
0x14e: {  	[sflag:s0] =	ssyncadd.s32 $0xFFFFFFE0;
	s0 =	simm.s32 $0xD  }
0x14f: {  	_ =	swait.ge [sflag:s0], $0x1000  }
0x150: {  	[sflag:s0] =	ssyncset.done $0x0  }
0x151: {  	[sflag:s0] =	ssyncadd.s32 $0xFFFFF000;
	s0 =	simm.s32 $0x6  }
0x152: {  	[spmem:s1] =	stream.indirect.scatter.add.f32 [tilespmem:s28], [sflag:$0x15], $0x80, s29, s24, $0xb8;
	[tilespmem:$0x1EC00] =	vst v63  }
0x153: {  	_ =	swait.ge [sflag:s0], $0x20  }
0x154: {  	[sflag:s0] =	ssyncset.done $0x0  }
0x155: {  	[sflag:s0] =	ssyncadd.s32 $0xFFFFFFE0;
	s0 =	simm.s32 $0xE  }
0x156: {  	_ =	swait.ge [sflag:s0], $0x1000  }
0x157: {  	[sflag:s0] =	ssyncset.done $0x0  }
0x158: {  	[sflag:s0] =	ssyncadd.s32 $0xFFFFF000;
	s0 =	simm.s32 $0x7  }
0x159: {  	[spmem:s1] =	stream.indirect.scatter.add.f32 [tilespmem:s25], [sflag:$0x16], $0x80, s26, s24, $0xb8;
	[tilespmem:$0x1EC00] =	vst v63  }
0x15a: {  	_ =	swait.ge [sflag:s0], $0x20  }
0x15b: {  	[sflag:s0] =	ssyncset.done $0x0  }
0x15c: {  	[sflag:s0] =	ssyncadd.s32 $0xFFFFFFE0;
	s0 =	simm.s32 $0xF  }
0x15d: {  	_ =	swait.ge [sflag:s0], $0x1000  }
0x15e: {  	[sflag:s0] =	ssyncset.done $0x0  }
0x15f: {  	[sflag:s0] =	ssyncadd.s32 $0xFFFFF000;
	s0 =	simm.s32 $0x8  }
0x160: {  	[spmem:s1] =	stream.indirect.scatter.add.f32 [tilespmem:s21], [sflag:$0x17], $0x80, s23, s24, $0xb8;
	[tilespmem:$0x1EC00] =	vst v63  }
0x161: {  	_ =	swait.ge [sflag:s0], $0x20  }
.Ltmp0:
0x162: {  	[sflag:s0] =	ssyncset.done $0x0;
	(pc) =	sbr.rel @p0 .LBB2_2-.Ltmp0, $4  }
0x163: {  	[sflag:s0] =	ssyncadd.s32 $0xFFFFFFE0;
	s0 =	simm.s32 $0x10  }
0x164: {  	_ =	swait.ge [sflag:s0], $0x1000  }
0x165: {  	[sflag:s0] =	ssyncset.done $0x0  }
0x166: {  	s17 =	sadd.s32 $0x20, s17;
	[sflag:s0] =	ssyncadd.s32 $0xFFFFF000  }
0x167: {  	s2 =	simm.s32 $0x2B80;
	s0 =	simm.s32 $0x9C00  }
0x168: {  	[spmem:s1] =	stream.indirect.scatter.add.f32 [tilespmem:s0], [sflag:$0x18], $0x80, s2, s24, $0xb8;
	[tilespmem:$0x1EC00] =	vst v63  }
0x169: {  	_ =	swait.ge [sflag:s5], $0x1000  }
0x16a: {  	[sflag:s5] =	ssyncset.done $0x0  }
0x16b: {  	s20 =	simm.s32 $0x12;
	[sflag:s5] =	ssyncadd.s32 $0xFFFFF000  }
0x16c: {  	_ =	swait.ge [sflag:s20], $0x1000  }
0x16d: {  	[sflag:s20] =	ssyncset.done $0x0  }
0x16e: {  	s19 =	simm.s32 $0x13;
	[sflag:s20] =	ssyncadd.s32 $0xFFFFF000  }
0x16f: {  	_ =	swait.ge [sflag:s19], $0x1000  }
0x170: {  	[sflag:s19] =	ssyncset.done $0x0  }
0x171: {  	s23 =	simm.s32 $0x14;
	[sflag:s19] =	ssyncadd.s32 $0xFFFFF000  }
0x172: {  	_ =	swait.ge [sflag:s23], $0x1000  }
0x173: {  	[sflag:s23] =	ssyncset.done $0x0  }
0x174: {  	s30 =	simm.s32 $0x15;
	[sflag:s23] =	ssyncadd.s32 $0xFFFFF000  }
0x175: {  	_ =	swait.ge [sflag:s30], $0x1000  }
0x176: {  	[sflag:s30] =	ssyncset.done $0x0  }
0x177: {  	s25 =	simm.s32 $0x16;
	[sflag:s30] =	ssyncadd.s32 $0xFFFFF000  }
0x178: {  	_ =	swait.ge [sflag:s25], $0x1000  }
0x179: {  	[sflag:s25] =	ssyncset.done $0x0  }
0x17a: {  	s26 =	simm.s32 $0x17;
	[sflag:s25] =	ssyncadd.s32 $0xFFFFF000  }
0x17b: {  	_ =	swait.ge [sflag:s26], $0x1000  }
0x17c: {  	[sflag:s26] =	ssyncset.done $0x0  }
0x17d: {  	s28 =	simm.s32 $0x18;
	[sflag:s26] =	ssyncadd.s32 $0xFFFFF000  }
0x17e: {  	_ =	swait.ge [sflag:s28], $0x1000  }
0x17f: {  	[sflag:s28] =	ssyncset.done $0x0  }
0x180: {  	[sflag:s28] =	ssyncadd.s32 $0xFFFFF000  }
0x181: {  	[bflag:$0x0] =	sbarrier.arrive $0xFFFF  }
0x182: {  	s6 =	rddreg [dreg:$0x5]  }
0x183: {  	s21 =	rddreg [dreg:$0xf]  }
0x184: {  	s10 =	simm.s32 $0x19;
	s11 =	rddreg [dreg:$0x15]  }
0x185: {  	[hbm:s21], [sflag:s6] =	dma.local [spmem:s11], $0x2800  }
0x186: {  	_ =	swait.ge [sflag:s10], $0x2800  }
0x187: {  	[sflag:s10] =	ssyncset.done $0x0  }
0x188: {  	s29 =	rddreg [dreg:$0x4];
	[sflag:s10] =	ssyncadd.s32 $0xFFFFD800  }
0x189: {  	[spmem:s11], [sflag:s6] =	dma.local [hbm:s29], $0x2800  }
0x18a: {  	_ =	swait.ge [sflag:s10], $0x2800  }
0x18b: {  	[sflag:s10] =	ssyncset.done $0x0  }
0x18c: {  	s2 =	simm.s32 $0x0;
	s8 =	rddreg [dreg:$0x10];
	[sflag:s10] =	ssyncadd.s32 $0xFFFFD800  }
0x18d: {  	[tilespmem:s2], [sflag:$0x19] =	stream.linear.gather [hbm4b:s8+s2], $0x2800, $0x38;
	[tilespmem:$0x1EC00] =	vst v63  }
0x18e: {  	_ =	swait.ge [sflag:s10], $0x2800  }
0x18f: {  	[sflag:s10] =	ssyncset.done $0x0  }
0x190: {  	[sflag:s10] =	ssyncadd.s32 $0xFFFFD800  }
0x191: {  	[bflag:$0x0] =	sbarrier.arrive $0xFFFF  }
0x192: {  	s10 =	simm.s32 $0x2800;
	s11 =	rddreg [dreg:$0x7]  }
0x193: {  	[tilespmem:s10], [sflag:$0x1] =	stream.linear.gather [hbm4b:s11+s2], $0x20, $0x38;
	[tilespmem:$0x1EC00] =	vst v63  }
0x194: {  	s29 =	simm.s32 $0x2C00  }
0x195: {  	[tilespmem:s29], [sflag:$0x9] =	stream.indirect.gather [hbm4b:s4+s24], $0x80, s2, s24, $0xb8;
	[tilespmem:$0x1EC00] =	vst v63  }
0x196: {  	s8 =	simm.s32 $0x2880;
	s17 =	rddreg [dreg:$0x8]  }
0x197: {  	[tilespmem:s8], [sflag:$0x2] =	stream.linear.gather [hbm4b:s17+s2], $0x20, $0x38;
	[tilespmem:$0x1EC00] =	vst v63  }
0x198: {  	s18 =	simm.s32 $0x3C00  }
0x199: {  	[tilespmem:s18], [sflag:$0xA] =	stream.indirect.gather [hbm4b:s4+s24], $0x80, s24, s24, $0xb8;
	[tilespmem:$0x1EC00] =	vst v63  }
0x19a: {  	s21 =	simm.s32 $0x2900;
	s19 =	rddreg [dreg:$0x9]  }
0x19b: {  	[tilespmem:s21], [sflag:$0x3] =	stream.linear.gather [hbm4b:s19+s2], $0x20, $0x38;
	[tilespmem:$0x1EC00] =	vst v63  }
0x19c: {  	s18 =	simm.s32 $0x40;
	s21 =	simm.s32 $0x4C00  }
0x19d: {  	[tilespmem:s21], [sflag:$0xB] =	stream.indirect.gather [hbm4b:s4+s24], $0x80, s18, s24, $0xb8;
	[tilespmem:$0x1EC00] =	vst v63  }
0x19e: {  	s8 =	rddreg [dreg:$0xa];
	s21 =	simm.s32 $0x2980  }
0x19f: {  	[tilespmem:s21], [sflag:$0x4] =	stream.linear.gather [hbm4b:s8+s2], $0x20, $0x38;
	[tilespmem:$0x1EC00] =	vst v63  }
0x1a0: {  	s8 =	simm.s32 $0x60;
	s21 =	simm.s32 $0x5C00  }
0x1a1: {  	[tilespmem:s21], [sflag:$0xC] =	stream.indirect.gather [hbm4b:s4+s24], $0x80, s8, s24, $0xb8;
	[tilespmem:$0x1EC00] =	vst v63  }
0x1a2: {  	s6 =	rddreg [dreg:$0xb];
	s8 =	simm.s32 $0x2A00  }
0x1a3: {  	[tilespmem:s8], [sflag:$0x5] =	stream.linear.gather [hbm4b:s6+s2], $0x20, $0x38;
	[tilespmem:$0x1EC00] =	vst v63  }
0x1a4: {  	s6 =	simm.s32 $0x80;
	s8 =	simm.s32 $0x6C00  }
0x1a5: {  	[tilespmem:s8], [sflag:$0xD] =	stream.indirect.gather [hbm4b:s4+s24], $0x80, s6, s24, $0xb8;
	[tilespmem:$0x1EC00] =	vst v63  }
0x1a6: {  	s6 =	rddreg [dreg:$0xc];
	s8 =	simm.s32 $0x2A80  }
0x1a7: {  	[tilespmem:s8], [sflag:$0x6] =	stream.linear.gather [hbm4b:s6+s2], $0x20, $0x38;
	[tilespmem:$0x1EC00] =	vst v63  }
0x1a8: {  	s6 =	simm.s32 $0xA0;
	s8 =	simm.s32 $0x7C00  }
0x1a9: {  	[tilespmem:s8], [sflag:$0xE] =	stream.indirect.gather [hbm4b:s4+s24], $0x80, s6, s24, $0xb8;
	[tilespmem:$0x1EC00] =	vst v63  }
0x1aa: {  	s6 =	rddreg [dreg:$0xd];
	s8 =	simm.s32 $0x2B00  }
0x1ab: {  	[tilespmem:s8], [sflag:$0x7] =	stream.linear.gather [hbm4b:s6+s2], $0x20, $0x38;
	[tilespmem:$0x1EC00] =	vst v63  }
0x1ac: {  	s6 =	simm.s32 $0xC0;
	s8 =	simm.s32 $0x8C00  }
0x1ad: {  	[tilespmem:s8], [sflag:$0xF] =	stream.indirect.gather [hbm4b:s4+s24], $0x80, s6, s24, $0xb8;
	[tilespmem:$0x1EC00] =	vst v63  }
0x1ae: {  	s0 =	simm.s32 $0x2B80;
	s8 =	rddreg [dreg:$0xe]  }
0x1af: {  	[tilespmem:s0], [sflag:$0x8] =	stream.linear.gather [hbm4b:s8+s2], $0x20, $0x38;
	[tilespmem:$0x1EC00] =	vst v63  }
0x1b0: {  	s8 =	simm.s32 $0xE0;
	s2 =	simm.s32 $0x9C00  }
0x1b1: {  	[tilespmem:s2], [sflag:$0x10] =	stream.indirect.gather [hbm4b:s4+s24], $0x80, s8, s24, $0xb8;
	[tilespmem:$0x1EC00] =	vst v63  }
0x1b2: {  	_ =	swait.ge [sflag:s13], $0x20  }
0x1b3: {  	[sflag:s13] =	ssyncset.done $0x0  }
0x1b4: {  	[sflag:s13] =	ssyncadd.s32 $0xFFFFFFE0  }
0x1b5: {  	_ =	swait.ge [sflag:s12], $0x1000  }
0x1b6: {  	[sflag:s12] =	ssyncset.done $0x0  }
0x1b7: {  	[sflag:s12] =	ssyncadd.s32 $0xFFFFF000  }
0x1b8: {  	[spmem:s1] =	stream.indirect.scatter.add.f32 [tilespmem:s29], [sflag:$0x11], $0x80, s10, s24, $0xb8;
	[tilespmem:$0x1EC00] =	vst v63  }
0x1b9: {  	_ =	swait.ge [sflag:s14], $0x20  }
0x1ba: {  	[sflag:s14] =	ssyncset.done $0x0  }
0x1bb: {  	[sflag:s14] =	ssyncadd.s32 $0xFFFFFFE0  }
0x1bc: {  	_ =	swait.ge [sflag:s15], $0x1000  }
0x1bd: {  	[sflag:s15] =	ssyncset.done $0x0  }
0x1be: {  	s11 =	simm.s32 $0x3C00;
	s17 =	simm.s32 $0x2880;
	[sflag:s15] =	ssyncadd.s32 $0xFFFFF000  }
0x1bf: {  	[spmem:s1] =	stream.indirect.scatter.add.f32 [tilespmem:s11], [sflag:$0x12], $0x80, s17, s24, $0xb8;
	[tilespmem:$0x1EC00] =	vst v63  }
0x1c0: {  	_ =	swait.ge [sflag:s16], $0x20  }
0x1c1: {  	[sflag:s16] =	ssyncset.done $0x0  }
0x1c2: {  	[sflag:s16] =	ssyncadd.s32 $0xFFFFFFE0  }
0x1c3: {  	_ =	swait.ge [sflag:s9], $0x1000  }
0x1c4: {  	[sflag:s9] =	ssyncset.done $0x0  }
0x1c5: {  	s19 =	simm.s32 $0x2900;
	s18 =	simm.s32 $0x4C00;
	[sflag:s9] =	ssyncadd.s32 $0xFFFFF000  }
0x1c6: {  	[spmem:s1] =	stream.indirect.scatter.add.f32 [tilespmem:s18], [sflag:$0x13], $0x80, s19, s24, $0xb8;
	[tilespmem:$0x1EC00] =	vst v63  }
0x1c7: {  	_ =	swait.ge [sflag:s7], $0x20  }
0x1c8: {  	[sflag:s7] =	ssyncset.done $0x0  }
0x1c9: {  	[sflag:s7] =	ssyncadd.s32 $0xFFFFFFE0  }
0x1ca: {  	_ =	swait.ge [sflag:s22], $0x1000  }
0x1cb: {  	s31 =	simm.s32 $0x2980;
	[sflag:s22] =	ssyncset.done $0x0  }
0x1cc: {  	s21 =	simm.s32 $0x5C00;
	s19 =	simm.s32 $0x5;
	[sflag:s22] =	ssyncadd.s32 $0xFFFFF000  }
0x1cd: {  	[spmem:s1] =	stream.indirect.scatter.add.f32 [tilespmem:s21], [sflag:$0x14], $0x80, s31, s24, $0xb8;
	[tilespmem:$0x1EC00] =	vst v63  }
0x1ce: {  	_ =	swait.ge [sflag:s19], $0x20  }
0x1cf: {  	[sflag:s19] =	ssyncset.done $0x0  }
0x1d0: {  	s18 =	simm.s32 $0xD;
	[sflag:s19] =	ssyncadd.s32 $0xFFFFFFE0  }
0x1d1: {  	_ =	swait.ge [sflag:s18], $0x1000  }
0x1d2: {  	[sflag:s18] =	ssyncset.done $0x0  }
0x1d3: {  	s17 =	simm.s32 $0x2A00;
	s21 =	simm.s32 $0x6C00;
	[sflag:s18] =	ssyncadd.s32 $0xFFFFF000  }
0x1d4: {  	[spmem:s1] =	stream.indirect.scatter.add.f32 [tilespmem:s21], [sflag:$0x15], $0x80, s17, s24, $0xb8;
	[tilespmem:$0x1EC00] =	vst v63  }
0x1d5: {  	s17 =	simm.s32 $0x6  }
0x1d6: {  	_ =	swait.ge [sflag:s17], $0x20  }
0x1d7: {  	[sflag:s17] =	ssyncset.done $0x0  }
0x1d8: {  	s11 =	simm.s32 $0xE;
	[sflag:s17] =	ssyncadd.s32 $0xFFFFFFE0  }
0x1d9: {  	_ =	swait.ge [sflag:s11], $0x1000  }
0x1da: {  	[sflag:s11] =	ssyncset.done $0x0  }
0x1db: {  	s6 =	simm.s32 $0x2A80;
	s8 =	simm.s32 $0x7C00;
	[sflag:s11] =	ssyncadd.s32 $0xFFFFF000  }
0x1dc: {  	[spmem:s1] =	stream.indirect.scatter.add.f32 [tilespmem:s8], [sflag:$0x16], $0x80, s6, s24, $0xb8;
	[tilespmem:$0x1EC00] =	vst v63  }
0x1dd: {  	s8 =	simm.s32 $0x7  }
0x1de: {  	_ =	swait.ge [sflag:s8], $0x20  }
0x1df: {  	[sflag:s8] =	ssyncset.done $0x0  }
0x1e0: {  	s6 =	simm.s32 $0xF;
	[sflag:s8] =	ssyncadd.s32 $0xFFFFFFE0  }
0x1e1: {  	_ =	swait.ge [sflag:s6], $0x1000  }
0x1e2: {  	[sflag:s6] =	ssyncset.done $0x0  }
0x1e3: {  	s0 =	simm.s32 $0x2B00;
	s21 =	simm.s32 $0x8C00;
	[sflag:s6] =	ssyncadd.s32 $0xFFFFF000  }
0x1e4: {  	[spmem:s1] =	stream.indirect.scatter.add.f32 [tilespmem:s21], [sflag:$0x17], $0x80, s0, s24, $0xb8;
	[tilespmem:$0x1EC00] =	vst v63  }
0x1e5: {  	s0 =	simm.s32 $0x8  }
0x1e6: {  	_ =	swait.ge [sflag:s0], $0x20  }
0x1e7: {  	[sflag:s0] =	ssyncset.done $0x0  }
0x1e8: {  	s21 =	simm.s32 $0x10;
	[sflag:s0] =	ssyncadd.s32 $0xFFFFFFE0  }
0x1e9: {  	_ =	swait.ge [sflag:s21], $0x1000  }
0x1ea: {  	[sflag:s21] =	ssyncset.done $0x0  }
0x1eb: {  	s31 =	simm.s32 $0x2B80;
	[sflag:s21] =	ssyncadd.s32 $0xFFFFF000  }
0x1ec: {  	[spmem:s1] =	stream.indirect.scatter.add.f32 [tilespmem:s2], [sflag:$0x18], $0x80, s31, s24, $0xb8;
	[tilespmem:$0x1EC00] =	vst v63  }
0x1ed: {  	_ =	swait.ge [sflag:s5], $0x1000  }
0x1ee: {  	[sflag:s5] =	ssyncset.done $0x0  }
0x1ef: {  	[sflag:s5] =	ssyncadd.s32 $0xFFFFF000;
	s5 =	rddreg [dreg:$0x13]  }
0x1f0: {  	[tilespmem:s10], [sflag:$0x1] =	stream.linear.gather [hbm4b:s5+s3], $0x20, $0x38;
	[tilespmem:$0x1EC00] =	vst v63  }
0x1f1: {  	s2 =	simm.s32 $0x100  }
0x1f2: {  	[tilespmem:s29], [sflag:$0x9] =	stream.indirect.gather [hbm4b:s4+s24], $0x80, s2, s24, $0xb8;
	[tilespmem:$0x1EC00] =	vst v63  }
0x1f3: {  	_ =	swait.ge [sflag:s20], $0x1000  }
0x1f4: {  	[sflag:s20] =	ssyncset.done $0x0  }
0x1f5: {  	s2 =	rddreg [dreg:$0x16];
	[sflag:s20] =	ssyncadd.s32 $0xFFFFF000;
	s20 =	simm.s32 $0x2880  }
0x1f6: {  	[tilespmem:s20], [sflag:$0x2] =	stream.linear.gather [hbm4b:s2+s3], $0x20, $0x38;
	[tilespmem:$0x1EC00] =	vst v63  }
0x1f7: {  	s2 =	simm.s32 $0x120;
	s20 =	simm.s32 $0x3C00  }
0x1f8: {  	[tilespmem:s20], [sflag:$0xA] =	stream.indirect.gather [hbm4b:s4+s24], $0x80, s2, s24, $0xb8;
	[tilespmem:$0x1EC00] =	vst v63  }
0x1f9: {  	s20 =	simm.s32 $0x13  }
0x1fa: {  	_ =	swait.ge [sflag:s20], $0x1000  }
0x1fb: {  	[sflag:s20] =	ssyncset.done $0x0  }
0x1fc: {  	s2 =	rddreg [dreg:$0x17];
	[sflag:s20] =	ssyncadd.s32 $0xFFFFF000;
	s20 =	simm.s32 $0x2900  }
0x1fd: {  	[tilespmem:s20], [sflag:$0x3] =	stream.linear.gather [hbm4b:s2+s3], $0x20, $0x38;
	[tilespmem:$0x1EC00] =	vst v63  }
0x1fe: {  	s2 =	simm.s32 $0x140;
	s20 =	simm.s32 $0x4C00  }
0x1ff: {  	[tilespmem:s20], [sflag:$0xB] =	stream.indirect.gather [hbm4b:s4+s24], $0x80, s2, s24, $0xb8;
	[tilespmem:$0x1EC00] =	vst v63  }
0x200: {  	_ =	swait.ge [sflag:s23], $0x1000  }
0x201: {  	[sflag:s23] =	ssyncset.done $0x0  }
0x202: {  	s20 =	rddreg [dreg:$0x18];
	[sflag:s23] =	ssyncadd.s32 $0xFFFFF000;
	s23 =	simm.s32 $0x2980  }
0x203: {  	[tilespmem:s23], [sflag:$0x4] =	stream.linear.gather [hbm4b:s20+s3], $0x20, $0x38;
	[tilespmem:$0x1EC00] =	vst v63  }
0x204: {  	s20 =	simm.s32 $0x160;
	s23 =	simm.s32 $0x5C00  }
0x205: {  	[tilespmem:s23], [sflag:$0xC] =	stream.indirect.gather [hbm4b:s4+s24], $0x80, s20, s24, $0xb8;
	[tilespmem:$0x1EC00] =	vst v63  }
0x206: {  	_ =	swait.ge [sflag:s30], $0x1000  }
0x207: {  	[sflag:s30] =	ssyncset.done $0x0  }
0x208: {  	s20 =	rddreg [dreg:$0x19];
	[sflag:s30] =	ssyncadd.s32 $0xFFFFF000;
	s30 =	simm.s32 $0x2A00  }
0x209: {  	[tilespmem:s30], [sflag:$0x5] =	stream.linear.gather [hbm4b:s20+s3], $0x20, $0x38;
	[tilespmem:$0x1EC00] =	vst v63  }
0x20a: {  	s20 =	simm.s32 $0x180;
	s30 =	simm.s32 $0x6C00  }
0x20b: {  	[tilespmem:s30], [sflag:$0xD] =	stream.indirect.gather [hbm4b:s4+s24], $0x80, s20, s24, $0xb8;
	[tilespmem:$0x1EC00] =	vst v63  }
0x20c: {  	_ =	swait.ge [sflag:s25], $0x1000  }
0x20d: {  	[sflag:s25] =	ssyncset.done $0x0  }
0x20e: {  	s30 =	simm.s32 $0x2A80;
	[sflag:s25] =	ssyncadd.s32 $0xFFFFF000;
	s25 =	rddreg [dreg:$0x1a]  }
0x20f: {  	[tilespmem:s30], [sflag:$0x6] =	stream.linear.gather [hbm4b:s25+s3], $0x20, $0x38;
	[tilespmem:$0x1EC00] =	vst v63  }
0x210: {  	s25 =	simm.s32 $0x1A0;
	s30 =	simm.s32 $0x7C00  }
0x211: {  	[tilespmem:s30], [sflag:$0xE] =	stream.indirect.gather [hbm4b:s4+s24], $0x80, s25, s24, $0xb8;
	[tilespmem:$0x1EC00] =	vst v63  }
0x212: {  	_ =	swait.ge [sflag:s26], $0x1000  }
0x213: {  	[sflag:s26] =	ssyncset.done $0x0  }
0x214: {  	s25 =	rddreg [dreg:$0x1b];
	[sflag:s26] =	ssyncadd.s32 $0xFFFFF000;
	s26 =	simm.s32 $0x2B00  }
0x215: {  	[tilespmem:s26], [sflag:$0x7] =	stream.linear.gather [hbm4b:s25+s3], $0x20, $0x38;
	[tilespmem:$0x1EC00] =	vst v63  }
0x216: {  	s2 =	simm.s32 $0x1C0;
	s25 =	simm.s32 $0x8C00  }
0x217: {  	[tilespmem:s25], [sflag:$0xF] =	stream.indirect.gather [hbm4b:s4+s24], $0x80, s2, s24, $0xb8;
	[tilespmem:$0x1EC00] =	vst v63  }
0x218: {  	_ =	swait.ge [sflag:s28], $0x1000  }
0x219: {  	[sflag:s28] =	ssyncset.done $0x0  }
0x21a: {  	s31 =	simm.s32 $0x2B80;
	s2 =	rddreg [dreg:$0x1c];
	[sflag:s28] =	ssyncadd.s32 $0xFFFFF000  }
0x21b: {  	[tilespmem:s31], [sflag:$0x8] =	stream.linear.gather [hbm4b:s2+s3], $0x20, $0x38;
	[tilespmem:$0x1EC00] =	vst v63  }
0x21c: {  	s28 =	simm.s32 $0x9C00;
	s2 =	simm.s32 $0x1E0  }
0x21d: {  	[tilespmem:s28], [sflag:$0x10] =	stream.indirect.gather [hbm4b:s4+s24], $0x80, s2, s24, $0xb8;
	[tilespmem:$0x1EC00] =	vst v63  }
0x21e: {  	_ =	swait.ge [sflag:s13], $0x20  }
0x21f: {  	[sflag:s13] =	ssyncset.done $0x0  }
0x220: {  	[sflag:s13] =	ssyncadd.s32 $0xFFFFFFE0  }
0x221: {  	_ =	swait.ge [sflag:s12], $0x1000  }
0x222: {  	[sflag:s12] =	ssyncset.done $0x0  }
0x223: {  	[sflag:s12] =	ssyncadd.s32 $0xFFFFF000  }
0x224: {  	[spmem:s1] =	stream.indirect.scatter.add.f32 [tilespmem:s29], [sflag:$0x11], $0x80, s10, s24, $0xb8;
	[tilespmem:$0x1EC00] =	vst v63  }
0x225: {  	_ =	swait.ge [sflag:s14], $0x20  }
0x226: {  	[sflag:s14] =	ssyncset.done $0x0  }
0x227: {  	[sflag:s14] =	ssyncadd.s32 $0xFFFFFFE0  }
0x228: {  	_ =	swait.ge [sflag:s15], $0x1000  }
0x229: {  	[sflag:s15] =	ssyncset.done $0x0  }
0x22a: {  	s13 =	simm.s32 $0x2880;
	s14 =	simm.s32 $0x3C00;
	[sflag:s15] =	ssyncadd.s32 $0xFFFFF000  }
0x22b: {  	[spmem:s1] =	stream.indirect.scatter.add.f32 [tilespmem:s14], [sflag:$0x12], $0x80, s13, s24, $0xb8;
	[tilespmem:$0x1EC00] =	vst v63  }
0x22c: {  	_ =	swait.ge [sflag:s16], $0x20  }
0x22d: {  	[sflag:s16] =	ssyncset.done $0x0  }
0x22e: {  	[sflag:s16] =	ssyncadd.s32 $0xFFFFFFE0  }
0x22f: {  	_ =	swait.ge [sflag:s9], $0x1000  }
0x230: {  	[sflag:s9] =	ssyncset.done $0x0  }
0x231: {  	s15 =	simm.s32 $0x2900;
	s16 =	simm.s32 $0x4C00;
	[sflag:s9] =	ssyncadd.s32 $0xFFFFF000  }
0x232: {  	[spmem:s1] =	stream.indirect.scatter.add.f32 [tilespmem:s16], [sflag:$0x13], $0x80, s15, s24, $0xb8;
	[tilespmem:$0x1EC00] =	vst v63  }
0x233: {  	_ =	swait.ge [sflag:s7], $0x20  }
0x234: {  	[sflag:s7] =	ssyncset.done $0x0  }
0x235: {  	[sflag:s7] =	ssyncadd.s32 $0xFFFFFFE0  }
0x236: {  	_ =	swait.ge [sflag:s22], $0x1000  }
0x237: {  	[sflag:s22] =	ssyncset.done $0x0  }
0x238: {  	s23 =	simm.s32 $0x5C00;
	[sflag:s22] =	ssyncadd.s32 $0xFFFFF000;
	s22 =	simm.s32 $0x2980  }
0x239: {  	[spmem:s1] =	stream.indirect.scatter.add.f32 [tilespmem:s23], [sflag:$0x14], $0x80, s22, s24, $0xb8;
	[tilespmem:$0x1EC00] =	vst v63  }
0x23a: {  	_ =	swait.ge [sflag:s19], $0x20  }
0x23b: {  	[sflag:s19] =	ssyncset.done $0x0  }
0x23c: {  	[sflag:s19] =	ssyncadd.s32 $0xFFFFFFE0  }
0x23d: {  	_ =	swait.ge [sflag:s18], $0x1000  }
0x23e: {  	[sflag:s18] =	ssyncset.done $0x0  }
0x23f: {  	s20 =	simm.s32 $0x6C00;
	s23 =	simm.s32 $0x2A00;
	[sflag:s18] =	ssyncadd.s32 $0xFFFFF000  }
0x240: {  	[spmem:s1] =	stream.indirect.scatter.add.f32 [tilespmem:s20], [sflag:$0x15], $0x80, s23, s24, $0xb8;
	[tilespmem:$0x1EC00] =	vst v63  }
0x241: {  	_ =	swait.ge [sflag:s17], $0x20  }
0x242: {  	[sflag:s17] =	ssyncset.done $0x0  }
0x243: {  	[sflag:s17] =	ssyncadd.s32 $0xFFFFFFE0  }
0x244: {  	_ =	swait.ge [sflag:s11], $0x1000  }
0x245: {  	[sflag:s11] =	ssyncset.done $0x0  }
0x246: {  	s30 =	simm.s32 $0x7C00;
	s29 =	simm.s32 $0x2A80;
	[sflag:s11] =	ssyncadd.s32 $0xFFFFF000  }
0x247: {  	[spmem:s1] =	stream.indirect.scatter.add.f32 [tilespmem:s30], [sflag:$0x16], $0x80, s29, s24, $0xb8;
	[tilespmem:$0x1EC00] =	vst v63  }
0x248: {  	_ =	swait.ge [sflag:s8], $0x20  }
0x249: {  	[sflag:s8] =	ssyncset.done $0x0  }
0x24a: {  	[sflag:s8] =	ssyncadd.s32 $0xFFFFFFE0  }
0x24b: {  	_ =	swait.ge [sflag:s6], $0x1000  }
0x24c: {  	[sflag:s6] =	ssyncset.done $0x0  }
0x24d: {  	s26 =	simm.s32 $0x2B00;
	s25 =	simm.s32 $0x8C00;
	[sflag:s6] =	ssyncadd.s32 $0xFFFFF000  }
0x24e: {  	[spmem:s1] =	stream.indirect.scatter.add.f32 [tilespmem:s25], [sflag:$0x17], $0x80, s26, s24, $0xb8;
	[tilespmem:$0x1EC00] =	vst v63  }
0x24f: {  	_ =	swait.ge [sflag:s0], $0x20  }
0x250: {  	s31 =	simm.s32 $0xF;
	[sflag:s0] =	ssyncset.done $0x0  }
0x251: {  	s2 =	simm.s32 $0x400;
	s28 =	simm.s32 $0xE;
	[sflag:s0] =	ssyncadd.s32 $0xFFFFFFE0  }
0x252: {  	s14 =	simm.s32 $0x9;
	s16 =	simm.s32 $0xA;
	_ =	swait.ge [sflag:s21], $0x1000  }
0x253: {  	s7 =	simm.s32 $0xB;
	s17 =	sadd.s32 $0x20, s5;
	[sflag:s21] =	ssyncset.done $0x0  }
0x254: {  	s25 =	simm.s32 $0xD;
	[sflag:s21] =	ssyncadd.s32 $0xFFFFF000;
	s21 =	simm.s32 $0xC  }
.LBB2_4:
0x255: {  	s12 =	simm.s32 $0x2B80  }
0x256: {  	s13 =	simm.s32 $0x9C00;
	s6 =	smov.u32 s2;
	s11 =	simm.s32 $0x11  }
0x257: {  	[spmem:s1] =	stream.indirect.scatter.add.f32 [tilespmem:s13], [sflag:$0x18], $0x80, s12, s24, $0xb8;
	[tilespmem:$0x1EC00] =	vst v63  }
0x258: {  	p0 =	sne.s32 s2, $0x9800;
	s2 =	sadd.s32 $0x400, s2;
	_ =	swait.ge [sflag:s11], $0x1000  }
0x259: {  	[sflag:s11] =	ssyncset.done $0x0  }
0x25a: {  	s6 =	sshra.s32 s6, $0x2;
	[sflag:s11] =	ssyncadd.s32 $0xFFFFF000  }
0x25b: {  	[tilespmem:s10], [sflag:$0x1] =	stream.linear.gather [hbm4b:s17+s3], $0x20, $0x38;
	[tilespmem:$0x1EC00] =	vst v63  }
0x25c: {  	s8 =	simm.s32 $0x2C00;
	s10 =	sadd.s32 $0x100, s6  }
0x25d: {  	[tilespmem:s8], [sflag:$0x9] =	stream.indirect.gather [hbm4b:s4+s24], $0x80, s10, s24, $0xb8;
	[tilespmem:$0x1EC00] =	vst v63  }
0x25e: {  	s10 =	simm.s32 $0x12  }
0x25f: {  	_ =	swait.ge [sflag:s10], $0x1000  }
0x260: {  	[sflag:s10] =	ssyncset.done $0x0  }
0x261: {  	s30 =	simm.s32 $0x2880;
	[sflag:s10] =	ssyncadd.s32 $0xFFFFF000;
	s10 =	sadd.s32 $0x4, s17  }
0x262: {  	[tilespmem:s30], [sflag:$0x2] =	stream.linear.gather [hbm4b:s10+s3], $0x20, $0x38;
	[tilespmem:$0x1EC00] =	vst v63  }
0x263: {  	s18 =	simm.s32 $0x3C00;
	s10 =	sadd.s32 $0x120, s6  }
0x264: {  	[tilespmem:s18], [sflag:$0xA] =	stream.indirect.gather [hbm4b:s4+s24], $0x80, s10, s24, $0xb8;
	[tilespmem:$0x1EC00] =	vst v63  }
0x265: {  	s10 =	simm.s32 $0x13  }
0x266: {  	_ =	swait.ge [sflag:s10], $0x1000  }
0x267: {  	[sflag:s10] =	ssyncset.done $0x0  }
0x268: {  	s19 =	simm.s32 $0x2900;
	[sflag:s10] =	ssyncadd.s32 $0xFFFFF000;
	s10 =	sadd.s32 $0x8, s17  }
0x269: {  	[tilespmem:s19], [sflag:$0x3] =	stream.linear.gather [hbm4b:s10+s3], $0x20, $0x38;
	[tilespmem:$0x1EC00] =	vst v63  }
0x26a: {  	s20 =	simm.s32 $0x4C00;
	s10 =	sadd.s32 $0x140, s6  }
0x26b: {  	[tilespmem:s20], [sflag:$0xB] =	stream.indirect.gather [hbm4b:s4+s24], $0x80, s10, s24, $0xb8;
	[tilespmem:$0x1EC00] =	vst v63  }
0x26c: {  	s10 =	simm.s32 $0x14  }
0x26d: {  	_ =	swait.ge [sflag:s10], $0x1000  }
0x26e: {  	[sflag:s10] =	ssyncset.done $0x0  }
0x26f: {  	s0 =	simm.s32 $0x2980;
	[sflag:s10] =	ssyncadd.s32 $0xFFFFF000;
	s10 =	sadd.s32 $0xC, s17  }
0x270: {  	[tilespmem:s0], [sflag:$0x4] =	stream.linear.gather [hbm4b:s10+s3], $0x20, $0x38;
	[tilespmem:$0x1EC00] =	vst v63  }
0x271: {  	s9 =	simm.s32 $0x5C00;
	s10 =	sadd.s32 $0x160, s6  }
0x272: {  	[tilespmem:s9], [sflag:$0xC] =	stream.indirect.gather [hbm4b:s4+s24], $0x80, s10, s24, $0xb8;
	[tilespmem:$0x1EC00] =	vst v63  }
0x273: {  	s10 =	simm.s32 $0x15  }
0x274: {  	_ =	swait.ge [sflag:s10], $0x1000  }
0x275: {  	[sflag:s10] =	ssyncset.done $0x0  }
0x276: {  	s15 =	simm.s32 $0x2A00;
	[sflag:s10] =	ssyncadd.s32 $0xFFFFF000;
	s10 =	sadd.s32 $0x10, s17  }
0x277: {  	[tilespmem:s15], [sflag:$0x5] =	stream.linear.gather [hbm4b:s10+s3], $0x20, $0x38;
	[tilespmem:$0x1EC00] =	vst v63  }
0x278: {  	s22 =	simm.s32 $0x6C00;
	s10 =	sadd.s32 $0x180, s6  }
0x279: {  	[tilespmem:s22], [sflag:$0xD] =	stream.indirect.gather [hbm4b:s4+s24], $0x80, s10, s24, $0xb8;
	[tilespmem:$0x1EC00] =	vst v63  }
0x27a: {  	s10 =	simm.s32 $0x16  }
0x27b: {  	_ =	swait.ge [sflag:s10], $0x1000  }
0x27c: {  	[sflag:s10] =	ssyncset.done $0x0  }
0x27d: {  	s23 =	simm.s32 $0x2A80;
	[sflag:s10] =	ssyncadd.s32 $0xFFFFF000;
	s10 =	sadd.s32 $0x14, s17  }
0x27e: {  	[tilespmem:s23], [sflag:$0x6] =	stream.linear.gather [hbm4b:s10+s3], $0x20, $0x38;
	[tilespmem:$0x1EC00] =	vst v63  }
0x27f: {  	s26 =	simm.s32 $0x7C00;
	s10 =	sadd.s32 $0x1A0, s6  }
0x280: {  	[tilespmem:s26], [sflag:$0xE] =	stream.indirect.gather [hbm4b:s4+s24], $0x80, s10, s24, $0xb8;
	[tilespmem:$0x1EC00] =	vst v63  }
0x281: {  	s10 =	simm.s32 $0x17  }
0x282: {  	_ =	swait.ge [sflag:s10], $0x1000  }
0x283: {  	[sflag:s10] =	ssyncset.done $0x0  }
0x284: {  	s29 =	simm.s32 $0x2B00;
	[sflag:s10] =	ssyncadd.s32 $0xFFFFF000;
	s10 =	sadd.s32 $0x18, s17  }
0x285: {  	[tilespmem:s29], [sflag:$0x7] =	stream.linear.gather [hbm4b:s10+s3], $0x20, $0x38;
	[tilespmem:$0x1EC00] =	vst v63  }
0x286: {  	s5 =	simm.s32 $0x8C00;
	s10 =	sadd.s32 $0x1C0, s6  }
0x287: {  	[tilespmem:s5], [sflag:$0xF] =	stream.indirect.gather [hbm4b:s4+s24], $0x80, s10, s24, $0xb8;
	[tilespmem:$0x1EC00] =	vst v63  }
0x288: {  	s10 =	simm.s32 $0x18  }
0x289: {  	_ =	swait.ge [sflag:s10], $0x1000  }
0x28a: {  	[sflag:s10] =	ssyncset.done $0x0  }
0x28b: {  	[sflag:s10] =	ssyncadd.s32 $0xFFFFF000;
	s10 =	sadd.s32 $0x1C, s17  }
0x28c: {  	[tilespmem:s12], [sflag:$0x8] =	stream.linear.gather [hbm4b:s10+s3], $0x20, $0x38;
	[tilespmem:$0x1EC00] =	vst v63  }
0x28d: {  	s11 =	simm.s32 $0x2B80;
	s10 =	simm.s32 $0x2800  }
0x28e: {  	s6 =	sadd.s32 $0x1E0, s6  }
0x28f: {  	[tilespmem:s13], [sflag:$0x10] =	stream.indirect.gather [hbm4b:s4+s24], $0x80, s6, s24, $0xb8;
	[tilespmem:$0x1EC00] =	vst v63  }
0x290: {  	s12 =	simm.s32 $0x9C00;
	s13 =	simm.s32 $0x1  }
0x291: {  	_ =	swait.ge [sflag:s13], $0x20  }
0x292: {  	[sflag:s13] =	ssyncset.done $0x0  }
0x293: {  	[sflag:s13] =	ssyncadd.s32 $0xFFFFFFE0  }
0x294: {  	_ =	swait.ge [sflag:s14], $0x1000  }
0x295: {  	[sflag:s14] =	ssyncset.done $0x0  }
0x296: {  	s6 =	simm.s32 $0x2;
	[sflag:s14] =	ssyncadd.s32 $0xFFFFF000  }
0x297: {  	[spmem:s1] =	stream.indirect.scatter.add.f32 [tilespmem:s8], [sflag:$0x11], $0x80, s10, s24, $0xb8;
	[tilespmem:$0x1EC00] =	vst v63  }
0x298: {  	_ =	swait.ge [sflag:s6], $0x20  }
0x299: {  	[sflag:s6] =	ssyncset.done $0x0  }
0x29a: {  	[sflag:s6] =	ssyncadd.s32 $0xFFFFFFE0  }
0x29b: {  	_ =	swait.ge [sflag:s16], $0x1000  }
0x29c: {  	[sflag:s16] =	ssyncset.done $0x0  }
0x29d: {  	s6 =	simm.s32 $0x3;
	[sflag:s16] =	ssyncadd.s32 $0xFFFFF000  }
0x29e: {  	[spmem:s1] =	stream.indirect.scatter.add.f32 [tilespmem:s18], [sflag:$0x12], $0x80, s30, s24, $0xb8;
	[tilespmem:$0x1EC00] =	vst v63  }
0x29f: {  	_ =	swait.ge [sflag:s6], $0x20  }
0x2a0: {  	[sflag:s6] =	ssyncset.done $0x0  }
0x2a1: {  	[sflag:s6] =	ssyncadd.s32 $0xFFFFFFE0  }
0x2a2: {  	_ =	swait.ge [sflag:s7], $0x1000  }
0x2a3: {  	[sflag:s7] =	ssyncset.done $0x0  }
0x2a4: {  	s6 =	simm.s32 $0x4;
	[sflag:s7] =	ssyncadd.s32 $0xFFFFF000  }
0x2a5: {  	[spmem:s1] =	stream.indirect.scatter.add.f32 [tilespmem:s20], [sflag:$0x13], $0x80, s19, s24, $0xb8;
	[tilespmem:$0x1EC00] =	vst v63  }
0x2a6: {  	_ =	swait.ge [sflag:s6], $0x20  }
0x2a7: {  	[sflag:s6] =	ssyncset.done $0x0  }
0x2a8: {  	[sflag:s6] =	ssyncadd.s32 $0xFFFFFFE0  }
0x2a9: {  	_ =	swait.ge [sflag:s21], $0x1000  }
0x2aa: {  	[sflag:s21] =	ssyncset.done $0x0  }
0x2ab: {  	[sflag:s21] =	ssyncadd.s32 $0xFFFFF000  }
0x2ac: {  	[spmem:s1] =	stream.indirect.scatter.add.f32 [tilespmem:s9], [sflag:$0x14], $0x80, s0, s24, $0xb8;
	[tilespmem:$0x1EC00] =	vst v63  }
0x2ad: {  	s0 =	simm.s32 $0x5  }
0x2ae: {  	_ =	swait.ge [sflag:s0], $0x20  }
0x2af: {  	[sflag:s0] =	ssyncset.done $0x0  }
0x2b0: {  	[sflag:s0] =	ssyncadd.s32 $0xFFFFFFE0  }
0x2b1: {  	_ =	swait.ge [sflag:s25], $0x1000  }
0x2b2: {  	[sflag:s25] =	ssyncset.done $0x0  }
0x2b3: {  	s0 =	simm.s32 $0x6;
	[sflag:s25] =	ssyncadd.s32 $0xFFFFF000  }
0x2b4: {  	[spmem:s1] =	stream.indirect.scatter.add.f32 [tilespmem:s22], [sflag:$0x15], $0x80, s15, s24, $0xb8;
	[tilespmem:$0x1EC00] =	vst v63  }
0x2b5: {  	_ =	swait.ge [sflag:s0], $0x20  }
0x2b6: {  	[sflag:s0] =	ssyncset.done $0x0  }
0x2b7: {  	[sflag:s0] =	ssyncadd.s32 $0xFFFFFFE0  }
0x2b8: {  	_ =	swait.ge [sflag:s28], $0x1000  }
0x2b9: {  	[sflag:s28] =	ssyncset.done $0x0  }
0x2ba: {  	s0 =	simm.s32 $0x7;
	[sflag:s28] =	ssyncadd.s32 $0xFFFFF000  }
0x2bb: {  	[spmem:s1] =	stream.indirect.scatter.add.f32 [tilespmem:s26], [sflag:$0x16], $0x80, s23, s24, $0xb8;
	[tilespmem:$0x1EC00] =	vst v63  }
0x2bc: {  	_ =	swait.ge [sflag:s0], $0x20  }
0x2bd: {  	[sflag:s0] =	ssyncset.done $0x0  }
0x2be: {  	[sflag:s0] =	ssyncadd.s32 $0xFFFFFFE0  }
0x2bf: {  	_ =	swait.ge [sflag:s31], $0x1000  }
0x2c0: {  	[sflag:s31] =	ssyncset.done $0x0  }
0x2c1: {  	s0 =	simm.s32 $0x8;
	[sflag:s31] =	ssyncadd.s32 $0xFFFFF000  }
0x2c2: {  	[spmem:s1] =	stream.indirect.scatter.add.f32 [tilespmem:s5], [sflag:$0x17], $0x80, s29, s24, $0xb8;
	[tilespmem:$0x1EC00] =	vst v63  }
0x2c3: {  	_ =	swait.ge [sflag:s0], $0x20  }
.Ltmp1:
0x2c4: {  	[sflag:s0] =	ssyncset.done $0x0;
	(pc) =	sbr.rel @p0 .LBB2_4-.Ltmp1, $4  }
0x2c5: {  	[sflag:s0] =	ssyncadd.s32 $0xFFFFFFE0;
	s0 =	simm.s32 $0x10  }
0x2c6: {  	_ =	swait.ge [sflag:s0], $0x1000  }
0x2c7: {  	[sflag:s0] =	ssyncset.done $0x0  }
0x2c8: {  	s17 =	sadd.s32 $0x20, s17;
	[sflag:s0] =	ssyncadd.s32 $0xFFFFF000  }
0x2c9: {  	[spmem:s1] =	stream.indirect.scatter.add.f32 [tilespmem:s12], [sflag:$0x18], $0x80, s11, s24, $0xb8;
	[tilespmem:$0x1EC00] =	vst v63  }
0x2ca: {  	s5 =	simm.s32 $0x11  }
0x2cb: {  	_ =	swait.ge [sflag:s5], $0x1000  }
0x2cc: {  	[sflag:s5] =	ssyncset.done $0x0  }
0x2cd: {  	s0 =	simm.s32 $0x12;
	[sflag:s5] =	ssyncadd.s32 $0xFFFFF000  }
0x2ce: {  	_ =	swait.ge [sflag:s0], $0x1000  }
0x2cf: {  	[sflag:s0] =	ssyncset.done $0x0  }
0x2d0: {  	s21 =	simm.s32 $0x13;
	[sflag:s0] =	ssyncadd.s32 $0xFFFFF000  }
0x2d1: {  	_ =	swait.ge [sflag:s21], $0x1000  }
0x2d2: {  	[sflag:s21] =	ssyncset.done $0x0  }
0x2d3: {  	s22 =	simm.s32 $0x14;
	[sflag:s21] =	ssyncadd.s32 $0xFFFFF000  }
0x2d4: {  	_ =	swait.ge [sflag:s22], $0x1000  }
0x2d5: {  	[sflag:s22] =	ssyncset.done $0x0  }
0x2d6: {  	s23 =	simm.s32 $0x15;
	[sflag:s22] =	ssyncadd.s32 $0xFFFFF000  }
0x2d7: {  	_ =	swait.ge [sflag:s23], $0x1000  }
0x2d8: {  	[sflag:s23] =	ssyncset.done $0x0  }
0x2d9: {  	s25 =	simm.s32 $0x16;
	[sflag:s23] =	ssyncadd.s32 $0xFFFFF000  }
0x2da: {  	_ =	swait.ge [sflag:s25], $0x1000  }
0x2db: {  	[sflag:s25] =	ssyncset.done $0x0  }
0x2dc: {  	s26 =	simm.s32 $0x17;
	[sflag:s25] =	ssyncadd.s32 $0xFFFFF000  }
0x2dd: {  	_ =	swait.ge [sflag:s26], $0x1000  }
0x2de: {  	[sflag:s26] =	ssyncset.done $0x0  }
0x2df: {  	s28 =	simm.s32 $0x18;
	[sflag:s26] =	ssyncadd.s32 $0xFFFFF000  }
0x2e0: {  	_ =	swait.ge [sflag:s28], $0x1000  }
0x2e1: {  	[sflag:s28] =	ssyncset.done $0x0  }
0x2e2: {  	[sflag:s28] =	ssyncadd.s32 $0xFFFFF000  }
0x2e3: {  	[bflag:$0x0] =	sbarrier.arrive $0xFFFF  }
0x2e4: {  	s17 =	rddreg [dreg:$0x5]  }
0x2e5: {  	s2 =	rddreg [dreg:$0x11]  }
0x2e6: {  	s6 =	simm.s32 $0x19;
	s29 =	rddreg [dreg:$0x15]  }
0x2e7: {  	[hbm:s2], [sflag:s17] =	dma.local [spmem:s29], $0x2800  }
0x2e8: {  	_ =	swait.ge [sflag:s6], $0x2800  }
0x2e9: {  	s30 =	rddreg [dreg:$0x14]  }
0x2ea: {  	s31 =	rddreg [dreg:$0x12];
	s11 =	sadd.s32 $0x1, s30  }
0x2eb: {  	p0 =	sne.s32 s11, s31  }
.Ltmp2:
0x2ec: {  	_ = 	snop;
	(pc) =	sbr.rel @p0 .LBB2_1-.Ltmp2, $4  }
0x2ed: {  	s12 =	simm.s32 $0x9  }
0x2ee: {  	s14 =	simm.s32 $0x2;
	s15 =	simm.s32 $0xA;
	s16 =	simm.s32 $0x3  }
0x2ef: {  	s9 =	simm.s32 $0xB;
	s7 =	simm.s32 $0x4;
	[sflag:s6] =	ssyncset.done $0x0  }
0x2f0: {  	s0 =	simm.s32 $0xE0;
	s22 =	simm.s32 $0xC;
	[sflag:s6] =	ssyncadd.s32 $0xFFFFD800  }
0x2f1: {  	_ =	sfence.sel $0x180000  }
0x2f2: {  	[bflag:$0x0] =	sbarrier.arrive $0xFFFF  }
0x2f3: {  	_ =	strace $0x9000004D  }
0x2f4: {  	s0 =	stileid.u32;
	[bflag:$0x2] =	sbarrier.arrive $0xFFFF  }
0x2f5: {  	p0 =	sne.s32 s0, $0x0;
	s0 =	rddreg [dreg:$0x2]  }
0x2f6: {  	s0 =	sadd.s32 @!p0 $0x100000, s0  }
0x2f7: {  	[sflag:s0] =	ssyncadd.tile.s32 @!p0 $0x1;
	_ =	shalt  }
.Lfunc_end2:
_tile_overlayer_lowered:
.L_overlay_start_2:
0x2f8: {  	(tag) =	ssettag $0x2  }
0x2f9: {  	s0 =	rddreg [dreg:$0x0];
	s2 =	stileid.u32  }
0x2fa: {  	s1 =	rddreg [dreg:$0x1];
	p0 =	sne.s32 s2, $0x0  }
0x2fb: {  	s3 =	rddreg [dreg:$0x2];
	[bflag:$0x3] =	sbarrier.arrive $0xFFFF;
	s2 =	simm.s32 @!p0 $0x1C19  }
0x2fc: {  	[timem:s3], [sflag:s2] =	dma.local @!p0 [hbm:s0], s1  }
0x2fd: {  	s0 =	simm.s32 @!p0 $0x19  }
0x2fe: {  	_ =	swait.ge @!p0 [sflag:s0], s1  }
0x2ff: {  	s1 =	ssub.s32 @!p0 $0x0, s1;
	[sflag:s0] =	ssyncset.done @!p0 $0x0  }
0x300: {  	[sflag:s0] =	ssyncadd.s32 @!p0 s1  }
0x301: {  	[bflag:$0x3] =	sbarrier.arrive $0xFFFF  }
0x302: {  	_ =	shalt  }

// kernel: kernel.8.cloned.1.call-start
scs
__scs_entry_jumppad:
0x0: {  	(pc) =	sbr.rel $0x88, $3  }
0x1: {  	(tag) =	ssettag $0x0;
	lr =	simm.s32 $0x1  }
0x2: {  	[smem:$0x3F98] =	sst lr;
	_ =	strace $0xD0000000  }
0x3: {  	_ = 	snop  }
0x4: {  	_ = 	snop  }
0x5: {  	_ = 	snop  }
0x6: {  	_ = 	snop  }
0x7: {  	_ = 	snop  }
__scs_overlays_trampoline_lowered:
0x8: {  	[smem:$0x3FA7] =	sst s0  }
0x9: {  	[smem:$0x3FA8] =	sst s1  }
0xa: {  	[smem:$0x3FA9] =	sst s2  }
0xb: {  	[smem:$0x3FAA] =	sst s3  }
0xc: {  	[smem:$0x3FAB] =	sst s4  }
0xd: {  	[smem:$0x3FAC] =	sst s5  }
0xe: {  	[smem:$0x3FAD] =	sst s6  }
0xf: {  	[smem:$0x3FAE] =	sst s7  }
0x10: {  	[smem:$0x3FAF] =	sst s8  }
0x11: {  	[smem:$0x3FB0] =	sst s9;
	s0 =	simm.s32 @!p0 $0x0  }
0x12: {  	s1 =	sld [smem:$0x3F96];
	s0 =	simm.s32 @p0 $0x1  }
0x13: {  	[smem:$0x3FB1] =	sst s0;
	s0 =	simm.s32 @!p1 $0x0  }
0x14: {  	s2 =	sld [smem:$0x3F95];
	s0 =	simm.s32 @p1 $0x1  }
0x15: {  	[smem:$0x3FB2] =	sst s0;
	s0 =	simm.s32 @!p2 $0x0  }
0x16: {  	s3 =	sld [smem:$0x3FDB];
	s0 =	simm.s32 @p2 $0x1  }
0x17: {  	s4 =	simm.s32 $0x1BF5;
	[smem:$0x3FB4] =	sst s0  }
0x18: {  	s0 =	sld [smem:$0x3F97];
	_ =	swait.ge [sflag:s4], $0x0  }
0x19: {  	s7 =	sld [smem:$0x3F98]  }
0x1a: {  	s8 =	sadd.s32 $0xFFFFE003, lr  }
0x1b: {  	s9 =	sadd.s32 $0xFFFFFEF7, lr;
	s5 =	simm.s32 $0xFFFFFFFF;
	p2 =	slt.u32 s8, $0xFFFFF086  }
0x1c: {  	p1 =	slt.u32 s9, $0xF7A;
	s5 =	simm.s32 @!p2 $0x0  }
0x1d: {  	s5 =	simm.s32 @p1 $0x1;
	p0 =	seq.s32 s7, s2  }
0x1e: {  	s7 =	smul.u32 @!p0 $0xF7A, s2;
	p2 =	seq.s32 @!p0 s5, $0x0  }
0x1f: {  	s9 =	smul.u32 $0xF7A, s1;
	s8 =	simm.s32 @!p0 $0x1BF5;
	p2 =	por !p2, p0  }
0x20: {  	[sflag:s8] =	ssyncset.s32 @!p0 $0xFFFFF086;
	s6 =	sadd.s32 @!p0 s3, s7;
	s7 =	simm.s32 @!p0 $0x108  }
0x21: {  	s3 =	sadd.s32 s3, s9;
	s6 =	sadd.s32 @!p0 $0x88, s6;
	s7 =	simm.s32 @p2 $0x1082  }
0x22: {  	[simem:s7], [sflag:s8] =	dma.local @!p0 [hbm:s6], $0xF7A  }
0x23: {  	s9 =	sor.u32 $0xD0000000, s2;
	s6 =	simm.s32 $0x108;
	_ =	swait.ge @!p0 [sflag:s8], $0x0  }
0x24: {  	s3 =	sadd.s32 $0x88, s3;
	s6 =	simm.s32 @!p1 $0x1082;
	[sflag:s4] =	ssyncset.s32 $0xFFFFF086  }
0x25: {  	[simem:s6], [sflag:s4] =	dma.local [hbm:s3], $0xF7A  }
0x26: {  	[smem:$0x3F98] =	sst s1;
	(tag) =	ssettag s2;
	_ =	strace s9  }
0x27: {  	s1 =	sld [smem:$0x3FA8]  }
0x28: {  	s2 =	sld [smem:$0x3FA9]  }
0x29: {  	s4 =	sld [smem:$0x3FAB]  }
0x2a: {  	p0 =	seq.s32 s5, $0x0;
	s5 =	sld [smem:$0x3FAC]  }
0x2b: {  	s6 =	sld [smem:$0x3FAD]  }
0x2c: {  	s7 =	sld [smem:$0x3FAE]  }
0x2d: {  	s3 =	simm.s32 $0x108;
	s8 =	sld [smem:$0x3FAF]  }
0x2e: {  	s3 =	simm.s32 @!p0 $0x1082;
	s9 =	sld [smem:$0x3FB0]  }
0x2f: {  	lr =	sadd.s32 s0, s3;
	s0 =	sld [smem:$0x3FA7]  }
0x30: {  	s3 =	sld [smem:$0x3FAA]  }
0x31: {  	[smem:$0x3FB3] =	sst s10  }
0x32: {  	s10 =	sld [smem:$0x3FB1];
	_ =	sdelay $0x3  }
0x33: {  	p0 =	seq.s32 s10, $0x1;
	s10 =	sld [smem:$0x3FB3];
	_ =	sdelay $0x3  }
0x34: {  	[smem:$0x3FB3] =	sst s10  }
0x35: {  	s10 =	sld [smem:$0x3FB2];
	_ =	sdelay $0x3  }
0x36: {  	p1 =	seq.s32 s10, $0x1;
	s10 =	sld [smem:$0x3FB3];
	_ =	sdelay $0x3  }
0x37: {  	[smem:$0x3FB3] =	sst s10  }
0x38: {  	s10 =	sld [smem:$0x3FB4]  }
0x39: {  	_ = 	snop;
	(pc) =	sbr.ind lr, $3  }
0x3a: {  	_ = 	snop  }
0x3b: {  	_ = 	snop  }
0x3c: {  	p2 =	seq.s32 s10, $0x1;
	s10 =	sld [smem:$0x3FB3]  }
0x3d: {  	_ =	shalt  }
0x3e: {  	_ =	shalt  }
0x3f: {  	_ =	shalt  }
0x40: {  	_ =	shalt  }
0x41: {  	_ =	shalt  }
0x42: {  	_ =	shalt  }
0x43: {  	_ =	shalt  }
0x44: {  	_ =	shalt  }
0x45: {  	_ =	shalt  }
0x46: {  	_ =	shalt  }
0x47: {  	_ =	shalt  }
0x48: {  	_ =	shalt  }
0x49: {  	_ =	shalt  }
0x4a: {  	_ =	shalt  }
0x4b: {  	_ =	shalt  }
0x4c: {  	_ =	shalt  }
0x4d: {  	_ =	shalt  }
0x4e: {  	_ =	shalt  }
0x4f: {  	_ =	shalt  }
0x50: {  	_ =	shalt  }
0x51: {  	_ =	shalt  }
0x52: {  	_ =	shalt  }
0x53: {  	_ =	shalt  }
0x54: {  	_ =	shalt  }
0x55: {  	_ =	shalt  }
0x56: {  	_ =	shalt  }
0x57: {  	_ =	shalt  }
0x58: {  	_ =	shalt  }
0x59: {  	_ =	shalt  }
0x5a: {  	_ =	shalt  }
0x5b: {  	_ =	shalt  }
0x5c: {  	_ =	shalt  }
0x5d: {  	_ =	shalt  }
0x5e: {  	_ =	shalt  }
0x5f: {  	_ =	shalt  }
0x60: {  	_ =	shalt  }
0x61: {  	_ =	shalt  }
0x62: {  	_ =	shalt  }
0x63: {  	_ =	shalt  }
0x64: {  	_ =	shalt  }
0x65: {  	_ =	shalt  }
0x66: {  	_ =	shalt  }
0x67: {  	_ =	shalt  }
0x68: {  	_ =	shalt  }
0x69: {  	_ =	shalt  }
0x6a: {  	_ =	shalt  }
0x6b: {  	_ =	shalt  }
0x6c: {  	_ =	shalt  }
0x6d: {  	_ =	shalt  }
0x6e: {  	_ =	shalt  }
0x6f: {  	_ =	shalt  }
0x70: {  	_ =	shalt  }
0x71: {  	_ =	shalt  }
0x72: {  	_ =	shalt  }
0x73: {  	_ =	shalt  }
0x74: {  	_ =	shalt  }
0x75: {  	_ =	shalt  }
0x76: {  	_ =	shalt  }
0x77: {  	_ =	shalt  }
0x78: {  	_ =	shalt  }
0x79: {  	_ =	shalt  }
0x7a: {  	_ =	shalt  }
0x7b: {  	_ =	shalt  }
0x7c: {  	_ =	shalt  }
0x7d: {  	_ =	shalt  }
0x7e: {  	_ =	shalt  }
0x7f: {  	_ =	shalt  }
0x80: {  	_ =	shalt  }
0x81: {  	_ =	shalt  }
0x82: {  	_ =	shalt  }
0x83: {  	_ =	shalt  }
0x84: {  	_ =	shalt  }
0x85: {  	_ =	shalt  }
0x86: {  	_ =	shalt  }
0x87: {  	_ =	shalt  }
.Lfunc_end0:
.L_simem_size_0:
called_computation_lowered:
.L_overlay_start_0:
0x88: {  	s2 =	sld [smem:$0x3FD9]  }
0x89: {  	s3 =	sld [smem:$0x3FFE];
	_ =	sdelay $0x1  }
0x8a: {  	s1 =	srdreg.scid  }
0x8b: {  	s0 =	sand.u32 $0x1, s1  }
0x8c: {  	s16 =	sshll.u32 s0, $0xA;
	s2 =	sadd.s32 s3, s2  }
0x8d: {  	s2 =	sadd.s32 s2, s16  }
0x8e: {  	[smem:$0x3FBF] =	sst s2  }
0x8f: {  	_ = 	snop  }
0x90: {  	(tm) =	ssettm $0x1  }
0x91: {  	s17 =	sld [smem:$0x3FFB];
	_ =	sdelay $0x3  }
0x92: {  	_ =	strace s17  }
0x93: {  	s2 =	sld [smem:$0x3FFC];
	_ =	sdelay $0x3  }
0x94: {  	_ =	strace s2  }
0x95: {  	s2 =	sld [smem:$0x3FFD];
	_ =	sdelay $0x3  }
0x96: {  	_ =	strace s2  }
0x97: {  	_ =	strace $0x8FFFFFFF  }
0x98: {  	s18 =	sld [smem:$0x3FDB];
	_ =	sdelay $0x1  }
0x99: {  	s19 =	simm.s32 $_scs_section_size  }
0x9a: {  	s4 =	simm.s32 $_size__tile_overlayer_lowered;
	s5 =	simm.s32 $_tile_overlayer_lowered  }
0x9b: {  	s22 =	simm.s32 $0x1BFF;
	s21 =	sshll.u32 s5, $0x1;
	s2 =	sadd.s32 s19, s18  }
0x9c: {  	s6 =	simm.s32 $0x0;
	s20 =	sshll.u32 s4, $0x1;
	s4 =	sadd.s32 s21, s2  }
0x9d: {  	[timem:s6], [sflag:s22] =	dma.local [hbm:s4], s20  }
0x9e: {  	_ =	swait.ge [sflag:s22], s20  }
0x9f: {  	s3 =	ssub.s32 $0x0, s20;
	[sflag:s22] =	ssyncset.done $0x0  }
0xa0: {  	[sflag:s22] =	ssyncadd.s32 s3;
	_ =	sdelay $0x1  }
0xa1: {  	s23 =	simm.s32 $0x1B8B  }
0xa2: {  	_ =	swait.ge [sflag:s23], $0x1  }
0xa3: {  	[sflag:s23] =	ssyncset.done $0x0  }
0xa4: {  	s25 =	simm.s32 $0x1B8E;
	s24 =	sld [smem:$0x3FFE];
	[sflag:s23] =	ssyncadd.s32 $0xFFFFFFFF  }
0xa5: {  	s26 =	simm.s32 $execute0_lowered;
	[smem:$0x3FD2] =	sst s25  }
0xa6: {  	s4 =	sshll.u32 s26, $0x1;
	_ =	strace $0x80000046;
	[dreg:$0x1] =	wrdreg $0xFFFFFFFF  }
0xa7: {  	s28 =	simm.s32 $_size_execute0_lowered;
	s2 =	sadd.s32 s2, s4;
	[dreg:$0x0] =	wrdreg $0x0  }
0xa8: {  	s4 =	sshll.u32 s28, $0x1;
	[dreg:$0x2] =	wrdreg s2  }
0xa9: {  	[dreg:$0x3] =	wrdreg s4  }
0xaa: {  	[dreg:$0x4] =	wrdreg $0xC0  }
0xab: {  	_ =	task [dreg:s6], $0x5FFFF  }
0xac: {  	[dreg:$0x1] =	wrdreg $0xFFFFFFFF  }
0xad: {  	[dreg:$0x0] =	wrdreg $0x60  }
0xae: {  	[dreg:$0x2] =	wrdreg s24  }
0xaf: {  	[dreg:$0x3] =	wrdreg $0x1000  }
0xb0: {  	[dreg:$0x4] =	wrdreg $0x9  }
0xb1: {  	_ =	task.clear_ibuf [dreg:s6], $0x5FFFF;
	_ =	strace $0x90000046  }
0xb2: {  	s29 =	simm.s32 $0x9;
	_ =	strace $0x80000048  }
0xb3: {  	_ =	swait.ge [sflag:s29], $0x1  }
0xb4: {  	[sflag:s29] =	ssyncadd.s32 $0xFFFFFFFF  }
0xb5: {  	_ =	strace $0x90000048  }
0xb6: {  	_ =	sfence  }
0xb7: {  	s30 =	sld [smem:$0x0];
	_ =	sdelay $0x2  }
0xb8: {  	s31 =	sshll.u32 s1, $0xD;
	s1 =	sshrl.u32 s1, $0x2  }
0xb9: {  	s3 =	sand.u32 $0x4000, s31;
	s1 =	sadd.s32 s1, s30  }
0xba: {  	s0 =	sor.u32 s3, s0;
	s1 =	sshll.u32 s1, $0x11  }
0xbb: {  	s0 =	sor.u32 s1, s0  }
0xbc: {  	s0 =	sadd.s32 $0x8F2B, s0  }
0xbd: {  	[sflag:s0] =	ssyncadd.remote.s32 $0x1  }
0xbe: {  	_ =	sfence.sel $0xFFFF  }
0xbf: {  	[dreg:$0x0] =	wrdreg $0xFFFFFFFF;
	(pc) =	sbr.abs _section_cstart, $3  }
0xc0: {  	[dreg:$0x1] =	wrdreg $0xFFFFFFFF  }
0xc1: {  	_ =	task.clear_ibuf [dreg:s6], $0x2FFFF;
	_ =	strace $0x9FFFFFFF  }
0xc2: {  	(tm) =	ssettm $0x7FFFFFFF  }
0xc3: {  	_ =	shalt  }
tec
execute0_lowered:
.L_overlay_start_1:
0x0: {  	(tag) =	ssettag $0x1  }
0x1: {  	s1 =	srdreg.scid;
	s4 =	rddreg [dreg:$0x0]  }
0x2: {  	s0 =	stileid.u32;
	s2 =	rddreg [dreg:$0x1]  }
0x3: {  	s3 =	simm.s32 $0x0;
	s5 =	sand.u32 $0x1, s1;
	s1 =	rddreg [dreg:$0x2]  }
0x4: {  	s12 =	simm.s32 $0x0;
	s6 =	smul.u32 $0x280, s0;
	[smem:$0x7FF] =	sst s3  }
0x5: {  	s31 =	sshll.u32 s0, $0x6;
	s7 =	smul.u32 $0x2800, s5;
	s5 =	ssub.s32 $0x2, s5  }
0x6: {  	_ =	strace $0x80000047;
	s9 =	sshrl.u32 s6, $0x3;
	s30 =	sshrl.u32 s5, $0x1  }
0x7: {  	s11 =	sadd.s32 s6, s2;
	s7 =	sadd.s32 s6, s7;
	s9 =	sadd.s32 s9, s4  }
0x8: {  	s10 =	ssub.s32 s5, s30;
	s8 =	sadd.s32 s7, s4;
	s7 =	sshrl.u32 s7, $0x3  }
0x9: {  	s5 =	sor.u32 $0x1C01, s31;
	s7 =	sadd.s32 s7, s4;
	s4 =	sadd.s32 $0x7000, s9  }
0xa: {  	s8 =	sadd.s32 $0x2000, s8;
	s9 =	sshrl.u32 s11, $0x3;
	s11 =	simm.s32 $0x80  }
0xb: {  	v0 =	vimm.f32 $1.000000000e+00;
	s6 =	sadd.s32 $0x7600, s7;
	s7 =	smax.u32 s10, $0x1;
	s10 =	simm.s32 $0x1  }
.LBB2_1:
0xc: {  	[tilespmem:$0x80] =	vst v0  }
0xd: {  	[tilespmem:$0x90] =	vst v0  }
0xe: {  	[tilespmem:$0xA0] =	vst v0  }
0xf: {  	[tilespmem:$0xB0] =	vst v0  }
0x10: {  	[tilespmem:$0xC0] =	vst v0  }
0x11: {  	[tilespmem:$0xD0] =	vst v0  }
0x12: {  	[tilespmem:$0xE0] =	vst v0  }
0x13: {  	[tilespmem:$0xF0] =	vst v0  }
0x14: {  	[spmem:s9], [sflag:s5] =	dma.local [hbm:s4], $0x50  }
0x15: {  	_ =	swait.ge [sflag:s10], $0x50  }
0x16: {  	[sflag:s10] =	ssyncset.done $0x0  }
0x17: {  	[sflag:s10] =	ssyncadd.s32 $0xFFFFFFB0  }
0x18: {  	s13 =	sadd.s32 $0x0, s8;
	[bflag:$0x0] =	sbarrier.arrive $0xFFFF  }
0x19: {  	[tilespmem:s3], [sflag:$0x1] =	stream.linear.gather [hbm4b:s13+s3], $0x80, $0x38;
	[tilespmem:$0x380] =	vst v63  }
0x1a: {  	_ =	swait.ge [sflag:s10], $0x80  }
0x1b: {  	[sflag:s10] =	ssyncset.done $0x0  }
0x1c: {  	[sflag:s10] =	ssyncadd.s32 $0xFFFFFF80  }
0x1d: {  	[spmem:s2] =	stream.indirect.scatter.add.f32 [tilespmem:s11], [sflag:$0x1], $0x1, s3, s11, $0xb8;
	[tilespmem:$0x380] =	vst v63  }
0x1e: {  	_ =	swait.ge [sflag:s10], $0x80  }
0x1f: {  	s14 =	simm.s32 $0x20;
	s13 =	simm.s32 $0x10;
	[sflag:s10] =	ssyncset.done $0x0  }
.LBB2_2:
0x20: {  	s15 =	sadd.s32 s13, s8  }
0x21: {  	[sflag:s10] =	ssyncadd.s32 $0xFFFFFF80;
	s13 =	smov.u32 s14;
	s16 =	sadd.s32 $0x10, s14  }
0x22: {  	[tilespmem:s3], [sflag:$0x1] =	stream.linear.gather [hbm4b:s15+s3], $0x80, $0x38;
	[tilespmem:$0x380] =	vst v63  }
0x23: {  	p0 =	sne.s32 s14, $0x270;
	_ =	swait.ge [sflag:s10], $0x80  }
.Ltmp0:
0x24: {  	[sflag:s10] =	ssyncset.done $0x0;
	(pc) =	sbr.rel @p0 .LBB2_2-.Ltmp0, $4  }
0x25: {  	[sflag:s10] =	ssyncadd.s32 $0xFFFFFF80  }
0x26: {  	[spmem:s2] =	stream.indirect.scatter.add.f32 [tilespmem:s11], [sflag:$0x1], $0x1, s3, s11, $0xb8;
	[tilespmem:$0x380] =	vst v63  }
0x27: {  	_ =	swait.ge [sflag:s10], $0x80  }
0x28: {  	s14 =	smov.u32 s16;
	[sflag:s10] =	ssyncset.done $0x0  }
0x29: {  	s13 =	sadd.s32 s13, s8;
	[sflag:s10] =	ssyncadd.s32 $0xFFFFFF80  }
0x2a: {  	[tilespmem:s3], [sflag:$0x1] =	stream.linear.gather [hbm4b:s13+s3], $0x80, $0x38;
	[tilespmem:$0x380] =	vst v63  }
0x2b: {  	_ =	swait.ge [sflag:s10], $0x80  }
0x2c: {  	[sflag:s10] =	ssyncset.done $0x0  }
0x2d: {  	[sflag:s10] =	ssyncadd.s32 $0xFFFFFF80  }
0x2e: {  	[spmem:s2] =	stream.indirect.scatter.add.f32 [tilespmem:s11], [sflag:$0x1], $0x1, s3, s11, $0xb8;
	[tilespmem:$0x380] =	vst v63  }
0x2f: {  	_ =	swait.ge [sflag:s10], $0x80  }
0x30: {  	s12 =	sadd.s32 $0x1, s12;
	[sflag:s10] =	ssyncset.done $0x0  }
0x31: {  	p0 =	sne.s32 s12, s7;
	[sflag:s10] =	ssyncadd.s32 $0xFFFFFF80  }
.Ltmp1:
0x32: {  	[bflag:$0x0] =	sbarrier.arrive $0xFFFF;
	(pc) =	sbr.rel @p0 .LBB2_1-.Ltmp1, $4  }
0x33: {  	[hbm:s6], [sflag:s5] =	dma.local [spmem:s9], $0x50  }
0x34: {  	_ =	swait.ge [sflag:s10], $0x50  }
0x35: {  	[sflag:s10] =	ssyncset.done $0x0  }
0x36: {  	[sflag:s10] =	ssyncadd.s32 $0xFFFFFFB0  }
0x37: {  	_ =	sfence.sel $0x180000  }
0x38: {  	[bflag:$0x0] =	sbarrier.arrive $0xFFFF  }
0x39: {  	p0 =	sne.s32 s0, $0x0;
	_ =	strace $0x90000047  }
0x3a: {  	s0 =	sadd.s32 @!p0 $0x100000, s1;
	[bflag:$0x2] =	sbarrier.arrive $0xFFFF  }
0x3b: {  	[sflag:s0] =	ssyncadd.tile.s32 @!p0 $0x1;
	_ =	shalt  }
.Lfunc_end2:
_tile_overlayer_lowered:
.L_overlay_start_2:
0x3c: {  	(tag) =	ssettag $0x2  }
0x3d: {  	s0 =	rddreg [dreg:$0x0];
	s2 =	stileid.u32  }
0x3e: {  	s1 =	rddreg [dreg:$0x1];
	p0 =	sne.s32 s2, $0x0  }
0x3f: {  	s3 =	rddreg [dreg:$0x2];
	[bflag:$0x3] =	sbarrier.arrive $0xFFFF;
	s2 =	simm.s32 @!p0 $0x1C01  }
0x40: {  	[timem:s3], [sflag:s2] =	dma.local @!p0 [hbm:s0], s1  }
0x41: {  	s0 =	simm.s32 @!p0 $0x1  }
0x42: {  	_ =	swait.ge @!p0 [sflag:s0], s1  }
0x43: {  	s1 =	ssub.s32 @!p0 $0x0, s1;
	[sflag:s0] =	ssyncset.done @!p0 $0x0  }
0x44: {  	[sflag:s0] =	ssyncadd.s32 @!p0 s1  }
0x45: {  	[bflag:$0x3] =	sbarrier.arrive $0xFFFF  }
0x46: {  	_ =	shalt  }

</sc_bundles>
